<compile_context>
chip_gen: v7x
topology: tpu7x:2x2x1
jax: 0.10.2.dev20260603
libtpu: 0.0.44.dev20260713+nightly
codegen_flags: <defaults>
</compile_context>

<pallas_src>
import functools

import jax
import jax.numpy as jnp
from jax import lax
from jax.experimental import pallas as pl
from jax.experimental.pallas import tpu as pltpu
from jax.experimental.pallas import tpu_sc as plsc

N = 1000000
B = 16384
D = 32
L = 16
TS = 8
TL = 128
SLABS = D // TS
NBUF = 4

_info = plsc.get_sparse_core_info()
NC = _info.num_cores
NS = _info.num_subcores
NW = NC * NS
BPW = B // NW
NVEC = BPW // L
WCH = BPW // TL


def _sc_body(ids_hbm, epsT_hbm, muT_hbm, lvT_hbm,
             latT_out, muT_o, lvT_o,
             idx_v, eps_v, lat_v, muo_v, lvo_v,
             mu_t0, mu_t1, mu_t2, mu_t3,
             lv_t0, lv_t1, lv_t2, lv_t3,
             sem_eps, sem_out,
             sem_mu0, sem_mu1, sem_mu2, sem_mu3,
             sem_lv0, sem_lv1, sem_lv2, sem_lv3):
    mu_t = [mu_t0, mu_t1, mu_t2, mu_t3]
    lv_t = [lv_t0, lv_t1, lv_t2, lv_t3]
    sem_mu = [sem_mu0, sem_mu1, sem_mu2, sem_mu3]
    sem_lv = [sem_lv0, sem_lv1, sem_lv2, sem_lv3]

    wid = lax.axis_index("s") * NC + lax.axis_index("c")
    base = pl.multiple_of(wid * BPW, BPW)

    pltpu.sync_copy(ids_hbm.at[pl.ds(base, BPW)], idx_v)
    eps_cps = [
        pltpu.async_copy(
            epsT_hbm.at[:, :, pl.ds(base + w * TL, TL)],
            eps_v.at[pl.ds(w * SLABS, SLABS)], sem_eps)
        for w in range(WCH)
    ]
    for cp in eps_cps:
        cp.wait()

    lane = lax.iota(jnp.int32, 16)

    def fire(k_c, b):
        cb = pl.multiple_of((k_c >> 7) * TL, TL)
        pltpu.async_copy(muT_hbm.at[:, :, pl.ds(cb, TL)], mu_t[b], sem_mu[b])
        pltpu.async_copy(lvT_hbm.at[:, :, pl.ds(cb, TL)], lv_t[b], sem_lv[b])

    def drain(b):
        pltpu.make_async_copy(muT_hbm.at[:, :, pl.ds(0, TL)], mu_t[b],
                              sem_mu[b]).wait()
        pltpu.make_async_copy(lvT_hbm.at[:, :, pl.ds(0, TL)], lv_t[b],
                              sem_lv[b]).wait()

    def process(k, k_c, b):
        cw = jnp.full((16,), k_c & (TL - 1), dtype=jnp.int32)
        kw = jnp.full((16,), (k >> 7) * SLABS, dtype=jnp.int32)
        kc = jnp.full((16,), k & (TL - 1), dtype=jnp.int32)
        for h in range(D // L):
            d = lane + h * L
            tr = lax.shift_right_logical(d, 3)
            r = lax.bitwise_and(d, 7)
            ow = kw + tr
            mu16 = plsc.load_gather(mu_t[b], [tr, r, cw])
            lv16 = plsc.load_gather(lv_t[b], [tr, r, cw])
            e16 = plsc.load_gather(eps_v, [ow, r, kc])
            std = jnp.exp(lv16 * 0.5)
            lat16 = mu16 + e16 * std
            plsc.store_scatter(lat_v, [ow, r, kc], lat16)
            plsc.store_scatter(muo_v, [ow, r, kc], mu16)
            plsc.store_scatter(lvo_v, [ow, r, kc], lv16)

    def body(v, carry):
        cm = list(carry)
        vec = idx_v[pl.ds(v * L, L)]
        for l in range(L):
            k = v * L + l
            c = vec[l]
            b = l % NBUF

            @pl.when(k >= NBUF)
            def _():
                drain(b)
                km = k - NBUF
                cw = jnp.full((16,), cm[0] & (TL - 1), dtype=jnp.int32)
                mus, lvs = [], []
                for h in range(D // L):
                    d = lane + h * L
                    tr = lax.shift_right_logical(d, 3)
                    r = lax.bitwise_and(d, 7)
                    mus.append(plsc.load_gather(mu_t[b], [tr, r, cw]))
                    lvs.append(plsc.load_gather(lv_t[b], [tr, r, cw]))
                fire(c, b)
                kw = jnp.full((16,), (km >> 7) * SLABS, dtype=jnp.int32)
                kc = jnp.full((16,), km & (TL - 1), dtype=jnp.int32)
                for h in range(D // L):
                    d = lane + h * L
                    tr = lax.shift_right_logical(d, 3)
                    r = lax.bitwise_and(d, 7)
                    ow = kw + tr
                    e16 = plsc.load_gather(eps_v, [ow, r, kc])
                    lat16 = mus[h] + e16 * jnp.exp(lvs[h] * 0.5)
                    plsc.store_scatter(lat_v, [ow, r, kc], lat16)
                    plsc.store_scatter(muo_v, [ow, r, kc], mus[h])
                    plsc.store_scatter(lvo_v, [ow, r, kc], lvs[h])

            @pl.when(k < NBUF)
            def _():
                fire(c, b)

            cm = cm[1:] + [c]
        return tuple(cm)

    zero = jnp.int32(0)
    carry = lax.fori_loop(0, NVEC, body, (zero,) * NBUF)
    for i in range(NBUF):
        k = BPW - NBUF + i
        b = k % NBUF
        drain(b)
        process(k, carry[i], b)

    out_cps = []
    for w in range(WCH):
        src = pl.ds(w * SLABS, SLABS)
        dst = pl.ds(base + w * TL, TL)
        out_cps += [
            pltpu.async_copy(lat_v.at[src], latT_out.at[:, :, dst], sem_out),
            pltpu.async_copy(muo_v.at[src], muT_o.at[:, :, dst], sem_out),
            pltpu.async_copy(lvo_v.at[src], lvT_o.at[:, :, dst], sem_out),
        ]
    for cp in out_cps:
        cp.wait()


@jax.jit
def kernel(instance_ids, eps, weight_mu, weight_logvar):
    outT = jax.ShapeDtypeStruct((SLABS, TS, B), jnp.float32)
    tile_t = pltpu.VMEM((SLABS, TS, TL), jnp.float32)
    stage_t = pltpu.VMEM((WCH * SLABS, TS, TL), jnp.float32)
    f = pl.kernel(
        _sc_body,
        mesh=plsc.VectorSubcoreMesh(core_axis_name="c", subcore_axis_name="s"),
        compiler_params=pltpu.CompilerParams(use_tc_tiling_on_sc=True,
                                             needs_layout_passes=False),
        out_type=[outT, outT, outT],
        scratch_types=(
            [pltpu.VMEM((BPW,), jnp.int32), stage_t, stage_t, stage_t, stage_t]
            + [tile_t] * (2 * NBUF)
            + [pltpu.SemaphoreType.DMA] * (2 + 2 * NBUF)
        ),
    )
    epsT = eps.T.reshape(SLABS, TS, B)
    muT = weight_mu.T.reshape(SLABS, TS, N)
    lvT = weight_logvar.T.reshape(SLABS, TS, N)
    latT, muoT, lvoT = f(instance_ids, epsT, muT, lvT)
    unT = lambda x: x.reshape(D, B).T
    return (unT(latT), unT(muoT), unT(lvoT))

# --- scband reference (transcript-rebuilt; emitter-appended) ---
"""Pipeline reference for scband-code-library-vanilla-vad-11269994185183 (READ-ONLY COPY).

The authoritative reference and input builder live on the scoring server;
editing this copy changes nothing except your own understanding.
"""

import jax, jax.numpy as jnp
import numpy as np

N_MAX_OBJS = 1000000
CODE_LEN = 32
BATCH = 16384

def setup_inputs(seed: int = 0):
    key = jax.random.key(seed)
    k1, k2, k3, k4 = jax.random.split(key, 4)
    init_std = 1.0 / np.sqrt(CODE_LEN)
    weight_mu = jax.random.normal(k1, (N_MAX_OBJS, CODE_LEN), dtype=jnp.float32) * init_std
    weight_logvar = jax.random.normal(k2, (N_MAX_OBJS, CODE_LEN), dtype=jnp.float32) * init_std
    instance_ids = jax.random.randint(k3, (BATCH,), 0, N_MAX_OBJS, dtype=jnp.int32)
    eps = jax.random.normal(k4, (BATCH, CODE_LEN), dtype=jnp.float32)
    return {"instance_ids": instance_ids, "eps": eps, "weight_mu": weight_mu, "weight_logvar": weight_logvar}

def reference(instance_ids, eps, weight_mu, weight_logvar):
    # mu = self.weight_mu[instance_ids]; logvar = self.weight_logvar[instance_ids]
    mu = jnp.take(weight_mu, instance_ids, axis=0)
    logvar = jnp.take(weight_logvar, instance_ids, axis=0)
    # reparametrize: std = exp(0.5*logvar); batch_latent = mu + eps * std
    # (eps = randn_like(std) is materialized in setup_inputs for determinism)
    std = jnp.exp(0.5 * logvar)
    batch_latent = mu + eps * std
    # ret_dict: embedding_instance, mu, logvar
    return (batch_latent, mu, logvar)

if __name__ == "__main__":
    import jax
    _d = setup_inputs()
    print(jax.jit(kernel)(*tuple(_d.values())))

</pallas_src>

<mosaic_0001>
#map = affine_map<(d0, d1) -> (0)>
#map1 = affine_map<(d0, d1) -> (0, 0, 0)>
module attributes {stable_mosaic.version = 14 : i64} {
  func.func @_sc_body(%arg0: i32, %arg1: i32, %arg2: memref<16384xi32, #tpu.memory_space<hbm>>, %arg3: memref<4x8x16384xf32, #tpu.memory_space<hbm>>, %arg4: memref<4x8x1000000xf32, #tpu.memory_space<hbm>>, %arg5: memref<4x8x1000000xf32, #tpu.memory_space<hbm>>, %arg6: memref<4x8x16384xf32, #tpu.memory_space<hbm>>, %arg7: memref<4x8x16384xf32, #tpu.memory_space<hbm>>, %arg8: memref<4x8x16384xf32, #tpu.memory_space<hbm>>, %arg9: memref<512xi32, #tpu.memory_space<vmem>>, %arg10: memref<16x8x128xf32, #tpu.memory_space<vmem>>, %arg11: memref<16x8x128xf32, #tpu.memory_space<vmem>>, %arg12: memref<16x8x128xf32, #tpu.memory_space<vmem>>, %arg13: memref<16x8x128xf32, #tpu.memory_space<vmem>>, %arg14: memref<4x8x128xf32, #tpu.memory_space<vmem>>, %arg15: memref<4x8x128xf32, #tpu.memory_space<vmem>>, %arg16: memref<4x8x128xf32, #tpu.memory_space<vmem>>, %arg17: memref<4x8x128xf32, #tpu.memory_space<vmem>>, %arg18: memref<4x8x128xf32, #tpu.memory_space<vmem>>, %arg19: memref<4x8x128xf32, #tpu.memory_space<vmem>>, %arg20: memref<4x8x128xf32, #tpu.memory_space<vmem>>, %arg21: memref<4x8x128xf32, #tpu.memory_space<vmem>>, %arg22: memref<!tpu.dma_semaphore, #tpu.memory_space<semaphore_mem>>, %arg23: memref<!tpu.dma_semaphore, #tpu.memory_space<semaphore_mem>>, %arg24: memref<!tpu.dma_semaphore, #tpu.memory_space<semaphore_mem>>, %arg25: memref<!tpu.dma_semaphore, #tpu.memory_space<semaphore_mem>>, %arg26: memref<!tpu.dma_semaphore, #tpu.memory_space<semaphore_mem>>, %arg27: memref<!tpu.dma_semaphore, #tpu.memory_space<semaphore_mem>>, %arg28: memref<!tpu.dma_semaphore, #tpu.memory_space<semaphore_mem>>, %arg29: memref<!tpu.dma_semaphore, #tpu.memory_space<semaphore_mem>>, %arg30: memref<!tpu.dma_semaphore, #tpu.memory_space<semaphore_mem>>, %arg31: memref<!tpu.dma_semaphore, #tpu.memory_space<semaphore_mem>>) attributes {dimension_semantics = [#tpu.dimension_semantics<core_parallel>, #tpu.dimension_semantics<subcore_parallel>], iteration_bounds = array<i64: 2, 16>, scalar_prefetch = 0 : i64, scratch_operands = 23 : i64, tpu.core_type = #tpu.core_type<sc_vector_subcore>, window_params = [{transform_indices = #map}, {transform_indices = #map1}, {transform_indices = #map1}, {transform_indices = #map1}, {transform_indices = #map1}, {transform_indices = #map1}, {transform_indices = #map1}]} {
    %mul3A = arith.constant 2 : i32
    %mul3A_0 = arith.muli %arg1, %mul3A : i32
    %add3A = arith.addi %mul3A_0, %arg0 : i32
    %mul3A_1 = arith.constant 512 : i32
    %mul3A_2 = arith.muli %add3A, %mul3A_1 : i32
    %multiple_of3A = tpu.assume_multiple %mul3A_2, 512 : i32
    "tpu.region"() ({
      %run_scoped3A = tpu.sem_alloc : memref<!tpu.dma_semaphore, #tpu.memory_space<semaphore_mem>>
      %dma_start3A_713 = tpu.memref_slice %arg2[%multiple_of3A] : memref<16384xi32, #tpu.memory_space<hbm>> -> memref<512xi32, #tpu.memory_space<hbm>>
      %dma_start3A_714 = tpu.memref_slice %arg2[%multiple_of3A] : memref<16384xi32, #tpu.memory_space<hbm>> -> memref<512xi32, #tpu.memory_space<hbm>>
      tpu.enqueue_dma source(%dma_start3A_714 : memref<512xi32, #tpu.memory_space<hbm>>) target(%arg9 : memref<512xi32, #tpu.memory_space<vmem>>) target_semaphore(%run_scoped3A : memref<!tpu.dma_semaphore, #tpu.memory_space<semaphore_mem>>)
      %dma_wait3A_715 = tpu.memref_slice %arg2[%multiple_of3A] : memref<16384xi32, #tpu.memory_space<hbm>> -> memref<512xi32, #tpu.memory_space<hbm>>
      %dma_wait3A_716 = tpu.memref_slice %arg2[%multiple_of3A] : memref<16384xi32, #tpu.memory_space<hbm>> -> memref<512xi32, #tpu.memory_space<hbm>>
      tpu.wait_dma2 semaphore(%run_scoped3A : memref<!tpu.dma_semaphore, #tpu.memory_space<semaphore_mem>>) src(%dma_wait3A_716 : memref<512xi32, #tpu.memory_space<hbm>>) dst(%arg9 : memref<512xi32, #tpu.memory_space<vmem>>)
      tpu.yield
    }) : () -> ()
    %add3A_3 = arith.constant 0 : i32
    %add3A_4 = arith.addi %multiple_of3A, %add3A_3 : i32
    %dma_start3A = arith.constant 0 : i32
    %dma_start3A_5 = arith.constant 0 : i32
    %dma_start3A_6 = arith.constant 0 : i32
    %dma_start3A_7 = tpu.memref_slice %arg10[%dma_start3A, %dma_start3A_5, %dma_start3A_6] : memref<16x8x128xf32, #tpu.memory_space<vmem>> -> memref<4x8x128xf32, #tpu.memory_space<vmem>>
    %dma_start3A_8 = arith.constant 0 : i32
    %dma_start3A_9 = arith.constant 0 : i32
    %dma_start3A_10 = tpu.memref_slice %arg3[%dma_start3A_8, %dma_start3A_9, %add3A_4] : memref<4x8x16384xf32, #tpu.memory_space<hbm>> -> memref<4x8x128xf32, #tpu.memory_space<hbm>>
    %dma_start3A_11 = arith.constant 0 : i32
    %dma_start3A_12 = arith.constant 0 : i32
    %dma_start3A_13 = arith.constant 0 : i32
    %dma_start3A_14 = tpu.memref_slice %arg10[%dma_start3A_11, %dma_start3A_12, %dma_start3A_13] : memref<16x8x128xf32, #tpu.memory_space<vmem>> -> memref<4x8x128xf32, #tpu.memory_space<vmem>>
    %dma_start3A_15 = arith.constant 0 : i32
    %dma_start3A_16 = arith.constant 0 : i32
    %dma_start3A_17 = tpu.memref_slice %arg3[%dma_start3A_15, %dma_start3A_16, %add3A_4] : memref<4x8x16384xf32, #tpu.memory_space<hbm>> -> memref<4x8x128xf32, #tpu.memory_space<hbm>>
    tpu.enqueue_dma source(%dma_start3A_17 : memref<4x8x128xf32, #tpu.memory_space<hbm>>) target(%dma_start3A_14 : memref<4x8x128xf32, #tpu.memory_space<vmem>>) target_semaphore(%arg22 : memref<!tpu.dma_semaphore, #tpu.memory_space<semaphore_mem>>)
    %add3A_18 = arith.constant 128 : i32
    %add3A_19 = arith.addi %multiple_of3A, %add3A_18 : i32
    %dma_start3A_20 = arith.constant 4 : i32
    %dma_start3A_21 = arith.constant 0 : i32
    %dma_start3A_22 = arith.constant 0 : i32
    %dma_start3A_23 = tpu.memref_slice %arg10[%dma_start3A_20, %dma_start3A_21, %dma_start3A_22] : memref<16x8x128xf32, #tpu.memory_space<vmem>> -> memref<4x8x128xf32, #tpu.memory_space<vmem>>
    %dma_start3A_24 = arith.constant 0 : i32
    %dma_start3A_25 = arith.constant 0 : i32
    %dma_start3A_26 = tpu.memref_slice %arg3[%dma_start3A_24, %dma_start3A_25, %add3A_19] : memref<4x8x16384xf32, #tpu.memory_space<hbm>> -> memref<4x8x128xf32, #tpu.memory_space<hbm>>
    %dma_start3A_27 = arith.constant 4 : i32
    %dma_start3A_28 = arith.constant 0 : i32
    %dma_start3A_29 = arith.constant 0 : i32
    %dma_start3A_30 = tpu.memref_slice %arg10[%dma_start3A_27, %dma_start3A_28, %dma_start3A_29] : memref<16x8x128xf32, #tpu.memory_space<vmem>> -> memref<4x8x128xf32, #tpu.memory_space<vmem>>
    %dma_start3A_31 = arith.constant 0 : i32
    %dma_start3A_32 = arith.constant 0 : i32
    %dma_start3A_33 = tpu.memref_slice %arg3[%dma_start3A_31, %dma_start3A_32, %add3A_19] : memref<4x8x16384xf32, #tpu.memory_space<hbm>> -> memref<4x8x128xf32, #tpu.memory_space<hbm>>
    tpu.enqueue_dma source(%dma_start3A_33 : memref<4x8x128xf32, #tpu.memory_space<hbm>>) target(%dma_start3A_30 : memref<4x8x128xf32, #tpu.memory_space<vmem>>) target_semaphore(%arg22 : memref<!tpu.dma_semaphore, #tpu.memory_space<semaphore_mem>>)
    %add3A_34 = arith.constant 256 : i32
    %add3A_35 = arith.addi %multiple_of3A, %add3A_34 : i32
    %dma_start3A_36 = arith.constant 8 : i32
    %dma_start3A_37 = arith.constant 0 : i32
    %dma_start3A_38 = arith.constant 0 : i32
    %dma_start3A_39 = tpu.memref_slice %arg10[%dma_start3A_36, %dma_start3A_37, %dma_start3A_38] : memref<16x8x128xf32, #tpu.memory_space<vmem>> -> memref<4x8x128xf32, #tpu.memory_space<vmem>>
    %dma_start3A_40 = arith.constant 0 : i32
    %dma_start3A_41 = arith.constant 0 : i32
    %dma_start3A_42 = tpu.memref_slice %arg3[%dma_start3A_40, %dma_start3A_41, %add3A_35] : memref<4x8x16384xf32, #tpu.memory_space<hbm>> -> memref<4x8x128xf32, #tpu.memory_space<hbm>>
    %dma_start3A_43 = arith.constant 8 : i32
    %dma_start3A_44 = arith.constant 0 : i32
    %dma_start3A_45 = arith.constant 0 : i32
    %dma_start3A_46 = tpu.memref_slice %arg10[%dma_start3A_43, %dma_start3A_44, %dma_start3A_45] : memref<16x8x128xf32, #tpu.memory_space<vmem>> -> memref<4x8x128xf32, #tpu.memory_space<vmem>>
    %dma_start3A_47 = arith.constant 0 : i32
    %dma_start3A_48 = arith.constant 0 : i32
    %dma_start3A_49 = tpu.memref_slice %arg3[%dma_start3A_47, %dma_start3A_48, %add3A_35] : memref<4x8x16384xf32, #tpu.memory_space<hbm>> -> memref<4x8x128xf32, #tpu.memory_space<hbm>>
    tpu.enqueue_dma source(%dma_start3A_49 : memref<4x8x128xf32, #tpu.memory_space<hbm>>) target(%dma_start3A_46 : memref<4x8x128xf32, #tpu.memory_space<vmem>>) target_semaphore(%arg22 : memref<!tpu.dma_semaphore, #tpu.memory_space<semaphore_mem>>)
    %add3A_50 = arith.constant 384 : i32
    %add3A_51 = arith.addi %multiple_of3A, %add3A_50 : i32
    %dma_start3A_52 = arith.constant 12 : i32
    %dma_start3A_53 = arith.constant 0 : i32
    %dma_start3A_54 = arith.constant 0 : i32
    %dma_start3A_55 = tpu.memref_slice %arg10[%dma_start3A_52, %dma_start3A_53, %dma_start3A_54] : memref<16x8x128xf32, #tpu.memory_space<vmem>> -> memref<4x8x128xf32, #tpu.memory_space<vmem>>
    %dma_start3A_56 = arith.constant 0 : i32
    %dma_start3A_57 = arith.constant 0 : i32
    %dma_start3A_58 = tpu.memref_slice %arg3[%dma_start3A_56, %dma_start3A_57, %add3A_51] : memref<4x8x16384xf32, #tpu.memory_space<hbm>> -> memref<4x8x128xf32, #tpu.memory_space<hbm>>
    %dma_start3A_59 = arith.constant 12 : i32
    %dma_start3A_60 = arith.constant 0 : i32
    %dma_start3A_61 = arith.constant 0 : i32
    %dma_start3A_62 = tpu.memref_slice %arg10[%dma_start3A_59, %dma_start3A_60, %dma_start3A_61] : memref<16x8x128xf32, #tpu.memory_space<vmem>> -> memref<4x8x128xf32, #tpu.memory_space<vmem>>
    %dma_start3A_63 = arith.constant 0 : i32
    %dma_start3A_64 = arith.constant 0 : i32
    %dma_start3A_65 = tpu.memref_slice %arg3[%dma_start3A_63, %dma_start3A_64, %add3A_51] : memref<4x8x16384xf32, #tpu.memory_space<hbm>> -> memref<4x8x128xf32, #tpu.memory_space<hbm>>
    tpu.enqueue_dma source(%dma_start3A_65 : memref<4x8x128xf32, #tpu.memory_space<hbm>>) target(%dma_start3A_62 : memref<4x8x128xf32, #tpu.memory_space<vmem>>) target_semaphore(%arg22 : memref<!tpu.dma_semaphore, #tpu.memory_space<semaphore_mem>>)
    %dma_wait3A = arith.constant 0 : i32
    %dma_wait3A_66 = arith.constant 0 : i32
    %dma_wait3A_67 = arith.constant 0 : i32
    %dma_wait3A_68 = tpu.memref_slice %arg10[%dma_wait3A, %dma_wait3A_66, %dma_wait3A_67] : memref<16x8x128xf32, #tpu.memory_space<vmem>> -> memref<4x8x128xf32, #tpu.memory_space<vmem>>
    %dma_wait3A_69 = arith.constant 0 : i32
    %dma_wait3A_70 = arith.constant 0 : i32
    %dma_wait3A_71 = tpu.memref_slice %arg3[%dma_wait3A_69, %dma_wait3A_70, %add3A_4] : memref<4x8x16384xf32, #tpu.memory_space<hbm>> -> memref<4x8x128xf32, #tpu.memory_space<hbm>>
    %dma_wait3A_72 = arith.constant 0 : i32
    %dma_wait3A_73 = arith.constant 0 : i32
    %dma_wait3A_74 = arith.constant 0 : i32
    %dma_wait3A_75 = tpu.memref_slice %arg10[%dma_wait3A_72, %dma_wait3A_73, %dma_wait3A_74] : memref<16x8x128xf32, #tpu.memory_space<vmem>> -> memref<4x8x128xf32, #tpu.memory_space<vmem>>
    %dma_wait3A_76 = arith.constant 0 : i32
    %dma_wait3A_77 = arith.constant 0 : i32
    %dma_wait3A_78 = tpu.memref_slice %arg3[%dma_wait3A_76, %dma_wait3A_77, %add3A_4] : memref<4x8x16384xf32, #tpu.memory_space<hbm>> -> memref<4x8x128xf32, #tpu.memory_space<hbm>>
    tpu.wait_dma2 semaphore(%arg22 : memref<!tpu.dma_semaphore, #tpu.memory_space<semaphore_mem>>) src(%dma_wait3A_78 : memref<4x8x128xf32, #tpu.memory_space<hbm>>) dst(%dma_wait3A_75 : memref<4x8x128xf32, #tpu.memory_space<vmem>>)
    %dma_wait3A_79 = arith.constant 4 : i32
    %dma_wait3A_80 = arith.constant 0 : i32
    %dma_wait3A_81 = arith.constant 0 : i32
    %dma_wait3A_82 = tpu.memref_slice %arg10[%dma_wait3A_79, %dma_wait3A_80, %dma_wait3A_81] : memref<16x8x128xf32, #tpu.memory_space<vmem>> -> memref<4x8x128xf32, #tpu.memory_space<vmem>>
    %dma_wait3A_83 = arith.constant 0 : i32
    %dma_wait3A_84 = arith.constant 0 : i32
    %dma_wait3A_85 = tpu.memref_slice %arg3[%dma_wait3A_83, %dma_wait3A_84, %add3A_19] : memref<4x8x16384xf32, #tpu.memory_space<hbm>> -> memref<4x8x128xf32, #tpu.memory_space<hbm>>
    %dma_wait3A_86 = arith.constant 4 : i32
    %dma_wait3A_87 = arith.constant 0 : i32
    %dma_wait3A_88 = arith.constant 0 : i32
    %dma_wait3A_89 = tpu.memref_slice %arg10[%dma_wait3A_86, %dma_wait3A_87, %dma_wait3A_88] : memref<16x8x128xf32, #tpu.memory_space<vmem>> -> memref<4x8x128xf32, #tpu.memory_space<vmem>>
    %dma_wait3A_90 = arith.constant 0 : i32
    %dma_wait3A_91 = arith.constant 0 : i32
    %dma_wait3A_92 = tpu.memref_slice %arg3[%dma_wait3A_90, %dma_wait3A_91, %add3A_19] : memref<4x8x16384xf32, #tpu.memory_space<hbm>> -> memref<4x8x128xf32, #tpu.memory_space<hbm>>
    tpu.wait_dma2 semaphore(%arg22 : memref<!tpu.dma_semaphore, #tpu.memory_space<semaphore_mem>>) src(%dma_wait3A_92 : memref<4x8x128xf32, #tpu.memory_space<hbm>>) dst(%dma_wait3A_89 : memref<4x8x128xf32, #tpu.memory_space<vmem>>)
    %dma_wait3A_93 = arith.constant 8 : i32
    %dma_wait3A_94 = arith.constant 0 : i32
    %dma_wait3A_95 = arith.constant 0 : i32
    %dma_wait3A_96 = tpu.memref_slice %arg10[%dma_wait3A_93, %dma_wait3A_94, %dma_wait3A_95] : memref<16x8x128xf32, #tpu.memory_space<vmem>> -> memref<4x8x128xf32, #tpu.memory_space<vmem>>
    %dma_wait3A_97 = arith.constant 0 : i32
    %dma_wait3A_98 = arith.constant 0 : i32
    %dma_wait3A_99 = tpu.memref_slice %arg3[%dma_wait3A_97, %dma_wait3A_98, %add3A_35] : memref<4x8x16384xf32, #tpu.memory_space<hbm>> -> memref<4x8x128xf32, #tpu.memory_space<hbm>>
    %dma_wait3A_100 = arith.constant 8 : i32
    %dma_wait3A_101 = arith.constant 0 : i32
    %dma_wait3A_102 = arith.constant 0 : i32
    %dma_wait3A_103 = tpu.memref_slice %arg10[%dma_wait3A_100, %dma_wait3A_101, %dma_wait3A_102] : memref<16x8x128xf32, #tpu.memory_space<vmem>> -> memref<4x8x128xf32, #tpu.memory_space<vmem>>
    %dma_wait3A_104 = arith.constant 0 : i32
    %dma_wait3A_105 = arith.constant 0 : i32
    %dma_wait3A_106 = tpu.memref_slice %arg3[%dma_wait3A_104, %dma_wait3A_105, %add3A_35] : memref<4x8x16384xf32, #tpu.memory_space<hbm>> -> memref<4x8x128xf32, #tpu.memory_space<hbm>>
    tpu.wait_dma2 semaphore(%arg22 : memref<!tpu.dma_semaphore, #tpu.memory_space<semaphore_mem>>) src(%dma_wait3A_106 : memref<4x8x128xf32, #tpu.memory_space<hbm>>) dst(%dma_wait3A_103 : memref<4x8x128xf32, #tpu.memory_space<vmem>>)
    %dma_wait3A_107 = arith.constant 12 : i32
    %dma_wait3A_108 = arith.constant 0 : i32
    %dma_wait3A_109 = arith.constant 0 : i32
    %dma_wait3A_110 = tpu.memref_slice %arg10[%dma_wait3A_107, %dma_wait3A_108, %dma_wait3A_109] : memref<16x8x128xf32, #tpu.memory_space<vmem>> -> memref<4x8x128xf32, #tpu.memory_space<vmem>>
    %dma_wait3A_111 = arith.constant 0 : i32
    %dma_wait3A_112 = arith.constant 0 : i32
    %dma_wait3A_113 = tpu.memref_slice %arg3[%dma_wait3A_111, %dma_wait3A_112, %add3A_51] : memref<4x8x16384xf32, #tpu.memory_space<hbm>> -> memref<4x8x128xf32, #tpu.memory_space<hbm>>
    %dma_wait3A_114 = arith.constant 12 : i32
    %dma_wait3A_115 = arith.constant 0 : i32
    %dma_wait3A_116 = arith.constant 0 : i32
    %dma_wait3A_117 = tpu.memref_slice %arg10[%dma_wait3A_114, %dma_wait3A_115, %dma_wait3A_116] : memref<16x8x128xf32, #tpu.memory_space<vmem>> -> memref<4x8x128xf32, #tpu.memory_space<vmem>>
    %dma_wait3A_118 = arith.constant 0 : i32
    %dma_wait3A_119 = arith.constant 0 : i32
    %dma_wait3A_120 = tpu.memref_slice %arg3[%dma_wait3A_118, %dma_wait3A_119, %add3A_51] : memref<4x8x16384xf32, #tpu.memory_space<hbm>> -> memref<4x8x128xf32, #tpu.memory_space<hbm>>
    tpu.wait_dma2 semaphore(%arg22 : memref<!tpu.dma_semaphore, #tpu.memory_space<semaphore_mem>>) src(%dma_wait3A_120 : memref<4x8x128xf32, #tpu.memory_space<hbm>>) dst(%dma_wait3A_117 : memref<4x8x128xf32, #tpu.memory_space<vmem>>)
    %iota3A = tpu.iota {dimensions = array<i32: 0>} : vector<16xi32>
    %scan3A = arith.constant 0 : i32
    %scan3A_121 = arith.constant 0 : i32
    %scan3A_122 = arith.constant 0 : i32
    %scan3A_123 = arith.constant 0 : i32
    %scan3A_124 = arith.constant 0 : i32
    %scan3A_125 = arith.constant 32 : i32
    %scan3A_126 = arith.addi %scan3A_124, %scan3A_125 : i32
    %scan3A_127 = arith.constant 1 : i32
    %scan3A_128:4 = scf.for %scan3A_713 = %scan3A_124 to %scan3A_126 step %scan3A_127 iter_args(%scan3A_714 = %scan3A, %scan3A_715 = %scan3A_121, %scan3A_716 = %scan3A_122, %scan3A_717 = %scan3A_123) -> (i32, i32, i32, i32)  : i32 {
      %mul3A_718 = arith.constant 16 : i32
      %mul3A_719 = arith.muli %scan3A_713, %mul3A_718 : i32
      %get3A = arith.index_cast %mul3A_719 : i32 to index
      %get3A_720 = tpu.vector_load %arg9[%get3A] {strides = array<i32>} : memref<512xi32, #tpu.memory_space<vmem>>, vector<16xi32>,
      %mul3A_721 = arith.constant 16 : i32
      %mul3A_722 = arith.muli %scan3A_713, %mul3A_721 : i32
      %add3A_723 = arith.constant 0 : i32
      %add3A_724 = arith.addi %mul3A_722, %add3A_723 : i32
      %slice3A = vector.extract_strided_slice %get3A_720 {offsets = [0], sizes = [1], strides = [1]} : vector<16xi32> to vector<1xi32>
      %squeeze3A = vector.extract %slice3A[0] : i32 from vector<1xi32>
      %ge3A = arith.constant 4 : i32
      %ge3A_725 = arith.cmpi sge, %add3A_724, %ge3A : i32
      %convert_element_type3A = arith.extui %ge3A_725 : i1 to i32
      %cond3A = arith.constant 0 : i32
      %cond3A_726 = arith.cmpi ne, %convert_element_type3A, %cond3A : i32
      scf.if %cond3A_726 {
        %dma_wait3A_971 = arith.constant 0 : i32
        %dma_wait3A_972 = arith.constant 0 : i32
        %dma_wait3A_973 = arith.constant 0 : i32
        %dma_wait3A_974 = tpu.memref_slice %arg4[%dma_wait3A_971, %dma_wait3A_972, %dma_wait3A_973] : memref<4x8x1000000xf32, #tpu.memory_space<hbm>> -> memref<4x8x128xf32, #tpu.memory_space<hbm>>
        %dma_wait3A_975 = arith.constant 0 : i32
        %dma_wait3A_976 = arith.constant 0 : i32
        %dma_wait3A_977 = arith.constant 0 : i32
        %dma_wait3A_978 = tpu.memref_slice %arg4[%dma_wait3A_975, %dma_wait3A_976, %dma_wait3A_977] : memref<4x8x1000000xf32, #tpu.memory_space<hbm>> -> memref<4x8x128xf32, #tpu.memory_space<hbm>>
        tpu.wait_dma2 semaphore(%arg24 : memref<!tpu.dma_semaphore, #tpu.memory_space<semaphore_mem>>) src(%dma_wait3A_978 : memref<4x8x128xf32, #tpu.memory_space<hbm>>) dst(%arg14 : memref<4x8x128xf32, #tpu.memory_space<vmem>>)
        %dma_wait3A_979 = arith.constant 0 : i32
        %dma_wait3A_980 = arith.constant 0 : i32
        %dma_wait3A_981 = arith.constant 0 : i32
        %dma_wait3A_982 = tpu.memref_slice %arg5[%dma_wait3A_979, %dma_wait3A_980, %dma_wait3A_981] : memref<4x8x1000000xf32, #tpu.memory_space<hbm>> -> memref<4x8x128xf32, #tpu.memory_space<hbm>>
        %dma_wait3A_983 = arith.constant 0 : i32
        %dma_wait3A_984 = arith.constant 0 : i32
        %dma_wait3A_985 = arith.constant 0 : i32
        %dma_wait3A_986 = tpu.memref_slice %arg5[%dma_wait3A_983, %dma_wait3A_984, %dma_wait3A_985] : memref<4x8x1000000xf32, #tpu.memory_space<hbm>> -> memref<4x8x128xf32, #tpu.memory_space<hbm>>
        tpu.wait_dma2 semaphore(%arg28 : memref<!tpu.dma_semaphore, #tpu.memory_space<semaphore_mem>>) src(%dma_wait3A_986 : memref<4x8x128xf32, #tpu.memory_space<hbm>>) dst(%arg18 : memref<4x8x128xf32, #tpu.memory_space<vmem>>)
        %sub3A = arith.constant 4 : i32
        %sub3A_987 = arith.subi %add3A_724, %sub3A : i32
        %and3A_988 = arith.constant 127 : i32
        %and3A_989 = arith.andi %scan3A_714, %and3A_988 : i32
        %broadcast_in_dim3A_990 = vector.broadcast %and3A_989 : i32 to vector<16xi32>
        %add3A_991 = arith.constant 0 : i32
        %add3A_992 = vector.broadcast %add3A_991 : i32 to vector<16xi32>
        %add3A_993 = arith.addi %iota3A, %add3A_992 : vector<16xi32>
        %shift_right_logical3A_994 = arith.constant 3 : i32
        %shift_right_logical3A_995 = vector.broadcast %shift_right_logical3A_994 : i32 to vector<16xi32>
        %shift_right_logical3A_996 = arith.shrui %add3A_993, %shift_right_logical3A_995 : vector<16xi32>
        %and3A_997 = arith.constant 7 : i32
        %and3A_998 = vector.broadcast %and3A_997 : i32 to vector<16xi32>
        %and3A_999 = arith.andi %add3A_993, %and3A_998 : vector<16xi32>
        %gather3A_1000 = tpu.vector_load_idx %arg14[%shift_right_logical3A_996, %and3A_999, %broadcast_in_dim3A_990] : memref<4x8x128xf32, #tpu.memory_space<vmem>>[vector<16xi32>, vector<16xi32>, vector<16xi32>], vector<16xf32>,
        %gather3A_1001 = tpu.vector_load_idx %arg18[%shift_right_logical3A_996, %and3A_999, %broadcast_in_dim3A_990] : memref<4x8x128xf32, #tpu.memory_space<vmem>>[vector<16xi32>, vector<16xi32>, vector<16xi32>], vector<16xf32>,
        %add3A_1002 = arith.constant 16 : i32
        %add3A_1003 = vector.broadcast %add3A_1002 : i32 to vector<16xi32>
        %add3A_1004 = arith.addi %iota3A, %add3A_1003 : vector<16xi32>
        %shift_right_logical3A_1005 = arith.constant 3 : i32
        %shift_right_logical3A_1006 = vector.broadcast %shift_right_logical3A_1005 : i32 to vector<16xi32>
        %shift_right_logical3A_1007 = arith.shrui %add3A_1004, %shift_right_logical3A_1006 : vector<16xi32>
        %and3A_1008 = arith.constant 7 : i32
        %and3A_1009 = vector.broadcast %and3A_1008 : i32 to vector<16xi32>
        %and3A_1010 = arith.andi %add3A_1004, %and3A_1009 : vector<16xi32>
        %gather3A_1011 = tpu.vector_load_idx %arg14[%shift_right_logical3A_1007, %and3A_1010, %broadcast_in_dim3A_990] : memref<4x8x128xf32, #tpu.memory_space<vmem>>[vector<16xi32>, vector<16xi32>, vector<16xi32>], vector<16xf32>,
        %gather3A_1012 = tpu.vector_load_idx %arg18[%shift_right_logical3A_1007, %and3A_1010, %broadcast_in_dim3A_990] : memref<4x8x128xf32, #tpu.memory_space<vmem>>[vector<16xi32>, vector<16xi32>, vector<16xi32>], vector<16xf32>,
        %shift_right_arithmetic3A = arith.constant 7 : i32
        %shift_right_arithmetic3A_1013 = arith.shrsi %squeeze3A, %shift_right_arithmetic3A : i32
        %mul3A_1014 = arith.constant 128 : i32
        %mul3A_1015 = arith.muli %shift_right_arithmetic3A_1013, %mul3A_1014 : i32
        %multiple_of3A_1016 = tpu.assume_multiple %mul3A_1015, 128 : i32
        %dma_start3A_1017 = arith.constant 0 : i32
        %dma_start3A_1018 = arith.constant 0 : i32
        %dma_start3A_1019 = tpu.memref_slice %arg4[%dma_start3A_1017, %dma_start3A_1018, %multiple_of3A_1016] : memref<4x8x1000000xf32, #tpu.memory_space<hbm>> -> memref<4x8x128xf32, #tpu.memory_space<hbm>>
        %dma_start3A_1020 = arith.constant 0 : i32
        %dma_start3A_1021 = arith.constant 0 : i32
        %dma_start3A_1022 = tpu.memref_slice %arg4[%dma_start3A_1020, %dma_start3A_1021, %multiple_of3A_1016] : memref<4x8x1000000xf32, #tpu.memory_space<hbm>> -> memref<4x8x128xf32, #tpu.memory_space<hbm>>
        tpu.enqueue_dma source(%dma_start3A_1022 : memref<4x8x128xf32, #tpu.memory_space<hbm>>) target(%arg14 : memref<4x8x128xf32, #tpu.memory_space<vmem>>) target_semaphore(%arg24 : memref<!tpu.dma_semaphore, #tpu.memory_space<semaphore_mem>>)
        %dma_start3A_1023 = arith.constant 0 : i32
        %dma_start3A_1024 = arith.constant 0 : i32
        %dma_start3A_1025 = tpu.memref_slice %arg5[%dma_start3A_1023, %dma_start3A_1024, %multiple_of3A_1016] : memref<4x8x1000000xf32, #tpu.memory_space<hbm>> -> memref<4x8x128xf32, #tpu.memory_space<hbm>>
        %dma_start3A_1026 = arith.constant 0 : i32
        %dma_start3A_1027 = arith.constant 0 : i32
        %dma_start3A_1028 = tpu.memref_slice %arg5[%dma_start3A_1026, %dma_start3A_1027, %multiple_of3A_1016] : memref<4x8x1000000xf32, #tpu.memory_space<hbm>> -> memref<4x8x128xf32, #tpu.memory_space<hbm>>
        tpu.enqueue_dma source(%dma_start3A_1028 : memref<4x8x128xf32, #tpu.memory_space<hbm>>) target(%arg18 : memref<4x8x128xf32, #tpu.memory_space<vmem>>) target_semaphore(%arg28 : memref<!tpu.dma_semaphore, #tpu.memory_space<semaphore_mem>>)
        %shift_right_arithmetic3A_1029 = arith.constant 7 : i32
        %shift_right_arithmetic3A_1030 = arith.shrsi %sub3A_987, %shift_right_arithmetic3A_1029 : i32
        %mul3A_1031 = arith.constant 4 : i32
        %mul3A_1032 = arith.muli %shift_right_arithmetic3A_1030, %mul3A_1031 : i32
        %broadcast_in_dim3A_1033 = vector.broadcast %mul3A_1032 : i32 to vector<16xi32>
        %and3A_1034 = arith.constant 127 : i32
        %and3A_1035 = arith.andi %sub3A_987, %and3A_1034 : i32
        %broadcast_in_dim3A_1036 = vector.broadcast %and3A_1035 : i32 to vector<16xi32>
        %add3A_1037 = arith.constant 0 : i32
        %add3A_1038 = vector.broadcast %add3A_1037 : i32 to vector<16xi32>
        %add3A_1039 = arith.addi %iota3A, %add3A_1038 : vector<16xi32>
        %shift_right_logical3A_1040 = arith.constant 3 : i32
        %shift_right_logical3A_1041 = vector.broadcast %shift_right_logical3A_1040 : i32 to vector<16xi32>
        %shift_right_logical3A_1042 = arith.shrui %add3A_1039, %shift_right_logical3A_1041 : vector<16xi32>
        %and3A_1043 = arith.constant 7 : i32
        %and3A_1044 = vector.broadcast %and3A_1043 : i32 to vector<16xi32>
        %and3A_1045 = arith.andi %add3A_1039, %and3A_1044 : vector<16xi32>
        %add3A_1046 = arith.addi %broadcast_in_dim3A_1033, %shift_right_logical3A_1042 : vector<16xi32>
        %gather3A_1047 = tpu.vector_load_idx %arg10[%add3A_1046, %and3A_1045, %broadcast_in_dim3A_1036] : memref<16x8x128xf32, #tpu.memory_space<vmem>>[vector<16xi32>, vector<16xi32>, vector<16xi32>], vector<16xf32>,
        %mul3A_1048 = arith.constant 5.000000e-01 : f32
        %mul3A_1049 = vector.broadcast %mul3A_1048 : f32 to vector<16xf32>
        %mul3A_1050 = arith.mulf %gather3A_1001, %mul3A_1049 : vector<16xf32>
        %exp3A_1051 = math.exp %mul3A_1050 : vector<16xf32>
        %mul3A_1052 = arith.mulf %gather3A_1047, %exp3A_1051 : vector<16xf32>
        %add3A_1053 = arith.addf %gather3A_1000, %mul3A_1052 : vector<16xf32>
        tpu.vector_store_idx %arg11[%add3A_1046, %and3A_1045, %broadcast_in_dim3A_1036], %add3A_1053 : memref<16x8x128xf32, #tpu.memory_space<vmem>>[vector<16xi32>, vector<16xi32>, vector<16xi32>], vector<16xf32>,
        tpu.vector_store_idx %arg12[%add3A_1046, %and3A_1045, %broadcast_in_dim3A_1036], %gather3A_1000 : memref<16x8x128xf32, #tpu.memory_space<vmem>>[vector<16xi32>, vector<16xi32>, vector<16xi32>], vector<16xf32>,
        tpu.vector_store_idx %arg13[%add3A_1046, %and3A_1045, %broadcast_in_dim3A_1036], %gather3A_1001 : memref<16x8x128xf32, #tpu.memory_space<vmem>>[vector<16xi32>, vector<16xi32>, vector<16xi32>], vector<16xf32>,
        %add3A_1054 = arith.constant 16 : i32
        %add3A_1055 = vector.broadcast %add3A_1054 : i32 to vector<16xi32>
        %add3A_1056 = arith.addi %iota3A, %add3A_1055 : vector<16xi32>
        %shift_right_logical3A_1057 = arith.constant 3 : i32
        %shift_right_logical3A_1058 = vector.broadcast %shift_right_logical3A_1057 : i32 to vector<16xi32>
        %shift_right_logical3A_1059 = arith.shrui %add3A_1056, %shift_right_logical3A_1058 : vector<16xi32>
        %and3A_1060 = arith.constant 7 : i32
        %and3A_1061 = vector.broadcast %and3A_1060 : i32 to vector<16xi32>
        %and3A_1062 = arith.andi %add3A_1056, %and3A_1061 : vector<16xi32>
        %add3A_1063 = arith.addi %broadcast_in_dim3A_1033, %shift_right_logical3A_1059 : vector<16xi32>
        %gather3A_1064 = tpu.vector_load_idx %arg10[%add3A_1063, %and3A_1062, %broadcast_in_dim3A_1036] : memref<16x8x128xf32, #tpu.memory_space<vmem>>[vector<16xi32>, vector<16xi32>, vector<16xi32>], vector<16xf32>,
        %mul3A_1065 = arith.constant 5.000000e-01 : f32
        %mul3A_1066 = vector.broadcast %mul3A_1065 : f32 to vector<16xf32>
        %mul3A_1067 = arith.mulf %gather3A_1012, %mul3A_1066 : vector<16xf32>
        %exp3A_1068 = math.exp %mul3A_1067 : vector<16xf32>
        %mul3A_1069 = arith.mulf %gather3A_1064, %exp3A_1068 : vector<16xf32>
        %add3A_1070 = arith.addf %gather3A_1011, %mul3A_1069 : vector<16xf32>
        tpu.vector_store_idx %arg11[%add3A_1063, %and3A_1062, %broadcast_in_dim3A_1036], %add3A_1070 : memref<16x8x128xf32, #tpu.memory_space<vmem>>[vector<16xi32>, vector<16xi32>, vector<16xi32>], vector<16xf32>,
        tpu.vector_store_idx %arg12[%add3A_1063, %and3A_1062, %broadcast_in_dim3A_1036], %gather3A_1011 : memref<16x8x128xf32, #tpu.memory_space<vmem>>[vector<16xi32>, vector<16xi32>, vector<16xi32>], vector<16xf32>,
        tpu.vector_store_idx %arg13[%add3A_1063, %and3A_1062, %broadcast_in_dim3A_1036], %gather3A_1012 : memref<16x8x128xf32, #tpu.memory_space<vmem>>[vector<16xi32>, vector<16xi32>, vector<16xi32>], vector<16xf32>,
      } else {
      }
      %lt3A = arith.constant 4 : i32
      %lt3A_727 = arith.cmpi slt, %add3A_724, %lt3A : i32
      %convert_element_type3A_728 = arith.extui %lt3A_727 : i1 to i32
      %cond3A_729 = arith.constant 0 : i32
      %cond3A_730 = arith.cmpi ne, %convert_element_type3A_728, %cond3A_729 : i32
      scf.if %cond3A_730 {
        %shift_right_arithmetic3A = arith.constant 7 : i32
        %shift_right_arithmetic3A_971 = arith.shrsi %squeeze3A, %shift_right_arithmetic3A : i32
        %mul3A_972 = arith.constant 128 : i32
        %mul3A_973 = arith.muli %shift_right_arithmetic3A_971, %mul3A_972 : i32
        %multiple_of3A_974 = tpu.assume_multiple %mul3A_973, 128 : i32
        %dma_start3A_975 = arith.constant 0 : i32
        %dma_start3A_976 = arith.constant 0 : i32
        %dma_start3A_977 = tpu.memref_slice %arg4[%dma_start3A_975, %dma_start3A_976, %multiple_of3A_974] : memref<4x8x1000000xf32, #tpu.memory_space<hbm>> -> memref<4x8x128xf32, #tpu.memory_space<hbm>>
        %dma_start3A_978 = arith.constant 0 : i32
        %dma_start3A_979 = arith.constant 0 : i32
        %dma_start3A_980 = tpu.memref_slice %arg4[%dma_start3A_978, %dma_start3A_979, %multiple_of3A_974] : memref<4x8x1000000xf32, #tpu.memory_space<hbm>> -> memref<4x8x128xf32, #tpu.memory_space<hbm>>
        tpu.enqueue_dma source(%dma_start3A_980 : memref<4x8x128xf32, #tpu.memory_space<hbm>>) target(%arg14 : memref<4x8x128xf32, #tpu.memory_space<vmem>>) target_semaphore(%arg24 : memref<!tpu.dma_semaphore, #tpu.memory_space<semaphore_mem>>)
        %dma_start3A_981 = arith.constant 0 : i32
        %dma_start3A_982 = arith.constant 0 : i32
        %dma_start3A_983 = tpu.memref_slice %arg5[%dma_start3A_981, %dma_start3A_982, %multiple_of3A_974] : memref<4x8x1000000xf32, #tpu.memory_space<hbm>> -> memref<4x8x128xf32, #tpu.memory_space<hbm>>
        %dma_start3A_984 = arith.constant 0 : i32
        %dma_start3A_985 = arith.constant 0 : i32
        %dma_start3A_986 = tpu.memref_slice %arg5[%dma_start3A_984, %dma_start3A_985, %multiple_of3A_974] : memref<4x8x1000000xf32, #tpu.memory_space<hbm>> -> memref<4x8x128xf32, #tpu.memory_space<hbm>>
        tpu.enqueue_dma source(%dma_start3A_986 : memref<4x8x128xf32, #tpu.memory_space<hbm>>) target(%arg18 : memref<4x8x128xf32, #tpu.memory_space<vmem>>) target_semaphore(%arg28 : memref<!tpu.dma_semaphore, #tpu.memory_space<semaphore_mem>>)
      } else {
      }
      %mul3A_731 = arith.constant 16 : i32
      %mul3A_732 = arith.muli %scan3A_713, %mul3A_731 : i32
      %add3A_733 = arith.constant 1 : i32
      %add3A_734 = arith.addi %mul3A_732, %add3A_733 : i32
      %slice3A_735 = vector.extract_strided_slice %get3A_720 {offsets = [1], sizes = [1], strides = [1]} : vector<16xi32> to vector<1xi32>
      %squeeze3A_736 = vector.extract %slice3A_735[0] : i32 from vector<1xi32>
      %ge3A_737 = arith.constant 4 : i32
      %ge3A_738 = arith.cmpi sge, %add3A_734, %ge3A_737 : i32
      %convert_element_type3A_739 = arith.extui %ge3A_738 : i1 to i32
      %cond3A_740 = arith.constant 0 : i32
      %cond3A_741 = arith.cmpi ne, %convert_element_type3A_739, %cond3A_740 : i32
      scf.if %cond3A_741 {
        %dma_wait3A_971 = arith.constant 0 : i32
        %dma_wait3A_972 = arith.constant 0 : i32
        %dma_wait3A_973 = arith.constant 0 : i32
        %dma_wait3A_974 = tpu.memref_slice %arg4[%dma_wait3A_971, %dma_wait3A_972, %dma_wait3A_973] : memref<4x8x1000000xf32, #tpu.memory_space<hbm>> -> memref<4x8x128xf32, #tpu.memory_space<hbm>>
        %dma_wait3A_975 = arith.constant 0 : i32
        %dma_wait3A_976 = arith.constant 0 : i32
        %dma_wait3A_977 = arith.constant 0 : i32
        %dma_wait3A_978 = tpu.memref_slice %arg4[%dma_wait3A_975, %dma_wait3A_976, %dma_wait3A_977] : memref<4x8x1000000xf32, #tpu.memory_space<hbm>> -> memref<4x8x128xf32, #tpu.memory_space<hbm>>
        tpu.wait_dma2 semaphore(%arg25 : memref<!tpu.dma_semaphore, #tpu.memory_space<semaphore_mem>>) src(%dma_wait3A_978 : memref<4x8x128xf32, #tpu.memory_space<hbm>>) dst(%arg15 : memref<4x8x128xf32, #tpu.memory_space<vmem>>)
        %dma_wait3A_979 = arith.constant 0 : i32
        %dma_wait3A_980 = arith.constant 0 : i32
        %dma_wait3A_981 = arith.constant 0 : i32
        %dma_wait3A_982 = tpu.memref_slice %arg5[%dma_wait3A_979, %dma_wait3A_980, %dma_wait3A_981] : memref<4x8x1000000xf32, #tpu.memory_space<hbm>> -> memref<4x8x128xf32, #tpu.memory_space<hbm>>
        %dma_wait3A_983 = arith.constant 0 : i32
        %dma_wait3A_984 = arith.constant 0 : i32
        %dma_wait3A_985 = arith.constant 0 : i32
        %dma_wait3A_986 = tpu.memref_slice %arg5[%dma_wait3A_983, %dma_wait3A_984, %dma_wait3A_985] : memref<4x8x1000000xf32, #tpu.memory_space<hbm>> -> memref<4x8x128xf32, #tpu.memory_space<hbm>>
        tpu.wait_dma2 semaphore(%arg29 : memref<!tpu.dma_semaphore, #tpu.memory_space<semaphore_mem>>) src(%dma_wait3A_986 : memref<4x8x128xf32, #tpu.memory_space<hbm>>) dst(%arg19 : memref<4x8x128xf32, #tpu.memory_space<vmem>>)
        %sub3A = arith.constant 4 : i32
        %sub3A_987 = arith.subi %add3A_734, %sub3A : i32
        %and3A_988 = arith.constant 127 : i32
        %and3A_989 = arith.andi %scan3A_715, %and3A_988 : i32
        %broadcast_in_dim3A_990 = vector.broadcast %and3A_989 : i32 to vector<16xi32>
        %add3A_991 = arith.constant 0 : i32
        %add3A_992 = vector.broadcast %add3A_991 : i32 to vector<16xi32>
        %add3A_993 = arith.addi %iota3A, %add3A_992 : vector<16xi32>
        %shift_right_logical3A_994 = arith.constant 3 : i32
        %shift_right_logical3A_995 = vector.broadcast %shift_right_logical3A_994 : i32 to vector<16xi32>
        %shift_right_logical3A_996 = arith.shrui %add3A_993, %shift_right_logical3A_995 : vector<16xi32>
        %and3A_997 = arith.constant 7 : i32
        %and3A_998 = vector.broadcast %and3A_997 : i32 to vector<16xi32>
        %and3A_999 = arith.andi %add3A_993, %and3A_998 : vector<16xi32>
        %gather3A_1000 = tpu.vector_load_idx %arg15[%shift_right_logical3A_996, %and3A_999, %broadcast_in_dim3A_990] : memref<4x8x128xf32, #tpu.memory_space<vmem>>[vector<16xi32>, vector<16xi32>, vector<16xi32>], vector<16xf32>,
        %gather3A_1001 = tpu.vector_load_idx %arg19[%shift_right_logical3A_996, %and3A_999, %broadcast_in_dim3A_990] : memref<4x8x128xf32, #tpu.memory_space<vmem>>[vector<16xi32>, vector<16xi32>, vector<16xi32>], vector<16xf32>,
        %add3A_1002 = arith.constant 16 : i32
        %add3A_1003 = vector.broadcast %add3A_1002 : i32 to vector<16xi32>
        %add3A_1004 = arith.addi %iota3A, %add3A_1003 : vector<16xi32>
        %shift_right_logical3A_1005 = arith.constant 3 : i32
        %shift_right_logical3A_1006 = vector.broadcast %shift_right_logical3A_1005 : i32 to vector<16xi32>
        %shift_right_logical3A_1007 = arith.shrui %add3A_1004, %shift_right_logical3A_1006 : vector<16xi32>
        %and3A_1008 = arith.constant 7 : i32
        %and3A_1009 = vector.broadcast %and3A_1008 : i32 to vector<16xi32>
        %and3A_1010 = arith.andi %add3A_1004, %and3A_1009 : vector<16xi32>
        %gather3A_1011 = tpu.vector_load_idx %arg15[%shift_right_logical3A_1007, %and3A_1010, %broadcast_in_dim3A_990] : memref<4x8x128xf32, #tpu.memory_space<vmem>>[vector<16xi32>, vector<16xi32>, vector<16xi32>], vector<16xf32>,
        %gather3A_1012 = tpu.vector_load_idx %arg19[%shift_right_logical3A_1007, %and3A_1010, %broadcast_in_dim3A_990] : memref<4x8x128xf32, #tpu.memory_space<vmem>>[vector<16xi32>, vector<16xi32>, vector<16xi32>], vector<16xf32>,
        %shift_right_arithmetic3A = arith.constant 7 : i32
        %shift_right_arithmetic3A_1013 = arith.shrsi %squeeze3A_736, %shift_right_arithmetic3A : i32
        %mul3A_1014 = arith.constant 128 : i32
        %mul3A_1015 = arith.muli %shift_right_arithmetic3A_1013, %mul3A_1014 : i32
        %multiple_of3A_1016 = tpu.assume_multiple %mul3A_1015, 128 : i32
        %dma_start3A_1017 = arith.constant 0 : i32
        %dma_start3A_1018 = arith.constant 0 : i32
        %dma_start3A_1019 = tpu.memref_slice %arg4[%dma_start3A_1017, %dma_start3A_1018, %multiple_of3A_1016] : memref<4x8x1000000xf32, #tpu.memory_space<hbm>> -> memref<4x8x128xf32, #tpu.memory_space<hbm>>
        %dma_start3A_1020 = arith.constant 0 : i32
        %dma_start3A_1021 = arith.constant 0 : i32
        %dma_start3A_1022 = tpu.memref_slice %arg4[%dma_start3A_1020, %dma_start3A_1021, %multiple_of3A_1016] : memref<4x8x1000000xf32, #tpu.memory_space<hbm>> -> memref<4x8x128xf32, #tpu.memory_space<hbm>>
        tpu.enqueue_dma source(%dma_start3A_1022 : memref<4x8x128xf32, #tpu.memory_space<hbm>>) target(%arg15 : memref<4x8x128xf32, #tpu.memory_space<vmem>>) target_semaphore(%arg25 : memref<!tpu.dma_semaphore, #tpu.memory_space<semaphore_mem>>)
        %dma_start3A_1023 = arith.constant 0 : i32
        %dma_start3A_1024 = arith.constant 0 : i32
        %dma_start3A_1025 = tpu.memref_slice %arg5[%dma_start3A_1023, %dma_start3A_1024, %multiple_of3A_1016] : memref<4x8x1000000xf32, #tpu.memory_space<hbm>> -> memref<4x8x128xf32, #tpu.memory_space<hbm>>
        %dma_start3A_1026 = arith.constant 0 : i32
        %dma_start3A_1027 = arith.constant 0 : i32
        %dma_start3A_1028 = tpu.memref_slice %arg5[%dma_start3A_1026, %dma_start3A_1027, %multiple_of3A_1016] : memref<4x8x1000000xf32, #tpu.memory_space<hbm>> -> memref<4x8x128xf32, #tpu.memory_space<hbm>>
        tpu.enqueue_dma source(%dma_start3A_1028 : memref<4x8x128xf32, #tpu.memory_space<hbm>>) target(%arg19 : memref<4x8x128xf32, #tpu.memory_space<vmem>>) target_semaphore(%arg29 : memref<!tpu.dma_semaphore, #tpu.memory_space<semaphore_mem>>)
        %shift_right_arithmetic3A_1029 = arith.constant 7 : i32
        %shift_right_arithmetic3A_1030 = arith.shrsi %sub3A_987, %shift_right_arithmetic3A_1029 : i32
        %mul3A_1031 = arith.constant 4 : i32
        %mul3A_1032 = arith.muli %shift_right_arithmetic3A_1030, %mul3A_1031 : i32
        %broadcast_in_dim3A_1033 = vector.broadcast %mul3A_1032 : i32 to vector<16xi32>
        %and3A_1034 = arith.constant 127 : i32
        %and3A_1035 = arith.andi %sub3A_987, %and3A_1034 : i32
        %broadcast_in_dim3A_1036 = vector.broadcast %and3A_1035 : i32 to vector<16xi32>
        %add3A_1037 = arith.constant 0 : i32
        %add3A_1038 = vector.broadcast %add3A_1037 : i32 to vector<16xi32>
        %add3A_1039 = arith.addi %iota3A, %add3A_1038 : vector<16xi32>
        %shift_right_logical3A_1040 = arith.constant 3 : i32
        %shift_right_logical3A_1041 = vector.broadcast %shift_right_logical3A_1040 : i32 to vector<16xi32>
        %shift_right_logical3A_1042 = arith.shrui %add3A_1039, %shift_right_logical3A_1041 : vector<16xi32>
        %and3A_1043 = arith.constant 7 : i32
        %and3A_1044 = vector.broadcast %and3A_1043 : i32 to vector<16xi32>
        %and3A_1045 = arith.andi %add3A_1039, %and3A_1044 : vector<16xi32>
        %add3A_1046 = arith.addi %broadcast_in_dim3A_1033, %shift_right_logical3A_1042 : vector<16xi32>
        %gather3A_1047 = tpu.vector_load_idx %arg10[%add3A_1046, %and3A_1045, %broadcast_in_dim3A_1036] : memref<16x8x128xf32, #tpu.memory_space<vmem>>[vector<16xi32>, vector<16xi32>, vector<16xi32>], vector<16xf32>,
        %mul3A_1048 = arith.constant 5.000000e-01 : f32
        %mul3A_1049 = vector.broadcast %mul3A_1048 : f32 to vector<16xf32>
        %mul3A_1050 = arith.mulf %gather3A_1001, %mul3A_1049 : vector<16xf32>
        %exp3A_1051 = math.exp %mul3A_1050 : vector<16xf32>
        %mul3A_1052 = arith.mulf %gather3A_1047, %exp3A_1051 : vector<16xf32>
        %add3A_1053 = arith.addf %gather3A_1000, %mul3A_1052 : vector<16xf32>
        tpu.vector_store_idx %arg11[%add3A_1046, %and3A_1045, %broadcast_in_dim3A_1036], %add3A_1053 : memref<16x8x128xf32, #tpu.memory_space<vmem>>[vector<16xi32>, vector<16xi32>, vector<16xi32>], vector<16xf32>,
        tpu.vector_store_idx %arg12[%add3A_1046, %and3A_1045, %broadcast_in_dim3A_1036], %gather3A_1000 : memref<16x8x128xf32, #tpu.memory_space<vmem>>[vector<16xi32>, vector<16xi32>, vector<16xi32>], vector<16xf32>,
        tpu.vector_store_idx %arg13[%add3A_1046, %and3A_1045, %broadcast_in_dim3A_1036], %gather3A_1001 : memref<16x8x128xf32, #tpu.memory_space<vmem>>[vector<16xi32>, vector<16xi32>, vector<16xi32>], vector<16xf32>,
        %add3A_1054 = arith.constant 16 : i32
        %add3A_1055 = vector.broadcast %add3A_1054 : i32 to vector<16xi32>
        %add3A_1056 = arith.addi %iota3A, %add3A_1055 : vector<16xi32>
        %shift_right_logical3A_1057 = arith.constant 3 : i32
        %shift_right_logical3A_1058 = vector.broadcast %shift_right_logical3A_1057 : i32 to vector<16xi32>
        %shift_right_logical3A_1059 = arith.shrui %add3A_1056, %shift_right_logical3A_1058 : vector<16xi32>
        %and3A_1060 = arith.constant 7 : i32
        %and3A_1061 = vector.broadcast %and3A_1060 : i32 to vector<16xi32>
        %and3A_1062 = arith.andi %add3A_1056, %and3A_1061 : vector<16xi32>
        %add3A_1063 = arith.addi %broadcast_in_dim3A_1033, %shift_right_logical3A_1059 : vector<16xi32>
        %gather3A_1064 = tpu.vector_load_idx %arg10[%add3A_1063, %and3A_1062, %broadcast_in_dim3A_1036] : memref<16x8x128xf32, #tpu.memory_space<vmem>>[vector<16xi32>, vector<16xi32>, vector<16xi32>], vector<16xf32>,
        %mul3A_1065 = arith.constant 5.000000e-01 : f32
        %mul3A_1066 = vector.broadcast %mul3A_1065 : f32 to vector<16xf32>
        %mul3A_1067 = arith.mulf %gather3A_1012, %mul3A_1066 : vector<16xf32>
        %exp3A_1068 = math.exp %mul3A_1067 : vector<16xf32>
        %mul3A_1069 = arith.mulf %gather3A_1064, %exp3A_1068 : vector<16xf32>
        %add3A_1070 = arith.addf %gather3A_1011, %mul3A_1069 : vector<16xf32>
        tpu.vector_store_idx %arg11[%add3A_1063, %and3A_1062, %broadcast_in_dim3A_1036], %add3A_1070 : memref<16x8x128xf32, #tpu.memory_space<vmem>>[vector<16xi32>, vector<16xi32>, vector<16xi32>], vector<16xf32>,
        tpu.vector_store_idx %arg12[%add3A_1063, %and3A_1062, %broadcast_in_dim3A_1036], %gather3A_1011 : memref<16x8x128xf32, #tpu.memory_space<vmem>>[vector<16xi32>, vector<16xi32>, vector<16xi32>], vector<16xf32>,
        tpu.vector_store_idx %arg13[%add3A_1063, %and3A_1062, %broadcast_in_dim3A_1036], %gather3A_1012 : memref<16x8x128xf32, #tpu.memory_space<vmem>>[vector<16xi32>, vector<16xi32>, vector<16xi32>], vector<16xf32>,
      } else {
      }
      %lt3A_742 = arith.constant 4 : i32
      %lt3A_743 = arith.cmpi slt, %add3A_734, %lt3A_742 : i32
      %convert_element_type3A_744 = arith.extui %lt3A_743 : i1 to i32
      %cond3A_745 = arith.constant 0 : i32
      %cond3A_746 = arith.cmpi ne, %convert_element_type3A_744, %cond3A_745 : i32
      scf.if %cond3A_746 {
        %shift_right_arithmetic3A = arith.constant 7 : i32
        %shift_right_arithmetic3A_971 = arith.shrsi %squeeze3A_736, %shift_right_arithmetic3A : i32
        %mul3A_972 = arith.constant 128 : i32
        %mul3A_973 = arith.muli %shift_right_arithmetic3A_971, %mul3A_972 : i32
        %multiple_of3A_974 = tpu.assume_multiple %mul3A_973, 128 : i32
        %dma_start3A_975 = arith.constant 0 : i32
        %dma_start3A_976 = arith.constant 0 : i32
        %dma_start3A_977 = tpu.memref_slice %arg4[%dma_start3A_975, %dma_start3A_976, %multiple_of3A_974] : memref<4x8x1000000xf32, #tpu.memory_space<hbm>> -> memref<4x8x128xf32, #tpu.memory_space<hbm>>
        %dma_start3A_978 = arith.constant 0 : i32
        %dma_start3A_979 = arith.constant 0 : i32
        %dma_start3A_980 = tpu.memref_slice %arg4[%dma_start3A_978, %dma_start3A_979, %multiple_of3A_974] : memref<4x8x1000000xf32, #tpu.memory_space<hbm>> -> memref<4x8x128xf32, #tpu.memory_space<hbm>>
        tpu.enqueue_dma source(%dma_start3A_980 : memref<4x8x128xf32, #tpu.memory_space<hbm>>) target(%arg15 : memref<4x8x128xf32, #tpu.memory_space<vmem>>) target_semaphore(%arg25 : memref<!tpu.dma_semaphore, #tpu.memory_space<semaphore_mem>>)
        %dma_start3A_981 = arith.constant 0 : i32
        %dma_start3A_982 = arith.constant 0 : i32
        %dma_start3A_983 = tpu.memref_slice %arg5[%dma_start3A_981, %dma_start3A_982, %multiple_of3A_974] : memref<4x8x1000000xf32, #tpu.memory_space<hbm>> -> memref<4x8x128xf32, #tpu.memory_space<hbm>>
        %dma_start3A_984 = arith.constant 0 : i32
        %dma_start3A_985 = arith.constant 0 : i32
        %dma_start3A_986 = tpu.memref_slice %arg5[%dma_start3A_984, %dma_start3A_985, %multiple_of3A_974] : memref<4x8x1000000xf32, #tpu.memory_space<hbm>> -> memref<4x8x128xf32, #tpu.memory_space<hbm>>
        tpu.enqueue_dma source(%dma_start3A_986 : memref<4x8x128xf32, #tpu.memory_space<hbm>>) target(%arg19 : memref<4x8x128xf32, #tpu.memory_space<vmem>>) target_semaphore(%arg29 : memref<!tpu.dma_semaphore, #tpu.memory_space<semaphore_mem>>)
      } else {
      }
      %mul3A_747 = arith.constant 16 : i32
      %mul3A_748 = arith.muli %scan3A_713, %mul3A_747 : i32
      %add3A_749 = arith.constant 2 : i32
      %add3A_750 = arith.addi %mul3A_748, %add3A_749 : i32
      %slice3A_751 = vector.extract_strided_slice %get3A_720 {offsets = [2], sizes = [1], strides = [1]} : vector<16xi32> to vector<1xi32>
      %squeeze3A_752 = vector.extract %slice3A_751[0] : i32 from vector<1xi32>
      %ge3A_753 = arith.constant 4 : i32
      %ge3A_754 = arith.cmpi sge, %add3A_750, %ge3A_753 : i32
      %convert_element_type3A_755 = arith.extui %ge3A_754 : i1 to i32
      %cond3A_756 = arith.constant 0 : i32
      %cond3A_757 = arith.cmpi ne, %convert_element_type3A_755, %cond3A_756 : i32
      scf.if %cond3A_757 {
        %dma_wait3A_971 = arith.constant 0 : i32
        %dma_wait3A_972 = arith.constant 0 : i32
        %dma_wait3A_973 = arith.constant 0 : i32
        %dma_wait3A_974 = tpu.memref_slice %arg4[%dma_wait3A_971, %dma_wait3A_972, %dma_wait3A_973] : memref<4x8x1000000xf32, #tpu.memory_space<hbm>> -> memref<4x8x128xf32, #tpu.memory_space<hbm>>
        %dma_wait3A_975 = arith.constant 0 : i32
        %dma_wait3A_976 = arith.constant 0 : i32
        %dma_wait3A_977 = arith.constant 0 : i32
        %dma_wait3A_978 = tpu.memref_slice %arg4[%dma_wait3A_975, %dma_wait3A_976, %dma_wait3A_977] : memref<4x8x1000000xf32, #tpu.memory_space<hbm>> -> memref<4x8x128xf32, #tpu.memory_space<hbm>>
        tpu.wait_dma2 semaphore(%arg26 : memref<!tpu.dma_semaphore, #tpu.memory_space<semaphore_mem>>) src(%dma_wait3A_978 : memref<4x8x128xf32, #tpu.memory_space<hbm>>) dst(%arg16 : memref<4x8x128xf32, #tpu.memory_space<vmem>>)
        %dma_wait3A_979 = arith.constant 0 : i32
        %dma_wait3A_980 = arith.constant 0 : i32
        %dma_wait3A_981 = arith.constant 0 : i32
        %dma_wait3A_982 = tpu.memref_slice %arg5[%dma_wait3A_979, %dma_wait3A_980, %dma_wait3A_981] : memref<4x8x1000000xf32, #tpu.memory_space<hbm>> -> memref<4x8x128xf32, #tpu.memory_space<hbm>>
        %dma_wait3A_983 = arith.constant 0 : i32
        %dma_wait3A_984 = arith.constant 0 : i32
        %dma_wait3A_985 = arith.constant 0 : i32
        %dma_wait3A_986 = tpu.memref_slice %arg5[%dma_wait3A_983, %dma_wait3A_984, %dma_wait3A_985] : memref<4x8x1000000xf32, #tpu.memory_space<hbm>> -> memref<4x8x128xf32, #tpu.memory_space<hbm>>
        tpu.wait_dma2 semaphore(%arg30 : memref<!tpu.dma_semaphore, #tpu.memory_space<semaphore_mem>>) src(%dma_wait3A_986 : memref<4x8x128xf32, #tpu.memory_space<hbm>>) dst(%arg20 : memref<4x8x128xf32, #tpu.memory_space<vmem>>)
        %sub3A = arith.constant 4 : i32
        %sub3A_987 = arith.subi %add3A_750, %sub3A : i32
        %and3A_988 = arith.constant 127 : i32
        %and3A_989 = arith.andi %scan3A_716, %and3A_988 : i32
        %broadcast_in_dim3A_990 = vector.broadcast %and3A_989 : i32 to vector<16xi32>
        %add3A_991 = arith.constant 0 : i32
        %add3A_992 = vector.broadcast %add3A_991 : i32 to vector<16xi32>
        %add3A_993 = arith.addi %iota3A, %add3A_992 : vector<16xi32>
        %shift_right_logical3A_994 = arith.constant 3 : i32
        %shift_right_logical3A_995 = vector.broadcast %shift_right_logical3A_994 : i32 to vector<16xi32>
        %shift_right_logical3A_996 = arith.shrui %add3A_993, %shift_right_logical3A_995 : vector<16xi32>
        %and3A_997 = arith.constant 7 : i32
        %and3A_998 = vector.broadcast %and3A_997 : i32 to vector<16xi32>
        %and3A_999 = arith.andi %add3A_993, %and3A_998 : vector<16xi32>
        %gather3A_1000 = tpu.vector_load_idx %arg16[%shift_right_logical3A_996, %and3A_999, %broadcast_in_dim3A_990] : memref<4x8x128xf32, #tpu.memory_space<vmem>>[vector<16xi32>, vector<16xi32>, vector<16xi32>], vector<16xf32>,
        %gather3A_1001 = tpu.vector_load_idx %arg20[%shift_right_logical3A_996, %and3A_999, %broadcast_in_dim3A_990] : memref<4x8x128xf32, #tpu.memory_space<vmem>>[vector<16xi32>, vector<16xi32>, vector<16xi32>], vector<16xf32>,
        %add3A_1002 = arith.constant 16 : i32
        %add3A_1003 = vector.broadcast %add3A_1002 : i32 to vector<16xi32>
        %add3A_1004 = arith.addi %iota3A, %add3A_1003 : vector<16xi32>
        %shift_right_logical3A_1005 = arith.constant 3 : i32
        %shift_right_logical3A_1006 = vector.broadcast %shift_right_logical3A_1005 : i32 to vector<16xi32>
        %shift_right_logical3A_1007 = arith.shrui %add3A_1004, %shift_right_logical3A_1006 : vector<16xi32>
        %and3A_1008 = arith.constant 7 : i32
        %and3A_1009 = vector.broadcast %and3A_1008 : i32 to vector<16xi32>
        %and3A_1010 = arith.andi %add3A_1004, %and3A_1009 : vector<16xi32>
        %gather3A_1011 = tpu.vector_load_idx %arg16[%shift_right_logical3A_1007, %and3A_1010, %broadcast_in_dim3A_990] : memref<4x8x128xf32, #tpu.memory_space<vmem>>[vector<16xi32>, vector<16xi32>, vector<16xi32>], vector<16xf32>,
        %gather3A_1012 = tpu.vector_load_idx %arg20[%shift_right_logical3A_1007, %and3A_1010, %broadcast_in_dim3A_990] : memref<4x8x128xf32, #tpu.memory_space<vmem>>[vector<16xi32>, vector<16xi32>, vector<16xi32>], vector<16xf32>,
        %shift_right_arithmetic3A = arith.constant 7 : i32
        %shift_right_arithmetic3A_1013 = arith.shrsi %squeeze3A_752, %shift_right_arithmetic3A : i32
        %mul3A_1014 = arith.constant 128 : i32
        %mul3A_1015 = arith.muli %shift_right_arithmetic3A_1013, %mul3A_1014 : i32
        %multiple_of3A_1016 = tpu.assume_multiple %mul3A_1015, 128 : i32
        %dma_start3A_1017 = arith.constant 0 : i32
        %dma_start3A_1018 = arith.constant 0 : i32
        %dma_start3A_1019 = tpu.memref_slice %arg4[%dma_start3A_1017, %dma_start3A_1018, %multiple_of3A_1016] : memref<4x8x1000000xf32, #tpu.memory_space<hbm>> -> memref<4x8x128xf32, #tpu.memory_space<hbm>>
        %dma_start3A_1020 = arith.constant 0 : i32
        %dma_start3A_1021 = arith.constant 0 : i32
        %dma_start3A_1022 = tpu.memref_slice %arg4[%dma_start3A_1020, %dma_start3A_1021, %multiple_of3A_1016] : memref<4x8x1000000xf32, #tpu.memory_space<hbm>> -> memref<4x8x128xf32, #tpu.memory_space<hbm>>
        tpu.enqueue_dma source(%dma_start3A_1022 : memref<4x8x128xf32, #tpu.memory_space<hbm>>) target(%arg16 : memref<4x8x128xf32, #tpu.memory_space<vmem>>) target_semaphore(%arg26 : memref<!tpu.dma_semaphore, #tpu.memory_space<semaphore_mem>>)
        %dma_start3A_1023 = arith.constant 0 : i32
        %dma_start3A_1024 = arith.constant 0 : i32
        %dma_start3A_1025 = tpu.memref_slice %arg5[%dma_start3A_1023, %dma_start3A_1024, %multiple_of3A_1016] : memref<4x8x1000000xf32, #tpu.memory_space<hbm>> -> memref<4x8x128xf32, #tpu.memory_space<hbm>>
        %dma_start3A_1026 = arith.constant 0 : i32
        %dma_start3A_1027 = arith.constant 0 : i32
        %dma_start3A_1028 = tpu.memref_slice %arg5[%dma_start3A_1026, %dma_start3A_1027, %multiple_of3A_1016] : memref<4x8x1000000xf32, #tpu.memory_space<hbm>> -> memref<4x8x128xf32, #tpu.memory_space<hbm>>
        tpu.enqueue_dma source(%dma_start3A_1028 : memref<4x8x128xf32, #tpu.memory_space<hbm>>) target(%arg20 : memref<4x8x128xf32, #tpu.memory_space<vmem>>) target_semaphore(%arg30 : memref<!tpu.dma_semaphore, #tpu.memory_space<semaphore_mem>>)
        %shift_right_arithmetic3A_1029 = arith.constant 7 : i32
        %shift_right_arithmetic3A_1030 = arith.shrsi %sub3A_987, %shift_right_arithmetic3A_1029 : i32
        %mul3A_1031 = arith.constant 4 : i32
        %mul3A_1032 = arith.muli %shift_right_arithmetic3A_1030, %mul3A_1031 : i32
        %broadcast_in_dim3A_1033 = vector.broadcast %mul3A_1032 : i32 to vector<16xi32>
        %and3A_1034 = arith.constant 127 : i32
        %and3A_1035 = arith.andi %sub3A_987, %and3A_1034 : i32
        %broadcast_in_dim3A_1036 = vector.broadcast %and3A_1035 : i32 to vector<16xi32>
        %add3A_1037 = arith.constant 0 : i32
        %add3A_1038 = vector.broadcast %add3A_1037 : i32 to vector<16xi32>
        %add3A_1039 = arith.addi %iota3A, %add3A_1038 : vector<16xi32>
        %shift_right_logical3A_1040 = arith.constant 3 : i32
        %shift_right_logical3A_1041 = vector.broadcast %shift_right_logical3A_1040 : i32 to vector<16xi32>
        %shift_right_logical3A_1042 = arith.shrui %add3A_1039, %shift_right_logical3A_1041 : vector<16xi32>
        %and3A_1043 = arith.constant 7 : i32
        %and3A_1044 = vector.broadcast %and3A_1043 : i32 to vector<16xi32>
        %and3A_1045 = arith.andi %add3A_1039, %and3A_1044 : vector<16xi32>
        %add3A_1046 = arith.addi %broadcast_in_dim3A_1033, %shift_right_logical3A_1042 : vector<16xi32>
        %gather3A_1047 = tpu.vector_load_idx %arg10[%add3A_1046, %and3A_1045, %broadcast_in_dim3A_1036] : memref<16x8x128xf32, #tpu.memory_space<vmem>>[vector<16xi32>, vector<16xi32>, vector<16xi32>], vector<16xf32>,
        %mul3A_1048 = arith.constant 5.000000e-01 : f32
        %mul3A_1049 = vector.broadcast %mul3A_1048 : f32 to vector<16xf32>
        %mul3A_1050 = arith.mulf %gather3A_1001, %mul3A_1049 : vector<16xf32>
        %exp3A_1051 = math.exp %mul3A_1050 : vector<16xf32>
        %mul3A_1052 = arith.mulf %gather3A_1047, %exp3A_1051 : vector<16xf32>
        %add3A_1053 = arith.addf %gather3A_1000, %mul3A_1052 : vector<16xf32>
        tpu.vector_store_idx %arg11[%add3A_1046, %and3A_1045, %broadcast_in_dim3A_1036], %add3A_1053 : memref<16x8x128xf32, #tpu.memory_space<vmem>>[vector<16xi32>, vector<16xi32>, vector<16xi32>], vector<16xf32>,
        tpu.vector_store_idx %arg12[%add3A_1046, %and3A_1045, %broadcast_in_dim3A_1036], %gather3A_1000 : memref<16x8x128xf32, #tpu.memory_space<vmem>>[vector<16xi32>, vector<16xi32>, vector<16xi32>], vector<16xf32>,
        tpu.vector_store_idx %arg13[%add3A_1046, %and3A_1045, %broadcast_in_dim3A_1036], %gather3A_1001 : memref<16x8x128xf32, #tpu.memory_space<vmem>>[vector<16xi32>, vector<16xi32>, vector<16xi32>], vector<16xf32>,
        %add3A_1054 = arith.constant 16 : i32
        %add3A_1055 = vector.broadcast %add3A_1054 : i32 to vector<16xi32>
        %add3A_1056 = arith.addi %iota3A, %add3A_1055 : vector<16xi32>
        %shift_right_logical3A_1057 = arith.constant 3 : i32
        %shift_right_logical3A_1058 = vector.broadcast %shift_right_logical3A_1057 : i32 to vector<16xi32>
        %shift_right_logical3A_1059 = arith.shrui %add3A_1056, %shift_right_logical3A_1058 : vector<16xi32>
        %and3A_1060 = arith.constant 7 : i32
        %and3A_1061 = vector.broadcast %and3A_1060 : i32 to vector<16xi32>
        %and3A_1062 = arith.andi %add3A_1056, %and3A_1061 : vector<16xi32>
        %add3A_1063 = arith.addi %broadcast_in_dim3A_1033, %shift_right_logical3A_1059 : vector<16xi32>
        %gather3A_1064 = tpu.vector_load_idx %arg10[%add3A_1063, %and3A_1062, %broadcast_in_dim3A_1036] : memref<16x8x128xf32, #tpu.memory_space<vmem>>[vector<16xi32>, vector<16xi32>, vector<16xi32>], vector<16xf32>,
        %mul3A_1065 = arith.constant 5.000000e-01 : f32
        %mul3A_1066 = vector.broadcast %mul3A_1065 : f32 to vector<16xf32>
        %mul3A_1067 = arith.mulf %gather3A_1012, %mul3A_1066 : vector<16xf32>
        %exp3A_1068 = math.exp %mul3A_1067 : vector<16xf32>
        %mul3A_1069 = arith.mulf %gather3A_1064, %exp3A_1068 : vector<16xf32>
        %add3A_1070 = arith.addf %gather3A_1011, %mul3A_1069 : vector<16xf32>
        tpu.vector_store_idx %arg11[%add3A_1063, %and3A_1062, %broadcast_in_dim3A_1036], %add3A_1070 : memref<16x8x128xf32, #tpu.memory_space<vmem>>[vector<16xi32>, vector<16xi32>, vector<16xi32>], vector<16xf32>,
        tpu.vector_store_idx %arg12[%add3A_1063, %and3A_1062, %broadcast_in_dim3A_1036], %gather3A_1011 : memref<16x8x128xf32, #tpu.memory_space<vmem>>[vector<16xi32>, vector<16xi32>, vector<16xi32>], vector<16xf32>,
        tpu.vector_store_idx %arg13[%add3A_1063, %and3A_1062, %broadcast_in_dim3A_1036], %gather3A_1012 : memref<16x8x128xf32, #tpu.memory_space<vmem>>[vector<16xi32>, vector<16xi32>, vector<16xi32>], vector<16xf32>,
      } else {
      }
      %lt3A_758 = arith.constant 4 : i32
      %lt3A_759 = arith.cmpi slt, %add3A_750, %lt3A_758 : i32
      %convert_element_type3A_760 = arith.extui %lt3A_759 : i1 to i32
      %cond3A_761 = arith.constant 0 : i32
      %cond3A_762 = arith.cmpi ne, %convert_element_type3A_760, %cond3A_761 : i32
      scf.if %cond3A_762 {
        %shift_right_arithmetic3A = arith.constant 7 : i32
        %shift_right_arithmetic3A_971 = arith.shrsi %squeeze3A_752, %shift_right_arithmetic3A : i32
        %mul3A_972 = arith.constant 128 : i32
        %mul3A_973 = arith.muli %shift_right_arithmetic3A_971, %mul3A_972 : i32
        %multiple_of3A_974 = tpu.assume_multiple %mul3A_973, 128 : i32
        %dma_start3A_975 = arith.constant 0 : i32
        %dma_start3A_976 = arith.constant 0 : i32
        %dma_start3A_977 = tpu.memref_slice %arg4[%dma_start3A_975, %dma_start3A_976, %multiple_of3A_974] : memref<4x8x1000000xf32, #tpu.memory_space<hbm>> -> memref<4x8x128xf32, #tpu.memory_space<hbm>>
        %dma_start3A_978 = arith.constant 0 : i32
        %dma_start3A_979 = arith.constant 0 : i32
        %dma_start3A_980 = tpu.memref_slice %arg4[%dma_start3A_978, %dma_start3A_979, %multiple_of3A_974] : memref<4x8x1000000xf32, #tpu.memory_space<hbm>> -> memref<4x8x128xf32, #tpu.memory_space<hbm>>
        tpu.enqueue_dma source(%dma_start3A_980 : memref<4x8x128xf32, #tpu.memory_space<hbm>>) target(%arg16 : memref<4x8x128xf32, #tpu.memory_space<vmem>>) target_semaphore(%arg26 : memref<!tpu.dma_semaphore, #tpu.memory_space<semaphore_mem>>)
        %dma_start3A_981 = arith.constant 0 : i32
        %dma_start3A_982 = arith.constant 0 : i32
        %dma_start3A_983 = tpu.memref_slice %arg5[%dma_start3A_981, %dma_start3A_982, %multiple_of3A_974] : memref<4x8x1000000xf32, #tpu.memory_space<hbm>> -> memref<4x8x128xf32, #tpu.memory_space<hbm>>
        %dma_start3A_984 = arith.constant 0 : i32
        %dma_start3A_985 = arith.constant 0 : i32
        %dma_start3A_986 = tpu.memref_slice %arg5[%dma_start3A_984, %dma_start3A_985, %multiple_of3A_974] : memref<4x8x1000000xf32, #tpu.memory_space<hbm>> -> memref<4x8x128xf32, #tpu.memory_space<hbm>>
        tpu.enqueue_dma source(%dma_start3A_986 : memref<4x8x128xf32, #tpu.memory_space<hbm>>) target(%arg20 : memref<4x8x128xf32, #tpu.memory_space<vmem>>) target_semaphore(%arg30 : memref<!tpu.dma_semaphore, #tpu.memory_space<semaphore_mem>>)
      } else {
      }
      %mul3A_763 = arith.constant 16 : i32
      %mul3A_764 = arith.muli %scan3A_713, %mul3A_763 : i32
      %add3A_765 = arith.constant 3 : i32
      %add3A_766 = arith.addi %mul3A_764, %add3A_765 : i32
      %slice3A_767 = vector.extract_strided_slice %get3A_720 {offsets = [3], sizes = [1], strides = [1]} : vector<16xi32> to vector<1xi32>
      %squeeze3A_768 = vector.extract %slice3A_767[0] : i32 from vector<1xi32>
      %ge3A_769 = arith.constant 4 : i32
      %ge3A_770 = arith.cmpi sge, %add3A_766, %ge3A_769 : i32
      %convert_element_type3A_771 = arith.extui %ge3A_770 : i1 to i32
      %cond3A_772 = arith.constant 0 : i32
      %cond3A_773 = arith.cmpi ne, %convert_element_type3A_771, %cond3A_772 : i32
      scf.if %cond3A_773 {
        %dma_wait3A_971 = arith.constant 0 : i32
        %dma_wait3A_972 = arith.constant 0 : i32
        %dma_wait3A_973 = arith.constant 0 : i32
        %dma_wait3A_974 = tpu.memref_slice %arg4[%dma_wait3A_971, %dma_wait3A_972, %dma_wait3A_973] : memref<4x8x1000000xf32, #tpu.memory_space<hbm>> -> memref<4x8x128xf32, #tpu.memory_space<hbm>>
        %dma_wait3A_975 = arith.constant 0 : i32
        %dma_wait3A_976 = arith.constant 0 : i32
        %dma_wait3A_977 = arith.constant 0 : i32
        %dma_wait3A_978 = tpu.memref_slice %arg4[%dma_wait3A_975, %dma_wait3A_976, %dma_wait3A_977] : memref<4x8x1000000xf32, #tpu.memory_space<hbm>> -> memref<4x8x128xf32, #tpu.memory_space<hbm>>
        tpu.wait_dma2 semaphore(%arg27 : memref<!tpu.dma_semaphore, #tpu.memory_space<semaphore_mem>>) src(%dma_wait3A_978 : memref<4x8x128xf32, #tpu.memory_space<hbm>>) dst(%arg17 : memref<4x8x128xf32, #tpu.memory_space<vmem>>)
        %dma_wait3A_979 = arith.constant 0 : i32
        %dma_wait3A_980 = arith.constant 0 : i32
        %dma_wait3A_981 = arith.constant 0 : i32
        %dma_wait3A_982 = tpu.memref_slice %arg5[%dma_wait3A_979, %dma_wait3A_980, %dma_wait3A_981] : memref<4x8x1000000xf32, #tpu.memory_space<hbm>> -> memref<4x8x128xf32, #tpu.memory_space<hbm>>
        %dma_wait3A_983 = arith.constant 0 : i32
        %dma_wait3A_984 = arith.constant 0 : i32
        %dma_wait3A_985 = arith.constant 0 : i32
        %dma_wait3A_986 = tpu.memref_slice %arg5[%dma_wait3A_983, %dma_wait3A_984, %dma_wait3A_985] : memref<4x8x1000000xf32, #tpu.memory_space<hbm>> -> memref<4x8x128xf32, #tpu.memory_space<hbm>>
        tpu.wait_dma2 semaphore(%arg31 : memref<!tpu.dma_semaphore, #tpu.memory_space<semaphore_mem>>) src(%dma_wait3A_986 : memref<4x8x128xf32, #tpu.memory_space<hbm>>) dst(%arg21 : memref<4x8x128xf32, #tpu.memory_space<vmem>>)
        %sub3A = arith.constant 4 : i32
        %sub3A_987 = arith.subi %add3A_766, %sub3A : i32
        %and3A_988 = arith.constant 127 : i32
        %and3A_989 = arith.andi %scan3A_717, %and3A_988 : i32
        %broadcast_in_dim3A_990 = vector.broadcast %and3A_989 : i32 to vector<16xi32>
        %add3A_991 = arith.constant 0 : i32
        %add3A_992 = vector.broadcast %add3A_991 : i32 to vector<16xi32>
        %add3A_993 = arith.addi %iota3A, %add3A_992 : vector<16xi32>
        %shift_right_logical3A_994 = arith.constant 3 : i32
        %shift_right_logical3A_995 = vector.broadcast %shift_right_logical3A_994 : i32 to vector<16xi32>
        %shift_right_logical3A_996 = arith.shrui %add3A_993, %shift_right_logical3A_995 : vector<16xi32>
        %and3A_997 = arith.constant 7 : i32
        %and3A_998 = vector.broadcast %and3A_997 : i32 to vector<16xi32>
        %and3A_999 = arith.andi %add3A_993, %and3A_998 : vector<16xi32>
        %gather3A_1000 = tpu.vector_load_idx %arg17[%shift_right_logical3A_996, %and3A_999, %broadcast_in_dim3A_990] : memref<4x8x128xf32, #tpu.memory_space<vmem>>[vector<16xi32>, vector<16xi32>, vector<16xi32>], vector<16xf32>,
        %gather3A_1001 = tpu.vector_load_idx %arg21[%shift_right_logical3A_996, %and3A_999, %broadcast_in_dim3A_990] : memref<4x8x128xf32, #tpu.memory_space<vmem>>[vector<16xi32>, vector<16xi32>, vector<16xi32>], vector<16xf32>,
        %add3A_1002 = arith.constant 16 : i32
        %add3A_1003 = vector.broadcast %add3A_1002 : i32 to vector<16xi32>
        %add3A_1004 = arith.addi %iota3A, %add3A_1003 : vector<16xi32>
        %shift_right_logical3A_1005 = arith.constant 3 : i32
        %shift_right_logical3A_1006 = vector.broadcast %shift_right_logical3A_1005 : i32 to vector<16xi32>
        %shift_right_logical3A_1007 = arith.shrui %add3A_1004, %shift_right_logical3A_1006 : vector<16xi32>
        %and3A_1008 = arith.constant 7 : i32
        %and3A_1009 = vector.broadcast %and3A_1008 : i32 to vector<16xi32>
        %and3A_1010 = arith.andi %add3A_1004, %and3A_1009 : vector<16xi32>
        %gather3A_1011 = tpu.vector_load_idx %arg17[%shift_right_logical3A_1007, %and3A_1010, %broadcast_in_dim3A_990] : memref<4x8x128xf32, #tpu.memory_space<vmem>>[vector<16xi32>, vector<16xi32>, vector<16xi32>], vector<16xf32>,
        %gather3A_1012 = tpu.vector_load_idx %arg21[%shift_right_logical3A_1007, %and3A_1010, %broadcast_in_dim3A_990] : memref<4x8x128xf32, #tpu.memory_space<vmem>>[vector<16xi32>, vector<16xi32>, vector<16xi32>], vector<16xf32>,
        %shift_right_arithmetic3A = arith.constant 7 : i32
        %shift_right_arithmetic3A_1013 = arith.shrsi %squeeze3A_768, %shift_right_arithmetic3A : i32
        %mul3A_1014 = arith.constant 128 : i32
        %mul3A_1015 = arith.muli %shift_right_arithmetic3A_1013, %mul3A_1014 : i32
        %multiple_of3A_1016 = tpu.assume_multiple %mul3A_1015, 128 : i32
        %dma_start3A_1017 = arith.constant 0 : i32
        %dma_start3A_1018 = arith.constant 0 : i32
        %dma_start3A_1019 = tpu.memref_slice %arg4[%dma_start3A_1017, %dma_start3A_1018, %multiple_of3A_1016] : memref<4x8x1000000xf32, #tpu.memory_space<hbm>> -> memref<4x8x128xf32, #tpu.memory_space<hbm>>
        %dma_start3A_1020 = arith.constant 0 : i32
        %dma_start3A_1021 = arith.constant 0 : i32
        %dma_start3A_1022 = tpu.memref_slice %arg4[%dma_start3A_1020, %dma_start3A_1021, %multiple_of3A_1016] : memref<4x8x1000000xf32, #tpu.memory_space<hbm>> -> memref<4x8x128xf32, #tpu.memory_space<hbm>>
        tpu.enqueue_dma source(%dma_start3A_1022 : memref<4x8x128xf32, #tpu.memory_space<hbm>>) target(%arg17 : memref<4x8x128xf32, #tpu.memory_space<vmem>>) target_semaphore(%arg27 : memref<!tpu.dma_semaphore, #tpu.memory_space<semaphore_mem>>)
        %dma_start3A_1023 = arith.constant 0 : i32
        %dma_start3A_1024 = arith.constant 0 : i32
        %dma_start3A_1025 = tpu.memref_slice %arg5[%dma_start3A_1023, %dma_start3A_1024, %multiple_of3A_1016] : memref<4x8x1000000xf32, #tpu.memory_space<hbm>> -> memref<4x8x128xf32, #tpu.memory_space<hbm>>
        %dma_start3A_1026 = arith.constant 0 : i32
        %dma_start3A_1027 = arith.constant 0 : i32
        %dma_start3A_1028 = tpu.memref_slice %arg5[%dma_start3A_1026, %dma_start3A_1027, %multiple_of3A_1016] : memref<4x8x1000000xf32, #tpu.memory_space<hbm>> -> memref<4x8x128xf32, #tpu.memory_space<hbm>>
        tpu.enqueue_dma source(%dma_start3A_1028 : memref<4x8x128xf32, #tpu.memory_space<hbm>>) target(%arg21 : memref<4x8x128xf32, #tpu.memory_space<vmem>>) target_semaphore(%arg31 : memref<!tpu.dma_semaphore, #tpu.memory_space<semaphore_mem>>)
        %shift_right_arithmetic3A_1029 = arith.constant 7 : i32
        %shift_right_arithmetic3A_1030 = arith.shrsi %sub3A_987, %shift_right_arithmetic3A_1029 : i32
        %mul3A_1031 = arith.constant 4 : i32
        %mul3A_1032 = arith.muli %shift_right_arithmetic3A_1030, %mul3A_1031 : i32
        %broadcast_in_dim3A_1033 = vector.broadcast %mul3A_1032 : i32 to vector<16xi32>
        %and3A_1034 = arith.constant 127 : i32
        %and3A_1035 = arith.andi %sub3A_987, %and3A_1034 : i32
        %broadcast_in_dim3A_1036 = vector.broadcast %and3A_1035 : i32 to vector<16xi32>
        %add3A_1037 = arith.constant 0 : i32
        %add3A_1038 = vector.broadcast %add3A_1037 : i32 to vector<16xi32>
        %add3A_1039 = arith.addi %iota3A, %add3A_1038 : vector<16xi32>
        %shift_right_logical3A_1040 = arith.constant 3 : i32
        %shift_right_logical3A_1041 = vector.broadcast %shift_right_logical3A_1040 : i32 to vector<16xi32>
        %shift_right_logical3A_1042 = arith.shrui %add3A_1039, %shift_right_logical3A_1041 : vector<16xi32>
        %and3A_1043 = arith.constant 7 : i32
        %and3A_1044 = vector.broadcast %and3A_1043 : i32 to vector<16xi32>
        %and3A_1045 = arith.andi %add3A_1039, %and3A_1044 : vector<16xi32>
        %add3A_1046 = arith.addi %broadcast_in_dim3A_1033, %shift_right_logical3A_1042 : vector<16xi32>
        %gather3A_1047 = tpu.vector_load_idx %arg10[%add3A_1046, %and3A_1045, %broadcast_in_dim3A_1036] : memref<16x8x128xf32, #tpu.memory_space<vmem>>[vector<16xi32>, vector<16xi32>, vector<16xi32>], vector<16xf32>,
        %mul3A_1048 = arith.constant 5.000000e-01 : f32
        %mul3A_1049 = vector.broadcast %mul3A_1048 : f32 to vector<16xf32>
        %mul3A_1050 = arith.mulf %gather3A_1001, %mul3A_1049 : vector<16xf32>
        %exp3A_1051 = math.exp %mul3A_1050 : vector<16xf32>
        %mul3A_1052 = arith.mulf %gather3A_1047, %exp3A_1051 : vector<16xf32>
        %add3A_1053 = arith.addf %gather3A_1000, %mul3A_1052 : vector<16xf32>
        tpu.vector_store_idx %arg11[%add3A_1046, %and3A_1045, %broadcast_in_dim3A_1036], %add3A_1053 : memref<16x8x128xf32, #tpu.memory_space<vmem>>[vector<16xi32>, vector<16xi32>, vector<16xi32>], vector<16xf32>,
        tpu.vector_store_idx %arg12[%add3A_1046, %and3A_1045, %broadcast_in_dim3A_1036], %gather3A_1000 : memref<16x8x128xf32, #tpu.memory_space<vmem>>[vector<16xi32>, vector<16xi32>, vector<16xi32>], vector<16xf32>,
        tpu.vector_store_idx %arg13[%add3A_1046, %and3A_1045, %broadcast_in_dim3A_1036], %gather3A_1001 : memref<16x8x128xf32, #tpu.memory_space<vmem>>[vector<16xi32>, vector<16xi32>, vector<16xi32>], vector<16xf32>,
        %add3A_1054 = arith.constant 16 : i32
        %add3A_1055 = vector.broadcast %add3A_1054 : i32 to vector<16xi32>
        %add3A_1056 = arith.addi %iota3A, %add3A_1055 : vector<16xi32>
        %shift_right_logical3A_1057 = arith.constant 3 : i32
        %shift_right_logical3A_1058 = vector.broadcast %shift_right_logical3A_1057 : i32 to vector<16xi32>
        %shift_right_logical3A_1059 = arith.shrui %add3A_1056, %shift_right_logical3A_1058 : vector<16xi32>
        %and3A_1060 = arith.constant 7 : i32
        %and3A_1061 = vector.broadcast %and3A_1060 : i32 to vector<16xi32>
        %and3A_1062 = arith.andi %add3A_1056, %and3A_1061 : vector<16xi32>
        %add3A_1063 = arith.addi %broadcast_in_dim3A_1033, %shift_right_logical3A_1059 : vector<16xi32>
        %gather3A_1064 = tpu.vector_load_idx %arg10[%add3A_1063, %and3A_1062, %broadcast_in_dim3A_1036] : memref<16x8x128xf32, #tpu.memory_space<vmem>>[vector<16xi32>, vector<16xi32>, vector<16xi32>], vector<16xf32>,
        %mul3A_1065 = arith.constant 5.000000e-01 : f32
        %mul3A_1066 = vector.broadcast %mul3A_1065 : f32 to vector<16xf32>
        %mul3A_1067 = arith.mulf %gather3A_1012, %mul3A_1066 : vector<16xf32>
        %exp3A_1068 = math.exp %mul3A_1067 : vector<16xf32>
        %mul3A_1069 = arith.mulf %gather3A_1064, %exp3A_1068 : vector<16xf32>
        %add3A_1070 = arith.addf %gather3A_1011, %mul3A_1069 : vector<16xf32>
        tpu.vector_store_idx %arg11[%add3A_1063, %and3A_1062, %broadcast_in_dim3A_1036], %add3A_1070 : memref<16x8x128xf32, #tpu.memory_space<vmem>>[vector<16xi32>, vector<16xi32>, vector<16xi32>], vector<16xf32>,
        tpu.vector_store_idx %arg12[%add3A_1063, %and3A_1062, %broadcast_in_dim3A_1036], %gather3A_1011 : memref<16x8x128xf32, #tpu.memory_space<vmem>>[vector<16xi32>, vector<16xi32>, vector<16xi32>], vector<16xf32>,
        tpu.vector_store_idx %arg13[%add3A_1063, %and3A_1062, %broadcast_in_dim3A_1036], %gather3A_1012 : memref<16x8x128xf32, #tpu.memory_space<vmem>>[vector<16xi32>, vector<16xi32>, vector<16xi32>], vector<16xf32>,
      } else {
      }
      %lt3A_774 = arith.constant 4 : i32
      %lt3A_775 = arith.cmpi slt, %add3A_766, %lt3A_774 : i32
      %convert_element_type3A_776 = arith.extui %lt3A_775 : i1 to i32
      %cond3A_777 = arith.constant 0 : i32
      %cond3A_778 = arith.cmpi ne, %convert_element_type3A_776, %cond3A_777 : i32
      scf.if %cond3A_778 {
        %shift_right_arithmetic3A = arith.constant 7 : i32
        %shift_right_arithmetic3A_971 = arith.shrsi %squeeze3A_768, %shift_right_arithmetic3A : i32
        %mul3A_972 = arith.constant 128 : i32
        %mul3A_973 = arith.muli %shift_right_arithmetic3A_971, %mul3A_972 : i32
        %multiple_of3A_974 = tpu.assume_multiple %mul3A_973, 128 : i32
        %dma_start3A_975 = arith.constant 0 : i32
        %dma_start3A_976 = arith.constant 0 : i32
        %dma_start3A_977 = tpu.memref_slice %arg4[%dma_start3A_975, %dma_start3A_976, %multiple_of3A_974] : memref<4x8x1000000xf32, #tpu.memory_space<hbm>> -> memref<4x8x128xf32, #tpu.memory_space<hbm>>
        %dma_start3A_978 = arith.constant 0 : i32
        %dma_start3A_979 = arith.constant 0 : i32
        %dma_start3A_980 = tpu.memref_slice %arg4[%dma_start3A_978, %dma_start3A_979, %multiple_of3A_974] : memref<4x8x1000000xf32, #tpu.memory_space<hbm>> -> memref<4x8x128xf32, #tpu.memory_space<hbm>>
        tpu.enqueue_dma source(%dma_start3A_980 : memref<4x8x128xf32, #tpu.memory_space<hbm>>) target(%arg17 : memref<4x8x128xf32, #tpu.memory_space<vmem>>) target_semaphore(%arg27 : memref<!tpu.dma_semaphore, #tpu.memory_space<semaphore_mem>>)
        %dma_start3A_981 = arith.constant 0 : i32
        %dma_start3A_982 = arith.constant 0 : i32
        %dma_start3A_983 = tpu.memref_slice %arg5[%dma_start3A_981, %dma_start3A_982, %multiple_of3A_974] : memref<4x8x1000000xf32, #tpu.memory_space<hbm>> -> memref<4x8x128xf32, #tpu.memory_space<hbm>>
        %dma_start3A_984 = arith.constant 0 : i32
        %dma_start3A_985 = arith.constant 0 : i32
        %dma_start3A_986 = tpu.memref_slice %arg5[%dma_start3A_984, %dma_start3A_985, %multiple_of3A_974] : memref<4x8x1000000xf32, #tpu.memory_space<hbm>> -> memref<4x8x128xf32, #tpu.memory_space<hbm>>
        tpu.enqueue_dma source(%dma_start3A_986 : memref<4x8x128xf32, #tpu.memory_space<hbm>>) target(%arg21 : memref<4x8x128xf32, #tpu.memory_space<vmem>>) target_semaphore(%arg31 : memref<!tpu.dma_semaphore, #tpu.memory_space<semaphore_mem>>)
      } else {
      }
      %mul3A_779 = arith.constant 16 : i32
      %mul3A_780 = arith.muli %scan3A_713, %mul3A_779 : i32
      %add3A_781 = arith.constant 4 : i32
      %add3A_782 = arith.addi %mul3A_780, %add3A_781 : i32
      %slice3A_783 = vector.extract_strided_slice %get3A_720 {offsets = [4], sizes = [1], strides = [1]} : vector<16xi32> to vector<1xi32>
      %squeeze3A_784 = vector.extract %slice3A_783[0] : i32 from vector<1xi32>
      %ge3A_785 = arith.constant 4 : i32
      %ge3A_786 = arith.cmpi sge, %add3A_782, %ge3A_785 : i32
      %convert_element_type3A_787 = arith.extui %ge3A_786 : i1 to i32
      %cond3A_788 = arith.constant 0 : i32
      %cond3A_789 = arith.cmpi ne, %convert_element_type3A_787, %cond3A_788 : i32
      scf.if %cond3A_789 {
        %dma_wait3A_971 = arith.constant 0 : i32
        %dma_wait3A_972 = arith.constant 0 : i32
        %dma_wait3A_973 = arith.constant 0 : i32
        %dma_wait3A_974 = tpu.memref_slice %arg4[%dma_wait3A_971, %dma_wait3A_972, %dma_wait3A_973] : memref<4x8x1000000xf32, #tpu.memory_space<hbm>> -> memref<4x8x128xf32, #tpu.memory_space<hbm>>
        %dma_wait3A_975 = arith.constant 0 : i32
        %dma_wait3A_976 = arith.constant 0 : i32
        %dma_wait3A_977 = arith.constant 0 : i32
        %dma_wait3A_978 = tpu.memref_slice %arg4[%dma_wait3A_975, %dma_wait3A_976, %dma_wait3A_977] : memref<4x8x1000000xf32, #tpu.memory_space<hbm>> -> memref<4x8x128xf32, #tpu.memory_space<hbm>>
        tpu.wait_dma2 semaphore(%arg24 : memref<!tpu.dma_semaphore, #tpu.memory_space<semaphore_mem>>) src(%dma_wait3A_978 : memref<4x8x128xf32, #tpu.memory_space<hbm>>) dst(%arg14 : memref<4x8x128xf32, #tpu.memory_space<vmem>>)
        %dma_wait3A_979 = arith.constant 0 : i32
        %dma_wait3A_980 = arith.constant 0 : i32
        %dma_wait3A_981 = arith.constant 0 : i32
        %dma_wait3A_982 = tpu.memref_slice %arg5[%dma_wait3A_979, %dma_wait3A_980, %dma_wait3A_981] : memref<4x8x1000000xf32, #tpu.memory_space<hbm>> -> memref<4x8x128xf32, #tpu.memory_space<hbm>>
        %dma_wait3A_983 = arith.constant 0 : i32
        %dma_wait3A_984 = arith.constant 0 : i32
        %dma_wait3A_985 = arith.constant 0 : i32
        %dma_wait3A_986 = tpu.memref_slice %arg5[%dma_wait3A_983, %dma_wait3A_984, %dma_wait3A_985] : memref<4x8x1000000xf32, #tpu.memory_space<hbm>> -> memref<4x8x128xf32, #tpu.memory_space<hbm>>
        tpu.wait_dma2 semaphore(%arg28 : memref<!tpu.dma_semaphore, #tpu.memory_space<semaphore_mem>>) src(%dma_wait3A_986 : memref<4x8x128xf32, #tpu.memory_space<hbm>>) dst(%arg18 : memref<4x8x128xf32, #tpu.memory_space<vmem>>)
        %sub3A = arith.constant 4 : i32
        %sub3A_987 = arith.subi %add3A_782, %sub3A : i32
        %and3A_988 = arith.constant 127 : i32
        %and3A_989 = arith.andi %squeeze3A, %and3A_988 : i32
        %broadcast_in_dim3A_990 = vector.broadcast %and3A_989 : i32 to vector<16xi32>
        %add3A_991 = arith.constant 0 : i32
        %add3A_992 = vector.broadcast %add3A_991 : i32 to vector<16xi32>
        %add3A_993 = arith.addi %iota3A, %add3A_992 : vector<16xi32>
        %shift_right_logical3A_994 = arith.constant 3 : i32
        %shift_right_logical3A_995 = vector.broadcast %shift_right_logical3A_994 : i32 to vector<16xi32>
        %shift_right_logical3A_996 = arith.shrui %add3A_993, %shift_right_logical3A_995 : vector<16xi32>
        %and3A_997 = arith.constant 7 : i32
        %and3A_998 = vector.broadcast %and3A_997 : i32 to vector<16xi32>
        %and3A_999 = arith.andi %add3A_993, %and3A_998 : vector<16xi32>
        %gather3A_1000 = tpu.vector_load_idx %arg14[%shift_right_logical3A_996, %and3A_999, %broadcast_in_dim3A_990] : memref<4x8x128xf32, #tpu.memory_space<vmem>>[vector<16xi32>, vector<16xi32>, vector<16xi32>], vector<16xf32>,
        %gather3A_1001 = tpu.vector_load_idx %arg18[%shift_right_logical3A_996, %and3A_999, %broadcast_in_dim3A_990] : memref<4x8x128xf32, #tpu.memory_space<vmem>>[vector<16xi32>, vector<16xi32>, vector<16xi32>], vector<16xf32>,
        %add3A_1002 = arith.constant 16 : i32
        %add3A_1003 = vector.broadcast %add3A_1002 : i32 to vector<16xi32>
        %add3A_1004 = arith.addi %iota3A, %add3A_1003 : vector<16xi32>
        %shift_right_logical3A_1005 = arith.constant 3 : i32
        %shift_right_logical3A_1006 = vector.broadcast %shift_right_logical3A_1005 : i32 to vector<16xi32>
        %shift_right_logical3A_1007 = arith.shrui %add3A_1004, %shift_right_logical3A_1006 : vector<16xi32>
        %and3A_1008 = arith.constant 7 : i32
        %and3A_1009 = vector.broadcast %and3A_1008 : i32 to vector<16xi32>
        %and3A_1010 = arith.andi %add3A_1004, %and3A_1009 : vector<16xi32>
        %gather3A_1011 = tpu.vector_load_idx %arg14[%shift_right_logical3A_1007, %and3A_1010, %broadcast_in_dim3A_990] : memref<4x8x128xf32, #tpu.memory_space<vmem>>[vector<16xi32>, vector<16xi32>, vector<16xi32>], vector<16xf32>,
        %gather3A_1012 = tpu.vector_load_idx %arg18[%shift_right_logical3A_1007, %and3A_1010, %broadcast_in_dim3A_990] : memref<4x8x128xf32, #tpu.memory_space<vmem>>[vector<16xi32>, vector<16xi32>, vector<16xi32>], vector<16xf32>,
        %shift_right_arithmetic3A = arith.constant 7 : i32
        %shift_right_arithmetic3A_1013 = arith.shrsi %squeeze3A_784, %shift_right_arithmetic3A : i32
        %mul3A_1014 = arith.constant 128 : i32
        %mul3A_1015 = arith.muli %shift_right_arithmetic3A_1013, %mul3A_1014 : i32
        %multiple_of3A_1016 = tpu.assume_multiple %mul3A_1015, 128 : i32
        %dma_start3A_1017 = arith.constant 0 : i32
        %dma_start3A_1018 = arith.constant 0 : i32
        %dma_start3A_1019 = tpu.memref_slice %arg4[%dma_start3A_1017, %dma_start3A_1018, %multiple_of3A_1016] : memref<4x8x1000000xf32, #tpu.memory_space<hbm>> -> memref<4x8x128xf32, #tpu.memory_space<hbm>>
        %dma_start3A_1020 = arith.constant 0 : i32
        %dma_start3A_1021 = arith.constant 0 : i32
        %dma_start3A_1022 = tpu.memref_slice %arg4[%dma_start3A_1020, %dma_start3A_1021, %multiple_of3A_1016] : memref<4x8x1000000xf32, #tpu.memory_space<hbm>> -> memref<4x8x128xf32, #tpu.memory_space<hbm>>
        tpu.enqueue_dma source(%dma_start3A_1022 : memref<4x8x128xf32, #tpu.memory_space<hbm>>) target(%arg14 : memref<4x8x128xf32, #tpu.memory_space<vmem>>) target_semaphore(%arg24 : memref<!tpu.dma_semaphore, #tpu.memory_space<semaphore_mem>>)
        %dma_start3A_1023 = arith.constant 0 : i32
        %dma_start3A_1024 = arith.constant 0 : i32
        %dma_start3A_1025 = tpu.memref_slice %arg5[%dma_start3A_1023, %dma_start3A_1024, %multiple_of3A_1016] : memref<4x8x1000000xf32, #tpu.memory_space<hbm>> -> memref<4x8x128xf32, #tpu.memory_space<hbm>>
        %dma_start3A_1026 = arith.constant 0 : i32
        %dma_start3A_1027 = arith.constant 0 : i32
        %dma_start3A_1028 = tpu.memref_slice %arg5[%dma_start3A_1026, %dma_start3A_1027, %multiple_of3A_1016] : memref<4x8x1000000xf32, #tpu.memory_space<hbm>> -> memref<4x8x128xf32, #tpu.memory_space<hbm>>
        tpu.enqueue_dma source(%dma_start3A_1028 : memref<4x8x128xf32, #tpu.memory_space<hbm>>) target(%arg18 : memref<4x8x128xf32, #tpu.memory_space<vmem>>) target_semaphore(%arg28 : memref<!tpu.dma_semaphore, #tpu.memory_space<semaphore_mem>>)
        %shift_right_arithmetic3A_1029 = arith.constant 7 : i32
        %shift_right_arithmetic3A_1030 = arith.shrsi %sub3A_987, %shift_right_arithmetic3A_1029 : i32
        %mul3A_1031 = arith.constant 4 : i32
        %mul3A_1032 = arith.muli %shift_right_arithmetic3A_1030, %mul3A_1031 : i32
        %broadcast_in_dim3A_1033 = vector.broadcast %mul3A_1032 : i32 to vector<16xi32>
        %and3A_1034 = arith.constant 127 : i32
        %and3A_1035 = arith.andi %sub3A_987, %and3A_1034 : i32
        %broadcast_in_dim3A_1036 = vector.broadcast %and3A_1035 : i32 to vector<16xi32>
        %add3A_1037 = arith.constant 0 : i32
        %add3A_1038 = vector.broadcast %add3A_1037 : i32 to vector<16xi32>
        %add3A_1039 = arith.addi %iota3A, %add3A_1038 : vector<16xi32>
        %shift_right_logical3A_1040 = arith.constant 3 : i32
        %shift_right_logical3A_1041 = vector.broadcast %shift_right_logical3A_1040 : i32 to vector<16xi32>
        %shift_right_logical3A_1042 = arith.shrui %add3A_1039, %shift_right_logical3A_1041 : vector<16xi32>
        %and3A_1043 = arith.constant 7 : i32
        %and3A_1044 = vector.broadcast %and3A_1043 : i32 to vector<16xi32>
        %and3A_1045 = arith.andi %add3A_1039, %and3A_1044 : vector<16xi32>
        %add3A_1046 = arith.addi %broadcast_in_dim3A_1033, %shift_right_logical3A_1042 : vector<16xi32>
        %gather3A_1047 = tpu.vector_load_idx %arg10[%add3A_1046, %and3A_1045, %broadcast_in_dim3A_1036] : memref<16x8x128xf32, #tpu.memory_space<vmem>>[vector<16xi32>, vector<16xi32>, vector<16xi32>], vector<16xf32>,
        %mul3A_1048 = arith.constant 5.000000e-01 : f32
        %mul3A_1049 = vector.broadcast %mul3A_1048 : f32 to vector<16xf32>
        %mul3A_1050 = arith.mulf %gather3A_1001, %mul3A_1049 : vector<16xf32>
        %exp3A_1051 = math.exp %mul3A_1050 : vector<16xf32>
        %mul3A_1052 = arith.mulf %gather3A_1047, %exp3A_1051 : vector<16xf32>
        %add3A_1053 = arith.addf %gather3A_1000, %mul3A_1052 : vector<16xf32>
        tpu.vector_store_idx %arg11[%add3A_1046, %and3A_1045, %broadcast_in_dim3A_1036], %add3A_1053 : memref<16x8x128xf32, #tpu.memory_space<vmem>>[vector<16xi32>, vector<16xi32>, vector<16xi32>], vector<16xf32>,
        tpu.vector_store_idx %arg12[%add3A_1046, %and3A_1045, %broadcast_in_dim3A_1036], %gather3A_1000 : memref<16x8x128xf32, #tpu.memory_space<vmem>>[vector<16xi32>, vector<16xi32>, vector<16xi32>], vector<16xf32>,
        tpu.vector_store_idx %arg13[%add3A_1046, %and3A_1045, %broadcast_in_dim3A_1036], %gather3A_1001 : memref<16x8x128xf32, #tpu.memory_space<vmem>>[vector<16xi32>, vector<16xi32>, vector<16xi32>], vector<16xf32>,
        %add3A_1054 = arith.constant 16 : i32
        %add3A_1055 = vector.broadcast %add3A_1054 : i32 to vector<16xi32>
        %add3A_1056 = arith.addi %iota3A, %add3A_1055 : vector<16xi32>
        %shift_right_logical3A_1057 = arith.constant 3 : i32
        %shift_right_logical3A_1058 = vector.broadcast %shift_right_logical3A_1057 : i32 to vector<16xi32>
        %shift_right_logical3A_1059 = arith.shrui %add3A_1056, %shift_right_logical3A_1058 : vector<16xi32>
        %and3A_1060 = arith.constant 7 : i32
        %and3A_1061 = vector.broadcast %and3A_1060 : i32 to vector<16xi32>
        %and3A_1062 = arith.andi %add3A_1056, %and3A_1061 : vector<16xi32>
        %add3A_1063 = arith.addi %broadcast_in_dim3A_1033, %shift_right_logical3A_1059 : vector<16xi32>
        %gather3A_1064 = tpu.vector_load_idx %arg10[%add3A_1063, %and3A_1062, %broadcast_in_dim3A_1036] : memref<16x8x128xf32, #tpu.memory_space<vmem>>[vector<16xi32>, vector<16xi32>, vector<16xi32>], vector<16xf32>,
        %mul3A_1065 = arith.constant 5.000000e-01 : f32
        %mul3A_1066 = vector.broadcast %mul3A_1065 : f32 to vector<16xf32>
        %mul3A_1067 = arith.mulf %gather3A_1012, %mul3A_1066 : vector<16xf32>
        %exp3A_1068 = math.exp %mul3A_1067 : vector<16xf32>
        %mul3A_1069 = arith.mulf %gather3A_1064, %exp3A_1068 : vector<16xf32>
        %add3A_1070 = arith.addf %gather3A_1011, %mul3A_1069 : vector<16xf32>
        tpu.vector_store_idx %arg11[%add3A_1063, %and3A_1062, %broadcast_in_dim3A_1036], %add3A_1070 : memref<16x8x128xf32, #tpu.memory_space<vmem>>[vector<16xi32>, vector<16xi32>, vector<16xi32>], vector<16xf32>,
        tpu.vector_store_idx %arg12[%add3A_1063, %and3A_1062, %broadcast_in_dim3A_1036], %gather3A_1011 : memref<16x8x128xf32, #tpu.memory_space<vmem>>[vector<16xi32>, vector<16xi32>, vector<16xi32>], vector<16xf32>,
        tpu.vector_store_idx %arg13[%add3A_1063, %and3A_1062, %broadcast_in_dim3A_1036], %gather3A_1012 : memref<16x8x128xf32, #tpu.memory_space<vmem>>[vector<16xi32>, vector<16xi32>, vector<16xi32>], vector<16xf32>,
      } else {
      }
      %lt3A_790 = arith.constant 4 : i32
      %lt3A_791 = arith.cmpi slt, %add3A_782, %lt3A_790 : i32
      %convert_element_type3A_792 = arith.extui %lt3A_791 : i1 to i32
      %cond3A_793 = arith.constant 0 : i32
      %cond3A_794 = arith.cmpi ne, %convert_element_type3A_792, %cond3A_793 : i32
      scf.if %cond3A_794 {
        %shift_right_arithmetic3A = arith.constant 7 : i32
        %shift_right_arithmetic3A_971 = arith.shrsi %squeeze3A_784, %shift_right_arithmetic3A : i32
        %mul3A_972 = arith.constant 128 : i32
        %mul3A_973 = arith.muli %shift_right_arithmetic3A_971, %mul3A_972 : i32
        %multiple_of3A_974 = tpu.assume_multiple %mul3A_973, 128 : i32
        %dma_start3A_975 = arith.constant 0 : i32
        %dma_start3A_976 = arith.constant 0 : i32
        %dma_start3A_977 = tpu.memref_slice %arg4[%dma_start3A_975, %dma_start3A_976, %multiple_of3A_974] : memref<4x8x1000000xf32, #tpu.memory_space<hbm>> -> memref<4x8x128xf32, #tpu.memory_space<hbm>>
        %dma_start3A_978 = arith.constant 0 : i32
        %dma_start3A_979 = arith.constant 0 : i32
        %dma_start3A_980 = tpu.memref_slice %arg4[%dma_start3A_978, %dma_start3A_979, %multiple_of3A_974] : memref<4x8x1000000xf32, #tpu.memory_space<hbm>> -> memref<4x8x128xf32, #tpu.memory_space<hbm>>
        tpu.enqueue_dma source(%dma_start3A_980 : memref<4x8x128xf32, #tpu.memory_space<hbm>>) target(%arg14 : memref<4x8x128xf32, #tpu.memory_space<vmem>>) target_semaphore(%arg24 : memref<!tpu.dma_semaphore, #tpu.memory_space<semaphore_mem>>)
        %dma_start3A_981 = arith.constant 0 : i32
        %dma_start3A_982 = arith.constant 0 : i32
        %dma_start3A_983 = tpu.memref_slice %arg5[%dma_start3A_981, %dma_start3A_982, %multiple_of3A_974] : memref<4x8x1000000xf32, #tpu.memory_space<hbm>> -> memref<4x8x128xf32, #tpu.memory_space<hbm>>
        %dma_start3A_984 = arith.constant 0 : i32
        %dma_start3A_985 = arith.constant 0 : i32
        %dma_start3A_986 = tpu.memref_slice %arg5[%dma_start3A_984, %dma_start3A_985, %multiple_of3A_974] : memref<4x8x1000000xf32, #tpu.memory_space<hbm>> -> memref<4x8x128xf32, #tpu.memory_space<hbm>>
        tpu.enqueue_dma source(%dma_start3A_986 : memref<4x8x128xf32, #tpu.memory_space<hbm>>) target(%arg18 : memref<4x8x128xf32, #tpu.memory_space<vmem>>) target_semaphore(%arg28 : memref<!tpu.dma_semaphore, #tpu.memory_space<semaphore_mem>>)
      } else {
      }
      %mul3A_795 = arith.constant 16 : i32
      %mul3A_796 = arith.muli %scan3A_713, %mul3A_795 : i32
      %add3A_797 = arith.constant 5 : i32
      %add3A_798 = arith.addi %mul3A_796, %add3A_797 : i32
      %slice3A_799 = vector.extract_strided_slice %get3A_720 {offsets = [5], sizes = [1], strides = [1]} : vector<16xi32> to vector<1xi32>
      %squeeze3A_800 = vector.extract %slice3A_799[0] : i32 from vector<1xi32>
      %ge3A_801 = arith.constant 4 : i32
      %ge3A_802 = arith.cmpi sge, %add3A_798, %ge3A_801 : i32
      %convert_element_type3A_803 = arith.extui %ge3A_802 : i1 to i32
      %cond3A_804 = arith.constant 0 : i32
      %cond3A_805 = arith.cmpi ne, %convert_element_type3A_803, %cond3A_804 : i32
      scf.if %cond3A_805 {
        %dma_wait3A_971 = arith.constant 0 : i32
        %dma_wait3A_972 = arith.constant 0 : i32
        %dma_wait3A_973 = arith.constant 0 : i32
        %dma_wait3A_974 = tpu.memref_slice %arg4[%dma_wait3A_971, %dma_wait3A_972, %dma_wait3A_973] : memref<4x8x1000000xf32, #tpu.memory_space<hbm>> -> memref<4x8x128xf32, #tpu.memory_space<hbm>>
        %dma_wait3A_975 = arith.constant 0 : i32
        %dma_wait3A_976 = arith.constant 0 : i32
        %dma_wait3A_977 = arith.constant 0 : i32
        %dma_wait3A_978 = tpu.memref_slice %arg4[%dma_wait3A_975, %dma_wait3A_976, %dma_wait3A_977] : memref<4x8x1000000xf32, #tpu.memory_space<hbm>> -> memref<4x8x128xf32, #tpu.memory_space<hbm>>
        tpu.wait_dma2 semaphore(%arg25 : memref<!tpu.dma_semaphore, #tpu.memory_space<semaphore_mem>>) src(%dma_wait3A_978 : memref<4x8x128xf32, #tpu.memory_space<hbm>>) dst(%arg15 : memref<4x8x128xf32, #tpu.memory_space<vmem>>)
        %dma_wait3A_979 = arith.constant 0 : i32
        %dma_wait3A_980 = arith.constant 0 : i32
        %dma_wait3A_981 = arith.constant 0 : i32
        %dma_wait3A_982 = tpu.memref_slice %arg5[%dma_wait3A_979, %dma_wait3A_980, %dma_wait3A_981] : memref<4x8x1000000xf32, #tpu.memory_space<hbm>> -> memref<4x8x128xf32, #tpu.memory_space<hbm>>
        %dma_wait3A_983 = arith.constant 0 : i32
        %dma_wait3A_984 = arith.constant 0 : i32
        %dma_wait3A_985 = arith.constant 0 : i32
        %dma_wait3A_986 = tpu.memref_slice %arg5[%dma_wait3A_983, %dma_wait3A_984, %dma_wait3A_985] : memref<4x8x1000000xf32, #tpu.memory_space<hbm>> -> memref<4x8x128xf32, #tpu.memory_space<hbm>>
        tpu.wait_dma2 semaphore(%arg29 : memref<!tpu.dma_semaphore, #tpu.memory_space<semaphore_mem>>) src(%dma_wait3A_986 : memref<4x8x128xf32, #tpu.memory_space<hbm>>) dst(%arg19 : memref<4x8x128xf32, #tpu.memory_space<vmem>>)
        %sub3A = arith.constant 4 : i32
        %sub3A_987 = arith.subi %add3A_798, %sub3A : i32
        %and3A_988 = arith.constant 127 : i32
        %and3A_989 = arith.andi %squeeze3A_736, %and3A_988 : i32
        %broadcast_in_dim3A_990 = vector.broadcast %and3A_989 : i32 to vector<16xi32>
        %add3A_991 = arith.constant 0 : i32
        %add3A_992 = vector.broadcast %add3A_991 : i32 to vector<16xi32>
        %add3A_993 = arith.addi %iota3A, %add3A_992 : vector<16xi32>
        %shift_right_logical3A_994 = arith.constant 3 : i32
        %shift_right_logical3A_995 = vector.broadcast %shift_right_logical3A_994 : i32 to vector<16xi32>
        %shift_right_logical3A_996 = arith.shrui %add3A_993, %shift_right_logical3A_995 : vector<16xi32>
        %and3A_997 = arith.constant 7 : i32
        %and3A_998 = vector.broadcast %and3A_997 : i32 to vector<16xi32>
        %and3A_999 = arith.andi %add3A_993, %and3A_998 : vector<16xi32>
        %gather3A_1000 = tpu.vector_load_idx %arg15[%shift_right_logical3A_996, %and3A_999, %broadcast_in_dim3A_990] : memref<4x8x128xf32, #tpu.memory_space<vmem>>[vector<16xi32>, vector<16xi32>, vector<16xi32>], vector<16xf32>,
        %gather3A_1001 = tpu.vector_load_idx %arg19[%shift_right_logical3A_996, %and3A_999, %broadcast_in_dim3A_990] : memref<4x8x128xf32, #tpu.memory_space<vmem>>[vector<16xi32>, vector<16xi32>, vector<16xi32>], vector<16xf32>,
        %add3A_1002 = arith.constant 16 : i32
        %add3A_1003 = vector.broadcast %add3A_1002 : i32 to vector<16xi32>
        %add3A_1004 = arith.addi %iota3A, %add3A_1003 : vector<16xi32>
        %shift_right_logical3A_1005 = arith.constant 3 : i32
        %shift_right_logical3A_1006 = vector.broadcast %shift_right_logical3A_1005 : i32 to vector<16xi32>
        %shift_right_logical3A_1007 = arith.shrui %add3A_1004, %shift_right_logical3A_1006 : vector<16xi32>
        %and3A_1008 = arith.constant 7 : i32
        %and3A_1009 = vector.broadcast %and3A_1008 : i32 to vector<16xi32>
        %and3A_1010 = arith.andi %add3A_1004, %and3A_1009 : vector<16xi32>
        %gather3A_1011 = tpu.vector_load_idx %arg15[%shift_right_logical3A_1007, %and3A_1010, %broadcast_in_dim3A_990] : memref<4x8x128xf32, #tpu.memory_space<vmem>>[vector<16xi32>, vector<16xi32>, vector<16xi32>], vector<16xf32>,
        %gather3A_1012 = tpu.vector_load_idx %arg19[%shift_right_logical3A_1007, %and3A_1010, %broadcast_in_dim3A_990] : memref<4x8x128xf32, #tpu.memory_space<vmem>>[vector<16xi32>, vector<16xi32>, vector<16xi32>], vector<16xf32>,
        %shift_right_arithmetic3A = arith.constant 7 : i32
        %shift_right_arithmetic3A_1013 = arith.shrsi %squeeze3A_800, %shift_right_arithmetic3A : i32
        %mul3A_1014 = arith.constant 128 : i32
        %mul3A_1015 = arith.muli %shift_right_arithmetic3A_1013, %mul3A_1014 : i32
        %multiple_of3A_1016 = tpu.assume_multiple %mul3A_1015, 128 : i32
        %dma_start3A_1017 = arith.constant 0 : i32
        %dma_start3A_1018 = arith.constant 0 : i32
        %dma_start3A_1019 = tpu.memref_slice %arg4[%dma_start3A_1017, %dma_start3A_1018, %multiple_of3A_1016] : memref<4x8x1000000xf32, #tpu.memory_space<hbm>> -> memref<4x8x128xf32, #tpu.memory_space<hbm>>
        %dma_start3A_1020 = arith.constant 0 : i32
        %dma_start3A_1021 = arith.constant 0 : i32
        %dma_start3A_1022 = tpu.memref_slice %arg4[%dma_start3A_1020, %dma_start3A_1021, %multiple_of3A_1016] : memref<4x8x1000000xf32, #tpu.memory_space<hbm>> -> memref<4x8x128xf32, #tpu.memory_space<hbm>>
        tpu.enqueue_dma source(%dma_start3A_1022 : memref<4x8x128xf32, #tpu.memory_space<hbm>>) target(%arg15 : memref<4x8x128xf32, #tpu.memory_space<vmem>>) target_semaphore(%arg25 : memref<!tpu.dma_semaphore, #tpu.memory_space<semaphore_mem>>)
        %dma_start3A_1023 = arith.constant 0 : i32
        %dma_start3A_1024 = arith.constant 0 : i32
        %dma_start3A_1025 = tpu.memref_slice %arg5[%dma_start3A_1023, %dma_start3A_1024, %multiple_of3A_1016] : memref<4x8x1000000xf32, #tpu.memory_space<hbm>> -> memref<4x8x128xf32, #tpu.memory_space<hbm>>
        %dma_start3A_1026 = arith.constant 0 : i32
        %dma_start3A_1027 = arith.constant 0 : i32
        %dma_start3A_1028 = tpu.memref_slice %arg5[%dma_start3A_1026, %dma_start3A_1027, %multiple_of3A_1016] : memref<4x8x1000000xf32, #tpu.memory_space<hbm>> -> memref<4x8x128xf32, #tpu.memory_space<hbm>>
        tpu.enqueue_dma source(%dma_start3A_1028 : memref<4x8x128xf32, #tpu.memory_space<hbm>>) target(%arg19 : memref<4x8x128xf32, #tpu.memory_space<vmem>>) target_semaphore(%arg29 : memref<!tpu.dma_semaphore, #tpu.memory_space<semaphore_mem>>)
        %shift_right_arithmetic3A_1029 = arith.constant 7 : i32
        %shift_right_arithmetic3A_1030 = arith.shrsi %sub3A_987, %shift_right_arithmetic3A_1029 : i32
        %mul3A_1031 = arith.constant 4 : i32
        %mul3A_1032 = arith.muli %shift_right_arithmetic3A_1030, %mul3A_1031 : i32
        %broadcast_in_dim3A_1033 = vector.broadcast %mul3A_1032 : i32 to vector<16xi32>
        %and3A_1034 = arith.constant 127 : i32
        %and3A_1035 = arith.andi %sub3A_987, %and3A_1034 : i32
        %broadcast_in_dim3A_1036 = vector.broadcast %and3A_1035 : i32 to vector<16xi32>
        %add3A_1037 = arith.constant 0 : i32
        %add3A_1038 = vector.broadcast %add3A_1037 : i32 to vector<16xi32>
        %add3A_1039 = arith.addi %iota3A, %add3A_1038 : vector<16xi32>
        %shift_right_logical3A_1040 = arith.constant 3 : i32
        %shift_right_logical3A_1041 = vector.broadcast %shift_right_logical3A_1040 : i32 to vector<16xi32>
        %shift_right_logical3A_1042 = arith.shrui %add3A_1039, %shift_right_logical3A_1041 : vector<16xi32>
        %and3A_1043 = arith.constant 7 : i32
        %and3A_1044 = vector.broadcast %and3A_1043 : i32 to vector<16xi32>
        %and3A_1045 = arith.andi %add3A_1039, %and3A_1044 : vector<16xi32>
        %add3A_1046 = arith.addi %broadcast_in_dim3A_1033, %shift_right_logical3A_1042 : vector<16xi32>
        %gather3A_1047 = tpu.vector_load_idx %arg10[%add3A_1046, %and3A_1045, %broadcast_in_dim3A_1036] : memref<16x8x128xf32, #tpu.memory_space<vmem>>[vector<16xi32>, vector<16xi32>, vector<16xi32>], vector<16xf32>,
        %mul3A_1048 = arith.constant 5.000000e-01 : f32
        %mul3A_1049 = vector.broadcast %mul3A_1048 : f32 to vector<16xf32>
        %mul3A_1050 = arith.mulf %gather3A_1001, %mul3A_1049 : vector<16xf32>
        %exp3A_1051 = math.exp %mul3A_1050 : vector<16xf32>
        %mul3A_1052 = arith.mulf %gather3A_1047, %exp3A_1051 : vector<16xf32>
        %add3A_1053 = arith.addf %gather3A_1000, %mul3A_1052 : vector<16xf32>
        tpu.vector_store_idx %arg11[%add3A_1046, %and3A_1045, %broadcast_in_dim3A_1036], %add3A_1053 : memref<16x8x128xf32, #tpu.memory_space<vmem>>[vector<16xi32>, vector<16xi32>, vector<16xi32>], vector<16xf32>,
        tpu.vector_store_idx %arg12[%add3A_1046, %and3A_1045, %broadcast_in_dim3A_1036], %gather3A_1000 : memref<16x8x128xf32, #tpu.memory_space<vmem>>[vector<16xi32>, vector<16xi32>, vector<16xi32>], vector<16xf32>,
        tpu.vector_store_idx %arg13[%add3A_1046, %and3A_1045, %broadcast_in_dim3A_1036], %gather3A_1001 : memref<16x8x128xf32, #tpu.memory_space<vmem>>[vector<16xi32>, vector<16xi32>, vector<16xi32>], vector<16xf32>,
        %add3A_1054 = arith.constant 16 : i32
        %add3A_1055 = vector.broadcast %add3A_1054 : i32 to vector<16xi32>
        %add3A_1056 = arith.addi %iota3A, %add3A_1055 : vector<16xi32>
        %shift_right_logical3A_1057 = arith.constant 3 : i32
        %shift_right_logical3A_1058 = vector.broadcast %shift_right_logical3A_1057 : i32 to vector<16xi32>
        %shift_right_logical3A_1059 = arith.shrui %add3A_1056, %shift_right_logical3A_1058 : vector<16xi32>
        %and3A_1060 = arith.constant 7 : i32
        %and3A_1061 = vector.broadcast %and3A_1060 : i32 to vector<16xi32>
        %and3A_1062 = arith.andi %add3A_1056, %and3A_1061 : vector<16xi32>
        %add3A_1063 = arith.addi %broadcast_in_dim3A_1033, %shift_right_logical3A_1059 : vector<16xi32>
        %gather3A_1064 = tpu.vector_load_idx %arg10[%add3A_1063, %and3A_1062, %broadcast_in_dim3A_1036] : memref<16x8x128xf32, #tpu.memory_space<vmem>>[vector<16xi32>, vector<16xi32>, vector<16xi32>], vector<16xf32>,
        %mul3A_1065 = arith.constant 5.000000e-01 : f32
        %mul3A_1066 = vector.broadcast %mul3A_1065 : f32 to vector<16xf32>
        %mul3A_1067 = arith.mulf %gather3A_1012, %mul3A_1066 : vector<16xf32>
        %exp3A_1068 = math.exp %mul3A_1067 : vector<16xf32>
        %mul3A_1069 = arith.mulf %gather3A_1064, %exp3A_1068 : vector<16xf32>
        %add3A_1070 = arith.addf %gather3A_1011, %mul3A_1069 : vector<16xf32>
        tpu.vector_store_idx %arg11[%add3A_1063, %and3A_1062, %broadcast_in_dim3A_1036], %add3A_1070 : memref<16x8x128xf32, #tpu.memory_space<vmem>>[vector<16xi32>, vector<16xi32>, vector<16xi32>], vector<16xf32>,
        tpu.vector_store_idx %arg12[%add3A_1063, %and3A_1062, %broadcast_in_dim3A_1036], %gather3A_1011 : memref<16x8x128xf32, #tpu.memory_space<vmem>>[vector<16xi32>, vector<16xi32>, vector<16xi32>], vector<16xf32>,
        tpu.vector_store_idx %arg13[%add3A_1063, %and3A_1062, %broadcast_in_dim3A_1036], %gather3A_1012 : memref<16x8x128xf32, #tpu.memory_space<vmem>>[vector<16xi32>, vector<16xi32>, vector<16xi32>], vector<16xf32>,
      } else {
      }
      %lt3A_806 = arith.constant 4 : i32
      %lt3A_807 = arith.cmpi slt, %add3A_798, %lt3A_806 : i32
      %convert_element_type3A_808 = arith.extui %lt3A_807 : i1 to i32
      %cond3A_809 = arith.constant 0 : i32
      %cond3A_810 = arith.cmpi ne, %convert_element_type3A_808, %cond3A_809 : i32
      scf.if %cond3A_810 {
        %shift_right_arithmetic3A = arith.constant 7 : i32
        %shift_right_arithmetic3A_971 = arith.shrsi %squeeze3A_800, %shift_right_arithmetic3A : i32
        %mul3A_972 = arith.constant 128 : i32
        %mul3A_973 = arith.muli %shift_right_arithmetic3A_971, %mul3A_972 : i32
        %multiple_of3A_974 = tpu.assume_multiple %mul3A_973, 128 : i32
        %dma_start3A_975 = arith.constant 0 : i32
        %dma_start3A_976 = arith.constant 0 : i32
        %dma_start3A_977 = tpu.memref_slice %arg4[%dma_start3A_975, %dma_start3A_976, %multiple_of3A_974] : memref<4x8x1000000xf32, #tpu.memory_space<hbm>> -> memref<4x8x128xf32, #tpu.memory_space<hbm>>
        %dma_start3A_978 = arith.constant 0 : i32
        %dma_start3A_979 = arith.constant 0 : i32
        %dma_start3A_980 = tpu.memref_slice %arg4[%dma_start3A_978, %dma_start3A_979, %multiple_of3A_974] : memref<4x8x1000000xf32, #tpu.memory_space<hbm>> -> memref<4x8x128xf32, #tpu.memory_space<hbm>>
        tpu.enqueue_dma source(%dma_start3A_980 : memref<4x8x128xf32, #tpu.memory_space<hbm>>) target(%arg15 : memref<4x8x128xf32, #tpu.memory_space<vmem>>) target_semaphore(%arg25 : memref<!tpu.dma_semaphore, #tpu.memory_space<semaphore_mem>>)
        %dma_start3A_981 = arith.constant 0 : i32
        %dma_start3A_982 = arith.constant 0 : i32
        %dma_start3A_983 = tpu.memref_slice %arg5[%dma_start3A_981, %dma_start3A_982, %multiple_of3A_974] : memref<4x8x1000000xf32, #tpu.memory_space<hbm>> -> memref<4x8x128xf32, #tpu.memory_space<hbm>>
        %dma_start3A_984 = arith.constant 0 : i32
        %dma_start3A_985 = arith.constant 0 : i32
        %dma_start3A_986 = tpu.memref_slice %arg5[%dma_start3A_984, %dma_start3A_985, %multiple_of3A_974] : memref<4x8x1000000xf32, #tpu.memory_space<hbm>> -> memref<4x8x128xf32, #tpu.memory_space<hbm>>
        tpu.enqueue_dma source(%dma_start3A_986 : memref<4x8x128xf32, #tpu.memory_space<hbm>>) target(%arg19 : memref<4x8x128xf32, #tpu.memory_space<vmem>>) target_semaphore(%arg29 : memref<!tpu.dma_semaphore, #tpu.memory_space<semaphore_mem>>)
      } else {
      }
      %mul3A_811 = arith.constant 16 : i32
      %mul3A_812 = arith.muli %scan3A_713, %mul3A_811 : i32
      %add3A_813 = arith.constant 6 : i32
      %add3A_814 = arith.addi %mul3A_812, %add3A_813 : i32
      %slice3A_815 = vector.extract_strided_slice %get3A_720 {offsets = [6], sizes = [1], strides = [1]} : vector<16xi32> to vector<1xi32>
      %squeeze3A_816 = vector.extract %slice3A_815[0] : i32 from vector<1xi32>
      %ge3A_817 = arith.constant 4 : i32
      %ge3A_818 = arith.cmpi sge, %add3A_814, %ge3A_817 : i32
      %convert_element_type3A_819 = arith.extui %ge3A_818 : i1 to i32
      %cond3A_820 = arith.constant 0 : i32
      %cond3A_821 = arith.cmpi ne, %convert_element_type3A_819, %cond3A_820 : i32
      scf.if %cond3A_821 {
        %dma_wait3A_971 = arith.constant 0 : i32
        %dma_wait3A_972 = arith.constant 0 : i32
        %dma_wait3A_973 = arith.constant 0 : i32
        %dma_wait3A_974 = tpu.memref_slice %arg4[%dma_wait3A_971, %dma_wait3A_972, %dma_wait3A_973] : memref<4x8x1000000xf32, #tpu.memory_space<hbm>> -> memref<4x8x128xf32, #tpu.memory_space<hbm>>
        %dma_wait3A_975 = arith.constant 0 : i32
        %dma_wait3A_976 = arith.constant 0 : i32
        %dma_wait3A_977 = arith.constant 0 : i32
        %dma_wait3A_978 = tpu.memref_slice %arg4[%dma_wait3A_975, %dma_wait3A_976, %dma_wait3A_977] : memref<4x8x1000000xf32, #tpu.memory_space<hbm>> -> memref<4x8x128xf32, #tpu.memory_space<hbm>>
        tpu.wait_dma2 semaphore(%arg26 : memref<!tpu.dma_semaphore, #tpu.memory_space<semaphore_mem>>) src(%dma_wait3A_978 : memref<4x8x128xf32, #tpu.memory_space<hbm>>) dst(%arg16 : memref<4x8x128xf32, #tpu.memory_space<vmem>>)
        %dma_wait3A_979 = arith.constant 0 : i32
        %dma_wait3A_980 = arith.constant 0 : i32
        %dma_wait3A_981 = arith.constant 0 : i32
        %dma_wait3A_982 = tpu.memref_slice %arg5[%dma_wait3A_979, %dma_wait3A_980, %dma_wait3A_981] : memref<4x8x1000000xf32, #tpu.memory_space<hbm>> -> memref<4x8x128xf32, #tpu.memory_space<hbm>>
        %dma_wait3A_983 = arith.constant 0 : i32
        %dma_wait3A_984 = arith.constant 0 : i32
        %dma_wait3A_985 = arith.constant 0 : i32
        %dma_wait3A_986 = tpu.memref_slice %arg5[%dma_wait3A_983, %dma_wait3A_984, %dma_wait3A_985] : memref<4x8x1000000xf32, #tpu.memory_space<hbm>> -> memref<4x8x128xf32, #tpu.memory_space<hbm>>
        tpu.wait_dma2 semaphore(%arg30 : memref<!tpu.dma_semaphore, #tpu.memory_space<semaphore_mem>>) src(%dma_wait3A_986 : memref<4x8x128xf32, #tpu.memory_space<hbm>>) dst(%arg20 : memref<4x8x128xf32, #tpu.memory_space<vmem>>)
        %sub3A = arith.constant 4 : i32
        %sub3A_987 = arith.subi %add3A_814, %sub3A : i32
        %and3A_988 = arith.constant 127 : i32
        %and3A_989 = arith.andi %squeeze3A_752, %and3A_988 : i32
        %broadcast_in_dim3A_990 = vector.broadcast %and3A_989 : i32 to vector<16xi32>
        %add3A_991 = arith.constant 0 : i32
        %add3A_992 = vector.broadcast %add3A_991 : i32 to vector<16xi32>
        %add3A_993 = arith.addi %iota3A, %add3A_992 : vector<16xi32>
        %shift_right_logical3A_994 = arith.constant 3 : i32
        %shift_right_logical3A_995 = vector.broadcast %shift_right_logical3A_994 : i32 to vector<16xi32>
        %shift_right_logical3A_996 = arith.shrui %add3A_993, %shift_right_logical3A_995 : vector<16xi32>
        %and3A_997 = arith.constant 7 : i32
        %and3A_998 = vector.broadcast %and3A_997 : i32 to vector<16xi32>
        %and3A_999 = arith.andi %add3A_993, %and3A_998 : vector<16xi32>
        %gather3A_1000 = tpu.vector_load_idx %arg16[%shift_right_logical3A_996, %and3A_999, %broadcast_in_dim3A_990] : memref<4x8x128xf32, #tpu.memory_space<vmem>>[vector<16xi32>, vector<16xi32>, vector<16xi32>], vector<16xf32>,
        %gather3A_1001 = tpu.vector_load_idx %arg20[%shift_right_logical3A_996, %and3A_999, %broadcast_in_dim3A_990] : memref<4x8x128xf32, #tpu.memory_space<vmem>>[vector<16xi32>, vector<16xi32>, vector<16xi32>], vector<16xf32>,
        %add3A_1002 = arith.constant 16 : i32
        %add3A_1003 = vector.broadcast %add3A_1002 : i32 to vector<16xi32>
        %add3A_1004 = arith.addi %iota3A, %add3A_1003 : vector<16xi32>
        %shift_right_logical3A_1005 = arith.constant 3 : i32
        %shift_right_logical3A_1006 = vector.broadcast %shift_right_logical3A_1005 : i32 to vector<16xi32>
        %shift_right_logical3A_1007 = arith.shrui %add3A_1004, %shift_right_logical3A_1006 : vector<16xi32>
        %and3A_1008 = arith.constant 7 : i32
        %and3A_1009 = vector.broadcast %and3A_1008 : i32 to vector<16xi32>
        %and3A_1010 = arith.andi %add3A_1004, %and3A_1009 : vector<16xi32>
        %gather3A_1011 = tpu.vector_load_idx %arg16[%shift_right_logical3A_1007, %and3A_1010, %broadcast_in_dim3A_990] : memref<4x8x128xf32, #tpu.memory_space<vmem>>[vector<16xi32>, vector<16xi32>, vector<16xi32>], vector<16xf32>,
        %gather3A_1012 = tpu.vector_load_idx %arg20[%shift_right_logical3A_1007, %and3A_1010, %broadcast_in_dim3A_990] : memref<4x8x128xf32, #tpu.memory_space<vmem>>[vector<16xi32>, vector<16xi32>, vector<16xi32>], vector<16xf32>,
        %shift_right_arithmetic3A = arith.constant 7 : i32
        %shift_right_arithmetic3A_1013 = arith.shrsi %squeeze3A_816, %shift_right_arithmetic3A : i32
        %mul3A_1014 = arith.constant 128 : i32
        %mul3A_1015 = arith.muli %shift_right_arithmetic3A_1013, %mul3A_1014 : i32
        %multiple_of3A_1016 = tpu.assume_multiple %mul3A_1015, 128 : i32
        %dma_start3A_1017 = arith.constant 0 : i32
        %dma_start3A_1018 = arith.constant 0 : i32
        %dma_start3A_1019 = tpu.memref_slice %arg4[%dma_start3A_1017, %dma_start3A_1018, %multiple_of3A_1016] : memref<4x8x1000000xf32, #tpu.memory_space<hbm>> -> memref<4x8x128xf32, #tpu.memory_space<hbm>>
        %dma_start3A_1020 = arith.constant 0 : i32
        %dma_start3A_1021 = arith.constant 0 : i32
        %dma_start3A_1022 = tpu.memref_slice %arg4[%dma_start3A_1020, %dma_start3A_1021, %multiple_of3A_1016] : memref<4x8x1000000xf32, #tpu.memory_space<hbm>> -> memref<4x8x128xf32, #tpu.memory_space<hbm>>
        tpu.enqueue_dma source(%dma_start3A_1022 : memref<4x8x128xf32, #tpu.memory_space<hbm>>) target(%arg16 : memref<4x8x128xf32, #tpu.memory_space<vmem>>) target_semaphore(%arg26 : memref<!tpu.dma_semaphore, #tpu.memory_space<semaphore_mem>>)
        %dma_start3A_1023 = arith.constant 0 : i32
        %dma_start3A_1024 = arith.constant 0 : i32
        %dma_start3A_1025 = tpu.memref_slice %arg5[%dma_start3A_1023, %dma_start3A_1024, %multiple_of3A_1016] : memref<4x8x1000000xf32, #tpu.memory_space<hbm>> -> memref<4x8x128xf32, #tpu.memory_space<hbm>>
        %dma_start3A_1026 = arith.constant 0 : i32
        %dma_start3A_1027 = arith.constant 0 : i32
        %dma_start3A_1028 = tpu.memref_slice %arg5[%dma_start3A_1026, %dma_start3A_1027, %multiple_of3A_1016] : memref<4x8x1000000xf32, #tpu.memory_space<hbm>> -> memref<4x8x128xf32, #tpu.memory_space<hbm>>
        tpu.enqueue_dma source(%dma_start3A_1028 : memref<4x8x128xf32, #tpu.memory_space<hbm>>) target(%arg20 : memref<4x8x128xf32, #tpu.memory_space<vmem>>) target_semaphore(%arg30 : memref<!tpu.dma_semaphore, #tpu.memory_space<semaphore_mem>>)
        %shift_right_arithmetic3A_1029 = arith.constant 7 : i32
        %shift_right_arithmetic3A_1030 = arith.shrsi %sub3A_987, %shift_right_arithmetic3A_1029 : i32
        %mul3A_1031 = arith.constant 4 : i32
        %mul3A_1032 = arith.muli %shift_right_arithmetic3A_1030, %mul3A_1031 : i32
        %broadcast_in_dim3A_1033 = vector.broadcast %mul3A_1032 : i32 to vector<16xi32>
        %and3A_1034 = arith.constant 127 : i32
        %and3A_1035 = arith.andi %sub3A_987, %and3A_1034 : i32
        %broadcast_in_dim3A_1036 = vector.broadcast %and3A_1035 : i32 to vector<16xi32>
        %add3A_1037 = arith.constant 0 : i32
        %add3A_1038 = vector.broadcast %add3A_1037 : i32 to vector<16xi32>
        %add3A_1039 = arith.addi %iota3A, %add3A_1038 : vector<16xi32>
        %shift_right_logical3A_1040 = arith.constant 3 : i32
        %shift_right_logical3A_1041 = vector.broadcast %shift_right_logical3A_1040 : i32 to vector<16xi32>
        %shift_right_logical3A_1042 = arith.shrui %add3A_1039, %shift_right_logical3A_1041 : vector<16xi32>
        %and3A_1043 = arith.constant 7 : i32
        %and3A_1044 = vector.broadcast %and3A_1043 : i32 to vector<16xi32>
        %and3A_1045 = arith.andi %add3A_1039, %and3A_1044 : vector<16xi32>
        %add3A_1046 = arith.addi %broadcast_in_dim3A_1033, %shift_right_logical3A_1042 : vector<16xi32>
        %gather3A_1047 = tpu.vector_load_idx %arg10[%add3A_1046, %and3A_1045, %broadcast_in_dim3A_1036] : memref<16x8x128xf32, #tpu.memory_space<vmem>>[vector<16xi32>, vector<16xi32>, vector<16xi32>], vector<16xf32>,
        %mul3A_1048 = arith.constant 5.000000e-01 : f32
        %mul3A_1049 = vector.broadcast %mul3A_1048 : f32 to vector<16xf32>
        %mul3A_1050 = arith.mulf %gather3A_1001, %mul3A_1049 : vector<16xf32>
        %exp3A_1051 = math.exp %mul3A_1050 : vector<16xf32>
        %mul3A_1052 = arith.mulf %gather3A_1047, %exp3A_1051 : vector<16xf32>
        %add3A_1053 = arith.addf %gather3A_1000, %mul3A_1052 : vector<16xf32>
        tpu.vector_store_idx %arg11[%add3A_1046, %and3A_1045, %broadcast_in_dim3A_1036], %add3A_1053 : memref<16x8x128xf32, #tpu.memory_space<vmem>>[vector<16xi32>, vector<16xi32>, vector<16xi32>], vector<16xf32>,
        tpu.vector_store_idx %arg12[%add3A_1046, %and3A_1045, %broadcast_in_dim3A_1036], %gather3A_1000 : memref<16x8x128xf32, #tpu.memory_space<vmem>>[vector<16xi32>, vector<16xi32>, vector<16xi32>], vector<16xf32>,
        tpu.vector_store_idx %arg13[%add3A_1046, %and3A_1045, %broadcast_in_dim3A_1036], %gather3A_1001 : memref<16x8x128xf32, #tpu.memory_space<vmem>>[vector<16xi32>, vector<16xi32>, vector<16xi32>], vector<16xf32>,
        %add3A_1054 = arith.constant 16 : i32
        %add3A_1055 = vector.broadcast %add3A_1054 : i32 to vector<16xi32>
        %add3A_1056 = arith.addi %iota3A, %add3A_1055 : vector<16xi32>
        %shift_right_logical3A_1057 = arith.constant 3 : i32
        %shift_right_logical3A_1058 = vector.broadcast %shift_right_logical3A_1057 : i32 to vector<16xi32>
        %shift_right_logical3A_1059 = arith.shrui %add3A_1056, %shift_right_logical3A_1058 : vector<16xi32>
        %and3A_1060 = arith.constant 7 : i32
        %and3A_1061 = vector.broadcast %and3A_1060 : i32 to vector<16xi32>
        %and3A_1062 = arith.andi %add3A_1056, %and3A_1061 : vector<16xi32>
        %add3A_1063 = arith.addi %broadcast_in_dim3A_1033, %shift_right_logical3A_1059 : vector<16xi32>
        %gather3A_1064 = tpu.vector_load_idx %arg10[%add3A_1063, %and3A_1062, %broadcast_in_dim3A_1036] : memref<16x8x128xf32, #tpu.memory_space<vmem>>[vector<16xi32>, vector<16xi32>, vector<16xi32>], vector<16xf32>,
        %mul3A_1065 = arith.constant 5.000000e-01 : f32
        %mul3A_1066 = vector.broadcast %mul3A_1065 : f32 to vector<16xf32>
        %mul3A_1067 = arith.mulf %gather3A_1012, %mul3A_1066 : vector<16xf32>
        %exp3A_1068 = math.exp %mul3A_1067 : vector<16xf32>
        %mul3A_1069 = arith.mulf %gather3A_1064, %exp3A_1068 : vector<16xf32>
        %add3A_1070 = arith.addf %gather3A_1011, %mul3A_1069 : vector<16xf32>
        tpu.vector_store_idx %arg11[%add3A_1063, %and3A_1062, %broadcast_in_dim3A_1036], %add3A_1070 : memref<16x8x128xf32, #tpu.memory_space<vmem>>[vector<16xi32>, vector<16xi32>, vector<16xi32>], vector<16xf32>,
        tpu.vector_store_idx %arg12[%add3A_1063, %and3A_1062, %broadcast_in_dim3A_1036], %gather3A_1011 : memref<16x8x128xf32, #tpu.memory_space<vmem>>[vector<16xi32>, vector<16xi32>, vector<16xi32>], vector<16xf32>,
        tpu.vector_store_idx %arg13[%add3A_1063, %and3A_1062, %broadcast_in_dim3A_1036], %gather3A_1012 : memref<16x8x128xf32, #tpu.memory_space<vmem>>[vector<16xi32>, vector<16xi32>, vector<16xi32>], vector<16xf32>,
      } else {
      }
      %lt3A_822 = arith.constant 4 : i32
      %lt3A_823 = arith.cmpi slt, %add3A_814, %lt3A_822 : i32
      %convert_element_type3A_824 = arith.extui %lt3A_823 : i1 to i32
      %cond3A_825 = arith.constant 0 : i32
      %cond3A_826 = arith.cmpi ne, %convert_element_type3A_824, %cond3A_825 : i32
      scf.if %cond3A_826 {
        %shift_right_arithmetic3A = arith.constant 7 : i32
        %shift_right_arithmetic3A_971 = arith.shrsi %squeeze3A_816, %shift_right_arithmetic3A : i32
        %mul3A_972 = arith.constant 128 : i32
        %mul3A_973 = arith.muli %shift_right_arithmetic3A_971, %mul3A_972 : i32
        %multiple_of3A_974 = tpu.assume_multiple %mul3A_973, 128 : i32
        %dma_start3A_975 = arith.constant 0 : i32
        %dma_start3A_976 = arith.constant 0 : i32
        %dma_start3A_977 = tpu.memref_slice %arg4[%dma_start3A_975, %dma_start3A_976, %multiple_of3A_974] : memref<4x8x1000000xf32, #tpu.memory_space<hbm>> -> memref<4x8x128xf32, #tpu.memory_space<hbm>>
        %dma_start3A_978 = arith.constant 0 : i32
        %dma_start3A_979 = arith.constant 0 : i32
        %dma_start3A_980 = tpu.memref_slice %arg4[%dma_start3A_978, %dma_start3A_979, %multiple_of3A_974] : memref<4x8x1000000xf32, #tpu.memory_space<hbm>> -> memref<4x8x128xf32, #tpu.memory_space<hbm>>
        tpu.enqueue_dma source(%dma_start3A_980 : memref<4x8x128xf32, #tpu.memory_space<hbm>>) target(%arg16 : memref<4x8x128xf32, #tpu.memory_space<vmem>>) target_semaphore(%arg26 : memref<!tpu.dma_semaphore, #tpu.memory_space<semaphore_mem>>)
        %dma_start3A_981 = arith.constant 0 : i32
        %dma_start3A_982 = arith.constant 0 : i32
        %dma_start3A_983 = tpu.memref_slice %arg5[%dma_start3A_981, %dma_start3A_982, %multiple_of3A_974] : memref<4x8x1000000xf32, #tpu.memory_space<hbm>> -> memref<4x8x128xf32, #tpu.memory_space<hbm>>
        %dma_start3A_984 = arith.constant 0 : i32
        %dma_start3A_985 = arith.constant 0 : i32
        %dma_start3A_986 = tpu.memref_slice %arg5[%dma_start3A_984, %dma_start3A_985, %multiple_of3A_974] : memref<4x8x1000000xf32, #tpu.memory_space<hbm>> -> memref<4x8x128xf32, #tpu.memory_space<hbm>>
        tpu.enqueue_dma source(%dma_start3A_986 : memref<4x8x128xf32, #tpu.memory_space<hbm>>) target(%arg20 : memref<4x8x128xf32, #tpu.memory_space<vmem>>) target_semaphore(%arg30 : memref<!tpu.dma_semaphore, #tpu.memory_space<semaphore_mem>>)
      } else {
      }
      %mul3A_827 = arith.constant 16 : i32
      %mul3A_828 = arith.muli %scan3A_713, %mul3A_827 : i32
      %add3A_829 = arith.constant 7 : i32
      %add3A_830 = arith.addi %mul3A_828, %add3A_829 : i32
      %slice3A_831 = vector.extract_strided_slice %get3A_720 {offsets = [7], sizes = [1], strides = [1]} : vector<16xi32> to vector<1xi32>
      %squeeze3A_832 = vector.extract %slice3A_831[0] : i32 from vector<1xi32>
      %ge3A_833 = arith.constant 4 : i32
      %ge3A_834 = arith.cmpi sge, %add3A_830, %ge3A_833 : i32
      %convert_element_type3A_835 = arith.extui %ge3A_834 : i1 to i32
      %cond3A_836 = arith.constant 0 : i32
      %cond3A_837 = arith.cmpi ne, %convert_element_type3A_835, %cond3A_836 : i32
      scf.if %cond3A_837 {
        %dma_wait3A_971 = arith.constant 0 : i32
        %dma_wait3A_972 = arith.constant 0 : i32
        %dma_wait3A_973 = arith.constant 0 : i32
        %dma_wait3A_974 = tpu.memref_slice %arg4[%dma_wait3A_971, %dma_wait3A_972, %dma_wait3A_973] : memref<4x8x1000000xf32, #tpu.memory_space<hbm>> -> memref<4x8x128xf32, #tpu.memory_space<hbm>>
        %dma_wait3A_975 = arith.constant 0 : i32
        %dma_wait3A_976 = arith.constant 0 : i32
        %dma_wait3A_977 = arith.constant 0 : i32
        %dma_wait3A_978 = tpu.memref_slice %arg4[%dma_wait3A_975, %dma_wait3A_976, %dma_wait3A_977] : memref<4x8x1000000xf32, #tpu.memory_space<hbm>> -> memref<4x8x128xf32, #tpu.memory_space<hbm>>
        tpu.wait_dma2 semaphore(%arg27 : memref<!tpu.dma_semaphore, #tpu.memory_space<semaphore_mem>>) src(%dma_wait3A_978 : memref<4x8x128xf32, #tpu.memory_space<hbm>>) dst(%arg17 : memref<4x8x128xf32, #tpu.memory_space<vmem>>)
        %dma_wait3A_979 = arith.constant 0 : i32
        %dma_wait3A_980 = arith.constant 0 : i32
        %dma_wait3A_981 = arith.constant 0 : i32
        %dma_wait3A_982 = tpu.memref_slice %arg5[%dma_wait3A_979, %dma_wait3A_980, %dma_wait3A_981] : memref<4x8x1000000xf32, #tpu.memory_space<hbm>> -> memref<4x8x128xf32, #tpu.memory_space<hbm>>
        %dma_wait3A_983 = arith.constant 0 : i32
        %dma_wait3A_984 = arith.constant 0 : i32
        %dma_wait3A_985 = arith.constant 0 : i32
        %dma_wait3A_986 = tpu.memref_slice %arg5[%dma_wait3A_983, %dma_wait3A_984, %dma_wait3A_985] : memref<4x8x1000000xf32, #tpu.memory_space<hbm>> -> memref<4x8x128xf32, #tpu.memory_space<hbm>>
        tpu.wait_dma2 semaphore(%arg31 : memref<!tpu.dma_semaphore, #tpu.memory_space<semaphore_mem>>) src(%dma_wait3A_986 : memref<4x8x128xf32, #tpu.memory_space<hbm>>) dst(%arg21 : memref<4x8x128xf32, #tpu.memory_space<vmem>>)
        %sub3A = arith.constant 4 : i32
        %sub3A_987 = arith.subi %add3A_830, %sub3A : i32
        %and3A_988 = arith.constant 127 : i32
        %and3A_989 = arith.andi %squeeze3A_768, %and3A_988 : i32
        %broadcast_in_dim3A_990 = vector.broadcast %and3A_989 : i32 to vector<16xi32>
        %add3A_991 = arith.constant 0 : i32
        %add3A_992 = vector.broadcast %add3A_991 : i32 to vector<16xi32>
        %add3A_993 = arith.addi %iota3A, %add3A_992 : vector<16xi32>
        %shift_right_logical3A_994 = arith.constant 3 : i32
        %shift_right_logical3A_995 = vector.broadcast %shift_right_logical3A_994 : i32 to vector<16xi32>
        %shift_right_logical3A_996 = arith.shrui %add3A_993, %shift_right_logical3A_995 : vector<16xi32>
        %and3A_997 = arith.constant 7 : i32
        %and3A_998 = vector.broadcast %and3A_997 : i32 to vector<16xi32>
        %and3A_999 = arith.andi %add3A_993, %and3A_998 : vector<16xi32>
        %gather3A_1000 = tpu.vector_load_idx %arg17[%shift_right_logical3A_996, %and3A_999, %broadcast_in_dim3A_990] : memref<4x8x128xf32, #tpu.memory_space<vmem>>[vector<16xi32>, vector<16xi32>, vector<16xi32>], vector<16xf32>,
        %gather3A_1001 = tpu.vector_load_idx %arg21[%shift_right_logical3A_996, %and3A_999, %broadcast_in_dim3A_990] : memref<4x8x128xf32, #tpu.memory_space<vmem>>[vector<16xi32>, vector<16xi32>, vector<16xi32>], vector<16xf32>,
        %add3A_1002 = arith.constant 16 : i32
        %add3A_1003 = vector.broadcast %add3A_1002 : i32 to vector<16xi32>
        %add3A_1004 = arith.addi %iota3A, %add3A_1003 : vector<16xi32>
        %shift_right_logical3A_1005 = arith.constant 3 : i32
        %shift_right_logical3A_1006 = vector.broadcast %shift_right_logical3A_1005 : i32 to vector<16xi32>
        %shift_right_logical3A_1007 = arith.shrui %add3A_1004, %shift_right_logical3A_1006 : vector<16xi32>
        %and3A_1008 = arith.constant 7 : i32
        %and3A_1009 = vector.broadcast %and3A_1008 : i32 to vector<16xi32>
        %and3A_1010 = arith.andi %add3A_1004, %and3A_1009 : vector<16xi32>
        %gather3A_1011 = tpu.vector_load_idx %arg17[%shift_right_logical3A_1007, %and3A_1010, %broadcast_in_dim3A_990] : memref<4x8x128xf32, #tpu.memory_space<vmem>>[vector<16xi32>, vector<16xi32>, vector<16xi32>], vector<16xf32>,
        %gather3A_1012 = tpu.vector_load_idx %arg21[%shift_right_logical3A_1007, %and3A_1010, %broadcast_in_dim3A_990] : memref<4x8x128xf32, #tpu.memory_space<vmem>>[vector<16xi32>, vector<16xi32>, vector<16xi32>], vector<16xf32>,
        %shift_right_arithmetic3A = arith.constant 7 : i32
        %shift_right_arithmetic3A_1013 = arith.shrsi %squeeze3A_832, %shift_right_arithmetic3A : i32
        %mul3A_1014 = arith.constant 128 : i32
        %mul3A_1015 = arith.muli %shift_right_arithmetic3A_1013, %mul3A_1014 : i32
        %multiple_of3A_1016 = tpu.assume_multiple %mul3A_1015, 128 : i32
        %dma_start3A_1017 = arith.constant 0 : i32
        %dma_start3A_1018 = arith.constant 0 : i32
        %dma_start3A_1019 = tpu.memref_slice %arg4[%dma_start3A_1017, %dma_start3A_1018, %multiple_of3A_1016] : memref<4x8x1000000xf32, #tpu.memory_space<hbm>> -> memref<4x8x128xf32, #tpu.memory_space<hbm>>
        %dma_start3A_1020 = arith.constant 0 : i32
        %dma_start3A_1021 = arith.constant 0 : i32
        %dma_start3A_1022 = tpu.memref_slice %arg4[%dma_start3A_1020, %dma_start3A_1021, %multiple_of3A_1016] : memref<4x8x1000000xf32, #tpu.memory_space<hbm>> -> memref<4x8x128xf32, #tpu.memory_space<hbm>>
        tpu.enqueue_dma source(%dma_start3A_1022 : memref<4x8x128xf32, #tpu.memory_space<hbm>>) target(%arg17 : memref<4x8x128xf32, #tpu.memory_space<vmem>>) target_semaphore(%arg27 : memref<!tpu.dma_semaphore, #tpu.memory_space<semaphore_mem>>)
        %dma_start3A_1023 = arith.constant 0 : i32
        %dma_start3A_1024 = arith.constant 0 : i32
        %dma_start3A_1025 = tpu.memref_slice %arg5[%dma_start3A_1023, %dma_start3A_1024, %multiple_of3A_1016] : memref<4x8x1000000xf32, #tpu.memory_space<hbm>> -> memref<4x8x128xf32, #tpu.memory_space<hbm>>
        %dma_start3A_1026 = arith.constant 0 : i32
        %dma_start3A_1027 = arith.constant 0 : i32
        %dma_start3A_1028 = tpu.memref_slice %arg5[%dma_start3A_1026, %dma_start3A_1027, %multiple_of3A_1016] : memref<4x8x1000000xf32, #tpu.memory_space<hbm>> -> memref<4x8x128xf32, #tpu.memory_space<hbm>>
        tpu.enqueue_dma source(%dma_start3A_1028 : memref<4x8x128xf32, #tpu.memory_space<hbm>>) target(%arg21 : memref<4x8x128xf32, #tpu.memory_space<vmem>>) target_semaphore(%arg31 : memref<!tpu.dma_semaphore, #tpu.memory_space<semaphore_mem>>)
        %shift_right_arithmetic3A_1029 = arith.constant 7 : i32
        %shift_right_arithmetic3A_1030 = arith.shrsi %sub3A_987, %shift_right_arithmetic3A_1029 : i32
        %mul3A_1031 = arith.constant 4 : i32
        %mul3A_1032 = arith.muli %shift_right_arithmetic3A_1030, %mul3A_1031 : i32
        %broadcast_in_dim3A_1033 = vector.broadcast %mul3A_1032 : i32 to vector<16xi32>
        %and3A_1034 = arith.constant 127 : i32
        %and3A_1035 = arith.andi %sub3A_987, %and3A_1034 : i32
        %broadcast_in_dim3A_1036 = vector.broadcast %and3A_1035 : i32 to vector<16xi32>
        %add3A_1037 = arith.constant 0 : i32
        %add3A_1038 = vector.broadcast %add3A_1037 : i32 to vector<16xi32>
        %add3A_1039 = arith.addi %iota3A, %add3A_1038 : vector<16xi32>
        %shift_right_logical3A_1040 = arith.constant 3 : i32
        %shift_right_logical3A_1041 = vector.broadcast %shift_right_logical3A_1040 : i32 to vector<16xi32>
        %shift_right_logical3A_1042 = arith.shrui %add3A_1039, %shift_right_logical3A_1041 : vector<16xi32>
        %and3A_1043 = arith.constant 7 : i32
        %and3A_1044 = vector.broadcast %and3A_1043 : i32 to vector<16xi32>
        %and3A_1045 = arith.andi %add3A_1039, %and3A_1044 : vector<16xi32>
        %add3A_1046 = arith.addi %broadcast_in_dim3A_1033, %shift_right_logical3A_1042 : vector<16xi32>
        %gather3A_1047 = tpu.vector_load_idx %arg10[%add3A_1046, %and3A_1045, %broadcast_in_dim3A_1036] : memref<16x8x128xf32, #tpu.memory_space<vmem>>[vector<16xi32>, vector<16xi32>, vector<16xi32>], vector<16xf32>,
        %mul3A_1048 = arith.constant 5.000000e-01 : f32
        %mul3A_1049 = vector.broadcast %mul3A_1048 : f32 to vector<16xf32>
        %mul3A_1050 = arith.mulf %gather3A_1001, %mul3A_1049 : vector<16xf32>
        %exp3A_1051 = math.exp %mul3A_1050 : vector<16xf32>
        %mul3A_1052 = arith.mulf %gather3A_1047, %exp3A_1051 : vector<16xf32>
        %add3A_1053 = arith.addf %gather3A_1000, %mul3A_1052 : vector<16xf32>
        tpu.vector_store_idx %arg11[%add3A_1046, %and3A_1045, %broadcast_in_dim3A_1036], %add3A_1053 : memref<16x8x128xf32, #tpu.memory_space<vmem>>[vector<16xi32>, vector<16xi32>, vector<16xi32>], vector<16xf32>,
        tpu.vector_store_idx %arg12[%add3A_1046, %and3A_1045, %broadcast_in_dim3A_1036], %gather3A_1000 : memref<16x8x128xf32, #tpu.memory_space<vmem>>[vector<16xi32>, vector<16xi32>, vector<16xi32>], vector<16xf32>,
        tpu.vector_store_idx %arg13[%add3A_1046, %and3A_1045, %broadcast_in_dim3A_1036], %gather3A_1001 : memref<16x8x128xf32, #tpu.memory_space<vmem>>[vector<16xi32>, vector<16xi32>, vector<16xi32>], vector<16xf32>,
        %add3A_1054 = arith.constant 16 : i32
        %add3A_1055 = vector.broadcast %add3A_1054 : i32 to vector<16xi32>
        %add3A_1056 = arith.addi %iota3A, %add3A_1055 : vector<16xi32>
        %shift_right_logical3A_1057 = arith.constant 3 : i32
        %shift_right_logical3A_1058 = vector.broadcast %shift_right_logical3A_1057 : i32 to vector<16xi32>
        %shift_right_logical3A_1059 = arith.shrui %add3A_1056, %shift_right_logical3A_1058 : vector<16xi32>
        %and3A_1060 = arith.constant 7 : i32
        %and3A_1061 = vector.broadcast %and3A_1060 : i32 to vector<16xi32>
        %and3A_1062 = arith.andi %add3A_1056, %and3A_1061 : vector<16xi32>
        %add3A_1063 = arith.addi %broadcast_in_dim3A_1033, %shift_right_logical3A_1059 : vector<16xi32>
        %gather3A_1064 = tpu.vector_load_idx %arg10[%add3A_1063, %and3A_1062, %broadcast_in_dim3A_1036] : memref<16x8x128xf32, #tpu.memory_space<vmem>>[vector<16xi32>, vector<16xi32>, vector<16xi32>], vector<16xf32>,
        %mul3A_1065 = arith.constant 5.000000e-01 : f32
        %mul3A_1066 = vector.broadcast %mul3A_1065 : f32 to vector<16xf32>
        %mul3A_1067 = arith.mulf %gather3A_1012, %mul3A_1066 : vector<16xf32>
        %exp3A_1068 = math.exp %mul3A_1067 : vector<16xf32>
        %mul3A_1069 = arith.mulf %gather3A_1064, %exp3A_1068 : vector<16xf32>
        %add3A_1070 = arith.addf %gather3A_1011, %mul3A_1069 : vector<16xf32>
        tpu.vector_store_idx %arg11[%add3A_1063, %and3A_1062, %broadcast_in_dim3A_1036], %add3A_1070 : memref<16x8x128xf32, #tpu.memory_space<vmem>>[vector<16xi32>, vector<16xi32>, vector<16xi32>], vector<16xf32>,
        tpu.vector_store_idx %arg12[%add3A_1063, %and3A_1062, %broadcast_in_dim3A_1036], %gather3A_1011 : memref<16x8x128xf32, #tpu.memory_space<vmem>>[vector<16xi32>, vector<16xi32>, vector<16xi32>], vector<16xf32>,
        tpu.vector_store_idx %arg13[%add3A_1063, %and3A_1062, %broadcast_in_dim3A_1036], %gather3A_1012 : memref<16x8x128xf32, #tpu.memory_space<vmem>>[vector<16xi32>, vector<16xi32>, vector<16xi32>], vector<16xf32>,
      } else {
      }
      %lt3A_838 = arith.constant 4 : i32
      %lt3A_839 = arith.cmpi slt, %add3A_830, %lt3A_838 : i32
      %convert_element_type3A_840 = arith.extui %lt3A_839 : i1 to i32
      %cond3A_841 = arith.constant 0 : i32
      %cond3A_842 = arith.cmpi ne, %convert_element_type3A_840, %cond3A_841 : i32
      scf.if %cond3A_842 {
        %shift_right_arithmetic3A = arith.constant 7 : i32
        %shift_right_arithmetic3A_971 = arith.shrsi %squeeze3A_832, %shift_right_arithmetic3A : i32
        %mul3A_972 = arith.constant 128 : i32
        %mul3A_973 = arith.muli %shift_right_arithmetic3A_971, %mul3A_972 : i32
        %multiple_of3A_974 = tpu.assume_multiple %mul3A_973, 128 : i32
        %dma_start3A_975 = arith.constant 0 : i32
        %dma_start3A_976 = arith.constant 0 : i32
        %dma_start3A_977 = tpu.memref_slice %arg4[%dma_start3A_975, %dma_start3A_976, %multiple_of3A_974] : memref<4x8x1000000xf32, #tpu.memory_space<hbm>> -> memref<4x8x128xf32, #tpu.memory_space<hbm>>
        %dma_start3A_978 = arith.constant 0 : i32
        %dma_start3A_979 = arith.constant 0 : i32
        %dma_start3A_980 = tpu.memref_slice %arg4[%dma_start3A_978, %dma_start3A_979, %multiple_of3A_974] : memref<4x8x1000000xf32, #tpu.memory_space<hbm>> -> memref<4x8x128xf32, #tpu.memory_space<hbm>>
        tpu.enqueue_dma source(%dma_start3A_980 : memref<4x8x128xf32, #tpu.memory_space<hbm>>) target(%arg17 : memref<4x8x128xf32, #tpu.memory_space<vmem>>) target_semaphore(%arg27 : memref<!tpu.dma_semaphore, #tpu.memory_space<semaphore_mem>>)
        %dma_start3A_981 = arith.constant 0 : i32
        %dma_start3A_982 = arith.constant 0 : i32
        %dma_start3A_983 = tpu.memref_slice %arg5[%dma_start3A_981, %dma_start3A_982, %multiple_of3A_974] : memref<4x8x1000000xf32, #tpu.memory_space<hbm>> -> memref<4x8x128xf32, #tpu.memory_space<hbm>>
        %dma_start3A_984 = arith.constant 0 : i32
        %dma_start3A_985 = arith.constant 0 : i32
        %dma_start3A_986 = tpu.memref_slice %arg5[%dma_start3A_984, %dma_start3A_985, %multiple_of3A_974] : memref<4x8x1000000xf32, #tpu.memory_space<hbm>> -> memref<4x8x128xf32, #tpu.memory_space<hbm>>
        tpu.enqueue_dma source(%dma_start3A_986 : memref<4x8x128xf32, #tpu.memory_space<hbm>>) target(%arg21 : memref<4x8x128xf32, #tpu.memory_space<vmem>>) target_semaphore(%arg31 : memref<!tpu.dma_semaphore, #tpu.memory_space<semaphore_mem>>)
      } else {
      }
      %mul3A_843 = arith.constant 16 : i32
      %mul3A_844 = arith.muli %scan3A_713, %mul3A_843 : i32
      %add3A_845 = arith.constant 8 : i32
      %add3A_846 = arith.addi %mul3A_844, %add3A_845 : i32
      %slice3A_847 = vector.extract_strided_slice %get3A_720 {offsets = [8], sizes = [1], strides = [1]} : vector<16xi32> to vector<1xi32>
      %squeeze3A_848 = vector.extract %slice3A_847[0] : i32 from vector<1xi32>
      %ge3A_849 = arith.constant 4 : i32
      %ge3A_850 = arith.cmpi sge, %add3A_846, %ge3A_849 : i32
      %convert_element_type3A_851 = arith.extui %ge3A_850 : i1 to i32
      %cond3A_852 = arith.constant 0 : i32
      %cond3A_853 = arith.cmpi ne, %convert_element_type3A_851, %cond3A_852 : i32
      scf.if %cond3A_853 {
        %dma_wait3A_971 = arith.constant 0 : i32
        %dma_wait3A_972 = arith.constant 0 : i32
        %dma_wait3A_973 = arith.constant 0 : i32
        %dma_wait3A_974 = tpu.memref_slice %arg4[%dma_wait3A_971, %dma_wait3A_972, %dma_wait3A_973] : memref<4x8x1000000xf32, #tpu.memory_space<hbm>> -> memref<4x8x128xf32, #tpu.memory_space<hbm>>
        %dma_wait3A_975 = arith.constant 0 : i32
        %dma_wait3A_976 = arith.constant 0 : i32
        %dma_wait3A_977 = arith.constant 0 : i32
        %dma_wait3A_978 = tpu.memref_slice %arg4[%dma_wait3A_975, %dma_wait3A_976, %dma_wait3A_977] : memref<4x8x1000000xf32, #tpu.memory_space<hbm>> -> memref<4x8x128xf32, #tpu.memory_space<hbm>>
        tpu.wait_dma2 semaphore(%arg24 : memref<!tpu.dma_semaphore, #tpu.memory_space<semaphore_mem>>) src(%dma_wait3A_978 : memref<4x8x128xf32, #tpu.memory_space<hbm>>) dst(%arg14 : memref<4x8x128xf32, #tpu.memory_space<vmem>>)
        %dma_wait3A_979 = arith.constant 0 : i32
        %dma_wait3A_980 = arith.constant 0 : i32
        %dma_wait3A_981 = arith.constant 0 : i32
        %dma_wait3A_982 = tpu.memref_slice %arg5[%dma_wait3A_979, %dma_wait3A_980, %dma_wait3A_981] : memref<4x8x1000000xf32, #tpu.memory_space<hbm>> -> memref<4x8x128xf32, #tpu.memory_space<hbm>>
        %dma_wait3A_983 = arith.constant 0 : i32
        %dma_wait3A_984 = arith.constant 0 : i32
        %dma_wait3A_985 = arith.constant 0 : i32
        %dma_wait3A_986 = tpu.memref_slice %arg5[%dma_wait3A_983, %dma_wait3A_984, %dma_wait3A_985] : memref<4x8x1000000xf32, #tpu.memory_space<hbm>> -> memref<4x8x128xf32, #tpu.memory_space<hbm>>
        tpu.wait_dma2 semaphore(%arg28 : memref<!tpu.dma_semaphore, #tpu.memory_space<semaphore_mem>>) src(%dma_wait3A_986 : memref<4x8x128xf32, #tpu.memory_space<hbm>>) dst(%arg18 : memref<4x8x128xf32, #tpu.memory_space<vmem>>)
        %sub3A = arith.constant 4 : i32
        %sub3A_987 = arith.subi %add3A_846, %sub3A : i32
        %and3A_988 = arith.constant 127 : i32
        %and3A_989 = arith.andi %squeeze3A_784, %and3A_988 : i32
        %broadcast_in_dim3A_990 = vector.broadcast %and3A_989 : i32 to vector<16xi32>
        %add3A_991 = arith.constant 0 : i32
        %add3A_992 = vector.broadcast %add3A_991 : i32 to vector<16xi32>
        %add3A_993 = arith.addi %iota3A, %add3A_992 : vector<16xi32>
        %shift_right_logical3A_994 = arith.constant 3 : i32
        %shift_right_logical3A_995 = vector.broadcast %shift_right_logical3A_994 : i32 to vector<16xi32>
        %shift_right_logical3A_996 = arith.shrui %add3A_993, %shift_right_logical3A_995 : vector<16xi32>
        %and3A_997 = arith.constant 7 : i32
        %and3A_998 = vector.broadcast %and3A_997 : i32 to vector<16xi32>
        %and3A_999 = arith.andi %add3A_993, %and3A_998 : vector<16xi32>
        %gather3A_1000 = tpu.vector_load_idx %arg14[%shift_right_logical3A_996, %and3A_999, %broadcast_in_dim3A_990] : memref<4x8x128xf32, #tpu.memory_space<vmem>>[vector<16xi32>, vector<16xi32>, vector<16xi32>], vector<16xf32>,
        %gather3A_1001 = tpu.vector_load_idx %arg18[%shift_right_logical3A_996, %and3A_999, %broadcast_in_dim3A_990] : memref<4x8x128xf32, #tpu.memory_space<vmem>>[vector<16xi32>, vector<16xi32>, vector<16xi32>], vector<16xf32>,
        %add3A_1002 = arith.constant 16 : i32
        %add3A_1003 = vector.broadcast %add3A_1002 : i32 to vector<16xi32>
        %add3A_1004 = arith.addi %iota3A, %add3A_1003 : vector<16xi32>
        %shift_right_logical3A_1005 = arith.constant 3 : i32
        %shift_right_logical3A_1006 = vector.broadcast %shift_right_logical3A_1005 : i32 to vector<16xi32>
        %shift_right_logical3A_1007 = arith.shrui %add3A_1004, %shift_right_logical3A_1006 : vector<16xi32>
        %and3A_1008 = arith.constant 7 : i32
        %and3A_1009 = vector.broadcast %and3A_1008 : i32 to vector<16xi32>
        %and3A_1010 = arith.andi %add3A_1004, %and3A_1009 : vector<16xi32>
        %gather3A_1011 = tpu.vector_load_idx %arg14[%shift_right_logical3A_1007, %and3A_1010, %broadcast_in_dim3A_990] : memref<4x8x128xf32, #tpu.memory_space<vmem>>[vector<16xi32>, vector<16xi32>, vector<16xi32>], vector<16xf32>,
        %gather3A_1012 = tpu.vector_load_idx %arg18[%shift_right_logical3A_1007, %and3A_1010, %broadcast_in_dim3A_990] : memref<4x8x128xf32, #tpu.memory_space<vmem>>[vector<16xi32>, vector<16xi32>, vector<16xi32>], vector<16xf32>,
        %shift_right_arithmetic3A = arith.constant 7 : i32
        %shift_right_arithmetic3A_1013 = arith.shrsi %squeeze3A_848, %shift_right_arithmetic3A : i32
        %mul3A_1014 = arith.constant 128 : i32
        %mul3A_1015 = arith.muli %shift_right_arithmetic3A_1013, %mul3A_1014 : i32
        %multiple_of3A_1016 = tpu.assume_multiple %mul3A_1015, 128 : i32
        %dma_start3A_1017 = arith.constant 0 : i32
        %dma_start3A_1018 = arith.constant 0 : i32
        %dma_start3A_1019 = tpu.memref_slice %arg4[%dma_start3A_1017, %dma_start3A_1018, %multiple_of3A_1016] : memref<4x8x1000000xf32, #tpu.memory_space<hbm>> -> memref<4x8x128xf32, #tpu.memory_space<hbm>>
        %dma_start3A_1020 = arith.constant 0 : i32
        %dma_start3A_1021 = arith.constant 0 : i32
        %dma_start3A_1022 = tpu.memref_slice %arg4[%dma_start3A_1020, %dma_start3A_1021, %multiple_of3A_1016] : memref<4x8x1000000xf32, #tpu.memory_space<hbm>> -> memref<4x8x128xf32, #tpu.memory_space<hbm>>
        tpu.enqueue_dma source(%dma_start3A_1022 : memref<4x8x128xf32, #tpu.memory_space<hbm>>) target(%arg14 : memref<4x8x128xf32, #tpu.memory_space<vmem>>) target_semaphore(%arg24 : memref<!tpu.dma_semaphore, #tpu.memory_space<semaphore_mem>>)
        %dma_start3A_1023 = arith.constant 0 : i32
        %dma_start3A_1024 = arith.constant 0 : i32
        %dma_start3A_1025 = tpu.memref_slice %arg5[%dma_start3A_1023, %dma_start3A_1024, %multiple_of3A_1016] : memref<4x8x1000000xf32, #tpu.memory_space<hbm>> -> memref<4x8x128xf32, #tpu.memory_space<hbm>>
        %dma_start3A_1026 = arith.constant 0 : i32
        %dma_start3A_1027 = arith.constant 0 : i32
        %dma_start3A_1028 = tpu.memref_slice %arg5[%dma_start3A_1026, %dma_start3A_1027, %multiple_of3A_1016] : memref<4x8x1000000xf32, #tpu.memory_space<hbm>> -> memref<4x8x128xf32, #tpu.memory_space<hbm>>
        tpu.enqueue_dma source(%dma_start3A_1028 : memref<4x8x128xf32, #tpu.memory_space<hbm>>) target(%arg18 : memref<4x8x128xf32, #tpu.memory_space<vmem>>) target_semaphore(%arg28 : memref<!tpu.dma_semaphore, #tpu.memory_space<semaphore_mem>>)
        %shift_right_arithmetic3A_1029 = arith.constant 7 : i32
        %shift_right_arithmetic3A_1030 = arith.shrsi %sub3A_987, %shift_right_arithmetic3A_1029 : i32
        %mul3A_1031 = arith.constant 4 : i32
        %mul3A_1032 = arith.muli %shift_right_arithmetic3A_1030, %mul3A_1031 : i32
        %broadcast_in_dim3A_1033 = vector.broadcast %mul3A_1032 : i32 to vector<16xi32>
        %and3A_1034 = arith.constant 127 : i32
        %and3A_1035 = arith.andi %sub3A_987, %and3A_1034 : i32
        %broadcast_in_dim3A_1036 = vector.broadcast %and3A_1035 : i32 to vector<16xi32>
        %add3A_1037 = arith.constant 0 : i32
        %add3A_1038 = vector.broadcast %add3A_1037 : i32 to vector<16xi32>
        %add3A_1039 = arith.addi %iota3A, %add3A_1038 : vector<16xi32>
        %shift_right_logical3A_1040 = arith.constant 3 : i32
        %shift_right_logical3A_1041 = vector.broadcast %shift_right_logical3A_1040 : i32 to vector<16xi32>
        %shift_right_logical3A_1042 = arith.shrui %add3A_1039, %shift_right_logical3A_1041 : vector<16xi32>
        %and3A_1043 = arith.constant 7 : i32
        %and3A_1044 = vector.broadcast %and3A_1043 : i32 to vector<16xi32>
        %and3A_1045 = arith.andi %add3A_1039, %and3A_1044 : vector<16xi32>
        %add3A_1046 = arith.addi %broadcast_in_dim3A_1033, %shift_right_logical3A_1042 : vector<16xi32>
        %gather3A_1047 = tpu.vector_load_idx %arg10[%add3A_1046, %and3A_1045, %broadcast_in_dim3A_1036] : memref<16x8x128xf32, #tpu.memory_space<vmem>>[vector<16xi32>, vector<16xi32>, vector<16xi32>], vector<16xf32>,
        %mul3A_1048 = arith.constant 5.000000e-01 : f32
        %mul3A_1049 = vector.broadcast %mul3A_1048 : f32 to vector<16xf32>
        %mul3A_1050 = arith.mulf %gather3A_1001, %mul3A_1049 : vector<16xf32>
        %exp3A_1051 = math.exp %mul3A_1050 : vector<16xf32>
        %mul3A_1052 = arith.mulf %gather3A_1047, %exp3A_1051 : vector<16xf32>
        %add3A_1053 = arith.addf %gather3A_1000, %mul3A_1052 : vector<16xf32>
        tpu.vector_store_idx %arg11[%add3A_1046, %and3A_1045, %broadcast_in_dim3A_1036], %add3A_1053 : memref<16x8x128xf32, #tpu.memory_space<vmem>>[vector<16xi32>, vector<16xi32>, vector<16xi32>], vector<16xf32>,
        tpu.vector_store_idx %arg12[%add3A_1046, %and3A_1045, %broadcast_in_dim3A_1036], %gather3A_1000 : memref<16x8x128xf32, #tpu.memory_space<vmem>>[vector<16xi32>, vector<16xi32>, vector<16xi32>], vector<16xf32>,
        tpu.vector_store_idx %arg13[%add3A_1046, %and3A_1045, %broadcast_in_dim3A_1036], %gather3A_1001 : memref<16x8x128xf32, #tpu.memory_space<vmem>>[vector<16xi32>, vector<16xi32>, vector<16xi32>], vector<16xf32>,
        %add3A_1054 = arith.constant 16 : i32
        %add3A_1055 = vector.broadcast %add3A_1054 : i32 to vector<16xi32>
        %add3A_1056 = arith.addi %iota3A, %add3A_1055 : vector<16xi32>
        %shift_right_logical3A_1057 = arith.constant 3 : i32
        %shift_right_logical3A_1058 = vector.broadcast %shift_right_logical3A_1057 : i32 to vector<16xi32>
        %shift_right_logical3A_1059 = arith.shrui %add3A_1056, %shift_right_logical3A_1058 : vector<16xi32>
        %and3A_1060 = arith.constant 7 : i32
        %and3A_1061 = vector.broadcast %and3A_1060 : i32 to vector<16xi32>
        %and3A_1062 = arith.andi %add3A_1056, %and3A_1061 : vector<16xi32>
        %add3A_1063 = arith.addi %broadcast_in_dim3A_1033, %shift_right_logical3A_1059 : vector<16xi32>
        %gather3A_1064 = tpu.vector_load_idx %arg10[%add3A_1063, %and3A_1062, %broadcast_in_dim3A_1036] : memref<16x8x128xf32, #tpu.memory_space<vmem>>[vector<16xi32>, vector<16xi32>, vector<16xi32>], vector<16xf32>,
        %mul3A_1065 = arith.constant 5.000000e-01 : f32
        %mul3A_1066 = vector.broadcast %mul3A_1065 : f32 to vector<16xf32>
        %mul3A_1067 = arith.mulf %gather3A_1012, %mul3A_1066 : vector<16xf32>
        %exp3A_1068 = math.exp %mul3A_1067 : vector<16xf32>
        %mul3A_1069 = arith.mulf %gather3A_1064, %exp3A_1068 : vector<16xf32>
        %add3A_1070 = arith.addf %gather3A_1011, %mul3A_1069 : vector<16xf32>
        tpu.vector_store_idx %arg11[%add3A_1063, %and3A_1062, %broadcast_in_dim3A_1036], %add3A_1070 : memref<16x8x128xf32, #tpu.memory_space<vmem>>[vector<16xi32>, vector<16xi32>, vector<16xi32>], vector<16xf32>,
        tpu.vector_store_idx %arg12[%add3A_1063, %and3A_1062, %broadcast_in_dim3A_1036], %gather3A_1011 : memref<16x8x128xf32, #tpu.memory_space<vmem>>[vector<16xi32>, vector<16xi32>, vector<16xi32>], vector<16xf32>,
        tpu.vector_store_idx %arg13[%add3A_1063, %and3A_1062, %broadcast_in_dim3A_1036], %gather3A_1012 : memref<16x8x128xf32, #tpu.memory_space<vmem>>[vector<16xi32>, vector<16xi32>, vector<16xi32>], vector<16xf32>,
      } else {
      }
      %lt3A_854 = arith.constant 4 : i32
      %lt3A_855 = arith.cmpi slt, %add3A_846, %lt3A_854 : i32
      %convert_element_type3A_856 = arith.extui %lt3A_855 : i1 to i32
      %cond3A_857 = arith.constant 0 : i32
      %cond3A_858 = arith.cmpi ne, %convert_element_type3A_856, %cond3A_857 : i32
      scf.if %cond3A_858 {
        %shift_right_arithmetic3A = arith.constant 7 : i32
        %shift_right_arithmetic3A_971 = arith.shrsi %squeeze3A_848, %shift_right_arithmetic3A : i32
        %mul3A_972 = arith.constant 128 : i32
        %mul3A_973 = arith.muli %shift_right_arithmetic3A_971, %mul3A_972 : i32
        %multiple_of3A_974 = tpu.assume_multiple %mul3A_973, 128 : i32
        %dma_start3A_975 = arith.constant 0 : i32
        %dma_start3A_976 = arith.constant 0 : i32
        %dma_start3A_977 = tpu.memref_slice %arg4[%dma_start3A_975, %dma_start3A_976, %multiple_of3A_974] : memref<4x8x1000000xf32, #tpu.memory_space<hbm>> -> memref<4x8x128xf32, #tpu.memory_space<hbm>>
        %dma_start3A_978 = arith.constant 0 : i32
        %dma_start3A_979 = arith.constant 0 : i32
        %dma_start3A_980 = tpu.memref_slice %arg4[%dma_start3A_978, %dma_start3A_979, %multiple_of3A_974] : memref<4x8x1000000xf32, #tpu.memory_space<hbm>> -> memref<4x8x128xf32, #tpu.memory_space<hbm>>
        tpu.enqueue_dma source(%dma_start3A_980 : memref<4x8x128xf32, #tpu.memory_space<hbm>>) target(%arg14 : memref<4x8x128xf32, #tpu.memory_space<vmem>>) target_semaphore(%arg24 : memref<!tpu.dma_semaphore, #tpu.memory_space<semaphore_mem>>)
        %dma_start3A_981 = arith.constant 0 : i32
        %dma_start3A_982 = arith.constant 0 : i32
        %dma_start3A_983 = tpu.memref_slice %arg5[%dma_start3A_981, %dma_start3A_982, %multiple_of3A_974] : memref<4x8x1000000xf32, #tpu.memory_space<hbm>> -> memref<4x8x128xf32, #tpu.memory_space<hbm>>
        %dma_start3A_984 = arith.constant 0 : i32
        %dma_start3A_985 = arith.constant 0 : i32
        %dma_start3A_986 = tpu.memref_slice %arg5[%dma_start3A_984, %dma_start3A_985, %multiple_of3A_974] : memref<4x8x1000000xf32, #tpu.memory_space<hbm>> -> memref<4x8x128xf32, #tpu.memory_space<hbm>>
        tpu.enqueue_dma source(%dma_start3A_986 : memref<4x8x128xf32, #tpu.memory_space<hbm>>) target(%arg18 : memref<4x8x128xf32, #tpu.memory_space<vmem>>) target_semaphore(%arg28 : memref<!tpu.dma_semaphore, #tpu.memory_space<semaphore_mem>>)
      } else {
      }
      %mul3A_859 = arith.constant 16 : i32
      %mul3A_860 = arith.muli %scan3A_713, %mul3A_859 : i32
      %add3A_861 = arith.constant 9 : i32
      %add3A_862 = arith.addi %mul3A_860, %add3A_861 : i32
      %slice3A_863 = vector.extract_strided_slice %get3A_720 {offsets = [9], sizes = [1], strides = [1]} : vector<16xi32> to vector<1xi32>
      %squeeze3A_864 = vector.extract %slice3A_863[0] : i32 from vector<1xi32>
      %ge3A_865 = arith.constant 4 : i32
      %ge3A_866 = arith.cmpi sge, %add3A_862, %ge3A_865 : i32
      %convert_element_type3A_867 = arith.extui %ge3A_866 : i1 to i32
      %cond3A_868 = arith.constant 0 : i32
      %cond3A_869 = arith.cmpi ne, %convert_element_type3A_867, %cond3A_868 : i32
      scf.if %cond3A_869 {
        %dma_wait3A_971 = arith.constant 0 : i32
        %dma_wait3A_972 = arith.constant 0 : i32
        %dma_wait3A_973 = arith.constant 0 : i32
        %dma_wait3A_974 = tpu.memref_slice %arg4[%dma_wait3A_971, %dma_wait3A_972, %dma_wait3A_973] : memref<4x8x1000000xf32, #tpu.memory_space<hbm>> -> memref<4x8x128xf32, #tpu.memory_space<hbm>>
        %dma_wait3A_975 = arith.constant 0 : i32
        %dma_wait3A_976 = arith.constant 0 : i32
        %dma_wait3A_977 = arith.constant 0 : i32
        %dma_wait3A_978 = tpu.memref_slice %arg4[%dma_wait3A_975, %dma_wait3A_976, %dma_wait3A_977] : memref<4x8x1000000xf32, #tpu.memory_space<hbm>> -> memref<4x8x128xf32, #tpu.memory_space<hbm>>
        tpu.wait_dma2 semaphore(%arg25 : memref<!tpu.dma_semaphore, #tpu.memory_space<semaphore_mem>>) src(%dma_wait3A_978 : memref<4x8x128xf32, #tpu.memory_space<hbm>>) dst(%arg15 : memref<4x8x128xf32, #tpu.memory_space<vmem>>)
        %dma_wait3A_979 = arith.constant 0 : i32
        %dma_wait3A_980 = arith.constant 0 : i32
        %dma_wait3A_981 = arith.constant 0 : i32
        %dma_wait3A_982 = tpu.memref_slice %arg5[%dma_wait3A_979, %dma_wait3A_980, %dma_wait3A_981] : memref<4x8x1000000xf32, #tpu.memory_space<hbm>> -> memref<4x8x128xf32, #tpu.memory_space<hbm>>
        %dma_wait3A_983 = arith.constant 0 : i32
        %dma_wait3A_984 = arith.constant 0 : i32
        %dma_wait3A_985 = arith.constant 0 : i32
        %dma_wait3A_986 = tpu.memref_slice %arg5[%dma_wait3A_983, %dma_wait3A_984, %dma_wait3A_985] : memref<4x8x1000000xf32, #tpu.memory_space<hbm>> -> memref<4x8x128xf32, #tpu.memory_space<hbm>>
        tpu.wait_dma2 semaphore(%arg29 : memref<!tpu.dma_semaphore, #tpu.memory_space<semaphore_mem>>) src(%dma_wait3A_986 : memref<4x8x128xf32, #tpu.memory_space<hbm>>) dst(%arg19 : memref<4x8x128xf32, #tpu.memory_space<vmem>>)
        %sub3A = arith.constant 4 : i32
        %sub3A_987 = arith.subi %add3A_862, %sub3A : i32
        %and3A_988 = arith.constant 127 : i32
        %and3A_989 = arith.andi %squeeze3A_800, %and3A_988 : i32
        %broadcast_in_dim3A_990 = vector.broadcast %and3A_989 : i32 to vector<16xi32>
        %add3A_991 = arith.constant 0 : i32
        %add3A_992 = vector.broadcast %add3A_991 : i32 to vector<16xi32>
        %add3A_993 = arith.addi %iota3A, %add3A_992 : vector<16xi32>
        %shift_right_logical3A_994 = arith.constant 3 : i32
        %shift_right_logical3A_995 = vector.broadcast %shift_right_logical3A_994 : i32 to vector<16xi32>
        %shift_right_logical3A_996 = arith.shrui %add3A_993, %shift_right_logical3A_995 : vector<16xi32>
        %and3A_997 = arith.constant 7 : i32
        %and3A_998 = vector.broadcast %and3A_997 : i32 to vector<16xi32>
        %and3A_999 = arith.andi %add3A_993, %and3A_998 : vector<16xi32>
        %gather3A_1000 = tpu.vector_load_idx %arg15[%shift_right_logical3A_996, %and3A_999, %broadcast_in_dim3A_990] : memref<4x8x128xf32, #tpu.memory_space<vmem>>[vector<16xi32>, vector<16xi32>, vector<16xi32>], vector<16xf32>,
        %gather3A_1001 = tpu.vector_load_idx %arg19[%shift_right_logical3A_996, %and3A_999, %broadcast_in_dim3A_990] : memref<4x8x128xf32, #tpu.memory_space<vmem>>[vector<16xi32>, vector<16xi32>, vector<16xi32>], vector<16xf32>,
        %add3A_1002 = arith.constant 16 : i32
        %add3A_1003 = vector.broadcast %add3A_1002 : i32 to vector<16xi32>
        %add3A_1004 = arith.addi %iota3A, %add3A_1003 : vector<16xi32>
        %shift_right_logical3A_1005 = arith.constant 3 : i32
        %shift_right_logical3A_1006 = vector.broadcast %shift_right_logical3A_1005 : i32 to vector<16xi32>
        %shift_right_logical3A_1007 = arith.shrui %add3A_1004, %shift_right_logical3A_1006 : vector<16xi32>
        %and3A_1008 = arith.constant 7 : i32
        %and3A_1009 = vector.broadcast %and3A_1008 : i32 to vector<16xi32>
        %and3A_1010 = arith.andi %add3A_1004, %and3A_1009 : vector<16xi32>
        %gather3A_1011 = tpu.vector_load_idx %arg15[%shift_right_logical3A_1007, %and3A_1010, %broadcast_in_dim3A_990] : memref<4x8x128xf32, #tpu.memory_space<vmem>>[vector<16xi32>, vector<16xi32>, vector<16xi32>], vector<16xf32>,
        %gather3A_1012 = tpu.vector_load_idx %arg19[%shift_right_logical3A_1007, %and3A_1010, %broadcast_in_dim3A_990] : memref<4x8x128xf32, #tpu.memory_space<vmem>>[vector<16xi32>, vector<16xi32>, vector<16xi32>], vector<16xf32>,
        %shift_right_arithmetic3A = arith.constant 7 : i32
        %shift_right_arithmetic3A_1013 = arith.shrsi %squeeze3A_864, %shift_right_arithmetic3A : i32
        %mul3A_1014 = arith.constant 128 : i32
        %mul3A_1015 = arith.muli %shift_right_arithmetic3A_1013, %mul3A_1014 : i32
        %multiple_of3A_1016 = tpu.assume_multiple %mul3A_1015, 128 : i32
        %dma_start3A_1017 = arith.constant 0 : i32
        %dma_start3A_1018 = arith.constant 0 : i32
        %dma_start3A_1019 = tpu.memref_slice %arg4[%dma_start3A_1017, %dma_start3A_1018, %multiple_of3A_1016] : memref<4x8x1000000xf32, #tpu.memory_space<hbm>> -> memref<4x8x128xf32, #tpu.memory_space<hbm>>
        %dma_start3A_1020 = arith.constant 0 : i32
        %dma_start3A_1021 = arith.constant 0 : i32
        %dma_start3A_1022 = tpu.memref_slice %arg4[%dma_start3A_1020, %dma_start3A_1021, %multiple_of3A_1016] : memref<4x8x1000000xf32, #tpu.memory_space<hbm>> -> memref<4x8x128xf32, #tpu.memory_space<hbm>>
        tpu.enqueue_dma source(%dma_start3A_1022 : memref<4x8x128xf32, #tpu.memory_space<hbm>>) target(%arg15 : memref<4x8x128xf32, #tpu.memory_space<vmem>>) target_semaphore(%arg25 : memref<!tpu.dma_semaphore, #tpu.memory_space<semaphore_mem>>)
        %dma_start3A_1023 = arith.constant 0 : i32
        %dma_start3A_1024 = arith.constant 0 : i32
        %dma_start3A_1025 = tpu.memref_slice %arg5[%dma_start3A_1023, %dma_start3A_1024, %multiple_of3A_1016] : memref<4x8x1000000xf32, #tpu.memory_space<hbm>> -> memref<4x8x128xf32, #tpu.memory_space<hbm>>
        %dma_start3A_1026 = arith.constant 0 : i32
        %dma_start3A_1027 = arith.constant 0 : i32
        %dma_start3A_1028 = tpu.memref_slice %arg5[%dma_start3A_1026, %dma_start3A_1027, %multiple_of3A_1016] : memref<4x8x1000000xf32, #tpu.memory_space<hbm>> -> memref<4x8x128xf32, #tpu.memory_space<hbm>>
        tpu.enqueue_dma source(%dma_start3A_1028 : memref<4x8x128xf32, #tpu.memory_space<hbm>>) target(%arg19 : memref<4x8x128xf32, #tpu.memory_space<vmem>>) target_semaphore(%arg29 : memref<!tpu.dma_semaphore, #tpu.memory_space<semaphore_mem>>)
        %shift_right_arithmetic3A_1029 = arith.constant 7 : i32
        %shift_right_arithmetic3A_1030 = arith.shrsi %sub3A_987, %shift_right_arithmetic3A_1029 : i32
        %mul3A_1031 = arith.constant 4 : i32
        %mul3A_1032 = arith.muli %shift_right_arithmetic3A_1030, %mul3A_1031 : i32
        %broadcast_in_dim3A_1033 = vector.broadcast %mul3A_1032 : i32 to vector<16xi32>
        %and3A_1034 = arith.constant 127 : i32
        %and3A_1035 = arith.andi %sub3A_987, %and3A_1034 : i32
        %broadcast_in_dim3A_1036 = vector.broadcast %and3A_1035 : i32 to vector<16xi32>
        %add3A_1037 = arith.constant 0 : i32
        %add3A_1038 = vector.broadcast %add3A_1037 : i32 to vector<16xi32>
        %add3A_1039 = arith.addi %iota3A, %add3A_1038 : vector<16xi32>
        %shift_right_logical3A_1040 = arith.constant 3 : i32
        %shift_right_logical3A_1041 = vector.broadcast %shift_right_logical3A_1040 : i32 to vector<16xi32>
        %shift_right_logical3A_1042 = arith.shrui %add3A_1039, %shift_right_logical3A_1041 : vector<16xi32>
        %and3A_1043 = arith.constant 7 : i32
        %and3A_1044 = vector.broadcast %and3A_1043 : i32 to vector<16xi32>
        %and3A_1045 = arith.andi %add3A_1039, %and3A_1044 : vector<16xi32>
        %add3A_1046 = arith.addi %broadcast_in_dim3A_1033, %shift_right_logical3A_1042 : vector<16xi32>
        %gather3A_1047 = tpu.vector_load_idx %arg10[%add3A_1046, %and3A_1045, %broadcast_in_dim3A_1036] : memref<16x8x128xf32, #tpu.memory_space<vmem>>[vector<16xi32>, vector<16xi32>, vector<16xi32>], vector<16xf32>,
        %mul3A_1048 = arith.constant 5.000000e-01 : f32
        %mul3A_1049 = vector.broadcast %mul3A_1048 : f32 to vector<16xf32>
        %mul3A_1050 = arith.mulf %gather3A_1001, %mul3A_1049 : vector<16xf32>
        %exp3A_1051 = math.exp %mul3A_1050 : vector<16xf32>
        %mul3A_1052 = arith.mulf %gather3A_1047, %exp3A_1051 : vector<16xf32>
        %add3A_1053 = arith.addf %gather3A_1000, %mul3A_1052 : vector<16xf32>
        tpu.vector_store_idx %arg11[%add3A_1046, %and3A_1045, %broadcast_in_dim3A_1036], %add3A_1053 : memref<16x8x128xf32, #tpu.memory_space<vmem>>[vector<16xi32>, vector<16xi32>, vector<16xi32>], vector<16xf32>,
        tpu.vector_store_idx %arg12[%add3A_1046, %and3A_1045, %broadcast_in_dim3A_1036], %gather3A_1000 : memref<16x8x128xf32, #tpu.memory_space<vmem>>[vector<16xi32>, vector<16xi32>, vector<16xi32>], vector<16xf32>,
        tpu.vector_store_idx %arg13[%add3A_1046, %and3A_1045, %broadcast_in_dim3A_1036], %gather3A_1001 : memref<16x8x128xf32, #tpu.memory_space<vmem>>[vector<16xi32>, vector<16xi32>, vector<16xi32>], vector<16xf32>,
        %add3A_1054 = arith.constant 16 : i32
        %add3A_1055 = vector.broadcast %add3A_1054 : i32 to vector<16xi32>
        %add3A_1056 = arith.addi %iota3A, %add3A_1055 : vector<16xi32>
        %shift_right_logical3A_1057 = arith.constant 3 : i32
        %shift_right_logical3A_1058 = vector.broadcast %shift_right_logical3A_1057 : i32 to vector<16xi32>
        %shift_right_logical3A_1059 = arith.shrui %add3A_1056, %shift_right_logical3A_1058 : vector<16xi32>
        %and3A_1060 = arith.constant 7 : i32
        %and3A_1061 = vector.broadcast %and3A_1060 : i32 to vector<16xi32>
        %and3A_1062 = arith.andi %add3A_1056, %and3A_1061 : vector<16xi32>
        %add3A_1063 = arith.addi %broadcast_in_dim3A_1033, %shift_right_logical3A_1059 : vector<16xi32>
        %gather3A_1064 = tpu.vector_load_idx %arg10[%add3A_1063, %and3A_1062, %broadcast_in_dim3A_1036] : memref<16x8x128xf32, #tpu.memory_space<vmem>>[vector<16xi32>, vector<16xi32>, vector<16xi32>], vector<16xf32>,
        %mul3A_1065 = arith.constant 5.000000e-01 : f32
        %mul3A_1066 = vector.broadcast %mul3A_1065 : f32 to vector<16xf32>
        %mul3A_1067 = arith.mulf %gather3A_1012, %mul3A_1066 : vector<16xf32>
        %exp3A_1068 = math.exp %mul3A_1067 : vector<16xf32>
        %mul3A_1069 = arith.mulf %gather3A_1064, %exp3A_1068 : vector<16xf32>
        %add3A_1070 = arith.addf %gather3A_1011, %mul3A_1069 : vector<16xf32>
        tpu.vector_store_idx %arg11[%add3A_1063, %and3A_1062, %broadcast_in_dim3A_1036], %add3A_1070 : memref<16x8x128xf32, #tpu.memory_space<vmem>>[vector<16xi32>, vector<16xi32>, vector<16xi32>], vector<16xf32>,
        tpu.vector_store_idx %arg12[%add3A_1063, %and3A_1062, %broadcast_in_dim3A_1036], %gather3A_1011 : memref<16x8x128xf32, #tpu.memory_space<vmem>>[vector<16xi32>, vector<16xi32>, vector<16xi32>], vector<16xf32>,
        tpu.vector_store_idx %arg13[%add3A_1063, %and3A_1062, %broadcast_in_dim3A_1036], %gather3A_1012 : memref<16x8x128xf32, #tpu.memory_space<vmem>>[vector<16xi32>, vector<16xi32>, vector<16xi32>], vector<16xf32>,
      } else {
      }
      %lt3A_870 = arith.constant 4 : i32
      %lt3A_871 = arith.cmpi slt, %add3A_862, %lt3A_870 : i32
      %convert_element_type3A_872 = arith.extui %lt3A_871 : i1 to i32
      %cond3A_873 = arith.constant 0 : i32
      %cond3A_874 = arith.cmpi ne, %convert_element_type3A_872, %cond3A_873 : i32
      scf.if %cond3A_874 {
        %shift_right_arithmetic3A = arith.constant 7 : i32
        %shift_right_arithmetic3A_971 = arith.shrsi %squeeze3A_864, %shift_right_arithmetic3A : i32
        %mul3A_972 = arith.constant 128 : i32
        %mul3A_973 = arith.muli %shift_right_arithmetic3A_971, %mul3A_972 : i32
        %multiple_of3A_974 = tpu.assume_multiple %mul3A_973, 128 : i32
        %dma_start3A_975 = arith.constant 0 : i32
        %dma_start3A_976 = arith.constant 0 : i32
        %dma_start3A_977 = tpu.memref_slice %arg4[%dma_start3A_975, %dma_start3A_976, %multiple_of3A_974] : memref<4x8x1000000xf32, #tpu.memory_space<hbm>> -> memref<4x8x128xf32, #tpu.memory_space<hbm>>
        %dma_start3A_978 = arith.constant 0 : i32
        %dma_start3A_979 = arith.constant 0 : i32
        %dma_start3A_980 = tpu.memref_slice %arg4[%dma_start3A_978, %dma_start3A_979, %multiple_of3A_974] : memref<4x8x1000000xf32, #tpu.memory_space<hbm>> -> memref<4x8x128xf32, #tpu.memory_space<hbm>>
        tpu.enqueue_dma source(%dma_start3A_980 : memref<4x8x128xf32, #tpu.memory_space<hbm>>) target(%arg15 : memref<4x8x128xf32, #tpu.memory_space<vmem>>) target_semaphore(%arg25 : memref<!tpu.dma_semaphore, #tpu.memory_space<semaphore_mem>>)
        %dma_start3A_981 = arith.constant 0 : i32
        %dma_start3A_982 = arith.constant 0 : i32
        %dma_start3A_983 = tpu.memref_slice %arg5[%dma_start3A_981, %dma_start3A_982, %multiple_of3A_974] : memref<4x8x1000000xf32, #tpu.memory_space<hbm>> -> memref<4x8x128xf32, #tpu.memory_space<hbm>>
        %dma_start3A_984 = arith.constant 0 : i32
        %dma_start3A_985 = arith.constant 0 : i32
        %dma_start3A_986 = tpu.memref_slice %arg5[%dma_start3A_984, %dma_start3A_985, %multiple_of3A_974] : memref<4x8x1000000xf32, #tpu.memory_space<hbm>> -> memref<4x8x128xf32, #tpu.memory_space<hbm>>
        tpu.enqueue_dma source(%dma_start3A_986 : memref<4x8x128xf32, #tpu.memory_space<hbm>>) target(%arg19 : memref<4x8x128xf32, #tpu.memory_space<vmem>>) target_semaphore(%arg29 : memref<!tpu.dma_semaphore, #tpu.memory_space<semaphore_mem>>)
      } else {
      }
      %mul3A_875 = arith.constant 16 : i32
      %mul3A_876 = arith.muli %scan3A_713, %mul3A_875 : i32
      %add3A_877 = arith.constant 10 : i32
      %add3A_878 = arith.addi %mul3A_876, %add3A_877 : i32
      %slice3A_879 = vector.extract_strided_slice %get3A_720 {offsets = [10], sizes = [1], strides = [1]} : vector<16xi32> to vector<1xi32>
      %squeeze3A_880 = vector.extract %slice3A_879[0] : i32 from vector<1xi32>
      %ge3A_881 = arith.constant 4 : i32
      %ge3A_882 = arith.cmpi sge, %add3A_878, %ge3A_881 : i32
      %convert_element_type3A_883 = arith.extui %ge3A_882 : i1 to i32
      %cond3A_884 = arith.constant 0 : i32
      %cond3A_885 = arith.cmpi ne, %convert_element_type3A_883, %cond3A_884 : i32
      scf.if %cond3A_885 {
        %dma_wait3A_971 = arith.constant 0 : i32
        %dma_wait3A_972 = arith.constant 0 : i32
        %dma_wait3A_973 = arith.constant 0 : i32
        %dma_wait3A_974 = tpu.memref_slice %arg4[%dma_wait3A_971, %dma_wait3A_972, %dma_wait3A_973] : memref<4x8x1000000xf32, #tpu.memory_space<hbm>> -> memref<4x8x128xf32, #tpu.memory_space<hbm>>
        %dma_wait3A_975 = arith.constant 0 : i32
        %dma_wait3A_976 = arith.constant 0 : i32
        %dma_wait3A_977 = arith.constant 0 : i32
        %dma_wait3A_978 = tpu.memref_slice %arg4[%dma_wait3A_975, %dma_wait3A_976, %dma_wait3A_977] : memref<4x8x1000000xf32, #tpu.memory_space<hbm>> -> memref<4x8x128xf32, #tpu.memory_space<hbm>>
        tpu.wait_dma2 semaphore(%arg26 : memref<!tpu.dma_semaphore, #tpu.memory_space<semaphore_mem>>) src(%dma_wait3A_978 : memref<4x8x128xf32, #tpu.memory_space<hbm>>) dst(%arg16 : memref<4x8x128xf32, #tpu.memory_space<vmem>>)
        %dma_wait3A_979 = arith.constant 0 : i32
        %dma_wait3A_980 = arith.constant 0 : i32
        %dma_wait3A_981 = arith.constant 0 : i32
        %dma_wait3A_982 = tpu.memref_slice %arg5[%dma_wait3A_979, %dma_wait3A_980, %dma_wait3A_981] : memref<4x8x1000000xf32, #tpu.memory_space<hbm>> -> memref<4x8x128xf32, #tpu.memory_space<hbm>>
        %dma_wait3A_983 = arith.constant 0 : i32
        %dma_wait3A_984 = arith.constant 0 : i32
        %dma_wait3A_985 = arith.constant 0 : i32
        %dma_wait3A_986 = tpu.memref_slice %arg5[%dma_wait3A_983, %dma_wait3A_984, %dma_wait3A_985] : memref<4x8x1000000xf32, #tpu.memory_space<hbm>> -> memref<4x8x128xf32, #tpu.memory_space<hbm>>
        tpu.wait_dma2 semaphore(%arg30 : memref<!tpu.dma_semaphore, #tpu.memory_space<semaphore_mem>>) src(%dma_wait3A_986 : memref<4x8x128xf32, #tpu.memory_space<hbm>>) dst(%arg20 : memref<4x8x128xf32, #tpu.memory_space<vmem>>)
        %sub3A = arith.constant 4 : i32
        %sub3A_987 = arith.subi %add3A_878, %sub3A : i32
        %and3A_988 = arith.constant 127 : i32
        %and3A_989 = arith.andi %squeeze3A_816, %and3A_988 : i32
        %broadcast_in_dim3A_990 = vector.broadcast %and3A_989 : i32 to vector<16xi32>
        %add3A_991 = arith.constant 0 : i32
        %add3A_992 = vector.broadcast %add3A_991 : i32 to vector<16xi32>
        %add3A_993 = arith.addi %iota3A, %add3A_992 : vector<16xi32>
        %shift_right_logical3A_994 = arith.constant 3 : i32
        %shift_right_logical3A_995 = vector.broadcast %shift_right_logical3A_994 : i32 to vector<16xi32>
        %shift_right_logical3A_996 = arith.shrui %add3A_993, %shift_right_logical3A_995 : vector<16xi32>
        %and3A_997 = arith.constant 7 : i32
        %and3A_998 = vector.broadcast %and3A_997 : i32 to vector<16xi32>
        %and3A_999 = arith.andi %add3A_993, %and3A_998 : vector<16xi32>
        %gather3A_1000 = tpu.vector_load_idx %arg16[%shift_right_logical3A_996, %and3A_999, %broadcast_in_dim3A_990] : memref<4x8x128xf32, #tpu.memory_space<vmem>>[vector<16xi32>, vector<16xi32>, vector<16xi32>], vector<16xf32>,
        %gather3A_1001 = tpu.vector_load_idx %arg20[%shift_right_logical3A_996, %and3A_999, %broadcast_in_dim3A_990] : memref<4x8x128xf32, #tpu.memory_space<vmem>>[vector<16xi32>, vector<16xi32>, vector<16xi32>], vector<16xf32>,
        %add3A_1002 = arith.constant 16 : i32
        %add3A_1003 = vector.broadcast %add3A_1002 : i32 to vector<16xi32>
        %add3A_1004 = arith.addi %iota3A, %add3A_1003 : vector<16xi32>
        %shift_right_logical3A_1005 = arith.constant 3 : i32
        %shift_right_logical3A_1006 = vector.broadcast %shift_right_logical3A_1005 : i32 to vector<16xi32>
        %shift_right_logical3A_1007 = arith.shrui %add3A_1004, %shift_right_logical3A_1006 : vector<16xi32>
        %and3A_1008 = arith.constant 7 : i32
        %and3A_1009 = vector.broadcast %and3A_1008 : i32 to vector<16xi32>
        %and3A_1010 = arith.andi %add3A_1004, %and3A_1009 : vector<16xi32>
        %gather3A_1011 = tpu.vector_load_idx %arg16[%shift_right_logical3A_1007, %and3A_1010, %broadcast_in_dim3A_990] : memref<4x8x128xf32, #tpu.memory_space<vmem>>[vector<16xi32>, vector<16xi32>, vector<16xi32>], vector<16xf32>,
        %gather3A_1012 = tpu.vector_load_idx %arg20[%shift_right_logical3A_1007, %and3A_1010, %broadcast_in_dim3A_990] : memref<4x8x128xf32, #tpu.memory_space<vmem>>[vector<16xi32>, vector<16xi32>, vector<16xi32>], vector<16xf32>,
        %shift_right_arithmetic3A = arith.constant 7 : i32
        %shift_right_arithmetic3A_1013 = arith.shrsi %squeeze3A_880, %shift_right_arithmetic3A : i32
        %mul3A_1014 = arith.constant 128 : i32
        %mul3A_1015 = arith.muli %shift_right_arithmetic3A_1013, %mul3A_1014 : i32
        %multiple_of3A_1016 = tpu.assume_multiple %mul3A_1015, 128 : i32
        %dma_start3A_1017 = arith.constant 0 : i32
        %dma_start3A_1018 = arith.constant 0 : i32
        %dma_start3A_1019 = tpu.memref_slice %arg4[%dma_start3A_1017, %dma_start3A_1018, %multiple_of3A_1016] : memref<4x8x1000000xf32, #tpu.memory_space<hbm>> -> memref<4x8x128xf32, #tpu.memory_space<hbm>>
        %dma_start3A_1020 = arith.constant 0 : i32
        %dma_start3A_1021 = arith.constant 0 : i32
        %dma_start3A_1022 = tpu.memref_slice %arg4[%dma_start3A_1020, %dma_start3A_1021, %multiple_of3A_1016] : memref<4x8x1000000xf32, #tpu.memory_space<hbm>> -> memref<4x8x128xf32, #tpu.memory_space<hbm>>
        tpu.enqueue_dma source(%dma_start3A_1022 : memref<4x8x128xf32, #tpu.memory_space<hbm>>) target(%arg16 : memref<4x8x128xf32, #tpu.memory_space<vmem>>) target_semaphore(%arg26 : memref<!tpu.dma_semaphore, #tpu.memory_space<semaphore_mem>>)
        %dma_start3A_1023 = arith.constant 0 : i32
        %dma_start3A_1024 = arith.constant 0 : i32
        %dma_start3A_1025 = tpu.memref_slice %arg5[%dma_start3A_1023, %dma_start3A_1024, %multiple_of3A_1016] : memref<4x8x1000000xf32, #tpu.memory_space<hbm>> -> memref<4x8x128xf32, #tpu.memory_space<hbm>>
        %dma_start3A_1026 = arith.constant 0 : i32
        %dma_start3A_1027 = arith.constant 0 : i32
        %dma_start3A_1028 = tpu.memref_slice %arg5[%dma_start3A_1026, %dma_start3A_1027, %multiple_of3A_1016] : memref<4x8x1000000xf32, #tpu.memory_space<hbm>> -> memref<4x8x128xf32, #tpu.memory_space<hbm>>
        tpu.enqueue_dma source(%dma_start3A_1028 : memref<4x8x128xf32, #tpu.memory_space<hbm>>) target(%arg20 : memref<4x8x128xf32, #tpu.memory_space<vmem>>) target_semaphore(%arg30 : memref<!tpu.dma_semaphore, #tpu.memory_space<semaphore_mem>>)
        %shift_right_arithmetic3A_1029 = arith.constant 7 : i32
        %shift_right_arithmetic3A_1030 = arith.shrsi %sub3A_987, %shift_right_arithmetic3A_1029 : i32
        %mul3A_1031 = arith.constant 4 : i32
        %mul3A_1032 = arith.muli %shift_right_arithmetic3A_1030, %mul3A_1031 : i32
        %broadcast_in_dim3A_1033 = vector.broadcast %mul3A_1032 : i32 to vector<16xi32>
        %and3A_1034 = arith.constant 127 : i32
        %and3A_1035 = arith.andi %sub3A_987, %and3A_1034 : i32
        %broadcast_in_dim3A_1036 = vector.broadcast %and3A_1035 : i32 to vector<16xi32>
        %add3A_1037 = arith.constant 0 : i32
        %add3A_1038 = vector.broadcast %add3A_1037 : i32 to vector<16xi32>
        %add3A_1039 = arith.addi %iota3A, %add3A_1038 : vector<16xi32>
        %shift_right_logical3A_1040 = arith.constant 3 : i32
        %shift_right_logical3A_1041 = vector.broadcast %shift_right_logical3A_1040 : i32 to vector<16xi32>
        %shift_right_logical3A_1042 = arith.shrui %add3A_1039, %shift_right_logical3A_1041 : vector<16xi32>
        %and3A_1043 = arith.constant 7 : i32
        %and3A_1044 = vector.broadcast %and3A_1043 : i32 to vector<16xi32>
        %and3A_1045 = arith.andi %add3A_1039, %and3A_1044 : vector<16xi32>
        %add3A_1046 = arith.addi %broadcast_in_dim3A_1033, %shift_right_logical3A_1042 : vector<16xi32>
        %gather3A_1047 = tpu.vector_load_idx %arg10[%add3A_1046, %and3A_1045, %broadcast_in_dim3A_1036] : memref<16x8x128xf32, #tpu.memory_space<vmem>>[vector<16xi32>, vector<16xi32>, vector<16xi32>], vector<16xf32>,
        %mul3A_1048 = arith.constant 5.000000e-01 : f32
        %mul3A_1049 = vector.broadcast %mul3A_1048 : f32 to vector<16xf32>
        %mul3A_1050 = arith.mulf %gather3A_1001, %mul3A_1049 : vector<16xf32>
        %exp3A_1051 = math.exp %mul3A_1050 : vector<16xf32>
        %mul3A_1052 = arith.mulf %gather3A_1047, %exp3A_1051 : vector<16xf32>
        %add3A_1053 = arith.addf %gather3A_1000, %mul3A_1052 : vector<16xf32>
        tpu.vector_store_idx %arg11[%add3A_1046, %and3A_1045, %broadcast_in_dim3A_1036], %add3A_1053 : memref<16x8x128xf32, #tpu.memory_space<vmem>>[vector<16xi32>, vector<16xi32>, vector<16xi32>], vector<16xf32>,
        tpu.vector_store_idx %arg12[%add3A_1046, %and3A_1045, %broadcast_in_dim3A_1036], %gather3A_1000 : memref<16x8x128xf32, #tpu.memory_space<vmem>>[vector<16xi32>, vector<16xi32>, vector<16xi32>], vector<16xf32>,
        tpu.vector_store_idx %arg13[%add3A_1046, %and3A_1045, %broadcast_in_dim3A_1036], %gather3A_1001 : memref<16x8x128xf32, #tpu.memory_space<vmem>>[vector<16xi32>, vector<16xi32>, vector<16xi32>], vector<16xf32>,
        %add3A_1054 = arith.constant 16 : i32
        %add3A_1055 = vector.broadcast %add3A_1054 : i32 to vector<16xi32>
        %add3A_1056 = arith.addi %iota3A, %add3A_1055 : vector<16xi32>
        %shift_right_logical3A_1057 = arith.constant 3 : i32
        %shift_right_logical3A_1058 = vector.broadcast %shift_right_logical3A_1057 : i32 to vector<16xi32>
        %shift_right_logical3A_1059 = arith.shrui %add3A_1056, %shift_right_logical3A_1058 : vector<16xi32>
        %and3A_1060 = arith.constant 7 : i32
        %and3A_1061 = vector.broadcast %and3A_1060 : i32 to vector<16xi32>
        %and3A_1062 = arith.andi %add3A_1056, %and3A_1061 : vector<16xi32>
        %add3A_1063 = arith.addi %broadcast_in_dim3A_1033, %shift_right_logical3A_1059 : vector<16xi32>
        %gather3A_1064 = tpu.vector_load_idx %arg10[%add3A_1063, %and3A_1062, %broadcast_in_dim3A_1036] : memref<16x8x128xf32, #tpu.memory_space<vmem>>[vector<16xi32>, vector<16xi32>, vector<16xi32>], vector<16xf32>,
        %mul3A_1065 = arith.constant 5.000000e-01 : f32
        %mul3A_1066 = vector.broadcast %mul3A_1065 : f32 to vector<16xf32>
        %mul3A_1067 = arith.mulf %gather3A_1012, %mul3A_1066 : vector<16xf32>
        %exp3A_1068 = math.exp %mul3A_1067 : vector<16xf32>
        %mul3A_1069 = arith.mulf %gather3A_1064, %exp3A_1068 : vector<16xf32>
        %add3A_1070 = arith.addf %gather3A_1011, %mul3A_1069 : vector<16xf32>
        tpu.vector_store_idx %arg11[%add3A_1063, %and3A_1062, %broadcast_in_dim3A_1036], %add3A_1070 : memref<16x8x128xf32, #tpu.memory_space<vmem>>[vector<16xi32>, vector<16xi32>, vector<16xi32>], vector<16xf32>,
        tpu.vector_store_idx %arg12[%add3A_1063, %and3A_1062, %broadcast_in_dim3A_1036], %gather3A_1011 : memref<16x8x128xf32, #tpu.memory_space<vmem>>[vector<16xi32>, vector<16xi32>, vector<16xi32>], vector<16xf32>,
        tpu.vector_store_idx %arg13[%add3A_1063, %and3A_1062, %broadcast_in_dim3A_1036], %gather3A_1012 : memref<16x8x128xf32, #tpu.memory_space<vmem>>[vector<16xi32>, vector<16xi32>, vector<16xi32>], vector<16xf32>,
      } else {
      }
      %lt3A_886 = arith.constant 4 : i32
      %lt3A_887 = arith.cmpi slt, %add3A_878, %lt3A_886 : i32
      %convert_element_type3A_888 = arith.extui %lt3A_887 : i1 to i32
      %cond3A_889 = arith.constant 0 : i32
      %cond3A_890 = arith.cmpi ne, %convert_element_type3A_888, %cond3A_889 : i32
      scf.if %cond3A_890 {
        %shift_right_arithmetic3A = arith.constant 7 : i32
        %shift_right_arithmetic3A_971 = arith.shrsi %squeeze3A_880, %shift_right_arithmetic3A : i32
        %mul3A_972 = arith.constant 128 : i32
        %mul3A_973 = arith.muli %shift_right_arithmetic3A_971, %mul3A_972 : i32
        %multiple_of3A_974 = tpu.assume_multiple %mul3A_973, 128 : i32
        %dma_start3A_975 = arith.constant 0 : i32
        %dma_start3A_976 = arith.constant 0 : i32
        %dma_start3A_977 = tpu.memref_slice %arg4[%dma_start3A_975, %dma_start3A_976, %multiple_of3A_974] : memref<4x8x1000000xf32, #tpu.memory_space<hbm>> -> memref<4x8x128xf32, #tpu.memory_space<hbm>>
        %dma_start3A_978 = arith.constant 0 : i32
        %dma_start3A_979 = arith.constant 0 : i32
        %dma_start3A_980 = tpu.memref_slice %arg4[%dma_start3A_978, %dma_start3A_979, %multiple_of3A_974] : memref<4x8x1000000xf32, #tpu.memory_space<hbm>> -> memref<4x8x128xf32, #tpu.memory_space<hbm>>
        tpu.enqueue_dma source(%dma_start3A_980 : memref<4x8x128xf32, #tpu.memory_space<hbm>>) target(%arg16 : memref<4x8x128xf32, #tpu.memory_space<vmem>>) target_semaphore(%arg26 : memref<!tpu.dma_semaphore, #tpu.memory_space<semaphore_mem>>)
        %dma_start3A_981 = arith.constant 0 : i32
        %dma_start3A_982 = arith.constant 0 : i32
        %dma_start3A_983 = tpu.memref_slice %arg5[%dma_start3A_981, %dma_start3A_982, %multiple_of3A_974] : memref<4x8x1000000xf32, #tpu.memory_space<hbm>> -> memref<4x8x128xf32, #tpu.memory_space<hbm>>
        %dma_start3A_984 = arith.constant 0 : i32
        %dma_start3A_985 = arith.constant 0 : i32
        %dma_start3A_986 = tpu.memref_slice %arg5[%dma_start3A_984, %dma_start3A_985, %multiple_of3A_974] : memref<4x8x1000000xf32, #tpu.memory_space<hbm>> -> memref<4x8x128xf32, #tpu.memory_space<hbm>>
        tpu.enqueue_dma source(%dma_start3A_986 : memref<4x8x128xf32, #tpu.memory_space<hbm>>) target(%arg20 : memref<4x8x128xf32, #tpu.memory_space<vmem>>) target_semaphore(%arg30 : memref<!tpu.dma_semaphore, #tpu.memory_space<semaphore_mem>>)
      } else {
      }
      %mul3A_891 = arith.constant 16 : i32
      %mul3A_892 = arith.muli %scan3A_713, %mul3A_891 : i32
      %add3A_893 = arith.constant 11 : i32
      %add3A_894 = arith.addi %mul3A_892, %add3A_893 : i32
      %slice3A_895 = vector.extract_strided_slice %get3A_720 {offsets = [11], sizes = [1], strides = [1]} : vector<16xi32> to vector<1xi32>
      %squeeze3A_896 = vector.extract %slice3A_895[0] : i32 from vector<1xi32>
      %ge3A_897 = arith.constant 4 : i32
      %ge3A_898 = arith.cmpi sge, %add3A_894, %ge3A_897 : i32
      %convert_element_type3A_899 = arith.extui %ge3A_898 : i1 to i32
      %cond3A_900 = arith.constant 0 : i32
      %cond3A_901 = arith.cmpi ne, %convert_element_type3A_899, %cond3A_900 : i32
      scf.if %cond3A_901 {
        %dma_wait3A_971 = arith.constant 0 : i32
        %dma_wait3A_972 = arith.constant 0 : i32
        %dma_wait3A_973 = arith.constant 0 : i32
        %dma_wait3A_974 = tpu.memref_slice %arg4[%dma_wait3A_971, %dma_wait3A_972, %dma_wait3A_973] : memref<4x8x1000000xf32, #tpu.memory_space<hbm>> -> memref<4x8x128xf32, #tpu.memory_space<hbm>>
        %dma_wait3A_975 = arith.constant 0 : i32
        %dma_wait3A_976 = arith.constant 0 : i32
        %dma_wait3A_977 = arith.constant 0 : i32
        %dma_wait3A_978 = tpu.memref_slice %arg4[%dma_wait3A_975, %dma_wait3A_976, %dma_wait3A_977] : memref<4x8x1000000xf32, #tpu.memory_space<hbm>> -> memref<4x8x128xf32, #tpu.memory_space<hbm>>
        tpu.wait_dma2 semaphore(%arg27 : memref<!tpu.dma_semaphore, #tpu.memory_space<semaphore_mem>>) src(%dma_wait3A_978 : memref<4x8x128xf32, #tpu.memory_space<hbm>>) dst(%arg17 : memref<4x8x128xf32, #tpu.memory_space<vmem>>)
        %dma_wait3A_979 = arith.constant 0 : i32
        %dma_wait3A_980 = arith.constant 0 : i32
        %dma_wait3A_981 = arith.constant 0 : i32
        %dma_wait3A_982 = tpu.memref_slice %arg5[%dma_wait3A_979, %dma_wait3A_980, %dma_wait3A_981] : memref<4x8x1000000xf32, #tpu.memory_space<hbm>> -> memref<4x8x128xf32, #tpu.memory_space<hbm>>
        %dma_wait3A_983 = arith.constant 0 : i32
        %dma_wait3A_984 = arith.constant 0 : i32
        %dma_wait3A_985 = arith.constant 0 : i32
        %dma_wait3A_986 = tpu.memref_slice %arg5[%dma_wait3A_983, %dma_wait3A_984, %dma_wait3A_985] : memref<4x8x1000000xf32, #tpu.memory_space<hbm>> -> memref<4x8x128xf32, #tpu.memory_space<hbm>>
        tpu.wait_dma2 semaphore(%arg31 : memref<!tpu.dma_semaphore, #tpu.memory_space<semaphore_mem>>) src(%dma_wait3A_986 : memref<4x8x128xf32, #tpu.memory_space<hbm>>) dst(%arg21 : memref<4x8x128xf32, #tpu.memory_space<vmem>>)
        %sub3A = arith.constant 4 : i32
        %sub3A_987 = arith.subi %add3A_894, %sub3A : i32
        %and3A_988 = arith.constant 127 : i32
        %and3A_989 = arith.andi %squeeze3A_832, %and3A_988 : i32
        %broadcast_in_dim3A_990 = vector.broadcast %and3A_989 : i32 to vector<16xi32>
        %add3A_991 = arith.constant 0 : i32
        %add3A_992 = vector.broadcast %add3A_991 : i32 to vector<16xi32>
        %add3A_993 = arith.addi %iota3A, %add3A_992 : vector<16xi32>
        %shift_right_logical3A_994 = arith.constant 3 : i32
        %shift_right_logical3A_995 = vector.broadcast %shift_right_logical3A_994 : i32 to vector<16xi32>
        %shift_right_logical3A_996 = arith.shrui %add3A_993, %shift_right_logical3A_995 : vector<16xi32>
        %and3A_997 = arith.constant 7 : i32
        %and3A_998 = vector.broadcast %and3A_997 : i32 to vector<16xi32>
        %and3A_999 = arith.andi %add3A_993, %and3A_998 : vector<16xi32>
        %gather3A_1000 = tpu.vector_load_idx %arg17[%shift_right_logical3A_996, %and3A_999, %broadcast_in_dim3A_990] : memref<4x8x128xf32, #tpu.memory_space<vmem>>[vector<16xi32>, vector<16xi32>, vector<16xi32>], vector<16xf32>,
        %gather3A_1001 = tpu.vector_load_idx %arg21[%shift_right_logical3A_996, %and3A_999, %broadcast_in_dim3A_990] : memref<4x8x128xf32, #tpu.memory_space<vmem>>[vector<16xi32>, vector<16xi32>, vector<16xi32>], vector<16xf32>,
        %add3A_1002 = arith.constant 16 : i32
        %add3A_1003 = vector.broadcast %add3A_1002 : i32 to vector<16xi32>
        %add3A_1004 = arith.addi %iota3A, %add3A_1003 : vector<16xi32>
        %shift_right_logical3A_1005 = arith.constant 3 : i32
        %shift_right_logical3A_1006 = vector.broadcast %shift_right_logical3A_1005 : i32 to vector<16xi32>
        %shift_right_logical3A_1007 = arith.shrui %add3A_1004, %shift_right_logical3A_1006 : vector<16xi32>
        %and3A_1008 = arith.constant 7 : i32
        %and3A_1009 = vector.broadcast %and3A_1008 : i32 to vector<16xi32>
        %and3A_1010 = arith.andi %add3A_1004, %and3A_1009 : vector<16xi32>
        %gather3A_1011 = tpu.vector_load_idx %arg17[%shift_right_logical3A_1007, %and3A_1010, %broadcast_in_dim3A_990] : memref<4x8x128xf32, #tpu.memory_space<vmem>>[vector<16xi32>, vector<16xi32>, vector<16xi32>], vector<16xf32>,
        %gather3A_1012 = tpu.vector_load_idx %arg21[%shift_right_logical3A_1007, %and3A_1010, %broadcast_in_dim3A_990] : memref<4x8x128xf32, #tpu.memory_space<vmem>>[vector<16xi32>, vector<16xi32>, vector<16xi32>], vector<16xf32>,
        %shift_right_arithmetic3A = arith.constant 7 : i32
        %shift_right_arithmetic3A_1013 = arith.shrsi %squeeze3A_896, %shift_right_arithmetic3A : i32
        %mul3A_1014 = arith.constant 128 : i32
        %mul3A_1015 = arith.muli %shift_right_arithmetic3A_1013, %mul3A_1014 : i32
        %multiple_of3A_1016 = tpu.assume_multiple %mul3A_1015, 128 : i32
        %dma_start3A_1017 = arith.constant 0 : i32
        %dma_start3A_1018 = arith.constant 0 : i32
        %dma_start3A_1019 = tpu.memref_slice %arg4[%dma_start3A_1017, %dma_start3A_1018, %multiple_of3A_1016] : memref<4x8x1000000xf32, #tpu.memory_space<hbm>> -> memref<4x8x128xf32, #tpu.memory_space<hbm>>
        %dma_start3A_1020 = arith.constant 0 : i32
        %dma_start3A_1021 = arith.constant 0 : i32
        %dma_start3A_1022 = tpu.memref_slice %arg4[%dma_start3A_1020, %dma_start3A_1021, %multiple_of3A_1016] : memref<4x8x1000000xf32, #tpu.memory_space<hbm>> -> memref<4x8x128xf32, #tpu.memory_space<hbm>>
        tpu.enqueue_dma source(%dma_start3A_1022 : memref<4x8x128xf32, #tpu.memory_space<hbm>>) target(%arg17 : memref<4x8x128xf32, #tpu.memory_space<vmem>>) target_semaphore(%arg27 : memref<!tpu.dma_semaphore, #tpu.memory_space<semaphore_mem>>)
        %dma_start3A_1023 = arith.constant 0 : i32
        %dma_start3A_1024 = arith.constant 0 : i32
        %dma_start3A_1025 = tpu.memref_slice %arg5[%dma_start3A_1023, %dma_start3A_1024, %multiple_of3A_1016] : memref<4x8x1000000xf32, #tpu.memory_space<hbm>> -> memref<4x8x128xf32, #tpu.memory_space<hbm>>
        %dma_start3A_1026 = arith.constant 0 : i32
        %dma_start3A_1027 = arith.constant 0 : i32
        %dma_start3A_1028 = tpu.memref_slice %arg5[%dma_start3A_1026, %dma_start3A_1027, %multiple_of3A_1016] : memref<4x8x1000000xf32, #tpu.memory_space<hbm>> -> memref<4x8x128xf32, #tpu.memory_space<hbm>>
        tpu.enqueue_dma source(%dma_start3A_1028 : memref<4x8x128xf32, #tpu.memory_space<hbm>>) target(%arg21 : memref<4x8x128xf32, #tpu.memory_space<vmem>>) target_semaphore(%arg31 : memref<!tpu.dma_semaphore, #tpu.memory_space<semaphore_mem>>)
        %shift_right_arithmetic3A_1029 = arith.constant 7 : i32
        %shift_right_arithmetic3A_1030 = arith.shrsi %sub3A_987, %shift_right_arithmetic3A_1029 : i32
        %mul3A_1031 = arith.constant 4 : i32
        %mul3A_1032 = arith.muli %shift_right_arithmetic3A_1030, %mul3A_1031 : i32
        %broadcast_in_dim3A_1033 = vector.broadcast %mul3A_1032 : i32 to vector<16xi32>
        %and3A_1034 = arith.constant 127 : i32
        %and3A_1035 = arith.andi %sub3A_987, %and3A_1034 : i32
        %broadcast_in_dim3A_1036 = vector.broadcast %and3A_1035 : i32 to vector<16xi32>
        %add3A_1037 = arith.constant 0 : i32
        %add3A_1038 = vector.broadcast %add3A_1037 : i32 to vector<16xi32>
        %add3A_1039 = arith.addi %iota3A, %add3A_1038 : vector<16xi32>
        %shift_right_logical3A_1040 = arith.constant 3 : i32
        %shift_right_logical3A_1041 = vector.broadcast %shift_right_logical3A_1040 : i32 to vector<16xi32>
        %shift_right_logical3A_1042 = arith.shrui %add3A_1039, %shift_right_logical3A_1041 : vector<16xi32>
        %and3A_1043 = arith.constant 7 : i32
        %and3A_1044 = vector.broadcast %and3A_1043 : i32 to vector<16xi32>
        %and3A_1045 = arith.andi %add3A_1039, %and3A_1044 : vector<16xi32>
        %add3A_1046 = arith.addi %broadcast_in_dim3A_1033, %shift_right_logical3A_1042 : vector<16xi32>
        %gather3A_1047 = tpu.vector_load_idx %arg10[%add3A_1046, %and3A_1045, %broadcast_in_dim3A_1036] : memref<16x8x128xf32, #tpu.memory_space<vmem>>[vector<16xi32>, vector<16xi32>, vector<16xi32>], vector<16xf32>,
        %mul3A_1048 = arith.constant 5.000000e-01 : f32
        %mul3A_1049 = vector.broadcast %mul3A_1048 : f32 to vector<16xf32>
        %mul3A_1050 = arith.mulf %gather3A_1001, %mul3A_1049 : vector<16xf32>
        %exp3A_1051 = math.exp %mul3A_1050 : vector<16xf32>
        %mul3A_1052 = arith.mulf %gather3A_1047, %exp3A_1051 : vector<16xf32>
        %add3A_1053 = arith.addf %gather3A_1000, %mul3A_1052 : vector<16xf32>
        tpu.vector_store_idx %arg11[%add3A_1046, %and3A_1045, %broadcast_in_dim3A_1036], %add3A_1053 : memref<16x8x128xf32, #tpu.memory_space<vmem>>[vector<16xi32>, vector<16xi32>, vector<16xi32>], vector<16xf32>,
        tpu.vector_store_idx %arg12[%add3A_1046, %and3A_1045, %broadcast_in_dim3A_1036], %gather3A_1000 : memref<16x8x128xf32, #tpu.memory_space<vmem>>[vector<16xi32>, vector<16xi32>, vector<16xi32>], vector<16xf32>,
        tpu.vector_store_idx %arg13[%add3A_1046, %and3A_1045, %broadcast_in_dim3A_1036], %gather3A_1001 : memref<16x8x128xf32, #tpu.memory_space<vmem>>[vector<16xi32>, vector<16xi32>, vector<16xi32>], vector<16xf32>,
        %add3A_1054 = arith.constant 16 : i32
        %add3A_1055 = vector.broadcast %add3A_1054 : i32 to vector<16xi32>
        %add3A_1056 = arith.addi %iota3A, %add3A_1055 : vector<16xi32>
        %shift_right_logical3A_1057 = arith.constant 3 : i32
        %shift_right_logical3A_1058 = vector.broadcast %shift_right_logical3A_1057 : i32 to vector<16xi32>
        %shift_right_logical3A_1059 = arith.shrui %add3A_1056, %shift_right_logical3A_1058 : vector<16xi32>
        %and3A_1060 = arith.constant 7 : i32
        %and3A_1061 = vector.broadcast %and3A_1060 : i32 to vector<16xi32>
        %and3A_1062 = arith.andi %add3A_1056, %and3A_1061 : vector<16xi32>
        %add3A_1063 = arith.addi %broadcast_in_dim3A_1033, %shift_right_logical3A_1059 : vector<16xi32>
        %gather3A_1064 = tpu.vector_load_idx %arg10[%add3A_1063, %and3A_1062, %broadcast_in_dim3A_1036] : memref<16x8x128xf32, #tpu.memory_space<vmem>>[vector<16xi32>, vector<16xi32>, vector<16xi32>], vector<16xf32>,
        %mul3A_1065 = arith.constant 5.000000e-01 : f32
        %mul3A_1066 = vector.broadcast %mul3A_1065 : f32 to vector<16xf32>
        %mul3A_1067 = arith.mulf %gather3A_1012, %mul3A_1066 : vector<16xf32>
        %exp3A_1068 = math.exp %mul3A_1067 : vector<16xf32>
        %mul3A_1069 = arith.mulf %gather3A_1064, %exp3A_1068 : vector<16xf32>
        %add3A_1070 = arith.addf %gather3A_1011, %mul3A_1069 : vector<16xf32>
        tpu.vector_store_idx %arg11[%add3A_1063, %and3A_1062, %broadcast_in_dim3A_1036], %add3A_1070 : memref<16x8x128xf32, #tpu.memory_space<vmem>>[vector<16xi32>, vector<16xi32>, vector<16xi32>], vector<16xf32>,
        tpu.vector_store_idx %arg12[%add3A_1063, %and3A_1062, %broadcast_in_dim3A_1036], %gather3A_1011 : memref<16x8x128xf32, #tpu.memory_space<vmem>>[vector<16xi32>, vector<16xi32>, vector<16xi32>], vector<16xf32>,
        tpu.vector_store_idx %arg13[%add3A_1063, %and3A_1062, %broadcast_in_dim3A_1036], %gather3A_1012 : memref<16x8x128xf32, #tpu.memory_space<vmem>>[vector<16xi32>, vector<16xi32>, vector<16xi32>], vector<16xf32>,
      } else {
      }
      %lt3A_902 = arith.constant 4 : i32
      %lt3A_903 = arith.cmpi slt, %add3A_894, %lt3A_902 : i32
      %convert_element_type3A_904 = arith.extui %lt3A_903 : i1 to i32
      %cond3A_905 = arith.constant 0 : i32
      %cond3A_906 = arith.cmpi ne, %convert_element_type3A_904, %cond3A_905 : i32
      scf.if %cond3A_906 {
        %shift_right_arithmetic3A = arith.constant 7 : i32
        %shift_right_arithmetic3A_971 = arith.shrsi %squeeze3A_896, %shift_right_arithmetic3A : i32
        %mul3A_972 = arith.constant 128 : i32
        %mul3A_973 = arith.muli %shift_right_arithmetic3A_971, %mul3A_972 : i32
        %multiple_of3A_974 = tpu.assume_multiple %mul3A_973, 128 : i32
        %dma_start3A_975 = arith.constant 0 : i32
        %dma_start3A_976 = arith.constant 0 : i32
        %dma_start3A_977 = tpu.memref_slice %arg4[%dma_start3A_975, %dma_start3A_976, %multiple_of3A_974] : memref<4x8x1000000xf32, #tpu.memory_space<hbm>> -> memref<4x8x128xf32, #tpu.memory_space<hbm>>
        %dma_start3A_978 = arith.constant 0 : i32
        %dma_start3A_979 = arith.constant 0 : i32
        %dma_start3A_980 = tpu.memref_slice %arg4[%dma_start3A_978, %dma_start3A_979, %multiple_of3A_974] : memref<4x8x1000000xf32, #tpu.memory_space<hbm>> -> memref<4x8x128xf32, #tpu.memory_space<hbm>>
        tpu.enqueue_dma source(%dma_start3A_980 : memref<4x8x128xf32, #tpu.memory_space<hbm>>) target(%arg17 : memref<4x8x128xf32, #tpu.memory_space<vmem>>) target_semaphore(%arg27 : memref<!tpu.dma_semaphore, #tpu.memory_space<semaphore_mem>>)
        %dma_start3A_981 = arith.constant 0 : i32
        %dma_start3A_982 = arith.constant 0 : i32
        %dma_start3A_983 = tpu.memref_slice %arg5[%dma_start3A_981, %dma_start3A_982, %multiple_of3A_974] : memref<4x8x1000000xf32, #tpu.memory_space<hbm>> -> memref<4x8x128xf32, #tpu.memory_space<hbm>>
        %dma_start3A_984 = arith.constant 0 : i32
        %dma_start3A_985 = arith.constant 0 : i32
        %dma_start3A_986 = tpu.memref_slice %arg5[%dma_start3A_984, %dma_start3A_985, %multiple_of3A_974] : memref<4x8x1000000xf32, #tpu.memory_space<hbm>> -> memref<4x8x128xf32, #tpu.memory_space<hbm>>
        tpu.enqueue_dma source(%dma_start3A_986 : memref<4x8x128xf32, #tpu.memory_space<hbm>>) target(%arg21 : memref<4x8x128xf32, #tpu.memory_space<vmem>>) target_semaphore(%arg31 : memref<!tpu.dma_semaphore, #tpu.memory_space<semaphore_mem>>)
      } else {
      }
      %mul3A_907 = arith.constant 16 : i32
      %mul3A_908 = arith.muli %scan3A_713, %mul3A_907 : i32
      %add3A_909 = arith.constant 12 : i32
      %add3A_910 = arith.addi %mul3A_908, %add3A_909 : i32
      %slice3A_911 = vector.extract_strided_slice %get3A_720 {offsets = [12], sizes = [1], strides = [1]} : vector<16xi32> to vector<1xi32>
      %squeeze3A_912 = vector.extract %slice3A_911[0] : i32 from vector<1xi32>
      %ge3A_913 = arith.constant 4 : i32
      %ge3A_914 = arith.cmpi sge, %add3A_910, %ge3A_913 : i32
      %convert_element_type3A_915 = arith.extui %ge3A_914 : i1 to i32
      %cond3A_916 = arith.constant 0 : i32
      %cond3A_917 = arith.cmpi ne, %convert_element_type3A_915, %cond3A_916 : i32
      scf.if %cond3A_917 {
        %dma_wait3A_971 = arith.constant 0 : i32
        %dma_wait3A_972 = arith.constant 0 : i32
        %dma_wait3A_973 = arith.constant 0 : i32
        %dma_wait3A_974 = tpu.memref_slice %arg4[%dma_wait3A_971, %dma_wait3A_972, %dma_wait3A_973] : memref<4x8x1000000xf32, #tpu.memory_space<hbm>> -> memref<4x8x128xf32, #tpu.memory_space<hbm>>
        %dma_wait3A_975 = arith.constant 0 : i32
        %dma_wait3A_976 = arith.constant 0 : i32
        %dma_wait3A_977 = arith.constant 0 : i32
        %dma_wait3A_978 = tpu.memref_slice %arg4[%dma_wait3A_975, %dma_wait3A_976, %dma_wait3A_977] : memref<4x8x1000000xf32, #tpu.memory_space<hbm>> -> memref<4x8x128xf32, #tpu.memory_space<hbm>>
        tpu.wait_dma2 semaphore(%arg24 : memref<!tpu.dma_semaphore, #tpu.memory_space<semaphore_mem>>) src(%dma_wait3A_978 : memref<4x8x128xf32, #tpu.memory_space<hbm>>) dst(%arg14 : memref<4x8x128xf32, #tpu.memory_space<vmem>>)
        %dma_wait3A_979 = arith.constant 0 : i32
        %dma_wait3A_980 = arith.constant 0 : i32
        %dma_wait3A_981 = arith.constant 0 : i32
        %dma_wait3A_982 = tpu.memref_slice %arg5[%dma_wait3A_979, %dma_wait3A_980, %dma_wait3A_981] : memref<4x8x1000000xf32, #tpu.memory_space<hbm>> -> memref<4x8x128xf32, #tpu.memory_space<hbm>>
        %dma_wait3A_983 = arith.constant 0 : i32
        %dma_wait3A_984 = arith.constant 0 : i32
        %dma_wait3A_985 = arith.constant 0 : i32
        %dma_wait3A_986 = tpu.memref_slice %arg5[%dma_wait3A_983, %dma_wait3A_984, %dma_wait3A_985] : memref<4x8x1000000xf32, #tpu.memory_space<hbm>> -> memref<4x8x128xf32, #tpu.memory_space<hbm>>
        tpu.wait_dma2 semaphore(%arg28 : memref<!tpu.dma_semaphore, #tpu.memory_space<semaphore_mem>>) src(%dma_wait3A_986 : memref<4x8x128xf32, #tpu.memory_space<hbm>>) dst(%arg18 : memref<4x8x128xf32, #tpu.memory_space<vmem>>)
        %sub3A = arith.constant 4 : i32
        %sub3A_987 = arith.subi %add3A_910, %sub3A : i32
        %and3A_988 = arith.constant 127 : i32
        %and3A_989 = arith.andi %squeeze3A_848, %and3A_988 : i32
        %broadcast_in_dim3A_990 = vector.broadcast %and3A_989 : i32 to vector<16xi32>
        %add3A_991 = arith.constant 0 : i32
        %add3A_992 = vector.broadcast %add3A_991 : i32 to vector<16xi32>
        %add3A_993 = arith.addi %iota3A, %add3A_992 : vector<16xi32>
        %shift_right_logical3A_994 = arith.constant 3 : i32
        %shift_right_logical3A_995 = vector.broadcast %shift_right_logical3A_994 : i32 to vector<16xi32>
        %shift_right_logical3A_996 = arith.shrui %add3A_993, %shift_right_logical3A_995 : vector<16xi32>
        %and3A_997 = arith.constant 7 : i32
        %and3A_998 = vector.broadcast %and3A_997 : i32 to vector<16xi32>
        %and3A_999 = arith.andi %add3A_993, %and3A_998 : vector<16xi32>
        %gather3A_1000 = tpu.vector_load_idx %arg14[%shift_right_logical3A_996, %and3A_999, %broadcast_in_dim3A_990] : memref<4x8x128xf32, #tpu.memory_space<vmem>>[vector<16xi32>, vector<16xi32>, vector<16xi32>], vector<16xf32>,
        %gather3A_1001 = tpu.vector_load_idx %arg18[%shift_right_logical3A_996, %and3A_999, %broadcast_in_dim3A_990] : memref<4x8x128xf32, #tpu.memory_space<vmem>>[vector<16xi32>, vector<16xi32>, vector<16xi32>], vector<16xf32>,
        %add3A_1002 = arith.constant 16 : i32
        %add3A_1003 = vector.broadcast %add3A_1002 : i32 to vector<16xi32>
        %add3A_1004 = arith.addi %iota3A, %add3A_1003 : vector<16xi32>
        %shift_right_logical3A_1005 = arith.constant 3 : i32
        %shift_right_logical3A_1006 = vector.broadcast %shift_right_logical3A_1005 : i32 to vector<16xi32>
        %shift_right_logical3A_1007 = arith.shrui %add3A_1004, %shift_right_logical3A_1006 : vector<16xi32>
        %and3A_1008 = arith.constant 7 : i32
        %and3A_1009 = vector.broadcast %and3A_1008 : i32 to vector<16xi32>
        %and3A_1010 = arith.andi %add3A_1004, %and3A_1009 : vector<16xi32>
        %gather3A_1011 = tpu.vector_load_idx %arg14[%shift_right_logical3A_1007, %and3A_1010, %broadcast_in_dim3A_990] : memref<4x8x128xf32, #tpu.memory_space<vmem>>[vector<16xi32>, vector<16xi32>, vector<16xi32>], vector<16xf32>,
        %gather3A_1012 = tpu.vector_load_idx %arg18[%shift_right_logical3A_1007, %and3A_1010, %broadcast_in_dim3A_990] : memref<4x8x128xf32, #tpu.memory_space<vmem>>[vector<16xi32>, vector<16xi32>, vector<16xi32>], vector<16xf32>,
        %shift_right_arithmetic3A = arith.constant 7 : i32
        %shift_right_arithmetic3A_1013 = arith.shrsi %squeeze3A_912, %shift_right_arithmetic3A : i32
        %mul3A_1014 = arith.constant 128 : i32
        %mul3A_1015 = arith.muli %shift_right_arithmetic3A_1013, %mul3A_1014 : i32
        %multiple_of3A_1016 = tpu.assume_multiple %mul3A_1015, 128 : i32
        %dma_start3A_1017 = arith.constant 0 : i32
        %dma_start3A_1018 = arith.constant 0 : i32
        %dma_start3A_1019 = tpu.memref_slice %arg4[%dma_start3A_1017, %dma_start3A_1018, %multiple_of3A_1016] : memref<4x8x1000000xf32, #tpu.memory_space<hbm>> -> memref<4x8x128xf32, #tpu.memory_space<hbm>>
        %dma_start3A_1020 = arith.constant 0 : i32
        %dma_start3A_1021 = arith.constant 0 : i32
        %dma_start3A_1022 = tpu.memref_slice %arg4[%dma_start3A_1020, %dma_start3A_1021, %multiple_of3A_1016] : memref<4x8x1000000xf32, #tpu.memory_space<hbm>> -> memref<4x8x128xf32, #tpu.memory_space<hbm>>
        tpu.enqueue_dma source(%dma_start3A_1022 : memref<4x8x128xf32, #tpu.memory_space<hbm>>) target(%arg14 : memref<4x8x128xf32, #tpu.memory_space<vmem>>) target_semaphore(%arg24 : memref<!tpu.dma_semaphore, #tpu.memory_space<semaphore_mem>>)
        %dma_start3A_1023 = arith.constant 0 : i32
        %dma_start3A_1024 = arith.constant 0 : i32
        %dma_start3A_1025 = tpu.memref_slice %arg5[%dma_start3A_1023, %dma_start3A_1024, %multiple_of3A_1016] : memref<4x8x1000000xf32, #tpu.memory_space<hbm>> -> memref<4x8x128xf32, #tpu.memory_space<hbm>>
        %dma_start3A_1026 = arith.constant 0 : i32
        %dma_start3A_1027 = arith.constant 0 : i32
        %dma_start3A_1028 = tpu.memref_slice %arg5[%dma_start3A_1026, %dma_start3A_1027, %multiple_of3A_1016] : memref<4x8x1000000xf32, #tpu.memory_space<hbm>> -> memref<4x8x128xf32, #tpu.memory_space<hbm>>
        tpu.enqueue_dma source(%dma_start3A_1028 : memref<4x8x128xf32, #tpu.memory_space<hbm>>) target(%arg18 : memref<4x8x128xf32, #tpu.memory_space<vmem>>) target_semaphore(%arg28 : memref<!tpu.dma_semaphore, #tpu.memory_space<semaphore_mem>>)
        %shift_right_arithmetic3A_1029 = arith.constant 7 : i32
        %shift_right_arithmetic3A_1030 = arith.shrsi %sub3A_987, %shift_right_arithmetic3A_1029 : i32
        %mul3A_1031 = arith.constant 4 : i32
        %mul3A_1032 = arith.muli %shift_right_arithmetic3A_1030, %mul3A_1031 : i32
        %broadcast_in_dim3A_1033 = vector.broadcast %mul3A_1032 : i32 to vector<16xi32>
        %and3A_1034 = arith.constant 127 : i32
        %and3A_1035 = arith.andi %sub3A_987, %and3A_1034 : i32
        %broadcast_in_dim3A_1036 = vector.broadcast %and3A_1035 : i32 to vector<16xi32>
        %add3A_1037 = arith.constant 0 : i32
        %add3A_1038 = vector.broadcast %add3A_1037 : i32 to vector<16xi32>
        %add3A_1039 = arith.addi %iota3A, %add3A_1038 : vector<16xi32>
        %shift_right_logical3A_1040 = arith.constant 3 : i32
        %shift_right_logical3A_1041 = vector.broadcast %shift_right_logical3A_1040 : i32 to vector<16xi32>
        %shift_right_logical3A_1042 = arith.shrui %add3A_1039, %shift_right_logical3A_1041 : vector<16xi32>
        %and3A_1043 = arith.constant 7 : i32
        %and3A_1044 = vector.broadcast %and3A_1043 : i32 to vector<16xi32>
        %and3A_1045 = arith.andi %add3A_1039, %and3A_1044 : vector<16xi32>
        %add3A_1046 = arith.addi %broadcast_in_dim3A_1033, %shift_right_logical3A_1042 : vector<16xi32>
        %gather3A_1047 = tpu.vector_load_idx %arg10[%add3A_1046, %and3A_1045, %broadcast_in_dim3A_1036] : memref<16x8x128xf32, #tpu.memory_space<vmem>>[vector<16xi32>, vector<16xi32>, vector<16xi32>], vector<16xf32>,
        %mul3A_1048 = arith.constant 5.000000e-01 : f32
        %mul3A_1049 = vector.broadcast %mul3A_1048 : f32 to vector<16xf32>
        %mul3A_1050 = arith.mulf %gather3A_1001, %mul3A_1049 : vector<16xf32>
        %exp3A_1051 = math.exp %mul3A_1050 : vector<16xf32>
        %mul3A_1052 = arith.mulf %gather3A_1047, %exp3A_1051 : vector<16xf32>
        %add3A_1053 = arith.addf %gather3A_1000, %mul3A_1052 : vector<16xf32>
        tpu.vector_store_idx %arg11[%add3A_1046, %and3A_1045, %broadcast_in_dim3A_1036], %add3A_1053 : memref<16x8x128xf32, #tpu.memory_space<vmem>>[vector<16xi32>, vector<16xi32>, vector<16xi32>], vector<16xf32>,
        tpu.vector_store_idx %arg12[%add3A_1046, %and3A_1045, %broadcast_in_dim3A_1036], %gather3A_1000 : memref<16x8x128xf32, #tpu.memory_space<vmem>>[vector<16xi32>, vector<16xi32>, vector<16xi32>], vector<16xf32>,
        tpu.vector_store_idx %arg13[%add3A_1046, %and3A_1045, %broadcast_in_dim3A_1036], %gather3A_1001 : memref<16x8x128xf32, #tpu.memory_space<vmem>>[vector<16xi32>, vector<16xi32>, vector<16xi32>], vector<16xf32>,
        %add3A_1054 = arith.constant 16 : i32
        %add3A_1055 = vector.broadcast %add3A_1054 : i32 to vector<16xi32>
        %add3A_1056 = arith.addi %iota3A, %add3A_1055 : vector<16xi32>
        %shift_right_logical3A_1057 = arith.constant 3 : i32
        %shift_right_logical3A_1058 = vector.broadcast %shift_right_logical3A_1057 : i32 to vector<16xi32>
        %shift_right_logical3A_1059 = arith.shrui %add3A_1056, %shift_right_logical3A_1058 : vector<16xi32>
        %and3A_1060 = arith.constant 7 : i32
        %and3A_1061 = vector.broadcast %and3A_1060 : i32 to vector<16xi32>
        %and3A_1062 = arith.andi %add3A_1056, %and3A_1061 : vector<16xi32>
        %add3A_1063 = arith.addi %broadcast_in_dim3A_1033, %shift_right_logical3A_1059 : vector<16xi32>
        %gather3A_1064 = tpu.vector_load_idx %arg10[%add3A_1063, %and3A_1062, %broadcast_in_dim3A_1036] : memref<16x8x128xf32, #tpu.memory_space<vmem>>[vector<16xi32>, vector<16xi32>, vector<16xi32>], vector<16xf32>,
        %mul3A_1065 = arith.constant 5.000000e-01 : f32
        %mul3A_1066 = vector.broadcast %mul3A_1065 : f32 to vector<16xf32>
        %mul3A_1067 = arith.mulf %gather3A_1012, %mul3A_1066 : vector<16xf32>
        %exp3A_1068 = math.exp %mul3A_1067 : vector<16xf32>
        %mul3A_1069 = arith.mulf %gather3A_1064, %exp3A_1068 : vector<16xf32>
        %add3A_1070 = arith.addf %gather3A_1011, %mul3A_1069 : vector<16xf32>
        tpu.vector_store_idx %arg11[%add3A_1063, %and3A_1062, %broadcast_in_dim3A_1036], %add3A_1070 : memref<16x8x128xf32, #tpu.memory_space<vmem>>[vector<16xi32>, vector<16xi32>, vector<16xi32>], vector<16xf32>,
        tpu.vector_store_idx %arg12[%add3A_1063, %and3A_1062, %broadcast_in_dim3A_1036], %gather3A_1011 : memref<16x8x128xf32, #tpu.memory_space<vmem>>[vector<16xi32>, vector<16xi32>, vector<16xi32>], vector<16xf32>,
        tpu.vector_store_idx %arg13[%add3A_1063, %and3A_1062, %broadcast_in_dim3A_1036], %gather3A_1012 : memref<16x8x128xf32, #tpu.memory_space<vmem>>[vector<16xi32>, vector<16xi32>, vector<16xi32>], vector<16xf32>,
      } else {
      }
      %lt3A_918 = arith.constant 4 : i32
      %lt3A_919 = arith.cmpi slt, %add3A_910, %lt3A_918 : i32
      %convert_element_type3A_920 = arith.extui %lt3A_919 : i1 to i32
      %cond3A_921 = arith.constant 0 : i32
      %cond3A_922 = arith.cmpi ne, %convert_element_type3A_920, %cond3A_921 : i32
      scf.if %cond3A_922 {
        %shift_right_arithmetic3A = arith.constant 7 : i32
        %shift_right_arithmetic3A_971 = arith.shrsi %squeeze3A_912, %shift_right_arithmetic3A : i32
        %mul3A_972 = arith.constant 128 : i32
        %mul3A_973 = arith.muli %shift_right_arithmetic3A_971, %mul3A_972 : i32
        %multiple_of3A_974 = tpu.assume_multiple %mul3A_973, 128 : i32
        %dma_start3A_975 = arith.constant 0 : i32
        %dma_start3A_976 = arith.constant 0 : i32
        %dma_start3A_977 = tpu.memref_slice %arg4[%dma_start3A_975, %dma_start3A_976, %multiple_of3A_974] : memref<4x8x1000000xf32, #tpu.memory_space<hbm>> -> memref<4x8x128xf32, #tpu.memory_space<hbm>>
        %dma_start3A_978 = arith.constant 0 : i32
        %dma_start3A_979 = arith.constant 0 : i32
        %dma_start3A_980 = tpu.memref_slice %arg4[%dma_start3A_978, %dma_start3A_979, %multiple_of3A_974] : memref<4x8x1000000xf32, #tpu.memory_space<hbm>> -> memref<4x8x128xf32, #tpu.memory_space<hbm>>
        tpu.enqueue_dma source(%dma_start3A_980 : memref<4x8x128xf32, #tpu.memory_space<hbm>>) target(%arg14 : memref<4x8x128xf32, #tpu.memory_space<vmem>>) target_semaphore(%arg24 : memref<!tpu.dma_semaphore, #tpu.memory_space<semaphore_mem>>)
        %dma_start3A_981 = arith.constant 0 : i32
        %dma_start3A_982 = arith.constant 0 : i32
        %dma_start3A_983 = tpu.memref_slice %arg5[%dma_start3A_981, %dma_start3A_982, %multiple_of3A_974] : memref<4x8x1000000xf32, #tpu.memory_space<hbm>> -> memref<4x8x128xf32, #tpu.memory_space<hbm>>
        %dma_start3A_984 = arith.constant 0 : i32
        %dma_start3A_985 = arith.constant 0 : i32
        %dma_start3A_986 = tpu.memref_slice %arg5[%dma_start3A_984, %dma_start3A_985, %multiple_of3A_974] : memref<4x8x1000000xf32, #tpu.memory_space<hbm>> -> memref<4x8x128xf32, #tpu.memory_space<hbm>>
        tpu.enqueue_dma source(%dma_start3A_986 : memref<4x8x128xf32, #tpu.memory_space<hbm>>) target(%arg18 : memref<4x8x128xf32, #tpu.memory_space<vmem>>) target_semaphore(%arg28 : memref<!tpu.dma_semaphore, #tpu.memory_space<semaphore_mem>>)
      } else {
      }
      %mul3A_923 = arith.constant 16 : i32
      %mul3A_924 = arith.muli %scan3A_713, %mul3A_923 : i32
      %add3A_925 = arith.constant 13 : i32
      %add3A_926 = arith.addi %mul3A_924, %add3A_925 : i32
      %slice3A_927 = vector.extract_strided_slice %get3A_720 {offsets = [13], sizes = [1], strides = [1]} : vector<16xi32> to vector<1xi32>
      %squeeze3A_928 = vector.extract %slice3A_927[0] : i32 from vector<1xi32>
      %ge3A_929 = arith.constant 4 : i32
      %ge3A_930 = arith.cmpi sge, %add3A_926, %ge3A_929 : i32
      %convert_element_type3A_931 = arith.extui %ge3A_930 : i1 to i32
      %cond3A_932 = arith.constant 0 : i32
      %cond3A_933 = arith.cmpi ne, %convert_element_type3A_931, %cond3A_932 : i32
      scf.if %cond3A_933 {
        %dma_wait3A_971 = arith.constant 0 : i32
        %dma_wait3A_972 = arith.constant 0 : i32
        %dma_wait3A_973 = arith.constant 0 : i32
        %dma_wait3A_974 = tpu.memref_slice %arg4[%dma_wait3A_971, %dma_wait3A_972, %dma_wait3A_973] : memref<4x8x1000000xf32, #tpu.memory_space<hbm>> -> memref<4x8x128xf32, #tpu.memory_space<hbm>>
        %dma_wait3A_975 = arith.constant 0 : i32
        %dma_wait3A_976 = arith.constant 0 : i32
        %dma_wait3A_977 = arith.constant 0 : i32
        %dma_wait3A_978 = tpu.memref_slice %arg4[%dma_wait3A_975, %dma_wait3A_976, %dma_wait3A_977] : memref<4x8x1000000xf32, #tpu.memory_space<hbm>> -> memref<4x8x128xf32, #tpu.memory_space<hbm>>
        tpu.wait_dma2 semaphore(%arg25 : memref<!tpu.dma_semaphore, #tpu.memory_space<semaphore_mem>>) src(%dma_wait3A_978 : memref<4x8x128xf32, #tpu.memory_space<hbm>>) dst(%arg15 : memref<4x8x128xf32, #tpu.memory_space<vmem>>)
        %dma_wait3A_979 = arith.constant 0 : i32
        %dma_wait3A_980 = arith.constant 0 : i32
        %dma_wait3A_981 = arith.constant 0 : i32
        %dma_wait3A_982 = tpu.memref_slice %arg5[%dma_wait3A_979, %dma_wait3A_980, %dma_wait3A_981] : memref<4x8x1000000xf32, #tpu.memory_space<hbm>> -> memref<4x8x128xf32, #tpu.memory_space<hbm>>
        %dma_wait3A_983 = arith.constant 0 : i32
        %dma_wait3A_984 = arith.constant 0 : i32
        %dma_wait3A_985 = arith.constant 0 : i32
        %dma_wait3A_986 = tpu.memref_slice %arg5[%dma_wait3A_983, %dma_wait3A_984, %dma_wait3A_985] : memref<4x8x1000000xf32, #tpu.memory_space<hbm>> -> memref<4x8x128xf32, #tpu.memory_space<hbm>>
        tpu.wait_dma2 semaphore(%arg29 : memref<!tpu.dma_semaphore, #tpu.memory_space<semaphore_mem>>) src(%dma_wait3A_986 : memref<4x8x128xf32, #tpu.memory_space<hbm>>) dst(%arg19 : memref<4x8x128xf32, #tpu.memory_space<vmem>>)
        %sub3A = arith.constant 4 : i32
        %sub3A_987 = arith.subi %add3A_926, %sub3A : i32
        %and3A_988 = arith.constant 127 : i32
        %and3A_989 = arith.andi %squeeze3A_864, %and3A_988 : i32
        %broadcast_in_dim3A_990 = vector.broadcast %and3A_989 : i32 to vector<16xi32>
        %add3A_991 = arith.constant 0 : i32
        %add3A_992 = vector.broadcast %add3A_991 : i32 to vector<16xi32>
        %add3A_993 = arith.addi %iota3A, %add3A_992 : vector<16xi32>
        %shift_right_logical3A_994 = arith.constant 3 : i32
        %shift_right_logical3A_995 = vector.broadcast %shift_right_logical3A_994 : i32 to vector<16xi32>
        %shift_right_logical3A_996 = arith.shrui %add3A_993, %shift_right_logical3A_995 : vector<16xi32>
        %and3A_997 = arith.constant 7 : i32
        %and3A_998 = vector.broadcast %and3A_997 : i32 to vector<16xi32>
        %and3A_999 = arith.andi %add3A_993, %and3A_998 : vector<16xi32>
        %gather3A_1000 = tpu.vector_load_idx %arg15[%shift_right_logical3A_996, %and3A_999, %broadcast_in_dim3A_990] : memref<4x8x128xf32, #tpu.memory_space<vmem>>[vector<16xi32>, vector<16xi32>, vector<16xi32>], vector<16xf32>,
        %gather3A_1001 = tpu.vector_load_idx %arg19[%shift_right_logical3A_996, %and3A_999, %broadcast_in_dim3A_990] : memref<4x8x128xf32, #tpu.memory_space<vmem>>[vector<16xi32>, vector<16xi32>, vector<16xi32>], vector<16xf32>,
        %add3A_1002 = arith.constant 16 : i32
        %add3A_1003 = vector.broadcast %add3A_1002 : i32 to vector<16xi32>
        %add3A_1004 = arith.addi %iota3A, %add3A_1003 : vector<16xi32>
        %shift_right_logical3A_1005 = arith.constant 3 : i32
        %shift_right_logical3A_1006 = vector.broadcast %shift_right_logical3A_1005 : i32 to vector<16xi32>
        %shift_right_logical3A_1007 = arith.shrui %add3A_1004, %shift_right_logical3A_1006 : vector<16xi32>
        %and3A_1008 = arith.constant 7 : i32
        %and3A_1009 = vector.broadcast %and3A_1008 : i32 to vector<16xi32>
        %and3A_1010 = arith.andi %add3A_1004, %and3A_1009 : vector<16xi32>
        %gather3A_1011 = tpu.vector_load_idx %arg15[%shift_right_logical3A_1007, %and3A_1010, %broadcast_in_dim3A_990] : memref<4x8x128xf32, #tpu.memory_space<vmem>>[vector<16xi32>, vector<16xi32>, vector<16xi32>], vector<16xf32>,
        %gather3A_1012 = tpu.vector_load_idx %arg19[%shift_right_logical3A_1007, %and3A_1010, %broadcast_in_dim3A_990] : memref<4x8x128xf32, #tpu.memory_space<vmem>>[vector<16xi32>, vector<16xi32>, vector<16xi32>], vector<16xf32>,
        %shift_right_arithmetic3A = arith.constant 7 : i32
        %shift_right_arithmetic3A_1013 = arith.shrsi %squeeze3A_928, %shift_right_arithmetic3A : i32
        %mul3A_1014 = arith.constant 128 : i32
        %mul3A_1015 = arith.muli %shift_right_arithmetic3A_1013, %mul3A_1014 : i32
        %multiple_of3A_1016 = tpu.assume_multiple %mul3A_1015, 128 : i32
        %dma_start3A_1017 = arith.constant 0 : i32
        %dma_start3A_1018 = arith.constant 0 : i32
        %dma_start3A_1019 = tpu.memref_slice %arg4[%dma_start3A_1017, %dma_start3A_1018, %multiple_of3A_1016] : memref<4x8x1000000xf32, #tpu.memory_space<hbm>> -> memref<4x8x128xf32, #tpu.memory_space<hbm>>
        %dma_start3A_1020 = arith.constant 0 : i32
        %dma_start3A_1021 = arith.constant 0 : i32
        %dma_start3A_1022 = tpu.memref_slice %arg4[%dma_start3A_1020, %dma_start3A_1021, %multiple_of3A_1016] : memref<4x8x1000000xf32, #tpu.memory_space<hbm>> -> memref<4x8x128xf32, #tpu.memory_space<hbm>>
        tpu.enqueue_dma source(%dma_start3A_1022 : memref<4x8x128xf32, #tpu.memory_space<hbm>>) target(%arg15 : memref<4x8x128xf32, #tpu.memory_space<vmem>>) target_semaphore(%arg25 : memref<!tpu.dma_semaphore, #tpu.memory_space<semaphore_mem>>)
        %dma_start3A_1023 = arith.constant 0 : i32
        %dma_start3A_1024 = arith.constant 0 : i32
        %dma_start3A_1025 = tpu.memref_slice %arg5[%dma_start3A_1023, %dma_start3A_1024, %multiple_of3A_1016] : memref<4x8x1000000xf32, #tpu.memory_space<hbm>> -> memref<4x8x128xf32, #tpu.memory_space<hbm>>
        %dma_start3A_1026 = arith.constant 0 : i32
        %dma_start3A_1027 = arith.constant 0 : i32
        %dma_start3A_1028 = tpu.memref_slice %arg5[%dma_start3A_1026, %dma_start3A_1027, %multiple_of3A_1016] : memref<4x8x1000000xf32, #tpu.memory_space<hbm>> -> memref<4x8x128xf32, #tpu.memory_space<hbm>>
        tpu.enqueue_dma source(%dma_start3A_1028 : memref<4x8x128xf32, #tpu.memory_space<hbm>>) target(%arg19 : memref<4x8x128xf32, #tpu.memory_space<vmem>>) target_semaphore(%arg29 : memref<!tpu.dma_semaphore, #tpu.memory_space<semaphore_mem>>)
        %shift_right_arithmetic3A_1029 = arith.constant 7 : i32
        %shift_right_arithmetic3A_1030 = arith.shrsi %sub3A_987, %shift_right_arithmetic3A_1029 : i32
        %mul3A_1031 = arith.constant 4 : i32
        %mul3A_1032 = arith.muli %shift_right_arithmetic3A_1030, %mul3A_1031 : i32
        %broadcast_in_dim3A_1033 = vector.broadcast %mul3A_1032 : i32 to vector<16xi32>
        %and3A_1034 = arith.constant 127 : i32
        %and3A_1035 = arith.andi %sub3A_987, %and3A_1034 : i32
        %broadcast_in_dim3A_1036 = vector.broadcast %and3A_1035 : i32 to vector<16xi32>
        %add3A_1037 = arith.constant 0 : i32
        %add3A_1038 = vector.broadcast %add3A_1037 : i32 to vector<16xi32>
        %add3A_1039 = arith.addi %iota3A, %add3A_1038 : vector<16xi32>
        %shift_right_logical3A_1040 = arith.constant 3 : i32
        %shift_right_logical3A_1041 = vector.broadcast %shift_right_logical3A_1040 : i32 to vector<16xi32>
        %shift_right_logical3A_1042 = arith.shrui %add3A_1039, %shift_right_logical3A_1041 : vector<16xi32>
        %and3A_1043 = arith.constant 7 : i32
        %and3A_1044 = vector.broadcast %and3A_1043 : i32 to vector<16xi32>
        %and3A_1045 = arith.andi %add3A_1039, %and3A_1044 : vector<16xi32>
        %add3A_1046 = arith.addi %broadcast_in_dim3A_1033, %shift_right_logical3A_1042 : vector<16xi32>
        %gather3A_1047 = tpu.vector_load_idx %arg10[%add3A_1046, %and3A_1045, %broadcast_in_dim3A_1036] : memref<16x8x128xf32, #tpu.memory_space<vmem>>[vector<16xi32>, vector<16xi32>, vector<16xi32>], vector<16xf32>,
        %mul3A_1048 = arith.constant 5.000000e-01 : f32
        %mul3A_1049 = vector.broadcast %mul3A_1048 : f32 to vector<16xf32>
        %mul3A_1050 = arith.mulf %gather3A_1001, %mul3A_1049 : vector<16xf32>
        %exp3A_1051 = math.exp %mul3A_1050 : vector<16xf32>
        %mul3A_1052 = arith.mulf %gather3A_1047, %exp3A_1051 : vector<16xf32>
        %add3A_1053 = arith.addf %gather3A_1000, %mul3A_1052 : vector<16xf32>
        tpu.vector_store_idx %arg11[%add3A_1046, %and3A_1045, %broadcast_in_dim3A_1036], %add3A_1053 : memref<16x8x128xf32, #tpu.memory_space<vmem>>[vector<16xi32>, vector<16xi32>, vector<16xi32>], vector<16xf32>,
        tpu.vector_store_idx %arg12[%add3A_1046, %and3A_1045, %broadcast_in_dim3A_1036], %gather3A_1000 : memref<16x8x128xf32, #tpu.memory_space<vmem>>[vector<16xi32>, vector<16xi32>, vector<16xi32>], vector<16xf32>,
        tpu.vector_store_idx %arg13[%add3A_1046, %and3A_1045, %broadcast_in_dim3A_1036], %gather3A_1001 : memref<16x8x128xf32, #tpu.memory_space<vmem>>[vector<16xi32>, vector<16xi32>, vector<16xi32>], vector<16xf32>,
        %add3A_1054 = arith.constant 16 : i32
        %add3A_1055 = vector.broadcast %add3A_1054 : i32 to vector<16xi32>
        %add3A_1056 = arith.addi %iota3A, %add3A_1055 : vector<16xi32>
        %shift_right_logical3A_1057 = arith.constant 3 : i32
        %shift_right_logical3A_1058 = vector.broadcast %shift_right_logical3A_1057 : i32 to vector<16xi32>
        %shift_right_logical3A_1059 = arith.shrui %add3A_1056, %shift_right_logical3A_1058 : vector<16xi32>
        %and3A_1060 = arith.constant 7 : i32
        %and3A_1061 = vector.broadcast %and3A_1060 : i32 to vector<16xi32>
        %and3A_1062 = arith.andi %add3A_1056, %and3A_1061 : vector<16xi32>
        %add3A_1063 = arith.addi %broadcast_in_dim3A_1033, %shift_right_logical3A_1059 : vector<16xi32>
        %gather3A_1064 = tpu.vector_load_idx %arg10[%add3A_1063, %and3A_1062, %broadcast_in_dim3A_1036] : memref<16x8x128xf32, #tpu.memory_space<vmem>>[vector<16xi32>, vector<16xi32>, vector<16xi32>], vector<16xf32>,
        %mul3A_1065 = arith.constant 5.000000e-01 : f32
        %mul3A_1066 = vector.broadcast %mul3A_1065 : f32 to vector<16xf32>
        %mul3A_1067 = arith.mulf %gather3A_1012, %mul3A_1066 : vector<16xf32>
        %exp3A_1068 = math.exp %mul3A_1067 : vector<16xf32>
        %mul3A_1069 = arith.mulf %gather3A_1064, %exp3A_1068 : vector<16xf32>
        %add3A_1070 = arith.addf %gather3A_1011, %mul3A_1069 : vector<16xf32>
        tpu.vector_store_idx %arg11[%add3A_1063, %and3A_1062, %broadcast_in_dim3A_1036], %add3A_1070 : memref<16x8x128xf32, #tpu.memory_space<vmem>>[vector<16xi32>, vector<16xi32>, vector<16xi32>], vector<16xf32>,
        tpu.vector_store_idx %arg12[%add3A_1063, %and3A_1062, %broadcast_in_dim3A_1036], %gather3A_1011 : memref<16x8x128xf32, #tpu.memory_space<vmem>>[vector<16xi32>, vector<16xi32>, vector<16xi32>], vector<16xf32>,
        tpu.vector_store_idx %arg13[%add3A_1063, %and3A_1062, %broadcast_in_dim3A_1036], %gather3A_1012 : memref<16x8x128xf32, #tpu.memory_space<vmem>>[vector<16xi32>, vector<16xi32>, vector<16xi32>], vector<16xf32>,
      } else {
      }
      %lt3A_934 = arith.constant 4 : i32
      %lt3A_935 = arith.cmpi slt, %add3A_926, %lt3A_934 : i32
      %convert_element_type3A_936 = arith.extui %lt3A_935 : i1 to i32
      %cond3A_937 = arith.constant 0 : i32
      %cond3A_938 = arith.cmpi ne, %convert_element_type3A_936, %cond3A_937 : i32
      scf.if %cond3A_938 {
        %shift_right_arithmetic3A = arith.constant 7 : i32
        %shift_right_arithmetic3A_971 = arith.shrsi %squeeze3A_928, %shift_right_arithmetic3A : i32
        %mul3A_972 = arith.constant 128 : i32
        %mul3A_973 = arith.muli %shift_right_arithmetic3A_971, %mul3A_972 : i32
        %multiple_of3A_974 = tpu.assume_multiple %mul3A_973, 128 : i32
        %dma_start3A_975 = arith.constant 0 : i32
        %dma_start3A_976 = arith.constant 0 : i32
        %dma_start3A_977 = tpu.memref_slice %arg4[%dma_start3A_975, %dma_start3A_976, %multiple_of3A_974] : memref<4x8x1000000xf32, #tpu.memory_space<hbm>> -> memref<4x8x128xf32, #tpu.memory_space<hbm>>
        %dma_start3A_978 = arith.constant 0 : i32
        %dma_start3A_979 = arith.constant 0 : i32
        %dma_start3A_980 = tpu.memref_slice %arg4[%dma_start3A_978, %dma_start3A_979, %multiple_of3A_974] : memref<4x8x1000000xf32, #tpu.memory_space<hbm>> -> memref<4x8x128xf32, #tpu.memory_space<hbm>>
        tpu.enqueue_dma source(%dma_start3A_980 : memref<4x8x128xf32, #tpu.memory_space<hbm>>) target(%arg15 : memref<4x8x128xf32, #tpu.memory_space<vmem>>) target_semaphore(%arg25 : memref<!tpu.dma_semaphore, #tpu.memory_space<semaphore_mem>>)
        %dma_start3A_981 = arith.constant 0 : i32
        %dma_start3A_982 = arith.constant 0 : i32
        %dma_start3A_983 = tpu.memref_slice %arg5[%dma_start3A_981, %dma_start3A_982, %multiple_of3A_974] : memref<4x8x1000000xf32, #tpu.memory_space<hbm>> -> memref<4x8x128xf32, #tpu.memory_space<hbm>>
        %dma_start3A_984 = arith.constant 0 : i32
        %dma_start3A_985 = arith.constant 0 : i32
        %dma_start3A_986 = tpu.memref_slice %arg5[%dma_start3A_984, %dma_start3A_985, %multiple_of3A_974] : memref<4x8x1000000xf32, #tpu.memory_space<hbm>> -> memref<4x8x128xf32, #tpu.memory_space<hbm>>
        tpu.enqueue_dma source(%dma_start3A_986 : memref<4x8x128xf32, #tpu.memory_space<hbm>>) target(%arg19 : memref<4x8x128xf32, #tpu.memory_space<vmem>>) target_semaphore(%arg29 : memref<!tpu.dma_semaphore, #tpu.memory_space<semaphore_mem>>)
      } else {
      }
      %mul3A_939 = arith.constant 16 : i32
      %mul3A_940 = arith.muli %scan3A_713, %mul3A_939 : i32
      %add3A_941 = arith.constant 14 : i32
      %add3A_942 = arith.addi %mul3A_940, %add3A_941 : i32
      %slice3A_943 = vector.extract_strided_slice %get3A_720 {offsets = [14], sizes = [1], strides = [1]} : vector<16xi32> to vector<1xi32>
      %squeeze3A_944 = vector.extract %slice3A_943[0] : i32 from vector<1xi32>
      %ge3A_945 = arith.constant 4 : i32
      %ge3A_946 = arith.cmpi sge, %add3A_942, %ge3A_945 : i32
      %convert_element_type3A_947 = arith.extui %ge3A_946 : i1 to i32
      %cond3A_948 = arith.constant 0 : i32
      %cond3A_949 = arith.cmpi ne, %convert_element_type3A_947, %cond3A_948 : i32
      scf.if %cond3A_949 {
        %dma_wait3A_971 = arith.constant 0 : i32
        %dma_wait3A_972 = arith.constant 0 : i32
        %dma_wait3A_973 = arith.constant 0 : i32
        %dma_wait3A_974 = tpu.memref_slice %arg4[%dma_wait3A_971, %dma_wait3A_972, %dma_wait3A_973] : memref<4x8x1000000xf32, #tpu.memory_space<hbm>> -> memref<4x8x128xf32, #tpu.memory_space<hbm>>
        %dma_wait3A_975 = arith.constant 0 : i32
        %dma_wait3A_976 = arith.constant 0 : i32
        %dma_wait3A_977 = arith.constant 0 : i32
        %dma_wait3A_978 = tpu.memref_slice %arg4[%dma_wait3A_975, %dma_wait3A_976, %dma_wait3A_977] : memref<4x8x1000000xf32, #tpu.memory_space<hbm>> -> memref<4x8x128xf32, #tpu.memory_space<hbm>>
        tpu.wait_dma2 semaphore(%arg26 : memref<!tpu.dma_semaphore, #tpu.memory_space<semaphore_mem>>) src(%dma_wait3A_978 : memref<4x8x128xf32, #tpu.memory_space<hbm>>) dst(%arg16 : memref<4x8x128xf32, #tpu.memory_space<vmem>>)
        %dma_wait3A_979 = arith.constant 0 : i32
        %dma_wait3A_980 = arith.constant 0 : i32
        %dma_wait3A_981 = arith.constant 0 : i32
        %dma_wait3A_982 = tpu.memref_slice %arg5[%dma_wait3A_979, %dma_wait3A_980, %dma_wait3A_981] : memref<4x8x1000000xf32, #tpu.memory_space<hbm>> -> memref<4x8x128xf32, #tpu.memory_space<hbm>>
        %dma_wait3A_983 = arith.constant 0 : i32
        %dma_wait3A_984 = arith.constant 0 : i32
        %dma_wait3A_985 = arith.constant 0 : i32
        %dma_wait3A_986 = tpu.memref_slice %arg5[%dma_wait3A_983, %dma_wait3A_984, %dma_wait3A_985] : memref<4x8x1000000xf32, #tpu.memory_space<hbm>> -> memref<4x8x128xf32, #tpu.memory_space<hbm>>
        tpu.wait_dma2 semaphore(%arg30 : memref<!tpu.dma_semaphore, #tpu.memory_space<semaphore_mem>>) src(%dma_wait3A_986 : memref<4x8x128xf32, #tpu.memory_space<hbm>>) dst(%arg20 : memref<4x8x128xf32, #tpu.memory_space<vmem>>)
        %sub3A = arith.constant 4 : i32
        %sub3A_987 = arith.subi %add3A_942, %sub3A : i32
        %and3A_988 = arith.constant 127 : i32
        %and3A_989 = arith.andi %squeeze3A_880, %and3A_988 : i32
        %broadcast_in_dim3A_990 = vector.broadcast %and3A_989 : i32 to vector<16xi32>
        %add3A_991 = arith.constant 0 : i32
        %add3A_992 = vector.broadcast %add3A_991 : i32 to vector<16xi32>
        %add3A_993 = arith.addi %iota3A, %add3A_992 : vector<16xi32>
        %shift_right_logical3A_994 = arith.constant 3 : i32
        %shift_right_logical3A_995 = vector.broadcast %shift_right_logical3A_994 : i32 to vector<16xi32>
        %shift_right_logical3A_996 = arith.shrui %add3A_993, %shift_right_logical3A_995 : vector<16xi32>
        %and3A_997 = arith.constant 7 : i32
        %and3A_998 = vector.broadcast %and3A_997 : i32 to vector<16xi32>
        %and3A_999 = arith.andi %add3A_993, %and3A_998 : vector<16xi32>
        %gather3A_1000 = tpu.vector_load_idx %arg16[%shift_right_logical3A_996, %and3A_999, %broadcast_in_dim3A_990] : memref<4x8x128xf32, #tpu.memory_space<vmem>>[vector<16xi32>, vector<16xi32>, vector<16xi32>], vector<16xf32>,
        %gather3A_1001 = tpu.vector_load_idx %arg20[%shift_right_logical3A_996, %and3A_999, %broadcast_in_dim3A_990] : memref<4x8x128xf32, #tpu.memory_space<vmem>>[vector<16xi32>, vector<16xi32>, vector<16xi32>], vector<16xf32>,
        %add3A_1002 = arith.constant 16 : i32
        %add3A_1003 = vector.broadcast %add3A_1002 : i32 to vector<16xi32>
        %add3A_1004 = arith.addi %iota3A, %add3A_1003 : vector<16xi32>
        %shift_right_logical3A_1005 = arith.constant 3 : i32
        %shift_right_logical3A_1006 = vector.broadcast %shift_right_logical3A_1005 : i32 to vector<16xi32>
        %shift_right_logical3A_1007 = arith.shrui %add3A_1004, %shift_right_logical3A_1006 : vector<16xi32>
        %and3A_1008 = arith.constant 7 : i32
        %and3A_1009 = vector.broadcast %and3A_1008 : i32 to vector<16xi32>
        %and3A_1010 = arith.andi %add3A_1004, %and3A_1009 : vector<16xi32>
        %gather3A_1011 = tpu.vector_load_idx %arg16[%shift_right_logical3A_1007, %and3A_1010, %broadcast_in_dim3A_990] : memref<4x8x128xf32, #tpu.memory_space<vmem>>[vector<16xi32>, vector<16xi32>, vector<16xi32>], vector<16xf32>,
        %gather3A_1012 = tpu.vector_load_idx %arg20[%shift_right_logical3A_1007, %and3A_1010, %broadcast_in_dim3A_990] : memref<4x8x128xf32, #tpu.memory_space<vmem>>[vector<16xi32>, vector<16xi32>, vector<16xi32>], vector<16xf32>,
        %shift_right_arithmetic3A = arith.constant 7 : i32
        %shift_right_arithmetic3A_1013 = arith.shrsi %squeeze3A_944, %shift_right_arithmetic3A : i32
        %mul3A_1014 = arith.constant 128 : i32
        %mul3A_1015 = arith.muli %shift_right_arithmetic3A_1013, %mul3A_1014 : i32
        %multiple_of3A_1016 = tpu.assume_multiple %mul3A_1015, 128 : i32
        %dma_start3A_1017 = arith.constant 0 : i32
        %dma_start3A_1018 = arith.constant 0 : i32
        %dma_start3A_1019 = tpu.memref_slice %arg4[%dma_start3A_1017, %dma_start3A_1018, %multiple_of3A_1016] : memref<4x8x1000000xf32, #tpu.memory_space<hbm>> -> memref<4x8x128xf32, #tpu.memory_space<hbm>>
        %dma_start3A_1020 = arith.constant 0 : i32
        %dma_start3A_1021 = arith.constant 0 : i32
        %dma_start3A_1022 = tpu.memref_slice %arg4[%dma_start3A_1020, %dma_start3A_1021, %multiple_of3A_1016] : memref<4x8x1000000xf32, #tpu.memory_space<hbm>> -> memref<4x8x128xf32, #tpu.memory_space<hbm>>
        tpu.enqueue_dma source(%dma_start3A_1022 : memref<4x8x128xf32, #tpu.memory_space<hbm>>) target(%arg16 : memref<4x8x128xf32, #tpu.memory_space<vmem>>) target_semaphore(%arg26 : memref<!tpu.dma_semaphore, #tpu.memory_space<semaphore_mem>>)
        %dma_start3A_1023 = arith.constant 0 : i32
        %dma_start3A_1024 = arith.constant 0 : i32
        %dma_start3A_1025 = tpu.memref_slice %arg5[%dma_start3A_1023, %dma_start3A_1024, %multiple_of3A_1016] : memref<4x8x1000000xf32, #tpu.memory_space<hbm>> -> memref<4x8x128xf32, #tpu.memory_space<hbm>>
        %dma_start3A_1026 = arith.constant 0 : i32
        %dma_start3A_1027 = arith.constant 0 : i32
        %dma_start3A_1028 = tpu.memref_slice %arg5[%dma_start3A_1026, %dma_start3A_1027, %multiple_of3A_1016] : memref<4x8x1000000xf32, #tpu.memory_space<hbm>> -> memref<4x8x128xf32, #tpu.memory_space<hbm>>
        tpu.enqueue_dma source(%dma_start3A_1028 : memref<4x8x128xf32, #tpu.memory_space<hbm>>) target(%arg20 : memref<4x8x128xf32, #tpu.memory_space<vmem>>) target_semaphore(%arg30 : memref<!tpu.dma_semaphore, #tpu.memory_space<semaphore_mem>>)
        %shift_right_arithmetic3A_1029 = arith.constant 7 : i32
        %shift_right_arithmetic3A_1030 = arith.shrsi %sub3A_987, %shift_right_arithmetic3A_1029 : i32
        %mul3A_1031 = arith.constant 4 : i32
        %mul3A_1032 = arith.muli %shift_right_arithmetic3A_1030, %mul3A_1031 : i32
        %broadcast_in_dim3A_1033 = vector.broadcast %mul3A_1032 : i32 to vector<16xi32>
        %and3A_1034 = arith.constant 127 : i32
        %and3A_1035 = arith.andi %sub3A_987, %and3A_1034 : i32
        %broadcast_in_dim3A_1036 = vector.broadcast %and3A_1035 : i32 to vector<16xi32>
        %add3A_1037 = arith.constant 0 : i32
        %add3A_1038 = vector.broadcast %add3A_1037 : i32 to vector<16xi32>
        %add3A_1039 = arith.addi %iota3A, %add3A_1038 : vector<16xi32>
        %shift_right_logical3A_1040 = arith.constant 3 : i32
        %shift_right_logical3A_1041 = vector.broadcast %shift_right_logical3A_1040 : i32 to vector<16xi32>
        %shift_right_logical3A_1042 = arith.shrui %add3A_1039, %shift_right_logical3A_1041 : vector<16xi32>
        %and3A_1043 = arith.constant 7 : i32
        %and3A_1044 = vector.broadcast %and3A_1043 : i32 to vector<16xi32>
        %and3A_1045 = arith.andi %add3A_1039, %and3A_1044 : vector<16xi32>
        %add3A_1046 = arith.addi %broadcast_in_dim3A_1033, %shift_right_logical3A_1042 : vector<16xi32>
        %gather3A_1047 = tpu.vector_load_idx %arg10[%add3A_1046, %and3A_1045, %broadcast_in_dim3A_1036] : memref<16x8x128xf32, #tpu.memory_space<vmem>>[vector<16xi32>, vector<16xi32>, vector<16xi32>], vector<16xf32>,
        %mul3A_1048 = arith.constant 5.000000e-01 : f32
        %mul3A_1049 = vector.broadcast %mul3A_1048 : f32 to vector<16xf32>
        %mul3A_1050 = arith.mulf %gather3A_1001, %mul3A_1049 : vector<16xf32>
        %exp3A_1051 = math.exp %mul3A_1050 : vector<16xf32>
        %mul3A_1052 = arith.mulf %gather3A_1047, %exp3A_1051 : vector<16xf32>
        %add3A_1053 = arith.addf %gather3A_1000, %mul3A_1052 : vector<16xf32>
        tpu.vector_store_idx %arg11[%add3A_1046, %and3A_1045, %broadcast_in_dim3A_1036], %add3A_1053 : memref<16x8x128xf32, #tpu.memory_space<vmem>>[vector<16xi32>, vector<16xi32>, vector<16xi32>], vector<16xf32>,
        tpu.vector_store_idx %arg12[%add3A_1046, %and3A_1045, %broadcast_in_dim3A_1036], %gather3A_1000 : memref<16x8x128xf32, #tpu.memory_space<vmem>>[vector<16xi32>, vector<16xi32>, vector<16xi32>], vector<16xf32>,
        tpu.vector_store_idx %arg13[%add3A_1046, %and3A_1045, %broadcast_in_dim3A_1036], %gather3A_1001 : memref<16x8x128xf32, #tpu.memory_space<vmem>>[vector<16xi32>, vector<16xi32>, vector<16xi32>], vector<16xf32>,
        %add3A_1054 = arith.constant 16 : i32
        %add3A_1055 = vector.broadcast %add3A_1054 : i32 to vector<16xi32>
        %add3A_1056 = arith.addi %iota3A, %add3A_1055 : vector<16xi32>
        %shift_right_logical3A_1057 = arith.constant 3 : i32
        %shift_right_logical3A_1058 = vector.broadcast %shift_right_logical3A_1057 : i32 to vector<16xi32>
        %shift_right_logical3A_1059 = arith.shrui %add3A_1056, %shift_right_logical3A_1058 : vector<16xi32>
        %and3A_1060 = arith.constant 7 : i32
        %and3A_1061 = vector.broadcast %and3A_1060 : i32 to vector<16xi32>
        %and3A_1062 = arith.andi %add3A_1056, %and3A_1061 : vector<16xi32>
        %add3A_1063 = arith.addi %broadcast_in_dim3A_1033, %shift_right_logical3A_1059 : vector<16xi32>
        %gather3A_1064 = tpu.vector_load_idx %arg10[%add3A_1063, %and3A_1062, %broadcast_in_dim3A_1036] : memref<16x8x128xf32, #tpu.memory_space<vmem>>[vector<16xi32>, vector<16xi32>, vector<16xi32>], vector<16xf32>,
        %mul3A_1065 = arith.constant 5.000000e-01 : f32
        %mul3A_1066 = vector.broadcast %mul3A_1065 : f32 to vector<16xf32>
        %mul3A_1067 = arith.mulf %gather3A_1012, %mul3A_1066 : vector<16xf32>
        %exp3A_1068 = math.exp %mul3A_1067 : vector<16xf32>
        %mul3A_1069 = arith.mulf %gather3A_1064, %exp3A_1068 : vector<16xf32>
        %add3A_1070 = arith.addf %gather3A_1011, %mul3A_1069 : vector<16xf32>
        tpu.vector_store_idx %arg11[%add3A_1063, %and3A_1062, %broadcast_in_dim3A_1036], %add3A_1070 : memref<16x8x128xf32, #tpu.memory_space<vmem>>[vector<16xi32>, vector<16xi32>, vector<16xi32>], vector<16xf32>,
        tpu.vector_store_idx %arg12[%add3A_1063, %and3A_1062, %broadcast_in_dim3A_1036], %gather3A_1011 : memref<16x8x128xf32, #tpu.memory_space<vmem>>[vector<16xi32>, vector<16xi32>, vector<16xi32>], vector<16xf32>,
        tpu.vector_store_idx %arg13[%add3A_1063, %and3A_1062, %broadcast_in_dim3A_1036], %gather3A_1012 : memref<16x8x128xf32, #tpu.memory_space<vmem>>[vector<16xi32>, vector<16xi32>, vector<16xi32>], vector<16xf32>,
      } else {
      }
      %lt3A_950 = arith.constant 4 : i32
      %lt3A_951 = arith.cmpi slt, %add3A_942, %lt3A_950 : i32
      %convert_element_type3A_952 = arith.extui %lt3A_951 : i1 to i32
      %cond3A_953 = arith.constant 0 : i32
      %cond3A_954 = arith.cmpi ne, %convert_element_type3A_952, %cond3A_953 : i32
      scf.if %cond3A_954 {
        %shift_right_arithmetic3A = arith.constant 7 : i32
        %shift_right_arithmetic3A_971 = arith.shrsi %squeeze3A_944, %shift_right_arithmetic3A : i32
        %mul3A_972 = arith.constant 128 : i32
        %mul3A_973 = arith.muli %shift_right_arithmetic3A_971, %mul3A_972 : i32
        %multiple_of3A_974 = tpu.assume_multiple %mul3A_973, 128 : i32
        %dma_start3A_975 = arith.constant 0 : i32
        %dma_start3A_976 = arith.constant 0 : i32
        %dma_start3A_977 = tpu.memref_slice %arg4[%dma_start3A_975, %dma_start3A_976, %multiple_of3A_974] : memref<4x8x1000000xf32, #tpu.memory_space<hbm>> -> memref<4x8x128xf32, #tpu.memory_space<hbm>>
        %dma_start3A_978 = arith.constant 0 : i32
        %dma_start3A_979 = arith.constant 0 : i32
        %dma_start3A_980 = tpu.memref_slice %arg4[%dma_start3A_978, %dma_start3A_979, %multiple_of3A_974] : memref<4x8x1000000xf32, #tpu.memory_space<hbm>> -> memref<4x8x128xf32, #tpu.memory_space<hbm>>
        tpu.enqueue_dma source(%dma_start3A_980 : memref<4x8x128xf32, #tpu.memory_space<hbm>>) target(%arg16 : memref<4x8x128xf32, #tpu.memory_space<vmem>>) target_semaphore(%arg26 : memref<!tpu.dma_semaphore, #tpu.memory_space<semaphore_mem>>)
        %dma_start3A_981 = arith.constant 0 : i32
        %dma_start3A_982 = arith.constant 0 : i32
        %dma_start3A_983 = tpu.memref_slice %arg5[%dma_start3A_981, %dma_start3A_982, %multiple_of3A_974] : memref<4x8x1000000xf32, #tpu.memory_space<hbm>> -> memref<4x8x128xf32, #tpu.memory_space<hbm>>
        %dma_start3A_984 = arith.constant 0 : i32
        %dma_start3A_985 = arith.constant 0 : i32
        %dma_start3A_986 = tpu.memref_slice %arg5[%dma_start3A_984, %dma_start3A_985, %multiple_of3A_974] : memref<4x8x1000000xf32, #tpu.memory_space<hbm>> -> memref<4x8x128xf32, #tpu.memory_space<hbm>>
        tpu.enqueue_dma source(%dma_start3A_986 : memref<4x8x128xf32, #tpu.memory_space<hbm>>) target(%arg20 : memref<4x8x128xf32, #tpu.memory_space<vmem>>) target_semaphore(%arg30 : memref<!tpu.dma_semaphore, #tpu.memory_space<semaphore_mem>>)
      } else {
      }
      %mul3A_955 = arith.constant 16 : i32
      %mul3A_956 = arith.muli %scan3A_713, %mul3A_955 : i32
      %add3A_957 = arith.constant 15 : i32
      %add3A_958 = arith.addi %mul3A_956, %add3A_957 : i32
      %slice3A_959 = vector.extract_strided_slice %get3A_720 {offsets = [15], sizes = [1], strides = [1]} : vector<16xi32> to vector<1xi32>
      %squeeze3A_960 = vector.extract %slice3A_959[0] : i32 from vector<1xi32>
      %ge3A_961 = arith.constant 4 : i32
      %ge3A_962 = arith.cmpi sge, %add3A_958, %ge3A_961 : i32
      %convert_element_type3A_963 = arith.extui %ge3A_962 : i1 to i32
      %cond3A_964 = arith.constant 0 : i32
      %cond3A_965 = arith.cmpi ne, %convert_element_type3A_963, %cond3A_964 : i32
      scf.if %cond3A_965 {
        %dma_wait3A_971 = arith.constant 0 : i32
        %dma_wait3A_972 = arith.constant 0 : i32
        %dma_wait3A_973 = arith.constant 0 : i32
        %dma_wait3A_974 = tpu.memref_slice %arg4[%dma_wait3A_971, %dma_wait3A_972, %dma_wait3A_973] : memref<4x8x1000000xf32, #tpu.memory_space<hbm>> -> memref<4x8x128xf32, #tpu.memory_space<hbm>>
        %dma_wait3A_975 = arith.constant 0 : i32
        %dma_wait3A_976 = arith.constant 0 : i32
        %dma_wait3A_977 = arith.constant 0 : i32
        %dma_wait3A_978 = tpu.memref_slice %arg4[%dma_wait3A_975, %dma_wait3A_976, %dma_wait3A_977] : memref<4x8x1000000xf32, #tpu.memory_space<hbm>> -> memref<4x8x128xf32, #tpu.memory_space<hbm>>
        tpu.wait_dma2 semaphore(%arg27 : memref<!tpu.dma_semaphore, #tpu.memory_space<semaphore_mem>>) src(%dma_wait3A_978 : memref<4x8x128xf32, #tpu.memory_space<hbm>>) dst(%arg17 : memref<4x8x128xf32, #tpu.memory_space<vmem>>)
        %dma_wait3A_979 = arith.constant 0 : i32
        %dma_wait3A_980 = arith.constant 0 : i32
        %dma_wait3A_981 = arith.constant 0 : i32
        %dma_wait3A_982 = tpu.memref_slice %arg5[%dma_wait3A_979, %dma_wait3A_980, %dma_wait3A_981] : memref<4x8x1000000xf32, #tpu.memory_space<hbm>> -> memref<4x8x128xf32, #tpu.memory_space<hbm>>
        %dma_wait3A_983 = arith.constant 0 : i32
        %dma_wait3A_984 = arith.constant 0 : i32
        %dma_wait3A_985 = arith.constant 0 : i32
        %dma_wait3A_986 = tpu.memref_slice %arg5[%dma_wait3A_983, %dma_wait3A_984, %dma_wait3A_985] : memref<4x8x1000000xf32, #tpu.memory_space<hbm>> -> memref<4x8x128xf32, #tpu.memory_space<hbm>>
        tpu.wait_dma2 semaphore(%arg31 : memref<!tpu.dma_semaphore, #tpu.memory_space<semaphore_mem>>) src(%dma_wait3A_986 : memref<4x8x128xf32, #tpu.memory_space<hbm>>) dst(%arg21 : memref<4x8x128xf32, #tpu.memory_space<vmem>>)
        %sub3A = arith.constant 4 : i32
        %sub3A_987 = arith.subi %add3A_958, %sub3A : i32
        %and3A_988 = arith.constant 127 : i32
        %and3A_989 = arith.andi %squeeze3A_896, %and3A_988 : i32
        %broadcast_in_dim3A_990 = vector.broadcast %and3A_989 : i32 to vector<16xi32>
        %add3A_991 = arith.constant 0 : i32
        %add3A_992 = vector.broadcast %add3A_991 : i32 to vector<16xi32>
        %add3A_993 = arith.addi %iota3A, %add3A_992 : vector<16xi32>
        %shift_right_logical3A_994 = arith.constant 3 : i32
        %shift_right_logical3A_995 = vector.broadcast %shift_right_logical3A_994 : i32 to vector<16xi32>
        %shift_right_logical3A_996 = arith.shrui %add3A_993, %shift_right_logical3A_995 : vector<16xi32>
        %and3A_997 = arith.constant 7 : i32
        %and3A_998 = vector.broadcast %and3A_997 : i32 to vector<16xi32>
        %and3A_999 = arith.andi %add3A_993, %and3A_998 : vector<16xi32>
        %gather3A_1000 = tpu.vector_load_idx %arg17[%shift_right_logical3A_996, %and3A_999, %broadcast_in_dim3A_990] : memref<4x8x128xf32, #tpu.memory_space<vmem>>[vector<16xi32>, vector<16xi32>, vector<16xi32>], vector<16xf32>,
        %gather3A_1001 = tpu.vector_load_idx %arg21[%shift_right_logical3A_996, %and3A_999, %broadcast_in_dim3A_990] : memref<4x8x128xf32, #tpu.memory_space<vmem>>[vector<16xi32>, vector<16xi32>, vector<16xi32>], vector<16xf32>,
        %add3A_1002 = arith.constant 16 : i32
        %add3A_1003 = vector.broadcast %add3A_1002 : i32 to vector<16xi32>
        %add3A_1004 = arith.addi %iota3A, %add3A_1003 : vector<16xi32>
        %shift_right_logical3A_1005 = arith.constant 3 : i32
        %shift_right_logical3A_1006 = vector.broadcast %shift_right_logical3A_1005 : i32 to vector<16xi32>
        %shift_right_logical3A_1007 = arith.shrui %add3A_1004, %shift_right_logical3A_1006 : vector<16xi32>
        %and3A_1008 = arith.constant 7 : i32
        %and3A_1009 = vector.broadcast %and3A_1008 : i32 to vector<16xi32>
        %and3A_1010 = arith.andi %add3A_1004, %and3A_1009 : vector<16xi32>
        %gather3A_1011 = tpu.vector_load_idx %arg17[%shift_right_logical3A_1007, %and3A_1010, %broadcast_in_dim3A_990] : memref<4x8x128xf32, #tpu.memory_space<vmem>>[vector<16xi32>, vector<16xi32>, vector<16xi32>], vector<16xf32>,
        %gather3A_1012 = tpu.vector_load_idx %arg21[%shift_right_logical3A_1007, %and3A_1010, %broadcast_in_dim3A_990] : memref<4x8x128xf32, #tpu.memory_space<vmem>>[vector<16xi32>, vector<16xi32>, vector<16xi32>], vector<16xf32>,
        %shift_right_arithmetic3A = arith.constant 7 : i32
        %shift_right_arithmetic3A_1013 = arith.shrsi %squeeze3A_960, %shift_right_arithmetic3A : i32
        %mul3A_1014 = arith.constant 128 : i32
        %mul3A_1015 = arith.muli %shift_right_arithmetic3A_1013, %mul3A_1014 : i32
        %multiple_of3A_1016 = tpu.assume_multiple %mul3A_1015, 128 : i32
        %dma_start3A_1017 = arith.constant 0 : i32
        %dma_start3A_1018 = arith.constant 0 : i32
        %dma_start3A_1019 = tpu.memref_slice %arg4[%dma_start3A_1017, %dma_start3A_1018, %multiple_of3A_1016] : memref<4x8x1000000xf32, #tpu.memory_space<hbm>> -> memref<4x8x128xf32, #tpu.memory_space<hbm>>
        %dma_start3A_1020 = arith.constant 0 : i32
        %dma_start3A_1021 = arith.constant 0 : i32
        %dma_start3A_1022 = tpu.memref_slice %arg4[%dma_start3A_1020, %dma_start3A_1021, %multiple_of3A_1016] : memref<4x8x1000000xf32, #tpu.memory_space<hbm>> -> memref<4x8x128xf32, #tpu.memory_space<hbm>>
        tpu.enqueue_dma source(%dma_start3A_1022 : memref<4x8x128xf32, #tpu.memory_space<hbm>>) target(%arg17 : memref<4x8x128xf32, #tpu.memory_space<vmem>>) target_semaphore(%arg27 : memref<!tpu.dma_semaphore, #tpu.memory_space<semaphore_mem>>)
        %dma_start3A_1023 = arith.constant 0 : i32
        %dma_start3A_1024 = arith.constant 0 : i32
        %dma_start3A_1025 = tpu.memref_slice %arg5[%dma_start3A_1023, %dma_start3A_1024, %multiple_of3A_1016] : memref<4x8x1000000xf32, #tpu.memory_space<hbm>> -> memref<4x8x128xf32, #tpu.memory_space<hbm>>
        %dma_start3A_1026 = arith.constant 0 : i32
        %dma_start3A_1027 = arith.constant 0 : i32
        %dma_start3A_1028 = tpu.memref_slice %arg5[%dma_start3A_1026, %dma_start3A_1027, %multiple_of3A_1016] : memref<4x8x1000000xf32, #tpu.memory_space<hbm>> -> memref<4x8x128xf32, #tpu.memory_space<hbm>>
        tpu.enqueue_dma source(%dma_start3A_1028 : memref<4x8x128xf32, #tpu.memory_space<hbm>>) target(%arg21 : memref<4x8x128xf32, #tpu.memory_space<vmem>>) target_semaphore(%arg31 : memref<!tpu.dma_semaphore, #tpu.memory_space<semaphore_mem>>)
        %shift_right_arithmetic3A_1029 = arith.constant 7 : i32
        %shift_right_arithmetic3A_1030 = arith.shrsi %sub3A_987, %shift_right_arithmetic3A_1029 : i32
        %mul3A_1031 = arith.constant 4 : i32
        %mul3A_1032 = arith.muli %shift_right_arithmetic3A_1030, %mul3A_1031 : i32
        %broadcast_in_dim3A_1033 = vector.broadcast %mul3A_1032 : i32 to vector<16xi32>
        %and3A_1034 = arith.constant 127 : i32
        %and3A_1035 = arith.andi %sub3A_987, %and3A_1034 : i32
        %broadcast_in_dim3A_1036 = vector.broadcast %and3A_1035 : i32 to vector<16xi32>
        %add3A_1037 = arith.constant 0 : i32
        %add3A_1038 = vector.broadcast %add3A_1037 : i32 to vector<16xi32>
        %add3A_1039 = arith.addi %iota3A, %add3A_1038 : vector<16xi32>
        %shift_right_logical3A_1040 = arith.constant 3 : i32
        %shift_right_logical3A_1041 = vector.broadcast %shift_right_logical3A_1040 : i32 to vector<16xi32>
        %shift_right_logical3A_1042 = arith.shrui %add3A_1039, %shift_right_logical3A_1041 : vector<16xi32>
        %and3A_1043 = arith.constant 7 : i32
        %and3A_1044 = vector.broadcast %and3A_1043 : i32 to vector<16xi32>
        %and3A_1045 = arith.andi %add3A_1039, %and3A_1044 : vector<16xi32>
        %add3A_1046 = arith.addi %broadcast_in_dim3A_1033, %shift_right_logical3A_1042 : vector<16xi32>
        %gather3A_1047 = tpu.vector_load_idx %arg10[%add3A_1046, %and3A_1045, %broadcast_in_dim3A_1036] : memref<16x8x128xf32, #tpu.memory_space<vmem>>[vector<16xi32>, vector<16xi32>, vector<16xi32>], vector<16xf32>,
        %mul3A_1048 = arith.constant 5.000000e-01 : f32
        %mul3A_1049 = vector.broadcast %mul3A_1048 : f32 to vector<16xf32>
        %mul3A_1050 = arith.mulf %gather3A_1001, %mul3A_1049 : vector<16xf32>
        %exp3A_1051 = math.exp %mul3A_1050 : vector<16xf32>
        %mul3A_1052 = arith.mulf %gather3A_1047, %exp3A_1051 : vector<16xf32>
        %add3A_1053 = arith.addf %gather3A_1000, %mul3A_1052 : vector<16xf32>
        tpu.vector_store_idx %arg11[%add3A_1046, %and3A_1045, %broadcast_in_dim3A_1036], %add3A_1053 : memref<16x8x128xf32, #tpu.memory_space<vmem>>[vector<16xi32>, vector<16xi32>, vector<16xi32>], vector<16xf32>,
        tpu.vector_store_idx %arg12[%add3A_1046, %and3A_1045, %broadcast_in_dim3A_1036], %gather3A_1000 : memref<16x8x128xf32, #tpu.memory_space<vmem>>[vector<16xi32>, vector<16xi32>, vector<16xi32>], vector<16xf32>,
        tpu.vector_store_idx %arg13[%add3A_1046, %and3A_1045, %broadcast_in_dim3A_1036], %gather3A_1001 : memref<16x8x128xf32, #tpu.memory_space<vmem>>[vector<16xi32>, vector<16xi32>, vector<16xi32>], vector<16xf32>,
        %add3A_1054 = arith.constant 16 : i32
        %add3A_1055 = vector.broadcast %add3A_1054 : i32 to vector<16xi32>
        %add3A_1056 = arith.addi %iota3A, %add3A_1055 : vector<16xi32>
        %shift_right_logical3A_1057 = arith.constant 3 : i32
        %shift_right_logical3A_1058 = vector.broadcast %shift_right_logical3A_1057 : i32 to vector<16xi32>
        %shift_right_logical3A_1059 = arith.shrui %add3A_1056, %shift_right_logical3A_1058 : vector<16xi32>
        %and3A_1060 = arith.constant 7 : i32
        %and3A_1061 = vector.broadcast %and3A_1060 : i32 to vector<16xi32>
        %and3A_1062 = arith.andi %add3A_1056, %and3A_1061 : vector<16xi32>
        %add3A_1063 = arith.addi %broadcast_in_dim3A_1033, %shift_right_logical3A_1059 : vector<16xi32>
        %gather3A_1064 = tpu.vector_load_idx %arg10[%add3A_1063, %and3A_1062, %broadcast_in_dim3A_1036] : memref<16x8x128xf32, #tpu.memory_space<vmem>>[vector<16xi32>, vector<16xi32>, vector<16xi32>], vector<16xf32>,
        %mul3A_1065 = arith.constant 5.000000e-01 : f32
        %mul3A_1066 = vector.broadcast %mul3A_1065 : f32 to vector<16xf32>
        %mul3A_1067 = arith.mulf %gather3A_1012, %mul3A_1066 : vector<16xf32>
        %exp3A_1068 = math.exp %mul3A_1067 : vector<16xf32>
        %mul3A_1069 = arith.mulf %gather3A_1064, %exp3A_1068 : vector<16xf32>
        %add3A_1070 = arith.addf %gather3A_1011, %mul3A_1069 : vector<16xf32>
        tpu.vector_store_idx %arg11[%add3A_1063, %and3A_1062, %broadcast_in_dim3A_1036], %add3A_1070 : memref<16x8x128xf32, #tpu.memory_space<vmem>>[vector<16xi32>, vector<16xi32>, vector<16xi32>], vector<16xf32>,
        tpu.vector_store_idx %arg12[%add3A_1063, %and3A_1062, %broadcast_in_dim3A_1036], %gather3A_1011 : memref<16x8x128xf32, #tpu.memory_space<vmem>>[vector<16xi32>, vector<16xi32>, vector<16xi32>], vector<16xf32>,
        tpu.vector_store_idx %arg13[%add3A_1063, %and3A_1062, %broadcast_in_dim3A_1036], %gather3A_1012 : memref<16x8x128xf32, #tpu.memory_space<vmem>>[vector<16xi32>, vector<16xi32>, vector<16xi32>], vector<16xf32>,
      } else {
      }
      %lt3A_966 = arith.constant 4 : i32
      %lt3A_967 = arith.cmpi slt, %add3A_958, %lt3A_966 : i32
      %convert_element_type3A_968 = arith.extui %lt3A_967 : i1 to i32
      %cond3A_969 = arith.constant 0 : i32
      %cond3A_970 = arith.cmpi ne, %convert_element_type3A_968, %cond3A_969 : i32
      scf.if %cond3A_970 {
        %shift_right_arithmetic3A = arith.constant 7 : i32
        %shift_right_arithmetic3A_971 = arith.shrsi %squeeze3A_960, %shift_right_arithmetic3A : i32
        %mul3A_972 = arith.constant 128 : i32
        %mul3A_973 = arith.muli %shift_right_arithmetic3A_971, %mul3A_972 : i32
        %multiple_of3A_974 = tpu.assume_multiple %mul3A_973, 128 : i32
        %dma_start3A_975 = arith.constant 0 : i32
        %dma_start3A_976 = arith.constant 0 : i32
        %dma_start3A_977 = tpu.memref_slice %arg4[%dma_start3A_975, %dma_start3A_976, %multiple_of3A_974] : memref<4x8x1000000xf32, #tpu.memory_space<hbm>> -> memref<4x8x128xf32, #tpu.memory_space<hbm>>
        %dma_start3A_978 = arith.constant 0 : i32
        %dma_start3A_979 = arith.constant 0 : i32
        %dma_start3A_980 = tpu.memref_slice %arg4[%dma_start3A_978, %dma_start3A_979, %multiple_of3A_974] : memref<4x8x1000000xf32, #tpu.memory_space<hbm>> -> memref<4x8x128xf32, #tpu.memory_space<hbm>>
        tpu.enqueue_dma source(%dma_start3A_980 : memref<4x8x128xf32, #tpu.memory_space<hbm>>) target(%arg17 : memref<4x8x128xf32, #tpu.memory_space<vmem>>) target_semaphore(%arg27 : memref<!tpu.dma_semaphore, #tpu.memory_space<semaphore_mem>>)
        %dma_start3A_981 = arith.constant 0 : i32
        %dma_start3A_982 = arith.constant 0 : i32
        %dma_start3A_983 = tpu.memref_slice %arg5[%dma_start3A_981, %dma_start3A_982, %multiple_of3A_974] : memref<4x8x1000000xf32, #tpu.memory_space<hbm>> -> memref<4x8x128xf32, #tpu.memory_space<hbm>>
        %dma_start3A_984 = arith.constant 0 : i32
        %dma_start3A_985 = arith.constant 0 : i32
        %dma_start3A_986 = tpu.memref_slice %arg5[%dma_start3A_984, %dma_start3A_985, %multiple_of3A_974] : memref<4x8x1000000xf32, #tpu.memory_space<hbm>> -> memref<4x8x128xf32, #tpu.memory_space<hbm>>
        tpu.enqueue_dma source(%dma_start3A_986 : memref<4x8x128xf32, #tpu.memory_space<hbm>>) target(%arg21 : memref<4x8x128xf32, #tpu.memory_space<vmem>>) target_semaphore(%arg31 : memref<!tpu.dma_semaphore, #tpu.memory_space<semaphore_mem>>)
      } else {
      }
      scf.yield %squeeze3A_912, %squeeze3A_928, %squeeze3A_944, %squeeze3A_960 : i32, i32, i32, i32
    }
    %scan3A_129 = arith.constant 32 : i32
    %dma_wait3A_130 = arith.constant 0 : i32
    %dma_wait3A_131 = arith.constant 0 : i32
    %dma_wait3A_132 = arith.constant 0 : i32
    %dma_wait3A_133 = tpu.memref_slice %arg4[%dma_wait3A_130, %dma_wait3A_131, %dma_wait3A_132] : memref<4x8x1000000xf32, #tpu.memory_space<hbm>> -> memref<4x8x128xf32, #tpu.memory_space<hbm>>
    %dma_wait3A_134 = arith.constant 0 : i32
    %dma_wait3A_135 = arith.constant 0 : i32
    %dma_wait3A_136 = arith.constant 0 : i32
    %dma_wait3A_137 = tpu.memref_slice %arg4[%dma_wait3A_134, %dma_wait3A_135, %dma_wait3A_136] : memref<4x8x1000000xf32, #tpu.memory_space<hbm>> -> memref<4x8x128xf32, #tpu.memory_space<hbm>>
    tpu.wait_dma2 semaphore(%arg24 : memref<!tpu.dma_semaphore, #tpu.memory_space<semaphore_mem>>) src(%dma_wait3A_137 : memref<4x8x128xf32, #tpu.memory_space<hbm>>) dst(%arg14 : memref<4x8x128xf32, #tpu.memory_space<vmem>>)
    %dma_wait3A_138 = arith.constant 0 : i32
    %dma_wait3A_139 = arith.constant 0 : i32
    %dma_wait3A_140 = arith.constant 0 : i32
    %dma_wait3A_141 = tpu.memref_slice %arg5[%dma_wait3A_138, %dma_wait3A_139, %dma_wait3A_140] : memref<4x8x1000000xf32, #tpu.memory_space<hbm>> -> memref<4x8x128xf32, #tpu.memory_space<hbm>>
    %dma_wait3A_142 = arith.constant 0 : i32
    %dma_wait3A_143 = arith.constant 0 : i32
    %dma_wait3A_144 = arith.constant 0 : i32
    %dma_wait3A_145 = tpu.memref_slice %arg5[%dma_wait3A_142, %dma_wait3A_143, %dma_wait3A_144] : memref<4x8x1000000xf32, #tpu.memory_space<hbm>> -> memref<4x8x128xf32, #tpu.memory_space<hbm>>
    tpu.wait_dma2 semaphore(%arg28 : memref<!tpu.dma_semaphore, #tpu.memory_space<semaphore_mem>>) src(%dma_wait3A_145 : memref<4x8x128xf32, #tpu.memory_space<hbm>>) dst(%arg18 : memref<4x8x128xf32, #tpu.memory_space<vmem>>)
    %and3A = arith.constant 127 : i32
    %and3A_146 = arith.andi %scan3A_128#0, %and3A : i32
    %broadcast_in_dim3A = vector.broadcast %and3A_146 : i32 to vector<16xi32>
    %broadcast_in_dim3A_147 = arith.constant 12 : i32
    %broadcast_in_dim3A_148 = vector.broadcast %broadcast_in_dim3A_147 : i32 to vector<16xi32>
    %broadcast_in_dim3A_149 = arith.constant 124 : i32
    %broadcast_in_dim3A_150 = vector.broadcast %broadcast_in_dim3A_149 : i32 to vector<16xi32>
    %add3A_151 = arith.constant 0 : i32
    %add3A_152 = vector.broadcast %add3A_151 : i32 to vector<16xi32>
    %add3A_153 = arith.addi %iota3A, %add3A_152 : vector<16xi32>
    %shift_right_logical3A = arith.constant 3 : i32
    %shift_right_logical3A_154 = vector.broadcast %shift_right_logical3A : i32 to vector<16xi32>
    %shift_right_logical3A_155 = arith.shrui %add3A_153, %shift_right_logical3A_154 : vector<16xi32>
    %and3A_156 = arith.constant 7 : i32
    %and3A_157 = vector.broadcast %and3A_156 : i32 to vector<16xi32>
    %and3A_158 = arith.andi %add3A_153, %and3A_157 : vector<16xi32>
    %add3A_159 = arith.addi %broadcast_in_dim3A_148, %shift_right_logical3A_155 : vector<16xi32>
    %gather3A = tpu.vector_load_idx %arg14[%shift_right_logical3A_155, %and3A_158, %broadcast_in_dim3A] : memref<4x8x128xf32, #tpu.memory_space<vmem>>[vector<16xi32>, vector<16xi32>, vector<16xi32>], vector<16xf32>,
    %gather3A_160 = tpu.vector_load_idx %arg18[%shift_right_logical3A_155, %and3A_158, %broadcast_in_dim3A] : memref<4x8x128xf32, #tpu.memory_space<vmem>>[vector<16xi32>, vector<16xi32>, vector<16xi32>], vector<16xf32>,
    %gather3A_161 = tpu.vector_load_idx %arg10[%add3A_159, %and3A_158, %broadcast_in_dim3A_150] : memref<16x8x128xf32, #tpu.memory_space<vmem>>[vector<16xi32>, vector<16xi32>, vector<16xi32>], vector<16xf32>,
    %mul3A_162 = arith.constant 5.000000e-01 : f32
    %mul3A_163 = vector.broadcast %mul3A_162 : f32 to vector<16xf32>
    %mul3A_164 = arith.mulf %gather3A_160, %mul3A_163 : vector<16xf32>
    %exp3A = math.exp %mul3A_164 : vector<16xf32>
    %mul3A_165 = arith.mulf %gather3A_161, %exp3A : vector<16xf32>
    %add3A_166 = arith.addf %gather3A, %mul3A_165 : vector<16xf32>
    tpu.vector_store_idx %arg11[%add3A_159, %and3A_158, %broadcast_in_dim3A_150], %add3A_166 : memref<16x8x128xf32, #tpu.memory_space<vmem>>[vector<16xi32>, vector<16xi32>, vector<16xi32>], vector<16xf32>,
    tpu.vector_store_idx %arg12[%add3A_159, %and3A_158, %broadcast_in_dim3A_150], %gather3A : memref<16x8x128xf32, #tpu.memory_space<vmem>>[vector<16xi32>, vector<16xi32>, vector<16xi32>], vector<16xf32>,
    tpu.vector_store_idx %arg13[%add3A_159, %and3A_158, %broadcast_in_dim3A_150], %gather3A_160 : memref<16x8x128xf32, #tpu.memory_space<vmem>>[vector<16xi32>, vector<16xi32>, vector<16xi32>], vector<16xf32>,
    %add3A_167 = arith.constant 16 : i32
    %add3A_168 = vector.broadcast %add3A_167 : i32 to vector<16xi32>
    %add3A_169 = arith.addi %iota3A, %add3A_168 : vector<16xi32>
    %shift_right_logical3A_170 = arith.constant 3 : i32
    %shift_right_logical3A_171 = vector.broadcast %shift_right_logical3A_170 : i32 to vector<16xi32>
    %shift_right_logical3A_172 = arith.shrui %add3A_169, %shift_right_logical3A_171 : vector<16xi32>
    %and3A_173 = arith.constant 7 : i32
    %and3A_174 = vector.broadcast %and3A_173 : i32 to vector<16xi32>
    %and3A_175 = arith.andi %add3A_169, %and3A_174 : vector<16xi32>
    %add3A_176 = arith.addi %broadcast_in_dim3A_148, %shift_right_logical3A_172 : vector<16xi32>
    %gather3A_177 = tpu.vector_load_idx %arg14[%shift_right_logical3A_172, %and3A_175, %broadcast_in_dim3A] : memref<4x8x128xf32, #tpu.memory_space<vmem>>[vector<16xi32>, vector<16xi32>, vector<16xi32>], vector<16xf32>,
    %gather3A_178 = tpu.vector_load_idx %arg18[%shift_right_logical3A_172, %and3A_175, %broadcast_in_dim3A] : memref<4x8x128xf32, #tpu.memory_space<vmem>>[vector<16xi32>, vector<16xi32>, vector<16xi32>], vector<16xf32>,
    %gather3A_179 = tpu.vector_load_idx %arg10[%add3A_176, %and3A_175, %broadcast_in_dim3A_150] : memref<16x8x128xf32, #tpu.memory_space<vmem>>[vector<16xi32>, vector<16xi32>, vector<16xi32>], vector<16xf32>,
    %mul3A_180 = arith.constant 5.000000e-01 : f32
    %mul3A_181 = vector.broadcast %mul3A_180 : f32 to vector<16xf32>
    %mul3A_182 = arith.mulf %gather3A_178, %mul3A_181 : vector<16xf32>
    %exp3A_183 = math.exp %mul3A_182 : vector<16xf32>
    %mul3A_184 = arith.mulf %gather3A_179, %exp3A_183 : vector<16xf32>
    %add3A_185 = arith.addf %gather3A_177, %mul3A_184 : vector<16xf32>
    tpu.vector_store_idx %arg11[%add3A_176, %and3A_175, %broadcast_in_dim3A_150], %add3A_185 : memref<16x8x128xf32, #tpu.memory_space<vmem>>[vector<16xi32>, vector<16xi32>, vector<16xi32>], vector<16xf32>,
    tpu.vector_store_idx %arg12[%add3A_176, %and3A_175, %broadcast_in_dim3A_150], %gather3A_177 : memref<16x8x128xf32, #tpu.memory_space<vmem>>[vector<16xi32>, vector<16xi32>, vector<16xi32>], vector<16xf32>,
    tpu.vector_store_idx %arg13[%add3A_176, %and3A_175, %broadcast_in_dim3A_150], %gather3A_178 : memref<16x8x128xf32, #tpu.memory_space<vmem>>[vector<16xi32>, vector<16xi32>, vector<16xi32>], vector<16xf32>,
    %dma_wait3A_186 = arith.constant 0 : i32
    %dma_wait3A_187 = arith.constant 0 : i32
    %dma_wait3A_188 = arith.constant 0 : i32
    %dma_wait3A_189 = tpu.memref_slice %arg4[%dma_wait3A_186, %dma_wait3A_187, %dma_wait3A_188] : memref<4x8x1000000xf32, #tpu.memory_space<hbm>> -> memref<4x8x128xf32, #tpu.memory_space<hbm>>
    %dma_wait3A_190 = arith.constant 0 : i32
    %dma_wait3A_191 = arith.constant 0 : i32
    %dma_wait3A_192 = arith.constant 0 : i32
    %dma_wait3A_193 = tpu.memref_slice %arg4[%dma_wait3A_190, %dma_wait3A_191, %dma_wait3A_192] : memref<4x8x1000000xf32, #tpu.memory_space<hbm>> -> memref<4x8x128xf32, #tpu.memory_space<hbm>>
    tpu.wait_dma2 semaphore(%arg25 : memref<!tpu.dma_semaphore, #tpu.memory_space<semaphore_mem>>) src(%dma_wait3A_193 : memref<4x8x128xf32, #tpu.memory_space<hbm>>) dst(%arg15 : memref<4x8x128xf32, #tpu.memory_space<vmem>>)
    %dma_wait3A_194 = arith.constant 0 : i32
    %dma_wait3A_195 = arith.constant 0 : i32
    %dma_wait3A_196 = arith.constant 0 : i32
    %dma_wait3A_197 = tpu.memref_slice %arg5[%dma_wait3A_194, %dma_wait3A_195, %dma_wait3A_196] : memref<4x8x1000000xf32, #tpu.memory_space<hbm>> -> memref<4x8x128xf32, #tpu.memory_space<hbm>>
    %dma_wait3A_198 = arith.constant 0 : i32
    %dma_wait3A_199 = arith.constant 0 : i32
    %dma_wait3A_200 = arith.constant 0 : i32
    %dma_wait3A_201 = tpu.memref_slice %arg5[%dma_wait3A_198, %dma_wait3A_199, %dma_wait3A_200] : memref<4x8x1000000xf32, #tpu.memory_space<hbm>> -> memref<4x8x128xf32, #tpu.memory_space<hbm>>
    tpu.wait_dma2 semaphore(%arg29 : memref<!tpu.dma_semaphore, #tpu.memory_space<semaphore_mem>>) src(%dma_wait3A_201 : memref<4x8x128xf32, #tpu.memory_space<hbm>>) dst(%arg19 : memref<4x8x128xf32, #tpu.memory_space<vmem>>)
    %and3A_202 = arith.constant 127 : i32
    %and3A_203 = arith.andi %scan3A_128#1, %and3A_202 : i32
    %broadcast_in_dim3A_204 = vector.broadcast %and3A_203 : i32 to vector<16xi32>
    %broadcast_in_dim3A_205 = arith.constant 12 : i32
    %broadcast_in_dim3A_206 = vector.broadcast %broadcast_in_dim3A_205 : i32 to vector<16xi32>
    %broadcast_in_dim3A_207 = arith.constant 125 : i32
    %broadcast_in_dim3A_208 = vector.broadcast %broadcast_in_dim3A_207 : i32 to vector<16xi32>
    %add3A_209 = arith.constant 0 : i32
    %add3A_210 = vector.broadcast %add3A_209 : i32 to vector<16xi32>
    %add3A_211 = arith.addi %iota3A, %add3A_210 : vector<16xi32>
    %shift_right_logical3A_212 = arith.constant 3 : i32
    %shift_right_logical3A_213 = vector.broadcast %shift_right_logical3A_212 : i32 to vector<16xi32>
    %shift_right_logical3A_214 = arith.shrui %add3A_211, %shift_right_logical3A_213 : vector<16xi32>
    %and3A_215 = arith.constant 7 : i32
    %and3A_216 = vector.broadcast %and3A_215 : i32 to vector<16xi32>
    %and3A_217 = arith.andi %add3A_211, %and3A_216 : vector<16xi32>
    %add3A_218 = arith.addi %broadcast_in_dim3A_206, %shift_right_logical3A_214 : vector<16xi32>
    %gather3A_219 = tpu.vector_load_idx %arg15[%shift_right_logical3A_214, %and3A_217, %broadcast_in_dim3A_204] : memref<4x8x128xf32, #tpu.memory_space<vmem>>[vector<16xi32>, vector<16xi32>, vector<16xi32>], vector<16xf32>,
    %gather3A_220 = tpu.vector_load_idx %arg19[%shift_right_logical3A_214, %and3A_217, %broadcast_in_dim3A_204] : memref<4x8x128xf32, #tpu.memory_space<vmem>>[vector<16xi32>, vector<16xi32>, vector<16xi32>], vector<16xf32>,
    %gather3A_221 = tpu.vector_load_idx %arg10[%add3A_218, %and3A_217, %broadcast_in_dim3A_208] : memref<16x8x128xf32, #tpu.memory_space<vmem>>[vector<16xi32>, vector<16xi32>, vector<16xi32>], vector<16xf32>,
    %mul3A_222 = arith.constant 5.000000e-01 : f32
    %mul3A_223 = vector.broadcast %mul3A_222 : f32 to vector<16xf32>
    %mul3A_224 = arith.mulf %gather3A_220, %mul3A_223 : vector<16xf32>
    %exp3A_225 = math.exp %mul3A_224 : vector<16xf32>
    %mul3A_226 = arith.mulf %gather3A_221, %exp3A_225 : vector<16xf32>
    %add3A_227 = arith.addf %gather3A_219, %mul3A_226 : vector<16xf32>
    tpu.vector_store_idx %arg11[%add3A_218, %and3A_217, %broadcast_in_dim3A_208], %add3A_227 : memref<16x8x128xf32, #tpu.memory_space<vmem>>[vector<16xi32>, vector<16xi32>, vector<16xi32>], vector<16xf32>,
    tpu.vector_store_idx %arg12[%add3A_218, %and3A_217, %broadcast_in_dim3A_208], %gather3A_219 : memref<16x8x128xf32, #tpu.memory_space<vmem>>[vector<16xi32>, vector<16xi32>, vector<16xi32>], vector<16xf32>,
    tpu.vector_store_idx %arg13[%add3A_218, %and3A_217, %broadcast_in_dim3A_208], %gather3A_220 : memref<16x8x128xf32, #tpu.memory_space<vmem>>[vector<16xi32>, vector<16xi32>, vector<16xi32>], vector<16xf32>,
    %add3A_228 = arith.constant 16 : i32
    %add3A_229 = vector.broadcast %add3A_228 : i32 to vector<16xi32>
    %add3A_230 = arith.addi %iota3A, %add3A_229 : vector<16xi32>
    %shift_right_logical3A_231 = arith.constant 3 : i32
    %shift_right_logical3A_232 = vector.broadcast %shift_right_logical3A_231 : i32 to vector<16xi32>
    %shift_right_logical3A_233 = arith.shrui %add3A_230, %shift_right_logical3A_232 : vector<16xi32>
    %and3A_234 = arith.constant 7 : i32
    %and3A_235 = vector.broadcast %and3A_234 : i32 to vector<16xi32>
    %and3A_236 = arith.andi %add3A_230, %and3A_235 : vector<16xi32>
    %add3A_237 = arith.addi %broadcast_in_dim3A_206, %shift_right_logical3A_233 : vector<16xi32>
    %gather3A_238 = tpu.vector_load_idx %arg15[%shift_right_logical3A_233, %and3A_236, %broadcast_in_dim3A_204] : memref<4x8x128xf32, #tpu.memory_space<vmem>>[vector<16xi32>, vector<16xi32>, vector<16xi32>], vector<16xf32>,
    %gather3A_239 = tpu.vector_load_idx %arg19[%shift_right_logical3A_233, %and3A_236, %broadcast_in_dim3A_204] : memref<4x8x128xf32, #tpu.memory_space<vmem>>[vector<16xi32>, vector<16xi32>, vector<16xi32>], vector<16xf32>,
    %gather3A_240 = tpu.vector_load_idx %arg10[%add3A_237, %and3A_236, %broadcast_in_dim3A_208] : memref<16x8x128xf32, #tpu.memory_space<vmem>>[vector<16xi32>, vector<16xi32>, vector<16xi32>], vector<16xf32>,
    %mul3A_241 = arith.constant 5.000000e-01 : f32
    %mul3A_242 = vector.broadcast %mul3A_241 : f32 to vector<16xf32>
    %mul3A_243 = arith.mulf %gather3A_239, %mul3A_242 : vector<16xf32>
    %exp3A_244 = math.exp %mul3A_243 : vector<16xf32>
    %mul3A_245 = arith.mulf %gather3A_240, %exp3A_244 : vector<16xf32>
    %add3A_246 = arith.addf %gather3A_238, %mul3A_245 : vector<16xf32>
    tpu.vector_store_idx %arg11[%add3A_237, %and3A_236, %broadcast_in_dim3A_208], %add3A_246 : memref<16x8x128xf32, #tpu.memory_space<vmem>>[vector<16xi32>, vector<16xi32>, vector<16xi32>], vector<16xf32>,
    tpu.vector_store_idx %arg12[%add3A_237, %and3A_236, %broadcast_in_dim3A_208], %gather3A_238 : memref<16x8x128xf32, #tpu.memory_space<vmem>>[vector<16xi32>, vector<16xi32>, vector<16xi32>], vector<16xf32>,
    tpu.vector_store_idx %arg13[%add3A_237, %and3A_236, %broadcast_in_dim3A_208], %gather3A_239 : memref<16x8x128xf32, #tpu.memory_space<vmem>>[vector<16xi32>, vector<16xi32>, vector<16xi32>], vector<16xf32>,
    %dma_wait3A_247 = arith.constant 0 : i32
    %dma_wait3A_248 = arith.constant 0 : i32
    %dma_wait3A_249 = arith.constant 0 : i32
    %dma_wait3A_250 = tpu.memref_slice %arg4[%dma_wait3A_247, %dma_wait3A_248, %dma_wait3A_249] : memref<4x8x1000000xf32, #tpu.memory_space<hbm>> -> memref<4x8x128xf32, #tpu.memory_space<hbm>>
    %dma_wait3A_251 = arith.constant 0 : i32
    %dma_wait3A_252 = arith.constant 0 : i32
    %dma_wait3A_253 = arith.constant 0 : i32
    %dma_wait3A_254 = tpu.memref_slice %arg4[%dma_wait3A_251, %dma_wait3A_252, %dma_wait3A_253] : memref<4x8x1000000xf32, #tpu.memory_space<hbm>> -> memref<4x8x128xf32, #tpu.memory_space<hbm>>
    tpu.wait_dma2 semaphore(%arg26 : memref<!tpu.dma_semaphore, #tpu.memory_space<semaphore_mem>>) src(%dma_wait3A_254 : memref<4x8x128xf32, #tpu.memory_space<hbm>>) dst(%arg16 : memref<4x8x128xf32, #tpu.memory_space<vmem>>)
    %dma_wait3A_255 = arith.constant 0 : i32
    %dma_wait3A_256 = arith.constant 0 : i32
    %dma_wait3A_257 = arith.constant 0 : i32
    %dma_wait3A_258 = tpu.memref_slice %arg5[%dma_wait3A_255, %dma_wait3A_256, %dma_wait3A_257] : memref<4x8x1000000xf32, #tpu.memory_space<hbm>> -> memref<4x8x128xf32, #tpu.memory_space<hbm>>
    %dma_wait3A_259 = arith.constant 0 : i32
    %dma_wait3A_260 = arith.constant 0 : i32
    %dma_wait3A_261 = arith.constant 0 : i32
    %dma_wait3A_262 = tpu.memref_slice %arg5[%dma_wait3A_259, %dma_wait3A_260, %dma_wait3A_261] : memref<4x8x1000000xf32, #tpu.memory_space<hbm>> -> memref<4x8x128xf32, #tpu.memory_space<hbm>>
    tpu.wait_dma2 semaphore(%arg30 : memref<!tpu.dma_semaphore, #tpu.memory_space<semaphore_mem>>) src(%dma_wait3A_262 : memref<4x8x128xf32, #tpu.memory_space<hbm>>) dst(%arg20 : memref<4x8x128xf32, #tpu.memory_space<vmem>>)
    %and3A_263 = arith.constant 127 : i32
    %and3A_264 = arith.andi %scan3A_128#2, %and3A_263 : i32
    %broadcast_in_dim3A_265 = vector.broadcast %and3A_264 : i32 to vector<16xi32>
    %broadcast_in_dim3A_266 = arith.constant 12 : i32
    %broadcast_in_dim3A_267 = vector.broadcast %broadcast_in_dim3A_266 : i32 to vector<16xi32>
    %broadcast_in_dim3A_268 = arith.constant 126 : i32
    %broadcast_in_dim3A_269 = vector.broadcast %broadcast_in_dim3A_268 : i32 to vector<16xi32>
    %add3A_270 = arith.constant 0 : i32
    %add3A_271 = vector.broadcast %add3A_270 : i32 to vector<16xi32>
    %add3A_272 = arith.addi %iota3A, %add3A_271 : vector<16xi32>
    %shift_right_logical3A_273 = arith.constant 3 : i32
    %shift_right_logical3A_274 = vector.broadcast %shift_right_logical3A_273 : i32 to vector<16xi32>
    %shift_right_logical3A_275 = arith.shrui %add3A_272, %shift_right_logical3A_274 : vector<16xi32>
    %and3A_276 = arith.constant 7 : i32
    %and3A_277 = vector.broadcast %and3A_276 : i32 to vector<16xi32>
    %and3A_278 = arith.andi %add3A_272, %and3A_277 : vector<16xi32>
    %add3A_279 = arith.addi %broadcast_in_dim3A_267, %shift_right_logical3A_275 : vector<16xi32>
    %gather3A_280 = tpu.vector_load_idx %arg16[%shift_right_logical3A_275, %and3A_278, %broadcast_in_dim3A_265] : memref<4x8x128xf32, #tpu.memory_space<vmem>>[vector<16xi32>, vector<16xi32>, vector<16xi32>], vector<16xf32>,
    %gather3A_281 = tpu.vector_load_idx %arg20[%shift_right_logical3A_275, %and3A_278, %broadcast_in_dim3A_265] : memref<4x8x128xf32, #tpu.memory_space<vmem>>[vector<16xi32>, vector<16xi32>, vector<16xi32>], vector<16xf32>,
    %gather3A_282 = tpu.vector_load_idx %arg10[%add3A_279, %and3A_278, %broadcast_in_dim3A_269] : memref<16x8x128xf32, #tpu.memory_space<vmem>>[vector<16xi32>, vector<16xi32>, vector<16xi32>], vector<16xf32>,
    %mul3A_283 = arith.constant 5.000000e-01 : f32
    %mul3A_284 = vector.broadcast %mul3A_283 : f32 to vector<16xf32>
    %mul3A_285 = arith.mulf %gather3A_281, %mul3A_284 : vector<16xf32>
    %exp3A_286 = math.exp %mul3A_285 : vector<16xf32>
    %mul3A_287 = arith.mulf %gather3A_282, %exp3A_286 : vector<16xf32>
    %add3A_288 = arith.addf %gather3A_280, %mul3A_287 : vector<16xf32>
    tpu.vector_store_idx %arg11[%add3A_279, %and3A_278, %broadcast_in_dim3A_269], %add3A_288 : memref<16x8x128xf32, #tpu.memory_space<vmem>>[vector<16xi32>, vector<16xi32>, vector<16xi32>], vector<16xf32>,
    tpu.vector_store_idx %arg12[%add3A_279, %and3A_278, %broadcast_in_dim3A_269], %gather3A_280 : memref<16x8x128xf32, #tpu.memory_space<vmem>>[vector<16xi32>, vector<16xi32>, vector<16xi32>], vector<16xf32>,
    tpu.vector_store_idx %arg13[%add3A_279, %and3A_278, %broadcast_in_dim3A_269], %gather3A_281 : memref<16x8x128xf32, #tpu.memory_space<vmem>>[vector<16xi32>, vector<16xi32>, vector<16xi32>], vector<16xf32>,
    %add3A_289 = arith.constant 16 : i32
    %add3A_290 = vector.broadcast %add3A_289 : i32 to vector<16xi32>
    %add3A_291 = arith.addi %iota3A, %add3A_290 : vector<16xi32>
    %shift_right_logical3A_292 = arith.constant 3 : i32
    %shift_right_logical3A_293 = vector.broadcast %shift_right_logical3A_292 : i32 to vector<16xi32>
    %shift_right_logical3A_294 = arith.shrui %add3A_291, %shift_right_logical3A_293 : vector<16xi32>
    %and3A_295 = arith.constant 7 : i32
    %and3A_296 = vector.broadcast %and3A_295 : i32 to vector<16xi32>
    %and3A_297 = arith.andi %add3A_291, %and3A_296 : vector<16xi32>
    %add3A_298 = arith.addi %broadcast_in_dim3A_267, %shift_right_logical3A_294 : vector<16xi32>
    %gather3A_299 = tpu.vector_load_idx %arg16[%shift_right_logical3A_294, %and3A_297, %broadcast_in_dim3A_265] : memref<4x8x128xf32, #tpu.memory_space<vmem>>[vector<16xi32>, vector<16xi32>, vector<16xi32>], vector<16xf32>,
    %gather3A_300 = tpu.vector_load_idx %arg20[%shift_right_logical3A_294, %and3A_297, %broadcast_in_dim3A_265] : memref<4x8x128xf32, #tpu.memory_space<vmem>>[vector<16xi32>, vector<16xi32>, vector<16xi32>], vector<16xf32>,
    %gather3A_301 = tpu.vector_load_idx %arg10[%add3A_298, %and3A_297, %broadcast_in_dim3A_269] : memref<16x8x128xf32, #tpu.memory_space<vmem>>[vector<16xi32>, vector<16xi32>, vector<16xi32>], vector<16xf32>,
    %mul3A_302 = arith.constant 5.000000e-01 : f32
    %mul3A_303 = vector.broadcast %mul3A_302 : f32 to vector<16xf32>
    %mul3A_304 = arith.mulf %gather3A_300, %mul3A_303 : vector<16xf32>
    %exp3A_305 = math.exp %mul3A_304 : vector<16xf32>
    %mul3A_306 = arith.mulf %gather3A_301, %exp3A_305 : vector<16xf32>
    %add3A_307 = arith.addf %gather3A_299, %mul3A_306 : vector<16xf32>
    tpu.vector_store_idx %arg11[%add3A_298, %and3A_297, %broadcast_in_dim3A_269], %add3A_307 : memref<16x8x128xf32, #tpu.memory_space<vmem>>[vector<16xi32>, vector<16xi32>, vector<16xi32>], vector<16xf32>,
    tpu.vector_store_idx %arg12[%add3A_298, %and3A_297, %broadcast_in_dim3A_269], %gather3A_299 : memref<16x8x128xf32, #tpu.memory_space<vmem>>[vector<16xi32>, vector<16xi32>, vector<16xi32>], vector<16xf32>,
    tpu.vector_store_idx %arg13[%add3A_298, %and3A_297, %broadcast_in_dim3A_269], %gather3A_300 : memref<16x8x128xf32, #tpu.memory_space<vmem>>[vector<16xi32>, vector<16xi32>, vector<16xi32>], vector<16xf32>,
    %dma_wait3A_308 = arith.constant 0 : i32
    %dma_wait3A_309 = arith.constant 0 : i32
    %dma_wait3A_310 = arith.constant 0 : i32
    %dma_wait3A_311 = tpu.memref_slice %arg4[%dma_wait3A_308, %dma_wait3A_309, %dma_wait3A_310] : memref<4x8x1000000xf32, #tpu.memory_space<hbm>> -> memref<4x8x128xf32, #tpu.memory_space<hbm>>
    %dma_wait3A_312 = arith.constant 0 : i32
    %dma_wait3A_313 = arith.constant 0 : i32
    %dma_wait3A_314 = arith.constant 0 : i32
    %dma_wait3A_315 = tpu.memref_slice %arg4[%dma_wait3A_312, %dma_wait3A_313, %dma_wait3A_314] : memref<4x8x1000000xf32, #tpu.memory_space<hbm>> -> memref<4x8x128xf32, #tpu.memory_space<hbm>>
    tpu.wait_dma2 semaphore(%arg27 : memref<!tpu.dma_semaphore, #tpu.memory_space<semaphore_mem>>) src(%dma_wait3A_315 : memref<4x8x128xf32, #tpu.memory_space<hbm>>) dst(%arg17 : memref<4x8x128xf32, #tpu.memory_space<vmem>>)
    %dma_wait3A_316 = arith.constant 0 : i32
    %dma_wait3A_317 = arith.constant 0 : i32
    %dma_wait3A_318 = arith.constant 0 : i32
    %dma_wait3A_319 = tpu.memref_slice %arg5[%dma_wait3A_316, %dma_wait3A_317, %dma_wait3A_318] : memref<4x8x1000000xf32, #tpu.memory_space<hbm>> -> memref<4x8x128xf32, #tpu.memory_space<hbm>>
    %dma_wait3A_320 = arith.constant 0 : i32
    %dma_wait3A_321 = arith.constant 0 : i32
    %dma_wait3A_322 = arith.constant 0 : i32
    %dma_wait3A_323 = tpu.memref_slice %arg5[%dma_wait3A_320, %dma_wait3A_321, %dma_wait3A_322] : memref<4x8x1000000xf32, #tpu.memory_space<hbm>> -> memref<4x8x128xf32, #tpu.memory_space<hbm>>
    tpu.wait_dma2 semaphore(%arg31 : memref<!tpu.dma_semaphore, #tpu.memory_space<semaphore_mem>>) src(%dma_wait3A_323 : memref<4x8x128xf32, #tpu.memory_space<hbm>>) dst(%arg21 : memref<4x8x128xf32, #tpu.memory_space<vmem>>)
    %and3A_324 = arith.constant 127 : i32
    %and3A_325 = arith.andi %scan3A_128#3, %and3A_324 : i32
    %broadcast_in_dim3A_326 = vector.broadcast %and3A_325 : i32 to vector<16xi32>
    %broadcast_in_dim3A_327 = arith.constant 12 : i32
    %broadcast_in_dim3A_328 = vector.broadcast %broadcast_in_dim3A_327 : i32 to vector<16xi32>
    %broadcast_in_dim3A_329 = arith.constant 127 : i32
    %broadcast_in_dim3A_330 = vector.broadcast %broadcast_in_dim3A_329 : i32 to vector<16xi32>
    %add3A_331 = arith.constant 0 : i32
    %add3A_332 = vector.broadcast %add3A_331 : i32 to vector<16xi32>
    %add3A_333 = arith.addi %iota3A, %add3A_332 : vector<16xi32>
    %shift_right_logical3A_334 = arith.constant 3 : i32
    %shift_right_logical3A_335 = vector.broadcast %shift_right_logical3A_334 : i32 to vector<16xi32>
    %shift_right_logical3A_336 = arith.shrui %add3A_333, %shift_right_logical3A_335 : vector<16xi32>
    %and3A_337 = arith.constant 7 : i32
    %and3A_338 = vector.broadcast %and3A_337 : i32 to vector<16xi32>
    %and3A_339 = arith.andi %add3A_333, %and3A_338 : vector<16xi32>
    %add3A_340 = arith.addi %broadcast_in_dim3A_328, %shift_right_logical3A_336 : vector<16xi32>
    %gather3A_341 = tpu.vector_load_idx %arg17[%shift_right_logical3A_336, %and3A_339, %broadcast_in_dim3A_326] : memref<4x8x128xf32, #tpu.memory_space<vmem>>[vector<16xi32>, vector<16xi32>, vector<16xi32>], vector<16xf32>,
    %gather3A_342 = tpu.vector_load_idx %arg21[%shift_right_logical3A_336, %and3A_339, %broadcast_in_dim3A_326] : memref<4x8x128xf32, #tpu.memory_space<vmem>>[vector<16xi32>, vector<16xi32>, vector<16xi32>], vector<16xf32>,
    %gather3A_343 = tpu.vector_load_idx %arg10[%add3A_340, %and3A_339, %broadcast_in_dim3A_330] : memref<16x8x128xf32, #tpu.memory_space<vmem>>[vector<16xi32>, vector<16xi32>, vector<16xi32>], vector<16xf32>,
    %mul3A_344 = arith.constant 5.000000e-01 : f32
    %mul3A_345 = vector.broadcast %mul3A_344 : f32 to vector<16xf32>
    %mul3A_346 = arith.mulf %gather3A_342, %mul3A_345 : vector<16xf32>
    %exp3A_347 = math.exp %mul3A_346 : vector<16xf32>
    %mul3A_348 = arith.mulf %gather3A_343, %exp3A_347 : vector<16xf32>
    %add3A_349 = arith.addf %gather3A_341, %mul3A_348 : vector<16xf32>
    tpu.vector_store_idx %arg11[%add3A_340, %and3A_339, %broadcast_in_dim3A_330], %add3A_349 : memref<16x8x128xf32, #tpu.memory_space<vmem>>[vector<16xi32>, vector<16xi32>, vector<16xi32>], vector<16xf32>,
    tpu.vector_store_idx %arg12[%add3A_340, %and3A_339, %broadcast_in_dim3A_330], %gather3A_341 : memref<16x8x128xf32, #tpu.memory_space<vmem>>[vector<16xi32>, vector<16xi32>, vector<16xi32>], vector<16xf32>,
    tpu.vector_store_idx %arg13[%add3A_340, %and3A_339, %broadcast_in_dim3A_330], %gather3A_342 : memref<16x8x128xf32, #tpu.memory_space<vmem>>[vector<16xi32>, vector<16xi32>, vector<16xi32>], vector<16xf32>,
    %add3A_350 = arith.constant 16 : i32
    %add3A_351 = vector.broadcast %add3A_350 : i32 to vector<16xi32>
    %add3A_352 = arith.addi %iota3A, %add3A_351 : vector<16xi32>
    %shift_right_logical3A_353 = arith.constant 3 : i32
    %shift_right_logical3A_354 = vector.broadcast %shift_right_logical3A_353 : i32 to vector<16xi32>
    %shift_right_logical3A_355 = arith.shrui %add3A_352, %shift_right_logical3A_354 : vector<16xi32>
    %and3A_356 = arith.constant 7 : i32
    %and3A_357 = vector.broadcast %and3A_356 : i32 to vector<16xi32>
    %and3A_358 = arith.andi %add3A_352, %and3A_357 : vector<16xi32>
    %add3A_359 = arith.addi %broadcast_in_dim3A_328, %shift_right_logical3A_355 : vector<16xi32>
    %gather3A_360 = tpu.vector_load_idx %arg17[%shift_right_logical3A_355, %and3A_358, %broadcast_in_dim3A_326] : memref<4x8x128xf32, #tpu.memory_space<vmem>>[vector<16xi32>, vector<16xi32>, vector<16xi32>], vector<16xf32>,
    %gather3A_361 = tpu.vector_load_idx %arg21[%shift_right_logical3A_355, %and3A_358, %broadcast_in_dim3A_326] : memref<4x8x128xf32, #tpu.memory_space<vmem>>[vector<16xi32>, vector<16xi32>, vector<16xi32>], vector<16xf32>,
    %gather3A_362 = tpu.vector_load_idx %arg10[%add3A_359, %and3A_358, %broadcast_in_dim3A_330] : memref<16x8x128xf32, #tpu.memory_space<vmem>>[vector<16xi32>, vector<16xi32>, vector<16xi32>], vector<16xf32>,
    %mul3A_363 = arith.constant 5.000000e-01 : f32
    %mul3A_364 = vector.broadcast %mul3A_363 : f32 to vector<16xf32>
    %mul3A_365 = arith.mulf %gather3A_361, %mul3A_364 : vector<16xf32>
    %exp3A_366 = math.exp %mul3A_365 : vector<16xf32>
    %mul3A_367 = arith.mulf %gather3A_362, %exp3A_366 : vector<16xf32>
    %add3A_368 = arith.addf %gather3A_360, %mul3A_367 : vector<16xf32>
    tpu.vector_store_idx %arg11[%add3A_359, %and3A_358, %broadcast_in_dim3A_330], %add3A_368 : memref<16x8x128xf32, #tpu.memory_space<vmem>>[vector<16xi32>, vector<16xi32>, vector<16xi32>], vector<16xf32>,
    tpu.vector_store_idx %arg12[%add3A_359, %and3A_358, %broadcast_in_dim3A_330], %gather3A_360 : memref<16x8x128xf32, #tpu.memory_space<vmem>>[vector<16xi32>, vector<16xi32>, vector<16xi32>], vector<16xf32>,
    tpu.vector_store_idx %arg13[%add3A_359, %and3A_358, %broadcast_in_dim3A_330], %gather3A_361 : memref<16x8x128xf32, #tpu.memory_space<vmem>>[vector<16xi32>, vector<16xi32>, vector<16xi32>], vector<16xf32>,
    %add3A_369 = arith.constant 0 : i32
    %add3A_370 = arith.addi %multiple_of3A, %add3A_369 : i32
    %dma_start3A_371 = arith.constant 0 : i32
    %dma_start3A_372 = arith.constant 0 : i32
    %dma_start3A_373 = arith.constant 0 : i32
    %dma_start3A_374 = tpu.memref_slice %arg11[%dma_start3A_371, %dma_start3A_372, %dma_start3A_373] : memref<16x8x128xf32, #tpu.memory_space<vmem>> -> memref<4x8x128xf32, #tpu.memory_space<vmem>>
    %dma_start3A_375 = arith.constant 0 : i32
    %dma_start3A_376 = arith.constant 0 : i32
    %dma_start3A_377 = tpu.memref_slice %arg6[%dma_start3A_375, %dma_start3A_376, %add3A_370] : memref<4x8x16384xf32, #tpu.memory_space<hbm>> -> memref<4x8x128xf32, #tpu.memory_space<hbm>>
    %dma_start3A_378 = arith.constant 0 : i32
    %dma_start3A_379 = arith.constant 0 : i32
    %dma_start3A_380 = tpu.memref_slice %arg6[%dma_start3A_378, %dma_start3A_379, %add3A_370] : memref<4x8x16384xf32, #tpu.memory_space<hbm>> -> memref<4x8x128xf32, #tpu.memory_space<hbm>>
    %dma_start3A_381 = arith.constant 0 : i32
    %dma_start3A_382 = arith.constant 0 : i32
    %dma_start3A_383 = arith.constant 0 : i32
    %dma_start3A_384 = tpu.memref_slice %arg11[%dma_start3A_381, %dma_start3A_382, %dma_start3A_383] : memref<16x8x128xf32, #tpu.memory_space<vmem>> -> memref<4x8x128xf32, #tpu.memory_space<vmem>>
    tpu.enqueue_dma source(%dma_start3A_384 : memref<4x8x128xf32, #tpu.memory_space<vmem>>) target(%dma_start3A_380 : memref<4x8x128xf32, #tpu.memory_space<hbm>>) target_semaphore(%arg23 : memref<!tpu.dma_semaphore, #tpu.memory_space<semaphore_mem>>)
    %dma_start3A_385 = arith.constant 0 : i32
    %dma_start3A_386 = arith.constant 0 : i32
    %dma_start3A_387 = arith.constant 0 : i32
    %dma_start3A_388 = tpu.memref_slice %arg12[%dma_start3A_385, %dma_start3A_386, %dma_start3A_387] : memref<16x8x128xf32, #tpu.memory_space<vmem>> -> memref<4x8x128xf32, #tpu.memory_space<vmem>>
    %dma_start3A_389 = arith.constant 0 : i32
    %dma_start3A_390 = arith.constant 0 : i32
    %dma_start3A_391 = tpu.memref_slice %arg7[%dma_start3A_389, %dma_start3A_390, %add3A_370] : memref<4x8x16384xf32, #tpu.memory_space<hbm>> -> memref<4x8x128xf32, #tpu.memory_space<hbm>>
    %dma_start3A_392 = arith.constant 0 : i32
    %dma_start3A_393 = arith.constant 0 : i32
    %dma_start3A_394 = tpu.memref_slice %arg7[%dma_start3A_392, %dma_start3A_393, %add3A_370] : memref<4x8x16384xf32, #tpu.memory_space<hbm>> -> memref<4x8x128xf32, #tpu.memory_space<hbm>>
    %dma_start3A_395 = arith.constant 0 : i32
    %dma_start3A_396 = arith.constant 0 : i32
    %dma_start3A_397 = arith.constant 0 : i32
    %dma_start3A_398 = tpu.memref_slice %arg12[%dma_start3A_395, %dma_start3A_396, %dma_start3A_397] : memref<16x8x128xf32, #tpu.memory_space<vmem>> -> memref<4x8x128xf32, #tpu.memory_space<vmem>>
    tpu.enqueue_dma source(%dma_start3A_398 : memref<4x8x128xf32, #tpu.memory_space<vmem>>) target(%dma_start3A_394 : memref<4x8x128xf32, #tpu.memory_space<hbm>>) target_semaphore(%arg23 : memref<!tpu.dma_semaphore, #tpu.memory_space<semaphore_mem>>)
    %dma_start3A_399 = arith.constant 0 : i32
    %dma_start3A_400 = arith.constant 0 : i32
    %dma_start3A_401 = arith.constant 0 : i32
    %dma_start3A_402 = tpu.memref_slice %arg13[%dma_start3A_399, %dma_start3A_400, %dma_start3A_401] : memref<16x8x128xf32, #tpu.memory_space<vmem>> -> memref<4x8x128xf32, #tpu.memory_space<vmem>>
    %dma_start3A_403 = arith.constant 0 : i32
    %dma_start3A_404 = arith.constant 0 : i32
    %dma_start3A_405 = tpu.memref_slice %arg8[%dma_start3A_403, %dma_start3A_404, %add3A_370] : memref<4x8x16384xf32, #tpu.memory_space<hbm>> -> memref<4x8x128xf32, #tpu.memory_space<hbm>>
    %dma_start3A_406 = arith.constant 0 : i32
    %dma_start3A_407 = arith.constant 0 : i32
    %dma_start3A_408 = tpu.memref_slice %arg8[%dma_start3A_406, %dma_start3A_407, %add3A_370] : memref<4x8x16384xf32, #tpu.memory_space<hbm>> -> memref<4x8x128xf32, #tpu.memory_space<hbm>>
    %dma_start3A_409 = arith.constant 0 : i32
    %dma_start3A_410 = arith.constant 0 : i32
    %dma_start3A_411 = arith.constant 0 : i32
    %dma_start3A_412 = tpu.memref_slice %arg13[%dma_start3A_409, %dma_start3A_410, %dma_start3A_411] : memref<16x8x128xf32, #tpu.memory_space<vmem>> -> memref<4x8x128xf32, #tpu.memory_space<vmem>>
    tpu.enqueue_dma source(%dma_start3A_412 : memref<4x8x128xf32, #tpu.memory_space<vmem>>) target(%dma_start3A_408 : memref<4x8x128xf32, #tpu.memory_space<hbm>>) target_semaphore(%arg23 : memref<!tpu.dma_semaphore, #tpu.memory_space<semaphore_mem>>)
    %add3A_413 = arith.constant 128 : i32
    %add3A_414 = arith.addi %multiple_of3A, %add3A_413 : i32
    %dma_start3A_415 = arith.constant 4 : i32
    %dma_start3A_416 = arith.constant 0 : i32
    %dma_start3A_417 = arith.constant 0 : i32
    %dma_start3A_418 = tpu.memref_slice %arg11[%dma_start3A_415, %dma_start3A_416, %dma_start3A_417] : memref<16x8x128xf32, #tpu.memory_space<vmem>> -> memref<4x8x128xf32, #tpu.memory_space<vmem>>
    %dma_start3A_419 = arith.constant 0 : i32
    %dma_start3A_420 = arith.constant 0 : i32
    %dma_start3A_421 = tpu.memref_slice %arg6[%dma_start3A_419, %dma_start3A_420, %add3A_414] : memref<4x8x16384xf32, #tpu.memory_space<hbm>> -> memref<4x8x128xf32, #tpu.memory_space<hbm>>
    %dma_start3A_422 = arith.constant 0 : i32
    %dma_start3A_423 = arith.constant 0 : i32
    %dma_start3A_424 = tpu.memref_slice %arg6[%dma_start3A_422, %dma_start3A_423, %add3A_414] : memref<4x8x16384xf32, #tpu.memory_space<hbm>> -> memref<4x8x128xf32, #tpu.memory_space<hbm>>
    %dma_start3A_425 = arith.constant 4 : i32
    %dma_start3A_426 = arith.constant 0 : i32
    %dma_start3A_427 = arith.constant 0 : i32
    %dma_start3A_428 = tpu.memref_slice %arg11[%dma_start3A_425, %dma_start3A_426, %dma_start3A_427] : memref<16x8x128xf32, #tpu.memory_space<vmem>> -> memref<4x8x128xf32, #tpu.memory_space<vmem>>
    tpu.enqueue_dma source(%dma_start3A_428 : memref<4x8x128xf32, #tpu.memory_space<vmem>>) target(%dma_start3A_424 : memref<4x8x128xf32, #tpu.memory_space<hbm>>) target_semaphore(%arg23 : memref<!tpu.dma_semaphore, #tpu.memory_space<semaphore_mem>>)
    %dma_start3A_429 = arith.constant 4 : i32
    %dma_start3A_430 = arith.constant 0 : i32
    %dma_start3A_431 = arith.constant 0 : i32
    %dma_start3A_432 = tpu.memref_slice %arg12[%dma_start3A_429, %dma_start3A_430, %dma_start3A_431] : memref<16x8x128xf32, #tpu.memory_space<vmem>> -> memref<4x8x128xf32, #tpu.memory_space<vmem>>
    %dma_start3A_433 = arith.constant 0 : i32
    %dma_start3A_434 = arith.constant 0 : i32
    %dma_start3A_435 = tpu.memref_slice %arg7[%dma_start3A_433, %dma_start3A_434, %add3A_414] : memref<4x8x16384xf32, #tpu.memory_space<hbm>> -> memref<4x8x128xf32, #tpu.memory_space<hbm>>
    %dma_start3A_436 = arith.constant 0 : i32
    %dma_start3A_437 = arith.constant 0 : i32
    %dma_start3A_438 = tpu.memref_slice %arg7[%dma_start3A_436, %dma_start3A_437, %add3A_414] : memref<4x8x16384xf32, #tpu.memory_space<hbm>> -> memref<4x8x128xf32, #tpu.memory_space<hbm>>
    %dma_start3A_439 = arith.constant 4 : i32
    %dma_start3A_440 = arith.constant 0 : i32
    %dma_start3A_441 = arith.constant 0 : i32
    %dma_start3A_442 = tpu.memref_slice %arg12[%dma_start3A_439, %dma_start3A_440, %dma_start3A_441] : memref<16x8x128xf32, #tpu.memory_space<vmem>> -> memref<4x8x128xf32, #tpu.memory_space<vmem>>
    tpu.enqueue_dma source(%dma_start3A_442 : memref<4x8x128xf32, #tpu.memory_space<vmem>>) target(%dma_start3A_438 : memref<4x8x128xf32, #tpu.memory_space<hbm>>) target_semaphore(%arg23 : memref<!tpu.dma_semaphore, #tpu.memory_space<semaphore_mem>>)
    %dma_start3A_443 = arith.constant 4 : i32
    %dma_start3A_444 = arith.constant 0 : i32
    %dma_start3A_445 = arith.constant 0 : i32
    %dma_start3A_446 = tpu.memref_slice %arg13[%dma_start3A_443, %dma_start3A_444, %dma_start3A_445] : memref<16x8x128xf32, #tpu.memory_space<vmem>> -> memref<4x8x128xf32, #tpu.memory_space<vmem>>
    %dma_start3A_447 = arith.constant 0 : i32
    %dma_start3A_448 = arith.constant 0 : i32
    %dma_start3A_449 = tpu.memref_slice %arg8[%dma_start3A_447, %dma_start3A_448, %add3A_414] : memref<4x8x16384xf32, #tpu.memory_space<hbm>> -> memref<4x8x128xf32, #tpu.memory_space<hbm>>
    %dma_start3A_450 = arith.constant 0 : i32
    %dma_start3A_451 = arith.constant 0 : i32
    %dma_start3A_452 = tpu.memref_slice %arg8[%dma_start3A_450, %dma_start3A_451, %add3A_414] : memref<4x8x16384xf32, #tpu.memory_space<hbm>> -> memref<4x8x128xf32, #tpu.memory_space<hbm>>
    %dma_start3A_453 = arith.constant 4 : i32
    %dma_start3A_454 = arith.constant 0 : i32
    %dma_start3A_455 = arith.constant 0 : i32
    %dma_start3A_456 = tpu.memref_slice %arg13[%dma_start3A_453, %dma_start3A_454, %dma_start3A_455] : memref<16x8x128xf32, #tpu.memory_space<vmem>> -> memref<4x8x128xf32, #tpu.memory_space<vmem>>
    tpu.enqueue_dma source(%dma_start3A_456 : memref<4x8x128xf32, #tpu.memory_space<vmem>>) target(%dma_start3A_452 : memref<4x8x128xf32, #tpu.memory_space<hbm>>) target_semaphore(%arg23 : memref<!tpu.dma_semaphore, #tpu.memory_space<semaphore_mem>>)
    %add3A_457 = arith.constant 256 : i32
    %add3A_458 = arith.addi %multiple_of3A, %add3A_457 : i32
    %dma_start3A_459 = arith.constant 8 : i32
    %dma_start3A_460 = arith.constant 0 : i32
    %dma_start3A_461 = arith.constant 0 : i32
    %dma_start3A_462 = tpu.memref_slice %arg11[%dma_start3A_459, %dma_start3A_460, %dma_start3A_461] : memref<16x8x128xf32, #tpu.memory_space<vmem>> -> memref<4x8x128xf32, #tpu.memory_space<vmem>>
    %dma_start3A_463 = arith.constant 0 : i32
    %dma_start3A_464 = arith.constant 0 : i32
    %dma_start3A_465 = tpu.memref_slice %arg6[%dma_start3A_463, %dma_start3A_464, %add3A_458] : memref<4x8x16384xf32, #tpu.memory_space<hbm>> -> memref<4x8x128xf32, #tpu.memory_space<hbm>>
    %dma_start3A_466 = arith.constant 0 : i32
    %dma_start3A_467 = arith.constant 0 : i32
    %dma_start3A_468 = tpu.memref_slice %arg6[%dma_start3A_466, %dma_start3A_467, %add3A_458] : memref<4x8x16384xf32, #tpu.memory_space<hbm>> -> memref<4x8x128xf32, #tpu.memory_space<hbm>>
    %dma_start3A_469 = arith.constant 8 : i32
    %dma_start3A_470 = arith.constant 0 : i32
    %dma_start3A_471 = arith.constant 0 : i32
    %dma_start3A_472 = tpu.memref_slice %arg11[%dma_start3A_469, %dma_start3A_470, %dma_start3A_471] : memref<16x8x128xf32, #tpu.memory_space<vmem>> -> memref<4x8x128xf32, #tpu.memory_space<vmem>>
    tpu.enqueue_dma source(%dma_start3A_472 : memref<4x8x128xf32, #tpu.memory_space<vmem>>) target(%dma_start3A_468 : memref<4x8x128xf32, #tpu.memory_space<hbm>>) target_semaphore(%arg23 : memref<!tpu.dma_semaphore, #tpu.memory_space<semaphore_mem>>)
    %dma_start3A_473 = arith.constant 8 : i32
    %dma_start3A_474 = arith.constant 0 : i32
    %dma_start3A_475 = arith.constant 0 : i32
    %dma_start3A_476 = tpu.memref_slice %arg12[%dma_start3A_473, %dma_start3A_474, %dma_start3A_475] : memref<16x8x128xf32, #tpu.memory_space<vmem>> -> memref<4x8x128xf32, #tpu.memory_space<vmem>>
    %dma_start3A_477 = arith.constant 0 : i32
    %dma_start3A_478 = arith.constant 0 : i32
    %dma_start3A_479 = tpu.memref_slice %arg7[%dma_start3A_477, %dma_start3A_478, %add3A_458] : memref<4x8x16384xf32, #tpu.memory_space<hbm>> -> memref<4x8x128xf32, #tpu.memory_space<hbm>>
    %dma_start3A_480 = arith.constant 0 : i32
    %dma_start3A_481 = arith.constant 0 : i32
    %dma_start3A_482 = tpu.memref_slice %arg7[%dma_start3A_480, %dma_start3A_481, %add3A_458] : memref<4x8x16384xf32, #tpu.memory_space<hbm>> -> memref<4x8x128xf32, #tpu.memory_space<hbm>>
    %dma_start3A_483 = arith.constant 8 : i32
    %dma_start3A_484 = arith.constant 0 : i32
    %dma_start3A_485 = arith.constant 0 : i32
    %dma_start3A_486 = tpu.memref_slice %arg12[%dma_start3A_483, %dma_start3A_484, %dma_start3A_485] : memref<16x8x128xf32, #tpu.memory_space<vmem>> -> memref<4x8x128xf32, #tpu.memory_space<vmem>>
    tpu.enqueue_dma source(%dma_start3A_486 : memref<4x8x128xf32, #tpu.memory_space<vmem>>) target(%dma_start3A_482 : memref<4x8x128xf32, #tpu.memory_space<hbm>>) target_semaphore(%arg23 : memref<!tpu.dma_semaphore, #tpu.memory_space<semaphore_mem>>)
    %dma_start3A_487 = arith.constant 8 : i32
    %dma_start3A_488 = arith.constant 0 : i32
    %dma_start3A_489 = arith.constant 0 : i32
    %dma_start3A_490 = tpu.memref_slice %arg13[%dma_start3A_487, %dma_start3A_488, %dma_start3A_489] : memref<16x8x128xf32, #tpu.memory_space<vmem>> -> memref<4x8x128xf32, #tpu.memory_space<vmem>>
    %dma_start3A_491 = arith.constant 0 : i32
    %dma_start3A_492 = arith.constant 0 : i32
    %dma_start3A_493 = tpu.memref_slice %arg8[%dma_start3A_491, %dma_start3A_492, %add3A_458] : memref<4x8x16384xf32, #tpu.memory_space<hbm>> -> memref<4x8x128xf32, #tpu.memory_space<hbm>>
    %dma_start3A_494 = arith.constant 0 : i32
    %dma_start3A_495 = arith.constant 0 : i32
    %dma_start3A_496 = tpu.memref_slice %arg8[%dma_start3A_494, %dma_start3A_495, %add3A_458] : memref<4x8x16384xf32, #tpu.memory_space<hbm>> -> memref<4x8x128xf32, #tpu.memory_space<hbm>>
    %dma_start3A_497 = arith.constant 8 : i32
    %dma_start3A_498 = arith.constant 0 : i32
    %dma_start3A_499 = arith.constant 0 : i32
    %dma_start3A_500 = tpu.memref_slice %arg13[%dma_start3A_497, %dma_start3A_498, %dma_start3A_499] : memref<16x8x128xf32, #tpu.memory_space<vmem>> -> memref<4x8x128xf32, #tpu.memory_space<vmem>>
    tpu.enqueue_dma source(%dma_start3A_500 : memref<4x8x128xf32, #tpu.memory_space<vmem>>) target(%dma_start3A_496 : memref<4x8x128xf32, #tpu.memory_space<hbm>>) target_semaphore(%arg23 : memref<!tpu.dma_semaphore, #tpu.memory_space<semaphore_mem>>)
    %add3A_501 = arith.constant 384 : i32
    %add3A_502 = arith.addi %multiple_of3A, %add3A_501 : i32
    %dma_start3A_503 = arith.constant 12 : i32
    %dma_start3A_504 = arith.constant 0 : i32
    %dma_start3A_505 = arith.constant 0 : i32
    %dma_start3A_506 = tpu.memref_slice %arg11[%dma_start3A_503, %dma_start3A_504, %dma_start3A_505] : memref<16x8x128xf32, #tpu.memory_space<vmem>> -> memref<4x8x128xf32, #tpu.memory_space<vmem>>
    %dma_start3A_507 = arith.constant 0 : i32
    %dma_start3A_508 = arith.constant 0 : i32
    %dma_start3A_509 = tpu.memref_slice %arg6[%dma_start3A_507, %dma_start3A_508, %add3A_502] : memref<4x8x16384xf32, #tpu.memory_space<hbm>> -> memref<4x8x128xf32, #tpu.memory_space<hbm>>
    %dma_start3A_510 = arith.constant 0 : i32
    %dma_start3A_511 = arith.constant 0 : i32
    %dma_start3A_512 = tpu.memref_slice %arg6[%dma_start3A_510, %dma_start3A_511, %add3A_502] : memref<4x8x16384xf32, #tpu.memory_space<hbm>> -> memref<4x8x128xf32, #tpu.memory_space<hbm>>
    %dma_start3A_513 = arith.constant 12 : i32
    %dma_start3A_514 = arith.constant 0 : i32
    %dma_start3A_515 = arith.constant 0 : i32
    %dma_start3A_516 = tpu.memref_slice %arg11[%dma_start3A_513, %dma_start3A_514, %dma_start3A_515] : memref<16x8x128xf32, #tpu.memory_space<vmem>> -> memref<4x8x128xf32, #tpu.memory_space<vmem>>
    tpu.enqueue_dma source(%dma_start3A_516 : memref<4x8x128xf32, #tpu.memory_space<vmem>>) target(%dma_start3A_512 : memref<4x8x128xf32, #tpu.memory_space<hbm>>) target_semaphore(%arg23 : memref<!tpu.dma_semaphore, #tpu.memory_space<semaphore_mem>>)
    %dma_start3A_517 = arith.constant 12 : i32
    %dma_start3A_518 = arith.constant 0 : i32
    %dma_start3A_519 = arith.constant 0 : i32
    %dma_start3A_520 = tpu.memref_slice %arg12[%dma_start3A_517, %dma_start3A_518, %dma_start3A_519] : memref<16x8x128xf32, #tpu.memory_space<vmem>> -> memref<4x8x128xf32, #tpu.memory_space<vmem>>
    %dma_start3A_521 = arith.constant 0 : i32
    %dma_start3A_522 = arith.constant 0 : i32
    %dma_start3A_523 = tpu.memref_slice %arg7[%dma_start3A_521, %dma_start3A_522, %add3A_502] : memref<4x8x16384xf32, #tpu.memory_space<hbm>> -> memref<4x8x128xf32, #tpu.memory_space<hbm>>
    %dma_start3A_524 = arith.constant 0 : i32
    %dma_start3A_525 = arith.constant 0 : i32
    %dma_start3A_526 = tpu.memref_slice %arg7[%dma_start3A_524, %dma_start3A_525, %add3A_502] : memref<4x8x16384xf32, #tpu.memory_space<hbm>> -> memref<4x8x128xf32, #tpu.memory_space<hbm>>
    %dma_start3A_527 = arith.constant 12 : i32
    %dma_start3A_528 = arith.constant 0 : i32
    %dma_start3A_529 = arith.constant 0 : i32
    %dma_start3A_530 = tpu.memref_slice %arg12[%dma_start3A_527, %dma_start3A_528, %dma_start3A_529] : memref<16x8x128xf32, #tpu.memory_space<vmem>> -> memref<4x8x128xf32, #tpu.memory_space<vmem>>
    tpu.enqueue_dma source(%dma_start3A_530 : memref<4x8x128xf32, #tpu.memory_space<vmem>>) target(%dma_start3A_526 : memref<4x8x128xf32, #tpu.memory_space<hbm>>) target_semaphore(%arg23 : memref<!tpu.dma_semaphore, #tpu.memory_space<semaphore_mem>>)
    %dma_start3A_531 = arith.constant 12 : i32
    %dma_start3A_532 = arith.constant 0 : i32
    %dma_start3A_533 = arith.constant 0 : i32
    %dma_start3A_534 = tpu.memref_slice %arg13[%dma_start3A_531, %dma_start3A_532, %dma_start3A_533] : memref<16x8x128xf32, #tpu.memory_space<vmem>> -> memref<4x8x128xf32, #tpu.memory_space<vmem>>
    %dma_start3A_535 = arith.constant 0 : i32
    %dma_start3A_536 = arith.constant 0 : i32
    %dma_start3A_537 = tpu.memref_slice %arg8[%dma_start3A_535, %dma_start3A_536, %add3A_502] : memref<4x8x16384xf32, #tpu.memory_space<hbm>> -> memref<4x8x128xf32, #tpu.memory_space<hbm>>
    %dma_start3A_538 = arith.constant 0 : i32
    %dma_start3A_539 = arith.constant 0 : i32
    %dma_start3A_540 = tpu.memref_slice %arg8[%dma_start3A_538, %dma_start3A_539, %add3A_502] : memref<4x8x16384xf32, #tpu.memory_space<hbm>> -> memref<4x8x128xf32, #tpu.memory_space<hbm>>
    %dma_start3A_541 = arith.constant 12 : i32
    %dma_start3A_542 = arith.constant 0 : i32
    %dma_start3A_543 = arith.constant 0 : i32
    %dma_start3A_544 = tpu.memref_slice %arg13[%dma_start3A_541, %dma_start3A_542, %dma_start3A_543] : memref<16x8x128xf32, #tpu.memory_space<vmem>> -> memref<4x8x128xf32, #tpu.memory_space<vmem>>
    tpu.enqueue_dma source(%dma_start3A_544 : memref<4x8x128xf32, #tpu.memory_space<vmem>>) target(%dma_start3A_540 : memref<4x8x128xf32, #tpu.memory_space<hbm>>) target_semaphore(%arg23 : memref<!tpu.dma_semaphore, #tpu.memory_space<semaphore_mem>>)
    %dma_wait3A_545 = arith.constant 0 : i32
    %dma_wait3A_546 = arith.constant 0 : i32
    %dma_wait3A_547 = arith.constant 0 : i32
    %dma_wait3A_548 = tpu.memref_slice %arg11[%dma_wait3A_545, %dma_wait3A_546, %dma_wait3A_547] : memref<16x8x128xf32, #tpu.memory_space<vmem>> -> memref<4x8x128xf32, #tpu.memory_space<vmem>>
    %dma_wait3A_549 = arith.constant 0 : i32
    %dma_wait3A_550 = arith.constant 0 : i32
    %dma_wait3A_551 = tpu.memref_slice %arg6[%dma_wait3A_549, %dma_wait3A_550, %add3A_370] : memref<4x8x16384xf32, #tpu.memory_space<hbm>> -> memref<4x8x128xf32, #tpu.memory_space<hbm>>
    %dma_wait3A_552 = arith.constant 0 : i32
    %dma_wait3A_553 = arith.constant 0 : i32
    %dma_wait3A_554 = tpu.memref_slice %arg6[%dma_wait3A_552, %dma_wait3A_553, %add3A_370] : memref<4x8x16384xf32, #tpu.memory_space<hbm>> -> memref<4x8x128xf32, #tpu.memory_space<hbm>>
    %dma_wait3A_555 = arith.constant 0 : i32
    %dma_wait3A_556 = arith.constant 0 : i32
    %dma_wait3A_557 = arith.constant 0 : i32
    %dma_wait3A_558 = tpu.memref_slice %arg11[%dma_wait3A_555, %dma_wait3A_556, %dma_wait3A_557] : memref<16x8x128xf32, #tpu.memory_space<vmem>> -> memref<4x8x128xf32, #tpu.memory_space<vmem>>
    tpu.wait_dma2 semaphore(%arg23 : memref<!tpu.dma_semaphore, #tpu.memory_space<semaphore_mem>>) src(%dma_wait3A_558 : memref<4x8x128xf32, #tpu.memory_space<vmem>>) dst(%dma_wait3A_554 : memref<4x8x128xf32, #tpu.memory_space<hbm>>)
    %dma_wait3A_559 = arith.constant 0 : i32
    %dma_wait3A_560 = arith.constant 0 : i32
    %dma_wait3A_561 = arith.constant 0 : i32
    %dma_wait3A_562 = tpu.memref_slice %arg12[%dma_wait3A_559, %dma_wait3A_560, %dma_wait3A_561] : memref<16x8x128xf32, #tpu.memory_space<vmem>> -> memref<4x8x128xf32, #tpu.memory_space<vmem>>
    %dma_wait3A_563 = arith.constant 0 : i32
    %dma_wait3A_564 = arith.constant 0 : i32
    %dma_wait3A_565 = tpu.memref_slice %arg7[%dma_wait3A_563, %dma_wait3A_564, %add3A_370] : memref<4x8x16384xf32, #tpu.memory_space<hbm>> -> memref<4x8x128xf32, #tpu.memory_space<hbm>>
    %dma_wait3A_566 = arith.constant 0 : i32
    %dma_wait3A_567 = arith.constant 0 : i32
    %dma_wait3A_568 = tpu.memref_slice %arg7[%dma_wait3A_566, %dma_wait3A_567, %add3A_370] : memref<4x8x16384xf32, #tpu.memory_space<hbm>> -> memref<4x8x128xf32, #tpu.memory_space<hbm>>
    %dma_wait3A_569 = arith.constant 0 : i32
    %dma_wait3A_570 = arith.constant 0 : i32
    %dma_wait3A_571 = arith.constant 0 : i32
    %dma_wait3A_572 = tpu.memref_slice %arg12[%dma_wait3A_569, %dma_wait3A_570, %dma_wait3A_571] : memref<16x8x128xf32, #tpu.memory_space<vmem>> -> memref<4x8x128xf32, #tpu.memory_space<vmem>>
    tpu.wait_dma2 semaphore(%arg23 : memref<!tpu.dma_semaphore, #tpu.memory_space<semaphore_mem>>) src(%dma_wait3A_572 : memref<4x8x128xf32, #tpu.memory_space<vmem>>) dst(%dma_wait3A_568 : memref<4x8x128xf32, #tpu.memory_space<hbm>>)
    %dma_wait3A_573 = arith.constant 0 : i32
    %dma_wait3A_574 = arith.constant 0 : i32
    %dma_wait3A_575 = arith.constant 0 : i32
    %dma_wait3A_576 = tpu.memref_slice %arg13[%dma_wait3A_573, %dma_wait3A_574, %dma_wait3A_575] : memref<16x8x128xf32, #tpu.memory_space<vmem>> -> memref<4x8x128xf32, #tpu.memory_space<vmem>>
    %dma_wait3A_577 = arith.constant 0 : i32
    %dma_wait3A_578 = arith.constant 0 : i32
    %dma_wait3A_579 = tpu.memref_slice %arg8[%dma_wait3A_577, %dma_wait3A_578, %add3A_370] : memref<4x8x16384xf32, #tpu.memory_space<hbm>> -> memref<4x8x128xf32, #tpu.memory_space<hbm>>
    %dma_wait3A_580 = arith.constant 0 : i32
    %dma_wait3A_581 = arith.constant 0 : i32
    %dma_wait3A_582 = tpu.memref_slice %arg8[%dma_wait3A_580, %dma_wait3A_581, %add3A_370] : memref<4x8x16384xf32, #tpu.memory_space<hbm>> -> memref<4x8x128xf32, #tpu.memory_space<hbm>>
    %dma_wait3A_583 = arith.constant 0 : i32
    %dma_wait3A_584 = arith.constant 0 : i32
    %dma_wait3A_585 = arith.constant 0 : i32
    %dma_wait3A_586 = tpu.memref_slice %arg13[%dma_wait3A_583, %dma_wait3A_584, %dma_wait3A_585] : memref<16x8x128xf32, #tpu.memory_space<vmem>> -> memref<4x8x128xf32, #tpu.memory_space<vmem>>
    tpu.wait_dma2 semaphore(%arg23 : memref<!tpu.dma_semaphore, #tpu.memory_space<semaphore_mem>>) src(%dma_wait3A_586 : memref<4x8x128xf32, #tpu.memory_space<vmem>>) dst(%dma_wait3A_582 : memref<4x8x128xf32, #tpu.memory_space<hbm>>)
    %dma_wait3A_587 = arith.constant 4 : i32
    %dma_wait3A_588 = arith.constant 0 : i32
    %dma_wait3A_589 = arith.constant 0 : i32
    %dma_wait3A_590 = tpu.memref_slice %arg11[%dma_wait3A_587, %dma_wait3A_588, %dma_wait3A_589] : memref<16x8x128xf32, #tpu.memory_space<vmem>> -> memref<4x8x128xf32, #tpu.memory_space<vmem>>
    %dma_wait3A_591 = arith.constant 0 : i32
    %dma_wait3A_592 = arith.constant 0 : i32
    %dma_wait3A_593 = tpu.memref_slice %arg6[%dma_wait3A_591, %dma_wait3A_592, %add3A_414] : memref<4x8x16384xf32, #tpu.memory_space<hbm>> -> memref<4x8x128xf32, #tpu.memory_space<hbm>>
    %dma_wait3A_594 = arith.constant 0 : i32
    %dma_wait3A_595 = arith.constant 0 : i32
    %dma_wait3A_596 = tpu.memref_slice %arg6[%dma_wait3A_594, %dma_wait3A_595, %add3A_414] : memref<4x8x16384xf32, #tpu.memory_space<hbm>> -> memref<4x8x128xf32, #tpu.memory_space<hbm>>
    %dma_wait3A_597 = arith.constant 4 : i32
    %dma_wait3A_598 = arith.constant 0 : i32
    %dma_wait3A_599 = arith.constant 0 : i32
    %dma_wait3A_600 = tpu.memref_slice %arg11[%dma_wait3A_597, %dma_wait3A_598, %dma_wait3A_599] : memref<16x8x128xf32, #tpu.memory_space<vmem>> -> memref<4x8x128xf32, #tpu.memory_space<vmem>>
    tpu.wait_dma2 semaphore(%arg23 : memref<!tpu.dma_semaphore, #tpu.memory_space<semaphore_mem>>) src(%dma_wait3A_600 : memref<4x8x128xf32, #tpu.memory_space<vmem>>) dst(%dma_wait3A_596 : memref<4x8x128xf32, #tpu.memory_space<hbm>>)
    %dma_wait3A_601 = arith.constant 4 : i32
    %dma_wait3A_602 = arith.constant 0 : i32
    %dma_wait3A_603 = arith.constant 0 : i32
    %dma_wait3A_604 = tpu.memref_slice %arg12[%dma_wait3A_601, %dma_wait3A_602, %dma_wait3A_603] : memref<16x8x128xf32, #tpu.memory_space<vmem>> -> memref<4x8x128xf32, #tpu.memory_space<vmem>>
    %dma_wait3A_605 = arith.constant 0 : i32
    %dma_wait3A_606 = arith.constant 0 : i32
    %dma_wait3A_607 = tpu.memref_slice %arg7[%dma_wait3A_605, %dma_wait3A_606, %add3A_414] : memref<4x8x16384xf32, #tpu.memory_space<hbm>> -> memref<4x8x128xf32, #tpu.memory_space<hbm>>
    %dma_wait3A_608 = arith.constant 0 : i32
    %dma_wait3A_609 = arith.constant 0 : i32
    %dma_wait3A_610 = tpu.memref_slice %arg7[%dma_wait3A_608, %dma_wait3A_609, %add3A_414] : memref<4x8x16384xf32, #tpu.memory_space<hbm>> -> memref<4x8x128xf32, #tpu.memory_space<hbm>>
    %dma_wait3A_611 = arith.constant 4 : i32
    %dma_wait3A_612 = arith.constant 0 : i32
    %dma_wait3A_613 = arith.constant 0 : i32
    %dma_wait3A_614 = tpu.memref_slice %arg12[%dma_wait3A_611, %dma_wait3A_612, %dma_wait3A_613] : memref<16x8x128xf32, #tpu.memory_space<vmem>> -> memref<4x8x128xf32, #tpu.memory_space<vmem>>
    tpu.wait_dma2 semaphore(%arg23 : memref<!tpu.dma_semaphore, #tpu.memory_space<semaphore_mem>>) src(%dma_wait3A_614 : memref<4x8x128xf32, #tpu.memory_space<vmem>>) dst(%dma_wait3A_610 : memref<4x8x128xf32, #tpu.memory_space<hbm>>)
    %dma_wait3A_615 = arith.constant 4 : i32
    %dma_wait3A_616 = arith.constant 0 : i32
    %dma_wait3A_617 = arith.constant 0 : i32
    %dma_wait3A_618 = tpu.memref_slice %arg13[%dma_wait3A_615, %dma_wait3A_616, %dma_wait3A_617] : memref<16x8x128xf32, #tpu.memory_space<vmem>> -> memref<4x8x128xf32, #tpu.memory_space<vmem>>
    %dma_wait3A_619 = arith.constant 0 : i32
    %dma_wait3A_620 = arith.constant 0 : i32
    %dma_wait3A_621 = tpu.memref_slice %arg8[%dma_wait3A_619, %dma_wait3A_620, %add3A_414] : memref<4x8x16384xf32, #tpu.memory_space<hbm>> -> memref<4x8x128xf32, #tpu.memory_space<hbm>>
    %dma_wait3A_622 = arith.constant 0 : i32
    %dma_wait3A_623 = arith.constant 0 : i32
    %dma_wait3A_624 = tpu.memref_slice %arg8[%dma_wait3A_622, %dma_wait3A_623, %add3A_414] : memref<4x8x16384xf32, #tpu.memory_space<hbm>> -> memref<4x8x128xf32, #tpu.memory_space<hbm>>
    %dma_wait3A_625 = arith.constant 4 : i32
    %dma_wait3A_626 = arith.constant 0 : i32
    %dma_wait3A_627 = arith.constant 0 : i32
    %dma_wait3A_628 = tpu.memref_slice %arg13[%dma_wait3A_625, %dma_wait3A_626, %dma_wait3A_627] : memref<16x8x128xf32, #tpu.memory_space<vmem>> -> memref<4x8x128xf32, #tpu.memory_space<vmem>>
    tpu.wait_dma2 semaphore(%arg23 : memref<!tpu.dma_semaphore, #tpu.memory_space<semaphore_mem>>) src(%dma_wait3A_628 : memref<4x8x128xf32, #tpu.memory_space<vmem>>) dst(%dma_wait3A_624 : memref<4x8x128xf32, #tpu.memory_space<hbm>>)
    %dma_wait3A_629 = arith.constant 8 : i32
    %dma_wait3A_630 = arith.constant 0 : i32
    %dma_wait3A_631 = arith.constant 0 : i32
    %dma_wait3A_632 = tpu.memref_slice %arg11[%dma_wait3A_629, %dma_wait3A_630, %dma_wait3A_631] : memref<16x8x128xf32, #tpu.memory_space<vmem>> -> memref<4x8x128xf32, #tpu.memory_space<vmem>>
    %dma_wait3A_633 = arith.constant 0 : i32
    %dma_wait3A_634 = arith.constant 0 : i32
    %dma_wait3A_635 = tpu.memref_slice %arg6[%dma_wait3A_633, %dma_wait3A_634, %add3A_458] : memref<4x8x16384xf32, #tpu.memory_space<hbm>> -> memref<4x8x128xf32, #tpu.memory_space<hbm>>
    %dma_wait3A_636 = arith.constant 0 : i32
    %dma_wait3A_637 = arith.constant 0 : i32
    %dma_wait3A_638 = tpu.memref_slice %arg6[%dma_wait3A_636, %dma_wait3A_637, %add3A_458] : memref<4x8x16384xf32, #tpu.memory_space<hbm>> -> memref<4x8x128xf32, #tpu.memory_space<hbm>>
    %dma_wait3A_639 = arith.constant 8 : i32
    %dma_wait3A_640 = arith.constant 0 : i32
    %dma_wait3A_641 = arith.constant 0 : i32
    %dma_wait3A_642 = tpu.memref_slice %arg11[%dma_wait3A_639, %dma_wait3A_640, %dma_wait3A_641] : memref<16x8x128xf32, #tpu.memory_space<vmem>> -> memref<4x8x128xf32, #tpu.memory_space<vmem>>
    tpu.wait_dma2 semaphore(%arg23 : memref<!tpu.dma_semaphore, #tpu.memory_space<semaphore_mem>>) src(%dma_wait3A_642 : memref<4x8x128xf32, #tpu.memory_space<vmem>>) dst(%dma_wait3A_638 : memref<4x8x128xf32, #tpu.memory_space<hbm>>)
    %dma_wait3A_643 = arith.constant 8 : i32
    %dma_wait3A_644 = arith.constant 0 : i32
    %dma_wait3A_645 = arith.constant 0 : i32
    %dma_wait3A_646 = tpu.memref_slice %arg12[%dma_wait3A_643, %dma_wait3A_644, %dma_wait3A_645] : memref<16x8x128xf32, #tpu.memory_space<vmem>> -> memref<4x8x128xf32, #tpu.memory_space<vmem>>
    %dma_wait3A_647 = arith.constant 0 : i32
    %dma_wait3A_648 = arith.constant 0 : i32
    %dma_wait3A_649 = tpu.memref_slice %arg7[%dma_wait3A_647, %dma_wait3A_648, %add3A_458] : memref<4x8x16384xf32, #tpu.memory_space<hbm>> -> memref<4x8x128xf32, #tpu.memory_space<hbm>>
    %dma_wait3A_650 = arith.constant 0 : i32
    %dma_wait3A_651 = arith.constant 0 : i32
    %dma_wait3A_652 = tpu.memref_slice %arg7[%dma_wait3A_650, %dma_wait3A_651, %add3A_458] : memref<4x8x16384xf32, #tpu.memory_space<hbm>> -> memref<4x8x128xf32, #tpu.memory_space<hbm>>
    %dma_wait3A_653 = arith.constant 8 : i32
    %dma_wait3A_654 = arith.constant 0 : i32
    %dma_wait3A_655 = arith.constant 0 : i32
    %dma_wait3A_656 = tpu.memref_slice %arg12[%dma_wait3A_653, %dma_wait3A_654, %dma_wait3A_655] : memref<16x8x128xf32, #tpu.memory_space<vmem>> -> memref<4x8x128xf32, #tpu.memory_space<vmem>>
    tpu.wait_dma2 semaphore(%arg23 : memref<!tpu.dma_semaphore, #tpu.memory_space<semaphore_mem>>) src(%dma_wait3A_656 : memref<4x8x128xf32, #tpu.memory_space<vmem>>) dst(%dma_wait3A_652 : memref<4x8x128xf32, #tpu.memory_space<hbm>>)
    %dma_wait3A_657 = arith.constant 8 : i32
    %dma_wait3A_658 = arith.constant 0 : i32
    %dma_wait3A_659 = arith.constant 0 : i32
    %dma_wait3A_660 = tpu.memref_slice %arg13[%dma_wait3A_657, %dma_wait3A_658, %dma_wait3A_659] : memref<16x8x128xf32, #tpu.memory_space<vmem>> -> memref<4x8x128xf32, #tpu.memory_space<vmem>>
    %dma_wait3A_661 = arith.constant 0 : i32
    %dma_wait3A_662 = arith.constant 0 : i32
    %dma_wait3A_663 = tpu.memref_slice %arg8[%dma_wait3A_661, %dma_wait3A_662, %add3A_458] : memref<4x8x16384xf32, #tpu.memory_space<hbm>> -> memref<4x8x128xf32, #tpu.memory_space<hbm>>
    %dma_wait3A_664 = arith.constant 0 : i32
    %dma_wait3A_665 = arith.constant 0 : i32
    %dma_wait3A_666 = tpu.memref_slice %arg8[%dma_wait3A_664, %dma_wait3A_665, %add3A_458] : memref<4x8x16384xf32, #tpu.memory_space<hbm>> -> memref<4x8x128xf32, #tpu.memory_space<hbm>>
    %dma_wait3A_667 = arith.constant 8 : i32
    %dma_wait3A_668 = arith.constant 0 : i32
    %dma_wait3A_669 = arith.constant 0 : i32
    %dma_wait3A_670 = tpu.memref_slice %arg13[%dma_wait3A_667, %dma_wait3A_668, %dma_wait3A_669] : memref<16x8x128xf32, #tpu.memory_space<vmem>> -> memref<4x8x128xf32, #tpu.memory_space<vmem>>
    tpu.wait_dma2 semaphore(%arg23 : memref<!tpu.dma_semaphore, #tpu.memory_space<semaphore_mem>>) src(%dma_wait3A_670 : memref<4x8x128xf32, #tpu.memory_space<vmem>>) dst(%dma_wait3A_666 : memref<4x8x128xf32, #tpu.memory_space<hbm>>)
    %dma_wait3A_671 = arith.constant 12 : i32
    %dma_wait3A_672 = arith.constant 0 : i32
    %dma_wait3A_673 = arith.constant 0 : i32
    %dma_wait3A_674 = tpu.memref_slice %arg11[%dma_wait3A_671, %dma_wait3A_672, %dma_wait3A_673] : memref<16x8x128xf32, #tpu.memory_space<vmem>> -> memref<4x8x128xf32, #tpu.memory_space<vmem>>
    %dma_wait3A_675 = arith.constant 0 : i32
    %dma_wait3A_676 = arith.constant 0 : i32
    %dma_wait3A_677 = tpu.memref_slice %arg6[%dma_wait3A_675, %dma_wait3A_676, %add3A_502] : memref<4x8x16384xf32, #tpu.memory_space<hbm>> -> memref<4x8x128xf32, #tpu.memory_space<hbm>>
    %dma_wait3A_678 = arith.constant 0 : i32
    %dma_wait3A_679 = arith.constant 0 : i32
    %dma_wait3A_680 = tpu.memref_slice %arg6[%dma_wait3A_678, %dma_wait3A_679, %add3A_502] : memref<4x8x16384xf32, #tpu.memory_space<hbm>> -> memref<4x8x128xf32, #tpu.memory_space<hbm>>
    %dma_wait3A_681 = arith.constant 12 : i32
    %dma_wait3A_682 = arith.constant 0 : i32
    %dma_wait3A_683 = arith.constant 0 : i32
    %dma_wait3A_684 = tpu.memref_slice %arg11[%dma_wait3A_681, %dma_wait3A_682, %dma_wait3A_683] : memref<16x8x128xf32, #tpu.memory_space<vmem>> -> memref<4x8x128xf32, #tpu.memory_space<vmem>>
    tpu.wait_dma2 semaphore(%arg23 : memref<!tpu.dma_semaphore, #tpu.memory_space<semaphore_mem>>) src(%dma_wait3A_684 : memref<4x8x128xf32, #tpu.memory_space<vmem>>) dst(%dma_wait3A_680 : memref<4x8x128xf32, #tpu.memory_space<hbm>>)
    %dma_wait3A_685 = arith.constant 12 : i32
    %dma_wait3A_686 = arith.constant 0 : i32
    %dma_wait3A_687 = arith.constant 0 : i32
    %dma_wait3A_688 = tpu.memref_slice %arg12[%dma_wait3A_685, %dma_wait3A_686, %dma_wait3A_687] : memref<16x8x128xf32, #tpu.memory_space<vmem>> -> memref<4x8x128xf32, #tpu.memory_space<vmem>>
    %dma_wait3A_689 = arith.constant 0 : i32
    %dma_wait3A_690 = arith.constant 0 : i32
    %dma_wait3A_691 = tpu.memref_slice %arg7[%dma_wait3A_689, %dma_wait3A_690, %add3A_502] : memref<4x8x16384xf32, #tpu.memory_space<hbm>> -> memref<4x8x128xf32, #tpu.memory_space<hbm>>
    %dma_wait3A_692 = arith.constant 0 : i32
    %dma_wait3A_693 = arith.constant 0 : i32
    %dma_wait3A_694 = tpu.memref_slice %arg7[%dma_wait3A_692, %dma_wait3A_693, %add3A_502] : memref<4x8x16384xf32, #tpu.memory_space<hbm>> -> memref<4x8x128xf32, #tpu.memory_space<hbm>>
    %dma_wait3A_695 = arith.constant 12 : i32
    %dma_wait3A_696 = arith.constant 0 : i32
    %dma_wait3A_697 = arith.constant 0 : i32
    %dma_wait3A_698 = tpu.memref_slice %arg12[%dma_wait3A_695, %dma_wait3A_696, %dma_wait3A_697] : memref<16x8x128xf32, #tpu.memory_space<vmem>> -> memref<4x8x128xf32, #tpu.memory_space<vmem>>
    tpu.wait_dma2 semaphore(%arg23 : memref<!tpu.dma_semaphore, #tpu.memory_space<semaphore_mem>>) src(%dma_wait3A_698 : memref<4x8x128xf32, #tpu.memory_space<vmem>>) dst(%dma_wait3A_694 : memref<4x8x128xf32, #tpu.memory_space<hbm>>)
    %dma_wait3A_699 = arith.constant 12 : i32
    %dma_wait3A_700 = arith.constant 0 : i32
    %dma_wait3A_701 = arith.constant 0 : i32
    %dma_wait3A_702 = tpu.memref_slice %arg13[%dma_wait3A_699, %dma_wait3A_700, %dma_wait3A_701] : memref<16x8x128xf32, #tpu.memory_space<vmem>> -> memref<4x8x128xf32, #tpu.memory_space<vmem>>
    %dma_wait3A_703 = arith.constant 0 : i32
    %dma_wait3A_704 = arith.constant 0 : i32
    %dma_wait3A_705 = tpu.memref_slice %arg8[%dma_wait3A_703, %dma_wait3A_704, %add3A_502] : memref<4x8x16384xf32, #tpu.memory_space<hbm>> -> memref<4x8x128xf32, #tpu.memory_space<hbm>>
    %dma_wait3A_706 = arith.constant 0 : i32
    %dma_wait3A_707 = arith.constant 0 : i32
    %dma_wait3A_708 = tpu.memref_slice %arg8[%dma_wait3A_706, %dma_wait3A_707, %add3A_502] : memref<4x8x16384xf32, #tpu.memory_space<hbm>> -> memref<4x8x128xf32, #tpu.memory_space<hbm>>
    %dma_wait3A_709 = arith.constant 12 : i32
    %dma_wait3A_710 = arith.constant 0 : i32
    %dma_wait3A_711 = arith.constant 0 : i32
    %dma_wait3A_712 = tpu.memref_slice %arg13[%dma_wait3A_709, %dma_wait3A_710, %dma_wait3A_711] : memref<16x8x128xf32, #tpu.memory_space<vmem>> -> memref<4x8x128xf32, #tpu.memory_space<vmem>>
    tpu.wait_dma2 semaphore(%arg23 : memref<!tpu.dma_semaphore, #tpu.memory_space<semaphore_mem>>) src(%dma_wait3A_712 : memref<4x8x128xf32, #tpu.memory_space<vmem>>) dst(%dma_wait3A_708 : memref<4x8x128xf32, #tpu.memory_space<hbm>>)
    return
  }
}

</mosaic_0001>

<sc_bundles>
// kernel: kernel.3.cloned.1.call-start
scs
__scs_entry_jumppad:
0x0: {  	(pc) =	sbr.rel $0x88, $3  }
0x1: {  	(tag) =	ssettag $0x0;
	lr =	simm.s32 $0x1  }
0x2: {  	[smem:$0x3F9D] =	sst lr;
	_ =	strace $0xD0000000  }
0x3: {  	_ = 	snop  }
0x4: {  	_ = 	snop  }
0x5: {  	_ = 	snop  }
0x6: {  	_ = 	snop  }
0x7: {  	_ = 	snop  }
__scs_overlays_trampoline_lowered:
0x8: {  	[smem:$0x3FAC] =	sst s0  }
0x9: {  	[smem:$0x3FAD] =	sst s1  }
0xa: {  	[smem:$0x3FAE] =	sst s2  }
0xb: {  	[smem:$0x3FAF] =	sst s3  }
0xc: {  	[smem:$0x3FB0] =	sst s4  }
0xd: {  	[smem:$0x3FB1] =	sst s5  }
0xe: {  	[smem:$0x3FB2] =	sst s6  }
0xf: {  	[smem:$0x3FB3] =	sst s7  }
0x10: {  	[smem:$0x3FB4] =	sst s8  }
0x11: {  	[smem:$0x3FB5] =	sst s9;
	s0 =	simm.s32 @!p0 $0x0  }
0x12: {  	s1 =	sld [smem:$0x3F9B];
	s0 =	simm.s32 @p0 $0x1  }
0x13: {  	[smem:$0x3FB6] =	sst s0;
	s0 =	simm.s32 @!p1 $0x0  }
0x14: {  	s2 =	sld [smem:$0x3F9A];
	s0 =	simm.s32 @p1 $0x1  }
0x15: {  	[smem:$0x3FB7] =	sst s0;
	s0 =	simm.s32 @!p2 $0x0  }
0x16: {  	s3 =	sld [smem:$0x3FDB];
	s0 =	simm.s32 @p2 $0x1  }
0x17: {  	s4 =	simm.s32 $0x1BF5;
	[smem:$0x3FB9] =	sst s0  }
0x18: {  	s0 =	sld [smem:$0x3F9C];
	_ =	swait.ge [sflag:s4], $0x0  }
0x19: {  	s7 =	sld [smem:$0x3F9D]  }
0x1a: {  	s8 =	sadd.s32 $0xFFFFE003, lr  }
0x1b: {  	s9 =	sadd.s32 $0xFFFFFEF7, lr;
	s5 =	simm.s32 $0xFFFFFFFF;
	p2 =	slt.u32 s8, $0xFFFFF086  }
0x1c: {  	p1 =	slt.u32 s9, $0xF7A;
	s5 =	simm.s32 @!p2 $0x0  }
0x1d: {  	s5 =	simm.s32 @p1 $0x1;
	p0 =	seq.s32 s7, s2  }
0x1e: {  	s7 =	smul.u32 @!p0 $0xF7A, s2;
	p2 =	seq.s32 @!p0 s5, $0x0  }
0x1f: {  	s9 =	smul.u32 $0xF7A, s1;
	s8 =	simm.s32 @!p0 $0x1BF5;
	p2 =	por !p2, p0  }
0x20: {  	[sflag:s8] =	ssyncset.s32 @!p0 $0xFFFFF086;
	s6 =	sadd.s32 @!p0 s3, s7;
	s7 =	simm.s32 @!p0 $0x108  }
0x21: {  	s3 =	sadd.s32 s3, s9;
	s6 =	sadd.s32 @!p0 $0x88, s6;
	s7 =	simm.s32 @p2 $0x1082  }
0x22: {  	[simem:s7], [sflag:s8] =	dma.local @!p0 [hbm:s6], $0xF7A  }
0x23: {  	s9 =	sor.u32 $0xD0000000, s2;
	s6 =	simm.s32 $0x108;
	_ =	swait.ge @!p0 [sflag:s8], $0x0  }
0x24: {  	s3 =	sadd.s32 $0x88, s3;
	s6 =	simm.s32 @!p1 $0x1082;
	[sflag:s4] =	ssyncset.s32 $0xFFFFF086  }
0x25: {  	[simem:s6], [sflag:s4] =	dma.local [hbm:s3], $0xF7A  }
0x26: {  	[smem:$0x3F9D] =	sst s1;
	(tag) =	ssettag s2;
	_ =	strace s9  }
0x27: {  	s1 =	sld [smem:$0x3FAD]  }
0x28: {  	s2 =	sld [smem:$0x3FAE]  }
0x29: {  	s4 =	sld [smem:$0x3FB0]  }
0x2a: {  	p0 =	seq.s32 s5, $0x0;
	s5 =	sld [smem:$0x3FB1]  }
0x2b: {  	s6 =	sld [smem:$0x3FB2]  }
0x2c: {  	s7 =	sld [smem:$0x3FB3]  }
0x2d: {  	s3 =	simm.s32 $0x108;
	s8 =	sld [smem:$0x3FB4]  }
0x2e: {  	s3 =	simm.s32 @!p0 $0x1082;
	s9 =	sld [smem:$0x3FB5]  }
0x2f: {  	lr =	sadd.s32 s0, s3;
	s0 =	sld [smem:$0x3FAC]  }
0x30: {  	s3 =	sld [smem:$0x3FAF]  }
0x31: {  	[smem:$0x3FB8] =	sst s10  }
0x32: {  	s10 =	sld [smem:$0x3FB6];
	_ =	sdelay $0x3  }
0x33: {  	p0 =	seq.s32 s10, $0x1;
	s10 =	sld [smem:$0x3FB8];
	_ =	sdelay $0x3  }
0x34: {  	[smem:$0x3FB8] =	sst s10  }
0x35: {  	s10 =	sld [smem:$0x3FB7];
	_ =	sdelay $0x3  }
0x36: {  	p1 =	seq.s32 s10, $0x1;
	s10 =	sld [smem:$0x3FB8];
	_ =	sdelay $0x3  }
0x37: {  	[smem:$0x3FB8] =	sst s10  }
0x38: {  	s10 =	sld [smem:$0x3FB9]  }
0x39: {  	_ = 	snop;
	(pc) =	sbr.ind lr, $3  }
0x3a: {  	_ = 	snop  }
0x3b: {  	_ = 	snop  }
0x3c: {  	p2 =	seq.s32 s10, $0x1;
	s10 =	sld [smem:$0x3FB8]  }
0x3d: {  	_ =	shalt  }
0x3e: {  	_ =	shalt  }
0x3f: {  	_ =	shalt  }
0x40: {  	_ =	shalt  }
0x41: {  	_ =	shalt  }
0x42: {  	_ =	shalt  }
0x43: {  	_ =	shalt  }
0x44: {  	_ =	shalt  }
0x45: {  	_ =	shalt  }
0x46: {  	_ =	shalt  }
0x47: {  	_ =	shalt  }
0x48: {  	_ =	shalt  }
0x49: {  	_ =	shalt  }
0x4a: {  	_ =	shalt  }
0x4b: {  	_ =	shalt  }
0x4c: {  	_ =	shalt  }
0x4d: {  	_ =	shalt  }
0x4e: {  	_ =	shalt  }
0x4f: {  	_ =	shalt  }
0x50: {  	_ =	shalt  }
0x51: {  	_ =	shalt  }
0x52: {  	_ =	shalt  }
0x53: {  	_ =	shalt  }
0x54: {  	_ =	shalt  }
0x55: {  	_ =	shalt  }
0x56: {  	_ =	shalt  }
0x57: {  	_ =	shalt  }
0x58: {  	_ =	shalt  }
0x59: {  	_ =	shalt  }
0x5a: {  	_ =	shalt  }
0x5b: {  	_ =	shalt  }
0x5c: {  	_ =	shalt  }
0x5d: {  	_ =	shalt  }
0x5e: {  	_ =	shalt  }
0x5f: {  	_ =	shalt  }
0x60: {  	_ =	shalt  }
0x61: {  	_ =	shalt  }
0x62: {  	_ =	shalt  }
0x63: {  	_ =	shalt  }
0x64: {  	_ =	shalt  }
0x65: {  	_ =	shalt  }
0x66: {  	_ =	shalt  }
0x67: {  	_ =	shalt  }
0x68: {  	_ =	shalt  }
0x69: {  	_ =	shalt  }
0x6a: {  	_ =	shalt  }
0x6b: {  	_ =	shalt  }
0x6c: {  	_ =	shalt  }
0x6d: {  	_ =	shalt  }
0x6e: {  	_ =	shalt  }
0x6f: {  	_ =	shalt  }
0x70: {  	_ =	shalt  }
0x71: {  	_ =	shalt  }
0x72: {  	_ =	shalt  }
0x73: {  	_ =	shalt  }
0x74: {  	_ =	shalt  }
0x75: {  	_ =	shalt  }
0x76: {  	_ =	shalt  }
0x77: {  	_ =	shalt  }
0x78: {  	_ =	shalt  }
0x79: {  	_ =	shalt  }
0x7a: {  	_ =	shalt  }
0x7b: {  	_ =	shalt  }
0x7c: {  	_ =	shalt  }
0x7d: {  	_ =	shalt  }
0x7e: {  	_ =	shalt  }
0x7f: {  	_ =	shalt  }
0x80: {  	_ =	shalt  }
0x81: {  	_ =	shalt  }
0x82: {  	_ =	shalt  }
0x83: {  	_ =	shalt  }
0x84: {  	_ =	shalt  }
0x85: {  	_ =	shalt  }
0x86: {  	_ =	shalt  }
0x87: {  	_ =	shalt  }
.Lfunc_end0:
.L_simem_size_0:
called_computation_lowered:
.L_overlay_start_0:
0x88: {  	s2 =	sld [smem:$0x3FD9]  }
0x89: {  	s3 =	sld [smem:$0x3FFE];
	_ =	sdelay $0x1  }
0x8a: {  	s1 =	srdreg.scid  }
0x8b: {  	s0 =	sand.u32 $0x1, s1  }
0x8c: {  	s15 =	sshll.u32 s0, $0xA;
	s2 =	sadd.s32 s3, s2  }
0x8d: {  	s2 =	sadd.s32 s2, s15  }
0x8e: {  	[smem:$0x3FC4] =	sst s2  }
0x8f: {  	_ = 	snop  }
0x90: {  	s2 =	sld [smem:$0x3FC9]  }
0x91: {  	s16 =	sld [smem:$0x3FD0]  }
0x92: {  	s4 =	sld [smem:$0x3FC8]  }
0x93: {  	s5 =	sld [smem:$0x3FC7]  }
0x94: {  	s7 =	simm.s32 $0xA;
	s8 =	simm.s32 $0x10;
	s6 =	sld [smem:$0x3FC6]  }
0x95: {  	[smem:s8], [sflag:s7] =	dma.local [hbm:s16], $0x1  }
0x96: {  	_ =	swait.eq [sflag:s7], $0x1  }
0x97: {  	s17 =	sld [smem:$0x10];
	[sflag:s7] =	ssyncset.done $0x0  }
0x98: {  	s18 =	sld [smem:$0x11];
	[sflag:s7] =	ssyncadd.s32 $0xFFFFFFFF  }
0x99: {  	s19 =	sld [smem:$0x12];
	(tm) =	ssettm $0x1  }
0x9a: {  	s9 =	sld [smem:$0x3FFB];
	_ =	sdelay $0x3  }
0x9b: {  	_ =	strace s9  }
0x9c: {  	s9 =	sld [smem:$0x3FFC];
	_ =	sdelay $0x3  }
0x9d: {  	_ =	strace s9  }
0x9e: {  	s9 =	sld [smem:$0x3FFD];
	_ =	sdelay $0x3  }
0x9f: {  	_ =	strace s9  }
0xa0: {  	_ =	strace $0x8FFFFFFF  }
0xa1: {  	s20 =	sld [smem:$0x3FDB];
	_ =	sdelay $0x1  }
0xa2: {  	s10 =	simm.s32 $_scs_section_size  }
0xa3: {  	s11 =	simm.s32 $_size__tile_overlayer_lowered;
	s12 =	simm.s32 $_tile_overlayer_lowered  }
0xa4: {  	s23 =	simm.s32 $0x1BFF;
	s22 =	sshll.u32 s12, $0x1;
	s9 =	sadd.s32 s10, s20  }
0xa5: {  	s13 =	simm.s32 $0x0;
	s21 =	sshll.u32 s11, $0x1;
	s11 =	sadd.s32 s22, s9  }
0xa6: {  	[timem:s13], [sflag:s23] =	dma.local [hbm:s11], s21  }
0xa7: {  	_ =	swait.ge [sflag:s23], s21  }
0xa8: {  	s10 =	ssub.s32 $0x0, s21;
	[sflag:s23] =	ssyncset.done $0x0  }
0xa9: {  	[sflag:s23] =	ssyncadd.s32 s10;
	_ =	sdelay $0x1  }
0xaa: {  	s24 =	simm.s32 $0x1B8B  }
0xab: {  	_ =	swait.ge [sflag:s24], $0x1  }
0xac: {  	[sflag:s24] =	ssyncset.done $0x0  }
0xad: {  	s25 =	simm.s32 $0x1B8E;
	[sflag:s24] =	ssyncadd.s32 $0xFFFFFFFF  }
0xae: {  	s26 =	simm.s32 $execute0_lowered;
	[smem:$0x3FD2] =	sst s25  }
0xaf: {  	s10 =	sshll.u32 s26, $0x1;
	_ =	strace $0x80000046;
	[dreg:$0x1] =	wrdreg $0xFFFFFFFF  }
0xb0: {  	s28 =	simm.s32 $_size_execute0_lowered;
	s9 =	sadd.s32 s9, s10;
	[dreg:$0x0] =	wrdreg $0x0  }
0xb1: {  	s10 =	sshll.u32 s28, $0x1;
	[dreg:$0x2] =	wrdreg s9  }
0xb2: {  	[dreg:$0x3] =	wrdreg s10  }
0xb3: {  	[dreg:$0x4] =	wrdreg $0xC0  }
0xb4: {  	_ =	task [dreg:s13], $0x5FFFF  }
0xb5: {  	[dreg:$0x1] =	wrdreg $0xFFFFFFFF  }
0xb6: {  	[dreg:$0x0] =	wrdreg $0x60  }
0xb7: {  	[dreg:$0x2] =	wrdreg s2  }
0xb8: {  	[dreg:$0x3] =	wrdreg s4  }
0xb9: {  	[dreg:$0x4] =	wrdreg s5  }
0xba: {  	[dreg:$0x5] =	wrdreg s6  }
0xbb: {  	[dreg:$0x6] =	wrdreg s17  }
0xbc: {  	[dreg:$0x7] =	wrdreg s18  }
0xbd: {  	[dreg:$0x8] =	wrdreg s19  }
0xbe: {  	[dreg:$0x9] =	wrdreg $0x9  }
0xbf: {  	_ =	task.clear_ibuf [dreg:s13], $0xAFFFF;
	_ =	strace $0x90000046  }
0xc0: {  	s29 =	simm.s32 $0x9;
	_ =	strace $0x80000048  }
0xc1: {  	_ =	swait.ge [sflag:s29], $0x1  }
0xc2: {  	[sflag:s29] =	ssyncadd.s32 $0xFFFFFFFF  }
0xc3: {  	_ =	strace $0x90000048  }
0xc4: {  	_ =	sfence  }
0xc5: {  	s30 =	sld [smem:$0x0];
	_ =	sdelay $0x2  }
0xc6: {  	s31 =	sshll.u32 s1, $0xD;
	s1 =	sshrl.u32 s1, $0x2  }
0xc7: {  	s3 =	sand.u32 $0x4000, s31;
	s1 =	sadd.s32 s1, s30  }
0xc8: {  	s0 =	sor.u32 s3, s0;
	s1 =	sshll.u32 s1, $0x11  }
0xc9: {  	s0 =	sor.u32 s1, s0  }
0xca: {  	s0 =	sadd.s32 $0x8F2B, s0  }
0xcb: {  	[sflag:s0] =	ssyncadd.remote.s32 $0x1  }
0xcc: {  	_ =	sfence.sel $0xFFFF  }
0xcd: {  	[dreg:$0x0] =	wrdreg $0xFFFFFFFF;
	(pc) =	sbr.abs _section_cstart, $3  }
0xce: {  	[dreg:$0x1] =	wrdreg $0xFFFFFFFF  }
0xcf: {  	_ =	task.clear_ibuf [dreg:s13], $0x2FFFF;
	_ =	strace $0x9FFFFFFF  }
0xd0: {  	(tm) =	ssettm $0x7FFFFFFF  }
0xd1: {  	_ =	shalt  }
tec
execute0_lowered:
.L_overlay_start_1:
0x0: {  	(tag) =	ssettag $0x1  }
0x1: {  	s0 =	rddreg [dreg:$0x0]  }
0x2: {  	s3 =	rddreg [dreg:$0x1]  }
0x3: {  	s2 =	rddreg [dreg:$0x2]  }
0x4: {  	s21 =	rddreg [dreg:$0x3]  }
0x5: {  	s4 =	rddreg [dreg:$0x4];
	s7 =	srdreg.scid  }
0x6: {  	s5 =	rddreg [dreg:$0x5];
	s9 =	stileid.u32;
	s7 =	sand.u32 $0x1, s7  }
0x7: {  	s9 =	sshll.u32 s9, $0xA;
	s8 =	ssub.s32 $0x2, s7;
	s7 =	sshll.u32 s7, $0x9  }
0x8: {  	s6 =	rddreg [dreg:$0x6];
	s10 =	simm.s32 $0x0;
	s7 =	sor.u32 s7, s9  }
0x9: {  	[smem:$0x7FF] =	sst s10;
	s11 =	sadd.s32 s3, s7  }
0xa: {  	_ =	strace $0x80000047;
	s16 =	sadd.s32 s4, s7;
	[dreg:$0x9] =	wrdreg s11  }
0xb: {  	s17 =	sadd.s32 s5, s7;
	[dreg:$0xd] =	wrdreg s16  }
0xc: {  	s9 =	sshrl.u32 s7, $0x3;
	s18 =	sadd.s32 s6, s7;
	[dreg:$0xe] =	wrdreg s17  }
0xd: {  	s12 =	sor.u32 $0x80, s7;
	s0 =	sadd.s32 s0, s9;
	[dreg:$0xf] =	wrdreg s18  }
0xe: {  	s14 =	sor.u32 $0x100, s7;
	s13 =	sadd.s32 s3, s12;
	[dreg:$0x8] =	wrdreg s0  }
0xf: {  	s15 =	sor.u32 $0x180, s7;
	s11 =	sadd.s32 s3, s14;
	[dreg:$0xa] =	wrdreg s13  }
0x10: {  	s28 =	simm.s32 $0x11200;
	s3 =	sadd.s32 s3, s15;
	[dreg:$0xb] =	wrdreg s11  }
0x11: {  	s29 =	simm.s32 $0x15200;
	s19 =	sadd.s32 s4, s12;
	[dreg:$0xc] =	wrdreg s3  }
0x12: {  	s1 =	sshrl.u32 s8, $0x1;
	s20 =	sadd.s32 s5, s12;
	[dreg:$0x10] =	wrdreg s19  }
0x13: {  	s8 =	ssub.s32 s8, s1;
	s22 =	sadd.s32 s4, s14;
	[dreg:$0x11] =	wrdreg s20  }
0x14: {  	s23 =	sadd.s32 s5, s14;
	s24 =	sadd.s32 s6, s14;
	[dreg:$0x13] =	wrdreg s22  }
0x15: {  	s25 =	sadd.s32 s4, s15;
	s26 =	sadd.s32 s5, s15;
	[dreg:$0x14] =	wrdreg s23  }
0x16: {  	s30 =	sadd.s32 s6, s15;
	s31 =	smax.u32 s8, $0x1;
	[dreg:$0x15] =	wrdreg s24  }
.Ltmp0:
0x17: {  	v2 =	vlaneseq.u32;
	s16 =	simm.s32 $0x10200;
	[dreg:$0x16] =	wrdreg s25;
	(pc) =	sbr.rel .LBB2_1-.Ltmp0, $4  }
0x18: {  	v1 =	vshrl.u32 v2, $0x3;
	s4 =	simm.s32 $0x14200;
	s18 =	simm.s32 $0x8;
	[dreg:$0x17] =	wrdreg s26  }
0x19: {  	v0 =	vmul.u32 $0x80, v2;
	v1 =	vmul.u32 $0x400, v1;
	s5 =	simm.s32 $0x0;
	s0 =	sadd.s32 s6, s12;
	[dreg:$0x18] =	wrdreg s30  }
0x1a: {  	v4 =	vand.u32 $0x7, v2;
	[dreg:$0x19] =	wrdreg s31;
	s24 =	simm.s32 $0x400;
	s13 =	simm.s32 $0x20000  }
0x1b: {  	v4 =	vmul.u32 $0x80, v4;
	v2 =	vor.u32 $0x800, v0;
	v3 =	vor.u32 $0x800, v1;
	s3 =	simm.s32 $0x200;
	s23 =	simm.s32 $0x7A1400;
	[dreg:$0x12] =	wrdreg s0  }
.LBB2_6:
0x1c: {  	s9 =	simm.s32 $0x3  }
0x1d: {  	s8 =	sand.u32 $0x7F, s8;
	_ =	swait.ge [sflag:s9], $0x1000  }
0x1e: {  	v5 =	vor.u32 s8, v0;
	[sflag:s9] =	ssyncset.done $0x0  }
0x1f: {  	s22 =	simm.s32 $0x7;
	[sflag:s9] =	ssyncadd.s32 $0xFFFFF000  }
0x20: {  	_ =	swait.ge [sflag:s22], $0x1000  }
0x21: {  	[sflag:s22] =	ssyncset.done $0x0  }
0x22: {  	[sflag:s22] =	ssyncadd.s32 $0xFFFFF000  }
0x23: {  	v6 =	vld.idx.msk [tilespmem:v5+s4+$0x0], $0xffff;
	_ =	sdelay $0x4  }
0x24: {  	v7 =	vmul.f32 $5.000000000e-01, v6;
	_ =	sdelay $0x1  }
0x25: {  	v7 =	vmul.f32 $1.442695020e+00, v7;
	_ =	sdelay $0x1  }
0x26: {  	v8 =	vor.u32 $0x307C, v0;
	(erf) = vpow2.f32 v7;
	_ =	sdelay $0x3  }
0x27: {  	s3 =	simm.s32 $0x200  }
0x28: {  	v7 =	vld.idx.msk [tilespmem:v8+s3+$0x0], $0xffff  }
0x29: {  	s1 =	simm.s32 $0x10200  }
0x2a: {  	v5 =	vld.idx.msk [tilespmem:v5+s1+$0x0], $0xffff;
	_ =	sdelay $0x1  }
0x2b: {  	v9 =	vpop (erf)  }
0x2c: {  	v7 =	vmul.f32 v9, v7;
	_ =	sdelay $0x1  }
0x2d: {  	v50 =	vor.u32 s8, v2;
	v7 =	vadd.f32 v7, v5  }
0x2e: {  	s7 =	simm.s32 $0x4200  }
0x2f: {  	s0 =	smov.u32 s10;
	s10 =	simm.s32 $0x8200;
	[tilespmem:v8+s7+$0x0] =	vst.idx.msk $0xffff, v7  }
0x30: {  	s11 =	simm.s32 $0xC200;
	[tilespmem:v8+s10+$0x0] =	vst.idx.msk $0xffff, v5  }
0x31: {  	[tilespmem:v8+s11+$0x0] =	vst.idx.msk $0xffff, v6  }
0x32: {  	v5 =	vld.idx.msk [tilespmem:v50+s4+$0x0], $0xffff;
	_ =	sdelay $0x4  }
0x33: {  	v6 =	vmul.f32 $5.000000000e-01, v5;
	_ =	sdelay $0x1  }
0x34: {  	v6 =	vmul.f32 $1.442695020e+00, v6;
	_ =	sdelay $0x1  }
0x35: {  	v7 =	vor.u32 $0x387C, v0;
	(erf) = vpow2.f32 v6;
	_ =	sdelay $0x4  }
0x36: {  	v6 =	vld.idx.msk [tilespmem:v7+s3+$0x0], $0xffff;
	_ =	sdelay $0x1  }
0x37: {  	v8 =	vld.idx.msk [tilespmem:v50+s1+$0x0], $0xffff;
	_ =	sdelay $0x1  }
0x38: {  	v51 =	vpop (erf)  }
0x39: {  	v6 =	vmul.f32 v51, v6;
	_ =	sdelay $0x1  }
0x3a: {  	v6 =	vadd.f32 v6, v8;
	_ =	sdelay $0x1  }
0x3b: {  	[tilespmem:v7+s7+$0x0] =	vst.idx.msk $0xffff, v6  }
0x3c: {  	[tilespmem:v7+s10+$0x0] =	vst.idx.msk $0xffff, v8  }
0x3d: {  	s25 =	simm.s32 $0x4;
	[tilespmem:v7+s11+$0x0] =	vst.idx.msk $0xffff, v5  }
0x3e: {  	s26 =	sand.u32 $0x7F, s19;
	_ =	swait.ge [sflag:s25], $0x1000  }
0x3f: {  	v5 =	vor.u32 s26, v0;
	[sflag:s25] =	ssyncset.done $0x0  }
0x40: {  	[sflag:s25] =	ssyncadd.s32 $0xFFFFF000  }
0x41: {  	_ =	swait.ge [sflag:s18], $0x1000  }
0x42: {  	[sflag:s18] =	ssyncset.done $0x0  }
0x43: {  	[sflag:s18] =	ssyncadd.s32 $0xFFFFF000  }
0x44: {  	v6 =	vld.idx.msk [tilespmem:v5+s29+$0x0], $0xffff;
	_ =	sdelay $0x4  }
0x45: {  	v7 =	vmul.f32 $5.000000000e-01, v6;
	_ =	sdelay $0x1  }
0x46: {  	v7 =	vmul.f32 $1.442695020e+00, v7;
	_ =	sdelay $0x1  }
0x47: {  	v52 =	vor.u32 $0x307D, v0;
	(erf) = vpow2.f32 v7;
	_ =	sdelay $0x4  }
0x48: {  	v7 =	vld.idx.msk [tilespmem:v52+s3+$0x0], $0xffff;
	_ =	sdelay $0x1  }
0x49: {  	v5 =	vld.idx.msk [tilespmem:v5+s28+$0x0], $0xffff;
	_ =	sdelay $0x1  }
0x4a: {  	v53 =	vpop (erf)  }
0x4b: {  	v7 =	vmul.f32 v53, v7;
	_ =	sdelay $0x1  }
0x4c: {  	v54 =	vor.u32 s26, v2;
	v7 =	vadd.f32 v7, v5;
	_ =	sdelay $0x1  }
0x4d: {  	[tilespmem:v52+s7+$0x0] =	vst.idx.msk $0xffff, v7  }
0x4e: {  	[tilespmem:v52+s10+$0x0] =	vst.idx.msk $0xffff, v5  }
0x4f: {  	[tilespmem:v52+s11+$0x0] =	vst.idx.msk $0xffff, v6  }
0x50: {  	v5 =	vld.idx.msk [tilespmem:v54+s29+$0x0], $0xffff;
	_ =	sdelay $0x4  }
0x51: {  	v6 =	vmul.f32 $5.000000000e-01, v5;
	_ =	sdelay $0x1  }
0x52: {  	v6 =	vmul.f32 $1.442695020e+00, v6;
	_ =	sdelay $0x1  }
0x53: {  	v7 =	vor.u32 $0x387D, v0;
	(erf) = vpow2.f32 v6;
	_ =	sdelay $0x4  }
0x54: {  	v6 =	vld.idx.msk [tilespmem:v7+s3+$0x0], $0xffff;
	_ =	sdelay $0x1  }
0x55: {  	v8 =	vld.idx.msk [tilespmem:v54+s28+$0x0], $0xffff;
	_ =	sdelay $0x1  }
0x56: {  	v55 =	vpop (erf)  }
0x57: {  	v6 =	vmul.f32 v55, v6;
	_ =	sdelay $0x1  }
0x58: {  	v6 =	vadd.f32 v6, v8;
	_ =	sdelay $0x1  }
0x59: {  	[tilespmem:v7+s7+$0x0] =	vst.idx.msk $0xffff, v6  }
0x5a: {  	[tilespmem:v7+s10+$0x0] =	vst.idx.msk $0xffff, v8  }
0x5b: {  	s30 =	simm.s32 $0x5;
	[tilespmem:v7+s11+$0x0] =	vst.idx.msk $0xffff, v5  }
0x5c: {  	s31 =	sand.u32 $0x7F, s20;
	_ =	swait.ge [sflag:s30], $0x1000  }
0x5d: {  	v5 =	vor.u32 s31, v0;
	[sflag:s30] =	ssyncset.done $0x0  }
0x5e: {  	s12 =	simm.s32 $0x9;
	[sflag:s30] =	ssyncadd.s32 $0xFFFFF000  }
0x5f: {  	_ =	swait.ge [sflag:s12], $0x1000  }
0x60: {  	[sflag:s12] =	ssyncset.done $0x0  }
0x61: {  	s6 =	simm.s32 $0x16200;
	[sflag:s12] =	ssyncadd.s32 $0xFFFFF000  }
0x62: {  	v6 =	vld.idx.msk [tilespmem:v5+s6+$0x0], $0xffff;
	_ =	sdelay $0x4  }
0x63: {  	v7 =	vmul.f32 $5.000000000e-01, v6;
	_ =	sdelay $0x1  }
0x64: {  	v7 =	vmul.f32 $1.442695020e+00, v7;
	_ =	sdelay $0x1  }
0x65: {  	v56 =	vor.u32 $0x307E, v0;
	(erf) = vpow2.f32 v7;
	_ =	sdelay $0x4  }
0x66: {  	v7 =	vld.idx.msk [tilespmem:v56+s3+$0x0], $0xffff  }
0x67: {  	s5 =	simm.s32 $0x12200  }
0x68: {  	v5 =	vld.idx.msk [tilespmem:v5+s5+$0x0], $0xffff;
	_ =	sdelay $0x1  }
0x69: {  	v57 =	vpop (erf)  }
0x6a: {  	v7 =	vmul.f32 v57, v7;
	_ =	sdelay $0x1  }
0x6b: {  	v58 =	vor.u32 s31, v2;
	v7 =	vadd.f32 v7, v5;
	_ =	sdelay $0x1  }
0x6c: {  	[tilespmem:v56+s7+$0x0] =	vst.idx.msk $0xffff, v7  }
0x6d: {  	[tilespmem:v56+s10+$0x0] =	vst.idx.msk $0xffff, v5  }
0x6e: {  	[tilespmem:v56+s11+$0x0] =	vst.idx.msk $0xffff, v6  }
0x6f: {  	v5 =	vld.idx.msk [tilespmem:v58+s6+$0x0], $0xffff;
	_ =	sdelay $0x4  }
0x70: {  	v6 =	vmul.f32 $5.000000000e-01, v5;
	_ =	sdelay $0x1  }
0x71: {  	v6 =	vmul.f32 $1.442695020e+00, v6;
	_ =	sdelay $0x1  }
0x72: {  	v7 =	vor.u32 $0x387E, v0;
	(erf) = vpow2.f32 v6;
	_ =	sdelay $0x4  }
0x73: {  	v6 =	vld.idx.msk [tilespmem:v7+s3+$0x0], $0xffff;
	_ =	sdelay $0x1  }
0x74: {  	v8 =	vld.idx.msk [tilespmem:v58+s5+$0x0], $0xffff;
	_ =	sdelay $0x1  }
0x75: {  	v59 =	vpop (erf)  }
0x76: {  	v6 =	vmul.f32 v59, v6;
	_ =	sdelay $0x1  }
0x77: {  	v6 =	vadd.f32 v6, v8;
	_ =	sdelay $0x1  }
0x78: {  	[tilespmem:v7+s7+$0x0] =	vst.idx.msk $0xffff, v6  }
0x79: {  	[tilespmem:v7+s10+$0x0] =	vst.idx.msk $0xffff, v8  }
0x7a: {  	s13 =	simm.s32 $0x6;
	[tilespmem:v7+s11+$0x0] =	vst.idx.msk $0xffff, v5  }
0x7b: {  	s14 =	sand.u32 $0x7F, s0;
	_ =	swait.ge [sflag:s13], $0x1000  }
0x7c: {  	v5 =	vor.u32 s14, v0;
	[sflag:s13] =	ssyncset.done $0x0  }
0x7d: {  	s15 =	simm.s32 $0xA;
	[sflag:s13] =	ssyncadd.s32 $0xFFFFF000  }
0x7e: {  	_ =	swait.ge [sflag:s15], $0x1000  }
0x7f: {  	[sflag:s15] =	ssyncset.done $0x0  }
0x80: {  	s17 =	simm.s32 $0x17200;
	[sflag:s15] =	ssyncadd.s32 $0xFFFFF000  }
0x81: {  	v6 =	vld.idx.msk [tilespmem:v5+s17+$0x0], $0xffff;
	_ =	sdelay $0x4  }
0x82: {  	v7 =	vmul.f32 $5.000000000e-01, v6;
	_ =	sdelay $0x1  }
0x83: {  	v7 =	vmul.f32 $1.442695020e+00, v7;
	_ =	sdelay $0x1  }
0x84: {  	v60 =	vor.u32 $0x307F, v0;
	(erf) = vpow2.f32 v7;
	_ =	sdelay $0x4  }
0x85: {  	v7 =	vld.idx.msk [tilespmem:v60+s3+$0x0], $0xffff  }
0x86: {  	s19 =	simm.s32 $0x13200  }
0x87: {  	v5 =	vld.idx.msk [tilespmem:v5+s19+$0x0], $0xffff;
	_ =	sdelay $0x1  }
0x88: {  	v61 =	vpop (erf)  }
0x89: {  	v7 =	vmul.f32 v61, v7;
	_ =	sdelay $0x1  }
0x8a: {  	v62 =	vor.u32 s14, v2;
	v7 =	vadd.f32 v7, v5;
	_ =	sdelay $0x1  }
0x8b: {  	[tilespmem:v60+s7+$0x0] =	vst.idx.msk $0xffff, v7  }
0x8c: {  	[tilespmem:v60+s10+$0x0] =	vst.idx.msk $0xffff, v5  }
0x8d: {  	[tilespmem:v60+s11+$0x0] =	vst.idx.msk $0xffff, v6  }
0x8e: {  	v5 =	vld.idx.msk [tilespmem:v62+s17+$0x0], $0xffff;
	_ =	sdelay $0x4  }
0x8f: {  	v6 =	vmul.f32 $5.000000000e-01, v5;
	_ =	sdelay $0x1  }
0x90: {  	v6 =	vmul.f32 $1.442695020e+00, v6;
	_ =	sdelay $0x1  }
0x91: {  	v7 =	vor.u32 $0x387F, v0;
	(erf) = vpow2.f32 v6;
	_ =	sdelay $0x4  }
0x92: {  	v6 =	vld.idx.msk [tilespmem:v7+s3+$0x0], $0xffff;
	_ =	sdelay $0x1  }
0x93: {  	v8 =	vld.idx.msk [tilespmem:v62+s19+$0x0], $0xffff;
	_ =	sdelay $0x1  }
0x94: {  	v63 =	vpop (erf)  }
0x95: {  	v6 =	vmul.f32 v63, v6;
	_ =	sdelay $0x1  }
0x96: {  	v6 =	vadd.f32 v6, v8;
	_ =	sdelay $0x1  }
0x97: {  	[tilespmem:v7+s7+$0x0] =	vst.idx.msk $0xffff, v6  }
0x98: {  	[tilespmem:v7+s10+$0x0] =	vst.idx.msk $0xffff, v8  }
0x99: {  	s13 =	simm.s32 $0x20000;
	s20 =	rddreg [dreg:$0xd];
	[tilespmem:v7+s11+$0x0] =	vst.idx.msk $0xffff, v5  }
0x9a: {  	[hbm4b:s20+s24] =	stream.strided.scatter [tilespmem:s7], [sflag:$0x2], $0x1000, s13, s24, $0x38;
	[tilespmem:$0x18200] =	vst v63  }
0x9b: {  	s22 =	rddreg [dreg:$0xe]  }
0x9c: {  	[hbm4b:s22+s24] =	stream.strided.scatter [tilespmem:s10], [sflag:$0x2], $0x1000, s13, s24, $0x38;
	[tilespmem:$0x18200] =	vst v63  }
0x9d: {  	s25 =	rddreg [dreg:$0xf]  }
0x9e: {  	[hbm4b:s25+s24] =	stream.strided.scatter [tilespmem:s11], [sflag:$0x2], $0x1000, s13, s24, $0x38;
	[tilespmem:$0x18200] =	vst v63  }
0x9f: {  	s30 =	simm.s32 $0x5200;
	s26 =	rddreg [dreg:$0x10]  }
0xa0: {  	[hbm4b:s26+s24] =	stream.strided.scatter [tilespmem:s30], [sflag:$0x2], $0x1000, s13, s24, $0x38;
	[tilespmem:$0x18200] =	vst v63  }
0xa1: {  	s0 =	simm.s32 $0x9200;
	s31 =	rddreg [dreg:$0x11]  }
0xa2: {  	[hbm4b:s31+s24] =	stream.strided.scatter [tilespmem:s0], [sflag:$0x2], $0x1000, s13, s24, $0x38;
	[tilespmem:$0x18200] =	vst v63  }
0xa3: {  	s6 =	simm.s32 $0xD200;
	s5 =	rddreg [dreg:$0x12]  }
0xa4: {  	[hbm4b:s5+s24] =	stream.strided.scatter [tilespmem:s6], [sflag:$0x2], $0x1000, s13, s24, $0x38;
	[tilespmem:$0x18200] =	vst v63  }
0xa5: {  	s9 =	simm.s32 $0x6200;
	s7 =	rddreg [dreg:$0x13]  }
0xa6: {  	[hbm4b:s7+s24] =	stream.strided.scatter [tilespmem:s9], [sflag:$0x2], $0x1000, s13, s24, $0x38;
	[tilespmem:$0x18200] =	vst v63  }
0xa7: {  	s10 =	rddreg [dreg:$0x14];
	s11 =	simm.s32 $0xA200  }
0xa8: {  	[hbm4b:s10+s24] =	stream.strided.scatter [tilespmem:s11], [sflag:$0x2], $0x1000, s13, s24, $0x38;
	[tilespmem:$0x18200] =	vst v63  }
0xa9: {  	s14 =	simm.s32 $0xE200;
	s12 =	rddreg [dreg:$0x15]  }
0xaa: {  	[hbm4b:s12+s24] =	stream.strided.scatter [tilespmem:s14], [sflag:$0x2], $0x1000, s13, s24, $0x38;
	[tilespmem:$0x18200] =	vst v63  }
0xab: {  	s15 =	rddreg [dreg:$0x16];
	s17 =	simm.s32 $0x7200  }
0xac: {  	[hbm4b:s15+s24] =	stream.strided.scatter [tilespmem:s17], [sflag:$0x2], $0x1000, s13, s24, $0x38;
	[tilespmem:$0x18200] =	vst v63  }
0xad: {  	s19 =	rddreg [dreg:$0x17];
	s20 =	simm.s32 $0xB200  }
0xae: {  	[hbm4b:s19+s24] =	stream.strided.scatter [tilespmem:s20], [sflag:$0x2], $0x1000, s13, s24, $0x38;
	[tilespmem:$0x18200] =	vst v63  }
0xaf: {  	s22 =	rddreg [dreg:$0x18];
	s25 =	simm.s32 $0xF200;
	s26 =	simm.s32 $0x2  }
0xb0: {  	[hbm4b:s22+s24] =	stream.strided.scatter [tilespmem:s25], [sflag:$0x2], $0x1000, s13, s24, $0x38;
	[tilespmem:$0x18200] =	vst v63  }
0xb1: {  	_ =	swait.ge [sflag:s26], $0x1000  }
0xb2: {  	[sflag:s26] =	ssyncset.done $0x0  }
0xb3: {  	[sflag:s26] =	ssyncadd.s32 $0xFFFFF000  }
0xb4: {  	_ =	swait.ge [sflag:s26], $0x1000  }
0xb5: {  	[sflag:s26] =	ssyncset.done $0x0  }
0xb6: {  	[sflag:s26] =	ssyncadd.s32 $0xFFFFF000  }
0xb7: {  	_ =	swait.ge [sflag:s26], $0x1000  }
0xb8: {  	[sflag:s26] =	ssyncset.done $0x0  }
0xb9: {  	[sflag:s26] =	ssyncadd.s32 $0xFFFFF000  }
0xba: {  	_ =	swait.ge [sflag:s26], $0x1000  }
0xbb: {  	[sflag:s26] =	ssyncset.done $0x0  }
0xbc: {  	[sflag:s26] =	ssyncadd.s32 $0xFFFFF000  }
0xbd: {  	_ =	swait.ge [sflag:s26], $0x1000  }
0xbe: {  	[sflag:s26] =	ssyncset.done $0x0  }
0xbf: {  	[sflag:s26] =	ssyncadd.s32 $0xFFFFF000  }
0xc0: {  	_ =	swait.ge [sflag:s26], $0x1000  }
0xc1: {  	[sflag:s26] =	ssyncset.done $0x0  }
0xc2: {  	[sflag:s26] =	ssyncadd.s32 $0xFFFFF000  }
0xc3: {  	_ =	swait.ge [sflag:s26], $0x1000  }
0xc4: {  	[sflag:s26] =	ssyncset.done $0x0  }
0xc5: {  	[sflag:s26] =	ssyncadd.s32 $0xFFFFF000  }
0xc6: {  	_ =	swait.ge [sflag:s26], $0x1000  }
0xc7: {  	[sflag:s26] =	ssyncset.done $0x0  }
0xc8: {  	[sflag:s26] =	ssyncadd.s32 $0xFFFFF000  }
0xc9: {  	_ =	swait.ge [sflag:s26], $0x1000  }
0xca: {  	[sflag:s26] =	ssyncset.done $0x0  }
0xcb: {  	[sflag:s26] =	ssyncadd.s32 $0xFFFFF000  }
0xcc: {  	_ =	swait.ge [sflag:s26], $0x1000  }
0xcd: {  	[sflag:s26] =	ssyncset.done $0x0  }
0xce: {  	[sflag:s26] =	ssyncadd.s32 $0xFFFFF000  }
0xcf: {  	_ =	swait.ge [sflag:s26], $0x1000  }
0xd0: {  	[sflag:s26] =	ssyncset.done $0x0  }
0xd1: {  	[sflag:s26] =	ssyncadd.s32 $0xFFFFF000  }
0xd2: {  	_ =	swait.ge [sflag:s26], $0x1000  }
0xd3: {  	s30 =	rddreg [dreg:$0x1a]  }
0xd4: {  	s31 =	rddreg [dreg:$0x19];
	s5 =	sadd.s32 $0x1, s30  }
0xd5: {  	p0 =	sne.s32 s5, s31  }
.Ltmp1:
0xd6: {  	_ = 	snop;
	(pc) =	sbr.rel @!p0 .LBB2_7-.Ltmp1, $3  }
0xd7: {  	_ =	sdelay $0x1  }
0xd8: {  	[sflag:s26] =	ssyncset.done $0x0  }
0xd9: {  	s16 =	simm.s32 $0x10200;
	[sflag:s26] =	ssyncadd.s32 $0xFFFFF000  }
.LBB2_1:
0xda: {  	[dreg:$0x1a] =	wrdreg s5  }
0xdb: {  	s8 =	simm.s32 $0x0;
	s9 =	rddreg [dreg:$0x8];
	s15 =	simm.s32 $0xB  }
0xdc: {  	[tilespmem:s8], [sflag:$0xB] =	stream.linear.gather [hbm4b:s9+s8], $0x200, $0x38;
	[tilespmem:$0x18200] =	vst v63  }
0xdd: {  	_ =	swait.ge [sflag:s15], $0x200  }
0xde: {  	[sflag:s15] =	ssyncset.done $0x0  }
0xdf: {  	s17 =	rddreg [dreg:$0x9];
	[sflag:s15] =	ssyncadd.s32 $0xFFFFFE00  }
0xe0: {  	[tilespmem:s3], [sflag:$0x1] =	stream.strided.gather [hbm4b:s17+s24], $0x1000, s13, s24, $0x38;
	[tilespmem:$0x18200] =	vst v63  }
0xe1: {  	s20 =	simm.s32 $0x1200;
	s19 =	rddreg [dreg:$0xa]  }
0xe2: {  	[tilespmem:s20], [sflag:$0x1] =	stream.strided.gather [hbm4b:s19+s24], $0x1000, s13, s24, $0x38;
	[tilespmem:$0x18200] =	vst v63  }
0xe3: {  	s25 =	simm.s32 $0x2200;
	s22 =	rddreg [dreg:$0xb]  }
0xe4: {  	[tilespmem:s25], [sflag:$0x1] =	stream.strided.gather [hbm4b:s22+s24], $0x1000, s13, s24, $0x38;
	[tilespmem:$0x18200] =	vst v63  }
0xe5: {  	s30 =	simm.s32 $0x3200;
	s31 =	simm.s32 $0x1;
	s26 =	rddreg [dreg:$0xc]  }
0xe6: {  	[tilespmem:s30], [sflag:$0x1] =	stream.strided.gather [hbm4b:s26+s24], $0x1000, s13, s24, $0x38;
	[tilespmem:$0x18200] =	vst v63  }
0xe7: {  	_ =	swait.ge [sflag:s31], $0x1000  }
0xe8: {  	[sflag:s31] =	ssyncset.done $0x0  }
0xe9: {  	[sflag:s31] =	ssyncadd.s32 $0xFFFFF000  }
0xea: {  	_ =	swait.ge [sflag:s31], $0x1000  }
0xeb: {  	[sflag:s31] =	ssyncset.done $0x0  }
0xec: {  	[sflag:s31] =	ssyncadd.s32 $0xFFFFF000  }
0xed: {  	_ =	swait.ge [sflag:s31], $0x1000  }
.Ltmp2:
0xee: {  	[sflag:s31] =	ssyncset.done $0x0;
	(pc) =	sbr.rel .LBB2_2-.Ltmp2, $4  }
0xef: {  	s1 =	simm.s32 $0x0;
	[sflag:s31] =	ssyncadd.s32 $0xFFFFF000  }
0xf0: {  	s7 =	simm.s32 $0x0;
	s10 =	simm.s32 $0x0;
	_ =	swait.ge [sflag:s31], $0x1000  }
0xf1: {  	s8 =	simm.s32 $0x0;
	s3 =	simm.s32 $0x0;
	[sflag:s31] =	ssyncset.done $0x0  }
0xf2: {  	s20 =	simm.s32 $0x0;
	s19 =	simm.s32 $0x0;
	[sflag:s31] =	ssyncadd.s32 $0xFFFFF000  }
.LBB2_4:
0xf3: {  	(v2sf) =	vpush v5, $0x1;
	_ =	sdelay $0x3  }
0xf4: {  	(v2sf) =	vpush v5, $0x2;
	_ =	sdelay $0x2  }
0xf5: {  	(v2sf) =	vpush v5, $0x3;
	_ =	sdelay $0x4  }
0xf6: {  	[tilespmem:s16], [sflag:$0x3] =	stream.strided.gather [hbm4b:s13+s24], $0x1000, s23, s24, $0x38;
	[tilespmem:$0x18200] =	vst v63  }
0xf7: {  	s5 =	simm.s32 $0x12200;
	s6 =	simm.s32 $0x16200  }
0xf8: {  	[tilespmem:s4], [sflag:$0x7] =	stream.strided.gather [hbm4b:s9+s24], $0x1000, s23, s24, $0x38;
	[tilespmem:$0x18200] =	vst v63  }
0xf9: {  	s1 =	simm.s32 $0x17200;
	s16 =	simm.s32 $0x3;
	s8 =	spop (v2sf)  }
0xfa: {  	s15 =	simm.s32 $0x4;
	s30 =	simm.s32 $0x15200;
	s17 =	sand.u32 $0xFFFFF80, s8  }
0xfb: {  	s3 =	simm.s32 $0x200;
	s10 =	simm.s32 $0xA;
	s19 =	sadd.s32 s2, s17  }
0xfc: {  	[tilespmem:s28], [sflag:$0x4] =	stream.strided.gather [hbm4b:s19+s24], $0x1000, s23, s24, $0x38;
	[tilespmem:$0x18200] =	vst v63  }
0xfd: {  	s11 =	simm.s32 $0x4200;
	s12 =	simm.s32 $0x8200;
	s19 =	spop (v2sf)  }
0xfe: {  	s13 =	rddreg [dreg:$0x1c];
	s9 =	sadd.s32 s21, s17;
	s20 =	sand.u32 $0xFFFFF80, s19  }
0xff: {  	[tilespmem:s29], [sflag:$0x8] =	stream.strided.gather [hbm4b:s9+s24], $0x1000, s23, s24, $0x38;
	[tilespmem:$0x18200] =	vst v63  }
0x100: {  	s17 =	simm.s32 $0x7;
	s0 =	spop (v2sf);
	s22 =	sadd.s32 s2, s20  }
0x101: {  	[tilespmem:s5], [sflag:$0x5] =	stream.strided.gather [hbm4b:s22+s24], $0x1000, s23, s24, $0x38;
	[tilespmem:$0x18200] =	vst v63  }
0x102: {  	s9 =	sadd.s32 s21, s20;
	[dreg:$0x1e] =	wrdreg s0;
	s25 =	sand.u32 $0xFFFFF80, s0  }
0x103: {  	[tilespmem:s6], [sflag:$0x9] =	stream.strided.gather [hbm4b:s9+s24], $0x1000, s23, s24, $0x38;
	[tilespmem:$0x18200] =	vst v63  }
0x104: {  	s0 =	simm.s32 $0x13200;
	s29 =	simm.s32 $0x5;
	s26 =	sadd.s32 s2, s25  }
0x105: {  	[tilespmem:s0], [sflag:$0x6] =	stream.strided.gather [hbm4b:s26+s24], $0x1000, s23, s24, $0x38;
	[tilespmem:$0x18200] =	vst v63  }
0x106: {  	s22 =	simm.s32 $0xC200;
	s9 =	sadd.s32 s21, s25;
	s25 =	simm.s32 $0x400  }
0x107: {  	[tilespmem:s1], [sflag:$0xA] =	stream.strided.gather [hbm4b:s9+s24], $0x1000, s23, s24, $0x38;
	[tilespmem:$0x18200] =	vst v63  }
0x108: {  	s26 =	simm.s32 $0x6;
	s24 =	simm.s32 $0x7A1400;
	s23 =	simm.s32 $0x9  }
.LBB2_5:
0x109: {  	(v2sf) =	vpush v5, $0x4;
	_ =	sdelay $0xe  }
0x10a: {  	s20 =	spop (v2sf)  }
0x10b: {  	s9 =	sand.u32 $0x7F, s31;
	_ =	swait.ge [sflag:s16], $0x1000  }
0x10c: {  	v6 =	vor.u32 s9, v0;
	[sflag:s16] =	ssyncset.done $0x0  }
0x10d: {  	[sflag:s16] =	ssyncadd.s32 $0xFFFFF000  }
0x10e: {  	_ =	swait.ge [sflag:s17], $0x1000  }
0x10f: {  	[sflag:s17] =	ssyncset.done $0x0  }
0x110: {  	[sflag:s17] =	ssyncadd.s32 $0xFFFFF000  }
0x111: {  	v8 =	vld.idx.msk [tilespmem:v6+s4+$0x0], $0xffff;
	_ =	sdelay $0x2  }
0x112: {  	s13 =	sshrl.u32 s13, $0x1  }
0x113: {  	s31 =	sand.u32 $0xC, s13  }
0x114: {  	v7 =	vor.u32 s9, v2;
	v9 =	vmov s31;
	v10 =	vmul.f32 $5.000000000e-01, v8  }
0x115: {  	v9 =	vshll.u32 v9, $0xA  }
0x116: {  	s14 =	simm.s32 $0x10200;
	v11 =	vor.u32 v1, v9;
	v10 =	vmul.f32 $1.442695020e+00, v10  }
0x117: {  	s31 =	sand.u32 $0x70, s7;
	v12 =	vld.idx.msk [tilespmem:v6+s14+$0x0], $0xffff;
	v6 =	vor.u32 v4, v11  }
0x118: {  	s9 =	sand.u32 $0xFFFFF80, s20;
	v13 =	vor.u32 s31, v6;
	(erf) = vpow2.f32 v10  }
0x119: {  	[dreg:$0x1d] =	wrdreg s7;
	s7 =	sadd.s32 s2, s9;
	v35 =	vld.idx.msk [tilespmem:v7+s14+$0x0], $0xffff  }
0x11a: {  	v36 =	vld.idx.msk [tilespmem:v7+s4+$0x0], $0xffff;
	[tilespmem:s14], [sflag:$0x3] =	stream.strided.gather [hbm4b:s7+s25], $0x1000, s24, s25, $0x38  }
0x11b: {  	s9 =	sadd.s32 s21, s9  }
0x11c: {  	[tilespmem:s4], [sflag:$0x7] =	stream.strided.gather [hbm4b:s9+s25], $0x1000, s24, s25, $0x38;
	[tilespmem:$0x18200] =	vst v63  }
0x11d: {  	v7 =	vld.idx.msk [tilespmem:v13+s3+$0x0], $0xffff;
	_ =	sdelay $0x2  }
0x11e: {  	v14 =	vmul.f32 $5.000000000e-01, v36  }
0x11f: {  	v15 =	vpop (erf)  }
0x120: {  	v37 =	vmul.f32 $1.442695020e+00, v14;
	v15 =	vmul.f32 v7, v15;
	v7 =	vor.u32 v3, v9  }
0x121: {  	v7 =	vor.u32 v4, v7  }
0x122: {  	(erf) = vpow2.f32 v37;
	v38 =	vadd.f32 v15, v12;
	v39 =	vor.u32 s31, v7  }
0x123: {  	(v2sf) =	vpush v5, $0x5  }
0x124: {  	[tilespmem:v13+s11+$0x0] =	vst.idx.msk $0xffff, v38  }
0x125: {  	[tilespmem:v13+s12+$0x0] =	vst.idx.msk $0xffff, v12  }
0x126: {  	[tilespmem:v13+s22+$0x0] =	vst.idx.msk $0xffff, v8  }
0x127: {  	v8 =	vld.idx.msk [tilespmem:v39+s3+$0x0], $0xffff;
	_ =	sdelay $0x3  }
0x128: {  	v9 =	vpop (erf)  }
0x129: {  	v8 =	vmul.f32 v8, v9;
	_ =	sdelay $0x1  }
0x12a: {  	v8 =	vadd.f32 v8, v35;
	_ =	sdelay $0x1  }
0x12b: {  	[tilespmem:v39+s11+$0x0] =	vst.idx.msk $0xffff, v8  }
0x12c: {  	[tilespmem:v39+s12+$0x0] =	vst.idx.msk $0xffff, v35  }
0x12d: {  	s9 =	spop (v2sf);
	[tilespmem:v39+s22+$0x0] =	vst.idx.msk $0xffff, v36  }
0x12e: {  	s8 =	sand.u32 $0x7F, s8;
	_ =	swait.ge [sflag:s15], $0x1000  }
0x12f: {  	v40 =	vor.u32 s8, v0;
	[sflag:s15] =	ssyncset.done $0x0  }
0x130: {  	[sflag:s15] =	ssyncadd.s32 $0xFFFFF000  }
0x131: {  	_ =	swait.ge [sflag:s18], $0x1000  }
0x132: {  	[sflag:s18] =	ssyncset.done $0x0  }
0x133: {  	[sflag:s18] =	ssyncadd.s32 $0xFFFFF000  }
0x134: {  	v41 =	vld.idx.msk [tilespmem:v40+s30+$0x0], $0xffff;
	_ =	sdelay $0x4  }
0x135: {  	v42 =	vor.u32 s8, v2;
	v43 =	vmul.f32 $5.000000000e-01, v41;
	_ =	sdelay $0x1  }
0x136: {  	v11 =	vmul.f32 $1.442695020e+00, v43  }
0x137: {  	s4 =	sor.u32 $0x1, s31  }
0x138: {  	v45 =	vor.u32 s4, v6;
	s7 =	sand.u32 $0xFFFFF80, s9;
	v8 =	vld.idx.msk [tilespmem:v40+s28+$0x0], $0xffff;
	(erf) = vpow2.f32 v11  }
0x139: {  	s15 =	sadd.s32 s2, s7;
	v44 =	vld.idx.msk [tilespmem:v42+s28+$0x0], $0xffff  }
0x13a: {  	v10 =	vld.idx.msk [tilespmem:v42+s30+$0x0], $0xffff;
	[tilespmem:s28], [sflag:$0x4] =	stream.strided.gather [hbm4b:s15+s25], $0x1000, s24, s25, $0x38  }
0x13b: {  	s13 =	sadd.s32 s21, s7  }
0x13c: {  	[tilespmem:s30], [sflag:$0x8] =	stream.strided.gather [hbm4b:s13+s25], $0x1000, s24, s25, $0x38;
	[tilespmem:$0x18200] =	vst v63  }
0x13d: {  	v46 =	vld.idx.msk [tilespmem:v45+s3+$0x0], $0xffff;
	_ =	sdelay $0x2  }
0x13e: {  	v47 =	vmul.f32 $5.000000000e-01, v10  }
0x13f: {  	v48 =	vpop (erf)  }
0x140: {  	v14 =	vmul.f32 $1.442695020e+00, v47;
	v11 =	vmul.f32 v46, v48;
	_ =	sdelay $0x1  }
0x141: {  	v49 =	vor.u32 s4, v7;
	(erf) = vpow2.f32 v14;
	v11 =	vadd.f32 v11, v8  }
0x142: {  	(v2sf) =	vpush v5, $0x6  }
0x143: {  	[tilespmem:v45+s11+$0x0] =	vst.idx.msk $0xffff, v11  }
0x144: {  	[tilespmem:v45+s12+$0x0] =	vst.idx.msk $0xffff, v8  }
0x145: {  	[tilespmem:v45+s22+$0x0] =	vst.idx.msk $0xffff, v41  }
0x146: {  	v8 =	vld.idx.msk [tilespmem:v49+s3+$0x0], $0xffff;
	_ =	sdelay $0x3  }
0x147: {  	v50 =	vpop (erf)  }
0x148: {  	v8 =	vmul.f32 v8, v50;
	_ =	sdelay $0x1  }
0x149: {  	v8 =	vadd.f32 v8, v44;
	_ =	sdelay $0x1  }
0x14a: {  	[tilespmem:v49+s11+$0x0] =	vst.idx.msk $0xffff, v8  }
0x14b: {  	[tilespmem:v49+s12+$0x0] =	vst.idx.msk $0xffff, v44  }
0x14c: {  	s8 =	spop (v2sf);
	[tilespmem:v49+s22+$0x0] =	vst.idx.msk $0xffff, v10  }
0x14d: {  	s18 =	sand.u32 $0x7F, s19;
	_ =	swait.ge [sflag:s29], $0x1000  }
0x14e: {  	v51 =	vor.u32 s18, v0;
	[sflag:s29] =	ssyncset.done $0x0  }
0x14f: {  	[sflag:s29] =	ssyncadd.s32 $0xFFFFF000  }
0x150: {  	_ =	swait.ge [sflag:s23], $0x1000  }
0x151: {  	[sflag:s23] =	ssyncset.done $0x0  }
0x152: {  	[sflag:s23] =	ssyncadd.s32 $0xFFFFF000  }
0x153: {  	v52 =	vld.idx.msk [tilespmem:v51+s6+$0x0], $0xffff;
	_ =	sdelay $0x4  }
0x154: {  	v53 =	vor.u32 s18, v2;
	v54 =	vmul.f32 $5.000000000e-01, v52;
	_ =	sdelay $0x1  }
0x155: {  	v11 =	vmul.f32 $1.442695020e+00, v54  }
0x156: {  	s13 =	sor.u32 $0x2, s31  }
0x157: {  	v56 =	vor.u32 s13, v6;
	s19 =	sand.u32 $0xFFFFF80, s8;
	v8 =	vld.idx.msk [tilespmem:v51+s5+$0x0], $0xffff;
	(erf) = vpow2.f32 v11  }
0x158: {  	s7 =	sadd.s32 s2, s19;
	v55 =	vld.idx.msk [tilespmem:v53+s5+$0x0], $0xffff  }
0x159: {  	v10 =	vld.idx.msk [tilespmem:v53+s6+$0x0], $0xffff;
	[tilespmem:s5], [sflag:$0x5] =	stream.strided.gather [hbm4b:s7+s25], $0x1000, s24, s25, $0x38  }
0x15a: {  	s14 =	sadd.s32 s21, s19  }
0x15b: {  	[tilespmem:s6], [sflag:$0x9] =	stream.strided.gather [hbm4b:s14+s25], $0x1000, s24, s25, $0x38;
	[tilespmem:$0x18200] =	vst v63  }
0x15c: {  	v57 =	vld.idx.msk [tilespmem:v56+s3+$0x0], $0xffff;
	_ =	sdelay $0x2  }
0x15d: {  	v58 =	vmul.f32 $5.000000000e-01, v10  }
0x15e: {  	v59 =	vpop (erf)  }
0x15f: {  	v14 =	vmul.f32 $1.442695020e+00, v58;
	v11 =	vmul.f32 v57, v59;
	_ =	sdelay $0x1  }
0x160: {  	v60 =	vor.u32 s13, v7;
	(erf) = vpow2.f32 v14;
	v11 =	vadd.f32 v11, v8  }
0x161: {  	(v2sf) =	vpush v5, $0x7  }
0x162: {  	[tilespmem:v56+s11+$0x0] =	vst.idx.msk $0xffff, v11  }
0x163: {  	[tilespmem:v56+s12+$0x0] =	vst.idx.msk $0xffff, v8  }
0x164: {  	[tilespmem:v56+s22+$0x0] =	vst.idx.msk $0xffff, v52  }
0x165: {  	v8 =	vld.idx.msk [tilespmem:v60+s3+$0x0], $0xffff;
	_ =	sdelay $0x3  }
0x166: {  	v61 =	vpop (erf)  }
0x167: {  	v8 =	vmul.f32 v8, v61;
	_ =	sdelay $0x1  }
0x168: {  	v8 =	vadd.f32 v8, v55;
	_ =	sdelay $0x1  }
0x169: {  	[tilespmem:v60+s11+$0x0] =	vst.idx.msk $0xffff, v8  }
0x16a: {  	[tilespmem:v60+s12+$0x0] =	vst.idx.msk $0xffff, v55  }
0x16b: {  	s19 =	spop (v2sf);
	[tilespmem:v60+s22+$0x0] =	vst.idx.msk $0xffff, v10  }
0x16c: {  	_ =	swait.ge [sflag:s26], $0x1000  }
0x16d: {  	s14 =	rddreg [dreg:$0x1e]  }
0x16e: {  	s15 =	sand.u32 $0x7F, s14  }
0x16f: {  	[sflag:s26] =	ssyncset.done $0x0;
	v62 =	vor.u32 s15, v0  }
0x170: {  	[sflag:s26] =	ssyncadd.s32 $0xFFFFF000  }
0x171: {  	_ =	swait.ge [sflag:s10], $0x1000  }
0x172: {  	[sflag:s10] =	ssyncset.done $0x0  }
0x173: {  	[sflag:s10] =	ssyncadd.s32 $0xFFFFF000  }
0x174: {  	v63 =	vld.idx.msk [tilespmem:v62+s1+$0x0], $0xffff;
	_ =	sdelay $0x4  }
0x175: {  	v17 =	vor.u32 s15, v2;
	v18 =	vmul.f32 $5.000000000e-01, v63;
	_ =	sdelay $0x1  }
0x176: {  	v11 =	vmul.f32 $1.442695020e+00, v18  }
0x177: {  	s13 =	sor.u32 $0x3, s31  }
0x178: {  	v20 =	vor.u32 s13, v6;
	s14 =	sand.u32 $0xFFFFF80, s19;
	v8 =	vld.idx.msk [tilespmem:v62+s0+$0x0], $0xffff;
	(erf) = vpow2.f32 v11  }
0x179: {  	s7 =	sadd.s32 s2, s14;
	v19 =	vld.idx.msk [tilespmem:v17+s0+$0x0], $0xffff  }
0x17a: {  	v10 =	vld.idx.msk [tilespmem:v17+s1+$0x0], $0xffff;
	[tilespmem:s0], [sflag:$0x6] =	stream.strided.gather [hbm4b:s7+s25], $0x1000, s24, s25, $0x38  }
0x17b: {  	s14 =	sadd.s32 s21, s14  }
0x17c: {  	[tilespmem:s1], [sflag:$0xA] =	stream.strided.gather [hbm4b:s14+s25], $0x1000, s24, s25, $0x38;
	[tilespmem:$0x18200] =	vst v63  }
0x17d: {  	v21 =	vld.idx.msk [tilespmem:v20+s3+$0x0], $0xffff;
	_ =	sdelay $0x2  }
0x17e: {  	v22 =	vmul.f32 $5.000000000e-01, v10  }
0x17f: {  	v23 =	vpop (erf)  }
0x180: {  	v14 =	vmul.f32 $1.442695020e+00, v22;
	v11 =	vmul.f32 v21, v23;
	_ =	sdelay $0x1  }
0x181: {  	v24 =	vor.u32 s13, v7;
	(erf) = vpow2.f32 v14;
	v11 =	vadd.f32 v11, v8  }
0x182: {  	(v2sf) =	vpush v5, $0x8  }
0x183: {  	[tilespmem:v20+s11+$0x0] =	vst.idx.msk $0xffff, v11  }
0x184: {  	[tilespmem:v20+s12+$0x0] =	vst.idx.msk $0xffff, v8  }
0x185: {  	[tilespmem:v20+s22+$0x0] =	vst.idx.msk $0xffff, v63  }
0x186: {  	v8 =	vld.idx.msk [tilespmem:v24+s3+$0x0], $0xffff;
	_ =	sdelay $0x3  }
0x187: {  	v25 =	vpop (erf)  }
0x188: {  	v8 =	vmul.f32 v8, v25;
	_ =	sdelay $0x1  }
0x189: {  	v8 =	vadd.f32 v8, v19;
	_ =	sdelay $0x1  }
0x18a: {  	[tilespmem:v24+s11+$0x0] =	vst.idx.msk $0xffff, v8  }
0x18b: {  	[tilespmem:v24+s12+$0x0] =	vst.idx.msk $0xffff, v19  }
0x18c: {  	s7 =	spop (v2sf);
	[tilespmem:v24+s22+$0x0] =	vst.idx.msk $0xffff, v10  }
0x18d: {  	s15 =	sand.u32 $0x7F, s20;
	_ =	swait.ge [sflag:s16], $0x1000  }
0x18e: {  	v26 =	vor.u32 s15, v0;
	[sflag:s16] =	ssyncset.done $0x0  }
0x18f: {  	[sflag:s16] =	ssyncadd.s32 $0xFFFFF000  }
0x190: {  	_ =	swait.ge [sflag:s17], $0x1000  }
0x191: {  	[sflag:s17] =	ssyncset.done $0x0  }
0x192: {  	s28 =	simm.s32 $0x14200;
	[sflag:s17] =	ssyncadd.s32 $0xFFFFF000  }
0x193: {  	v27 =	vld.idx.msk [tilespmem:v26+s28+$0x0], $0xffff;
	_ =	sdelay $0x4  }
0x194: {  	v28 =	vor.u32 s15, v2;
	v29 =	vmul.f32 $5.000000000e-01, v27;
	_ =	sdelay $0x1  }
0x195: {  	v11 =	vmul.f32 $1.442695020e+00, v29  }
0x196: {  	s4 =	simm.s32 $0x10200;
	s13 =	sor.u32 $0x4, s31  }
0x197: {  	v31 =	vor.u32 s13, v6;
	s14 =	sand.u32 $0xFFFFF80, s7;
	v8 =	vld.idx.msk [tilespmem:v26+s4+$0x0], $0xffff;
	(erf) = vpow2.f32 v11  }
0x198: {  	s20 =	sadd.s32 s2, s14;
	v30 =	vld.idx.msk [tilespmem:v28+s4+$0x0], $0xffff  }
0x199: {  	v10 =	vld.idx.msk [tilespmem:v28+s28+$0x0], $0xffff;
	[tilespmem:s4], [sflag:$0x3] =	stream.strided.gather [hbm4b:s20+s25], $0x1000, s24, s25, $0x38  }
0x19a: {  	s14 =	sadd.s32 s21, s14;
	s4 =	simm.s32 $0x14200  }
0x19b: {  	[tilespmem:s4], [sflag:$0x7] =	stream.strided.gather [hbm4b:s14+s25], $0x1000, s24, s25, $0x38;
	[tilespmem:$0x18200] =	vst v63  }
0x19c: {  	v32 =	vld.idx.msk [tilespmem:v31+s3+$0x0], $0xffff;
	_ =	sdelay $0x2  }
0x19d: {  	v33 =	vmul.f32 $5.000000000e-01, v10  }
0x19e: {  	v34 =	vpop (erf)  }
0x19f: {  	v14 =	vmul.f32 $1.442695020e+00, v33;
	v11 =	vmul.f32 v32, v34;
	_ =	sdelay $0x1  }
0x1a0: {  	v35 =	vor.u32 s13, v7;
	(erf) = vpow2.f32 v14;
	v11 =	vadd.f32 v11, v8  }
0x1a1: {  	(v2sf) =	vpush v5, $0x9  }
0x1a2: {  	[tilespmem:v31+s11+$0x0] =	vst.idx.msk $0xffff, v11  }
0x1a3: {  	[tilespmem:v31+s12+$0x0] =	vst.idx.msk $0xffff, v8  }
0x1a4: {  	[tilespmem:v31+s22+$0x0] =	vst.idx.msk $0xffff, v27  }
0x1a5: {  	v8 =	vld.idx.msk [tilespmem:v35+s3+$0x0], $0xffff;
	_ =	sdelay $0x3  }
0x1a6: {  	v36 =	vpop (erf)  }
0x1a7: {  	v8 =	vmul.f32 v8, v36;
	_ =	sdelay $0x1  }
0x1a8: {  	v8 =	vadd.f32 v8, v30;
	_ =	sdelay $0x1  }
0x1a9: {  	[tilespmem:v35+s11+$0x0] =	vst.idx.msk $0xffff, v8  }
0x1aa: {  	[tilespmem:v35+s12+$0x0] =	vst.idx.msk $0xffff, v30  }
0x1ab: {  	s14 =	simm.s32 $0x4;
	s20 =	spop (v2sf);
	[tilespmem:v35+s22+$0x0] =	vst.idx.msk $0xffff, v10  }
0x1ac: {  	s9 =	sand.u32 $0x7F, s9;
	_ =	swait.ge [sflag:s14], $0x1000  }
0x1ad: {  	v37 =	vor.u32 s9, v0;
	[sflag:s14] =	ssyncset.done $0x0  }
0x1ae: {  	s18 =	simm.s32 $0x8;
	[sflag:s14] =	ssyncadd.s32 $0xFFFFF000  }
0x1af: {  	_ =	swait.ge [sflag:s18], $0x1000  }
0x1b0: {  	[sflag:s18] =	ssyncset.done $0x0  }
0x1b1: {  	[sflag:s18] =	ssyncadd.s32 $0xFFFFF000  }
0x1b2: {  	v38 =	vld.idx.msk [tilespmem:v37+s30+$0x0], $0xffff;
	_ =	sdelay $0x4  }
0x1b3: {  	v39 =	vor.u32 s9, v2;
	v40 =	vmul.f32 $5.000000000e-01, v38;
	_ =	sdelay $0x1  }
0x1b4: {  	v11 =	vmul.f32 $1.442695020e+00, v40  }
0x1b5: {  	s9 =	sor.u32 $0x5, s31;
	s28 =	simm.s32 $0x11200  }
0x1b6: {  	v42 =	vor.u32 s9, v6;
	s13 =	sand.u32 $0xFFFFF80, s20;
	v8 =	vld.idx.msk [tilespmem:v37+s28+$0x0], $0xffff;
	(erf) = vpow2.f32 v11  }
0x1b7: {  	s15 =	sadd.s32 s2, s13;
	v41 =	vld.idx.msk [tilespmem:v39+s28+$0x0], $0xffff  }
0x1b8: {  	v10 =	vld.idx.msk [tilespmem:v39+s30+$0x0], $0xffff;
	[tilespmem:s28], [sflag:$0x4] =	stream.strided.gather [hbm4b:s15+s25], $0x1000, s24, s25, $0x38  }
0x1b9: {  	s13 =	sadd.s32 s21, s13  }
0x1ba: {  	[tilespmem:s30], [sflag:$0x8] =	stream.strided.gather [hbm4b:s13+s25], $0x1000, s24, s25, $0x38;
	[tilespmem:$0x18200] =	vst v63  }
0x1bb: {  	v43 =	vld.idx.msk [tilespmem:v42+s3+$0x0], $0xffff;
	_ =	sdelay $0x2  }
0x1bc: {  	v44 =	vmul.f32 $5.000000000e-01, v10  }
0x1bd: {  	v45 =	vpop (erf)  }
0x1be: {  	v14 =	vmul.f32 $1.442695020e+00, v44;
	v11 =	vmul.f32 v43, v45;
	_ =	sdelay $0x1  }
0x1bf: {  	v46 =	vor.u32 s9, v7;
	(erf) = vpow2.f32 v14;
	v11 =	vadd.f32 v11, v8  }
0x1c0: {  	(v2sf) =	vpush v5, $0xA  }
0x1c1: {  	[tilespmem:v42+s11+$0x0] =	vst.idx.msk $0xffff, v11  }
0x1c2: {  	[tilespmem:v42+s12+$0x0] =	vst.idx.msk $0xffff, v8  }
0x1c3: {  	[tilespmem:v42+s22+$0x0] =	vst.idx.msk $0xffff, v38  }
0x1c4: {  	v8 =	vld.idx.msk [tilespmem:v46+s3+$0x0], $0xffff;
	_ =	sdelay $0x3  }
0x1c5: {  	v47 =	vpop (erf)  }
0x1c6: {  	v8 =	vmul.f32 v8, v47;
	_ =	sdelay $0x1  }
0x1c7: {  	v8 =	vadd.f32 v8, v41;
	_ =	sdelay $0x1  }
0x1c8: {  	[tilespmem:v46+s11+$0x0] =	vst.idx.msk $0xffff, v8  }
0x1c9: {  	[tilespmem:v46+s12+$0x0] =	vst.idx.msk $0xffff, v41  }
0x1ca: {  	s9 =	spop (v2sf);
	[tilespmem:v46+s22+$0x0] =	vst.idx.msk $0xffff, v10  }
0x1cb: {  	s8 =	sand.u32 $0x7F, s8;
	_ =	swait.ge [sflag:s29], $0x1000  }
0x1cc: {  	v48 =	vor.u32 s8, v0;
	[sflag:s29] =	ssyncset.done $0x0  }
0x1cd: {  	[sflag:s29] =	ssyncadd.s32 $0xFFFFF000  }
0x1ce: {  	_ =	swait.ge [sflag:s23], $0x1000  }
0x1cf: {  	[sflag:s23] =	ssyncset.done $0x0  }
0x1d0: {  	[sflag:s23] =	ssyncadd.s32 $0xFFFFF000  }
0x1d1: {  	v49 =	vld.idx.msk [tilespmem:v48+s6+$0x0], $0xffff;
	_ =	sdelay $0x4  }
0x1d2: {  	v50 =	vor.u32 s8, v2;
	v51 =	vmul.f32 $5.000000000e-01, v49;
	_ =	sdelay $0x1  }
0x1d3: {  	v11 =	vmul.f32 $1.442695020e+00, v51  }
0x1d4: {  	s8 =	sor.u32 $0x6, s31  }
0x1d5: {  	v53 =	vor.u32 s8, v6;
	s13 =	sand.u32 $0xFFFFF80, s9;
	v8 =	vld.idx.msk [tilespmem:v48+s5+$0x0], $0xffff;
	(erf) = vpow2.f32 v11  }
0x1d6: {  	s15 =	sadd.s32 s2, s13;
	v52 =	vld.idx.msk [tilespmem:v50+s5+$0x0], $0xffff  }
0x1d7: {  	v10 =	vld.idx.msk [tilespmem:v50+s6+$0x0], $0xffff;
	[tilespmem:s5], [sflag:$0x5] =	stream.strided.gather [hbm4b:s15+s25], $0x1000, s24, s25, $0x38  }
0x1d8: {  	s13 =	sadd.s32 s21, s13  }
0x1d9: {  	[tilespmem:s6], [sflag:$0x9] =	stream.strided.gather [hbm4b:s13+s25], $0x1000, s24, s25, $0x38;
	[tilespmem:$0x18200] =	vst v63  }
0x1da: {  	v54 =	vld.idx.msk [tilespmem:v53+s3+$0x0], $0xffff;
	_ =	sdelay $0x2  }
0x1db: {  	v55 =	vmul.f32 $5.000000000e-01, v10  }
0x1dc: {  	v56 =	vpop (erf)  }
0x1dd: {  	v14 =	vmul.f32 $1.442695020e+00, v55;
	v11 =	vmul.f32 v54, v56;
	_ =	sdelay $0x1  }
0x1de: {  	v57 =	vor.u32 s8, v7;
	(erf) = vpow2.f32 v14;
	v11 =	vadd.f32 v11, v8  }
0x1df: {  	(v2sf) =	vpush v5, $0xB  }
0x1e0: {  	[tilespmem:v53+s11+$0x0] =	vst.idx.msk $0xffff, v11  }
0x1e1: {  	[tilespmem:v53+s12+$0x0] =	vst.idx.msk $0xffff, v8  }
0x1e2: {  	[tilespmem:v53+s22+$0x0] =	vst.idx.msk $0xffff, v49  }
0x1e3: {  	v8 =	vld.idx.msk [tilespmem:v57+s3+$0x0], $0xffff;
	_ =	sdelay $0x3  }
0x1e4: {  	v58 =	vpop (erf)  }
0x1e5: {  	v8 =	vmul.f32 v8, v58;
	_ =	sdelay $0x1  }
0x1e6: {  	v8 =	vadd.f32 v8, v52;
	_ =	sdelay $0x1  }
0x1e7: {  	[tilespmem:v57+s11+$0x0] =	vst.idx.msk $0xffff, v8  }
0x1e8: {  	[tilespmem:v57+s12+$0x0] =	vst.idx.msk $0xffff, v52  }
0x1e9: {  	s13 =	spop (v2sf);
	[tilespmem:v57+s22+$0x0] =	vst.idx.msk $0xffff, v10  }
0x1ea: {  	s15 =	sand.u32 $0x7F, s19;
	_ =	swait.ge [sflag:s26], $0x1000  }
0x1eb: {  	v59 =	vor.u32 s15, v0;
	[sflag:s26] =	ssyncset.done $0x0  }
0x1ec: {  	[sflag:s26] =	ssyncadd.s32 $0xFFFFF000  }
0x1ed: {  	_ =	swait.ge [sflag:s10], $0x1000  }
0x1ee: {  	[sflag:s10] =	ssyncset.done $0x0  }
0x1ef: {  	[sflag:s10] =	ssyncadd.s32 $0xFFFFF000  }
0x1f0: {  	v60 =	vld.idx.msk [tilespmem:v59+s1+$0x0], $0xffff;
	_ =	sdelay $0x4  }
0x1f1: {  	v61 =	vor.u32 s15, v2;
	v62 =	vmul.f32 $5.000000000e-01, v60;
	_ =	sdelay $0x1  }
0x1f2: {  	v11 =	vmul.f32 $1.442695020e+00, v62  }
0x1f3: {  	s8 =	sor.u32 $0x7, s31  }
0x1f4: {  	v18 =	vor.u32 s8, v6;
	s14 =	sand.u32 $0xFFFFF80, s13;
	v8 =	vld.idx.msk [tilespmem:v59+s0+$0x0], $0xffff;
	(erf) = vpow2.f32 v11  }
0x1f5: {  	s19 =	sadd.s32 s2, s14;
	v63 =	vld.idx.msk [tilespmem:v61+s0+$0x0], $0xffff  }
0x1f6: {  	v10 =	vld.idx.msk [tilespmem:v61+s1+$0x0], $0xffff;
	[tilespmem:s0], [sflag:$0x6] =	stream.strided.gather [hbm4b:s19+s25], $0x1000, s24, s25, $0x38  }
0x1f7: {  	s14 =	sadd.s32 s21, s14  }
0x1f8: {  	[tilespmem:s1], [sflag:$0xA] =	stream.strided.gather [hbm4b:s14+s25], $0x1000, s24, s25, $0x38;
	[tilespmem:$0x18200] =	vst v63  }
0x1f9: {  	v19 =	vld.idx.msk [tilespmem:v18+s3+$0x0], $0xffff;
	_ =	sdelay $0x2  }
0x1fa: {  	v20 =	vmul.f32 $5.000000000e-01, v10  }
0x1fb: {  	v21 =	vpop (erf)  }
0x1fc: {  	v14 =	vmul.f32 $1.442695020e+00, v20;
	v11 =	vmul.f32 v19, v21;
	_ =	sdelay $0x1  }
0x1fd: {  	v22 =	vor.u32 s8, v7;
	(erf) = vpow2.f32 v14;
	v11 =	vadd.f32 v11, v8  }
0x1fe: {  	(v2sf) =	vpush v5, $0xC  }
0x1ff: {  	[tilespmem:v18+s11+$0x0] =	vst.idx.msk $0xffff, v11  }
0x200: {  	[tilespmem:v18+s12+$0x0] =	vst.idx.msk $0xffff, v8  }
0x201: {  	[tilespmem:v18+s22+$0x0] =	vst.idx.msk $0xffff, v60  }
0x202: {  	v8 =	vld.idx.msk [tilespmem:v22+s3+$0x0], $0xffff;
	_ =	sdelay $0x3  }
0x203: {  	v23 =	vpop (erf)  }
0x204: {  	v8 =	vmul.f32 v8, v23;
	_ =	sdelay $0x1  }
0x205: {  	v8 =	vadd.f32 v8, v63;
	_ =	sdelay $0x1  }
0x206: {  	[tilespmem:v22+s11+$0x0] =	vst.idx.msk $0xffff, v8  }
0x207: {  	[tilespmem:v22+s12+$0x0] =	vst.idx.msk $0xffff, v63  }
0x208: {  	s8 =	spop (v2sf);
	[tilespmem:v22+s22+$0x0] =	vst.idx.msk $0xffff, v10  }
0x209: {  	s19 =	sand.u32 $0x7F, s7;
	_ =	swait.ge [sflag:s16], $0x1000  }
0x20a: {  	v24 =	vor.u32 s19, v0;
	[sflag:s16] =	ssyncset.done $0x0  }
0x20b: {  	[sflag:s16] =	ssyncadd.s32 $0xFFFFF000  }
0x20c: {  	_ =	swait.ge [sflag:s17], $0x1000  }
0x20d: {  	[sflag:s17] =	ssyncset.done $0x0  }
0x20e: {  	[sflag:s17] =	ssyncadd.s32 $0xFFFFF000  }
0x20f: {  	v25 =	vld.idx.msk [tilespmem:v24+s4+$0x0], $0xffff;
	_ =	sdelay $0x4  }
0x210: {  	v26 =	vor.u32 s19, v2;
	v27 =	vmul.f32 $5.000000000e-01, v25;
	_ =	sdelay $0x1  }
0x211: {  	v11 =	vmul.f32 $1.442695020e+00, v27  }
0x212: {  	s18 =	simm.s32 $0x10200;
	s14 =	sor.u32 $0x8, s31  }
0x213: {  	v29 =	vor.u32 s14, v6;
	s7 =	sand.u32 $0xFFFFF80, s8;
	v8 =	vld.idx.msk [tilespmem:v24+s18+$0x0], $0xffff;
	(erf) = vpow2.f32 v11  }
0x214: {  	s17 =	sadd.s32 s2, s7;
	v28 =	vld.idx.msk [tilespmem:v26+s18+$0x0], $0xffff  }
0x215: {  	v10 =	vld.idx.msk [tilespmem:v26+s4+$0x0], $0xffff;
	[tilespmem:s18], [sflag:$0x3] =	stream.strided.gather [hbm4b:s17+s25], $0x1000, s24, s25, $0x38  }
0x216: {  	s15 =	sadd.s32 s21, s7  }
0x217: {  	[tilespmem:s4], [sflag:$0x7] =	stream.strided.gather [hbm4b:s15+s25], $0x1000, s24, s25, $0x38;
	[tilespmem:$0x18200] =	vst v63  }
0x218: {  	v30 =	vld.idx.msk [tilespmem:v29+s3+$0x0], $0xffff;
	_ =	sdelay $0x2  }
0x219: {  	v31 =	vmul.f32 $5.000000000e-01, v10  }
0x21a: {  	v32 =	vpop (erf)  }
0x21b: {  	v14 =	vmul.f32 $1.442695020e+00, v31;
	v11 =	vmul.f32 v30, v32;
	_ =	sdelay $0x1  }
0x21c: {  	v33 =	vor.u32 s14, v7;
	(erf) = vpow2.f32 v14;
	v11 =	vadd.f32 v11, v8  }
0x21d: {  	(v2sf) =	vpush v5, $0xD  }
0x21e: {  	[tilespmem:v29+s11+$0x0] =	vst.idx.msk $0xffff, v11  }
0x21f: {  	[tilespmem:v29+s12+$0x0] =	vst.idx.msk $0xffff, v8  }
0x220: {  	[tilespmem:v29+s22+$0x0] =	vst.idx.msk $0xffff, v25  }
0x221: {  	v8 =	vld.idx.msk [tilespmem:v33+s3+$0x0], $0xffff;
	_ =	sdelay $0x3  }
0x222: {  	v34 =	vpop (erf)  }
0x223: {  	v8 =	vmul.f32 v8, v34;
	_ =	sdelay $0x1  }
0x224: {  	v8 =	vadd.f32 v8, v28;
	_ =	sdelay $0x1  }
0x225: {  	[tilespmem:v33+s11+$0x0] =	vst.idx.msk $0xffff, v8  }
0x226: {  	[tilespmem:v33+s12+$0x0] =	vst.idx.msk $0xffff, v28  }
0x227: {  	s18 =	simm.s32 $0x4;
	s19 =	spop (v2sf);
	[tilespmem:v33+s22+$0x0] =	vst.idx.msk $0xffff, v10  }
0x228: {  	s20 =	sand.u32 $0x7F, s20;
	_ =	swait.ge [sflag:s18], $0x1000  }
0x229: {  	v35 =	vor.u32 s20, v0;
	s15 =	simm.s32 $0x4;
	[sflag:s18] =	ssyncset.done $0x0  }
0x22a: {  	s18 =	simm.s32 $0x8;
	[sflag:s15] =	ssyncadd.s32 $0xFFFFF000  }
0x22b: {  	_ =	swait.ge [sflag:s18], $0x1000  }
0x22c: {  	[sflag:s18] =	ssyncset.done $0x0  }
0x22d: {  	[sflag:s18] =	ssyncadd.s32 $0xFFFFF000  }
0x22e: {  	v36 =	vld.idx.msk [tilespmem:v35+s30+$0x0], $0xffff;
	_ =	sdelay $0x4  }
0x22f: {  	v37 =	vor.u32 s20, v2;
	v38 =	vmul.f32 $5.000000000e-01, v36;
	_ =	sdelay $0x1  }
0x230: {  	v11 =	vmul.f32 $1.442695020e+00, v38  }
0x231: {  	s14 =	sor.u32 $0x9, s31  }
0x232: {  	v40 =	vor.u32 s14, v6;
	s17 =	sand.u32 $0xFFFFF80, s19;
	v8 =	vld.idx.msk [tilespmem:v35+s28+$0x0], $0xffff;
	(erf) = vpow2.f32 v11  }
0x233: {  	s7 =	sadd.s32 s2, s17;
	v39 =	vld.idx.msk [tilespmem:v37+s28+$0x0], $0xffff  }
0x234: {  	v10 =	vld.idx.msk [tilespmem:v37+s30+$0x0], $0xffff;
	[tilespmem:s28], [sflag:$0x4] =	stream.strided.gather [hbm4b:s7+s25], $0x1000, s24, s25, $0x38  }
0x235: {  	s15 =	sadd.s32 s21, s17  }
0x236: {  	[tilespmem:s30], [sflag:$0x8] =	stream.strided.gather [hbm4b:s15+s25], $0x1000, s24, s25, $0x38;
	[tilespmem:$0x18200] =	vst v63  }
0x237: {  	v41 =	vld.idx.msk [tilespmem:v40+s3+$0x0], $0xffff;
	_ =	sdelay $0x2  }
0x238: {  	v42 =	vmul.f32 $5.000000000e-01, v10  }
0x239: {  	v43 =	vpop (erf)  }
0x23a: {  	v14 =	vmul.f32 $1.442695020e+00, v42;
	v11 =	vmul.f32 v41, v43;
	_ =	sdelay $0x1  }
0x23b: {  	v44 =	vor.u32 s14, v7;
	(erf) = vpow2.f32 v14;
	v11 =	vadd.f32 v11, v8  }
0x23c: {  	(v2sf) =	vpush v5, $0xE  }
0x23d: {  	[tilespmem:v40+s11+$0x0] =	vst.idx.msk $0xffff, v11  }
0x23e: {  	[tilespmem:v40+s12+$0x0] =	vst.idx.msk $0xffff, v8  }
0x23f: {  	[tilespmem:v40+s22+$0x0] =	vst.idx.msk $0xffff, v36  }
0x240: {  	v8 =	vld.idx.msk [tilespmem:v44+s3+$0x0], $0xffff;
	_ =	sdelay $0x3  }
0x241: {  	v45 =	vpop (erf)  }
0x242: {  	v8 =	vmul.f32 v8, v45;
	_ =	sdelay $0x1  }
0x243: {  	v8 =	vadd.f32 v8, v39;
	_ =	sdelay $0x1  }
0x244: {  	[tilespmem:v44+s11+$0x0] =	vst.idx.msk $0xffff, v8  }
0x245: {  	[tilespmem:v44+s12+$0x0] =	vst.idx.msk $0xffff, v39  }
0x246: {  	s20 =	spop (v2sf);
	[tilespmem:v44+s22+$0x0] =	vst.idx.msk $0xffff, v10  }
0x247: {  	s9 =	sand.u32 $0x7F, s9;
	_ =	swait.ge [sflag:s29], $0x1000  }
0x248: {  	v46 =	vor.u32 s9, v0;
	[sflag:s29] =	ssyncset.done $0x0  }
0x249: {  	[sflag:s29] =	ssyncadd.s32 $0xFFFFF000  }
0x24a: {  	_ =	swait.ge [sflag:s23], $0x1000  }
0x24b: {  	[sflag:s23] =	ssyncset.done $0x0  }
0x24c: {  	[sflag:s23] =	ssyncadd.s32 $0xFFFFF000  }
0x24d: {  	v47 =	vld.idx.msk [tilespmem:v46+s6+$0x0], $0xffff;
	_ =	sdelay $0x4  }
0x24e: {  	v48 =	vor.u32 s9, v2;
	v49 =	vmul.f32 $5.000000000e-01, v47;
	_ =	sdelay $0x1  }
0x24f: {  	v11 =	vmul.f32 $1.442695020e+00, v49  }
0x250: {  	s17 =	sor.u32 $0xA, s31  }
0x251: {  	v51 =	vor.u32 s17, v6;
	s23 =	sand.u32 $0xFFFFF80, s20;
	v8 =	vld.idx.msk [tilespmem:v46+s5+$0x0], $0xffff;
	(erf) = vpow2.f32 v11  }
0x252: {  	v50 =	vld.idx.msk [tilespmem:v48+s5+$0x0], $0xffff;
	s30 =	sadd.s32 s2, s23  }
0x253: {  	v10 =	vld.idx.msk [tilespmem:v48+s6+$0x0], $0xffff;
	[tilespmem:s5], [sflag:$0x5] =	stream.strided.gather [hbm4b:s30+s25], $0x1000, s24, s25, $0x38  }
0x254: {  	s14 =	sadd.s32 s21, s23  }
0x255: {  	[tilespmem:s6], [sflag:$0x9] =	stream.strided.gather [hbm4b:s14+s25], $0x1000, s24, s25, $0x38;
	[tilespmem:$0x18200] =	vst v63  }
0x256: {  	v52 =	vld.idx.msk [tilespmem:v51+s3+$0x0], $0xffff;
	_ =	sdelay $0x2  }
0x257: {  	v53 =	vmul.f32 $5.000000000e-01, v10  }
0x258: {  	v54 =	vpop (erf)  }
0x259: {  	v14 =	vmul.f32 $1.442695020e+00, v53;
	v11 =	vmul.f32 v52, v54;
	_ =	sdelay $0x1  }
0x25a: {  	v55 =	vor.u32 s17, v7;
	(erf) = vpow2.f32 v14;
	v11 =	vadd.f32 v11, v8  }
0x25b: {  	(v2sf) =	vpush v5, $0xF  }
0x25c: {  	[tilespmem:v51+s11+$0x0] =	vst.idx.msk $0xffff, v11  }
0x25d: {  	[tilespmem:v51+s12+$0x0] =	vst.idx.msk $0xffff, v8  }
0x25e: {  	[tilespmem:v51+s22+$0x0] =	vst.idx.msk $0xffff, v47  }
0x25f: {  	v5 =	vld.idx.msk [tilespmem:v55+s3+$0x0], $0xffff;
	_ =	sdelay $0x3  }
0x260: {  	v56 =	vpop (erf)  }
0x261: {  	v5 =	vmul.f32 v5, v56;
	_ =	sdelay $0x1  }
0x262: {  	v5 =	vadd.f32 v5, v50;
	_ =	sdelay $0x1  }
0x263: {  	[tilespmem:v55+s11+$0x0] =	vst.idx.msk $0xffff, v5  }
0x264: {  	[tilespmem:v55+s12+$0x0] =	vst.idx.msk $0xffff, v50  }
0x265: {  	s7 =	spop (v2sf);
	[tilespmem:v55+s22+$0x0] =	vst.idx.msk $0xffff, v10  }
0x266: {  	s14 =	sand.u32 $0x7F, s13;
	_ =	swait.ge [sflag:s26], $0x1000  }
0x267: {  	v5 =	vor.u32 s14, v0;
	[sflag:s26] =	ssyncset.done $0x0  }
0x268: {  	[sflag:s26] =	ssyncadd.s32 $0xFFFFF000  }
0x269: {  	_ =	swait.ge [sflag:s10], $0x1000  }
0x26a: {  	[sflag:s10] =	ssyncset.done $0x0  }
0x26b: {  	[sflag:s10] =	ssyncadd.s32 $0xFFFFF000  }
0x26c: {  	v57 =	vld.idx.msk [tilespmem:v5+s1+$0x0], $0xffff;
	_ =	sdelay $0x4  }
0x26d: {  	v58 =	vor.u32 s14, v2;
	v59 =	vmul.f32 $5.000000000e-01, v57;
	_ =	sdelay $0x1  }
0x26e: {  	v10 =	vmul.f32 $1.442695020e+00, v59  }
0x26f: {  	s15 =	sor.u32 $0xB, s31  }
0x270: {  	v6 =	vor.u32 s15, v6;
	s17 =	sand.u32 $0xFFFFF80, s7;
	v5 =	vld.idx.msk [tilespmem:v5+s0+$0x0], $0xffff;
	(erf) = vpow2.f32 v10  }
0x271: {  	s23 =	sadd.s32 s2, s17;
	v60 =	vld.idx.msk [tilespmem:v58+s0+$0x0], $0xffff  }
0x272: {  	v9 =	vld.idx.msk [tilespmem:v58+s1+$0x0], $0xffff;
	[tilespmem:s0], [sflag:$0x6] =	stream.strided.gather [hbm4b:s23+s25], $0x1000, s24, s25, $0x38  }
0x273: {  	s13 =	sadd.s32 s21, s17  }
0x274: {  	[tilespmem:s1], [sflag:$0xA] =	stream.strided.gather [hbm4b:s13+s25], $0x1000, s24, s25, $0x38;
	[tilespmem:$0x18200] =	vst v63  }
0x275: {  	v61 =	vld.idx.msk [tilespmem:v6+s3+$0x0], $0xffff;
	_ =	sdelay $0x2  }
0x276: {  	v62 =	vmul.f32 $5.000000000e-01, v9  }
0x277: {  	v63 =	vpop (erf)  }
0x278: {  	v12 =	vmul.f32 $1.442695020e+00, v62;
	v10 =	vmul.f32 v61, v63;
	_ =	sdelay $0x1  }
0x279: {  	v7 =	vor.u32 s15, v7;
	(erf) = vpow2.f32 v12;
	v10 =	vadd.f32 v10, v5;
	_ =	sdelay $0x1  }
0x27a: {  	[tilespmem:v6+s11+$0x0] =	vst.idx.msk $0xffff, v10  }
0x27b: {  	[tilespmem:v6+s12+$0x0] =	vst.idx.msk $0xffff, v5  }
0x27c: {  	[tilespmem:v6+s22+$0x0] =	vst.idx.msk $0xffff, v57  }
0x27d: {  	v5 =	vld.idx.msk [tilespmem:v7+s3+$0x0], $0xffff;
	_ =	sdelay $0x3  }
0x27e: {  	s26 =	rddreg [dreg:$0x1d];
	v6 =	vpop (erf)  }
0x27f: {  	s10 =	smov.u32 s7;
	s7 =	sadd.s32 $0x10, s26;
	v5 =	vmul.f32 v5, v6  }
0x280: {  	p0 =	sne.s32 s7, $0x200  }
.Ltmp3:
0x281: {  	v5 =	vadd.f32 v5, v60;
	(pc) =	sbr.rel @!p0 .LBB2_6-.Ltmp3, $4  }
0x282: {  	_ = 	snop  }
0x283: {  	s16 =	simm.s32 $0x10200;
	s30 =	rddreg [dreg:$0x1c];
	[tilespmem:v7+s11+$0x0] =	vst.idx.msk $0xffff, v5  }
0x284: {  	s29 =	simm.s32 $0x15200;
	s31 =	rddreg [dreg:$0x1b];
	s23 =	simm.s32 $0x7A1400;
	[tilespmem:v7+s12+$0x0] =	vst.idx.msk $0xffff, v60  }
0x285: {  	s1 =	sadd.s32 $0x10, s31;
	s24 =	simm.s32 $0x400;
	s3 =	sadd.s32 $0x1, s30;
	[tilespmem:v7+s22+$0x0] =	vst.idx.msk $0xffff, v9  }
.LBB2_2:
0x286: {  	v5 =	vld [tilespmem:s1+$0x0];
	_ =	sdelay $0x4  }
0x287: {  	(v2sf) =	vpush v5, $0x0;
	_ =	sdelay $0xb  }
0x288: {  	p0 =	seq.s32 s7, $0x0  }
.Ltmp4:
0x289: {  	_ = 	snop;
	(pc) =	sbr.rel @p0 .LBB2_4-.Ltmp4, $4  }
0x28a: {  	_ = 	snop  }
0x28b: {  	s31 =	spop (v2sf)  }
0x28c: {  	[dreg:$0x1c] =	wrdreg s3;
	s9 =	sand.u32 $0xFFFFF80, s31  }
0x28d: {  	[dreg:$0x1b] =	wrdreg s1;
	s13 =	sadd.s32 s2, s9;
	s9 =	sadd.s32 s21, s9  }
0x28e: {  	s16 =	simm.s32 $0x3  }
0x28f: {  	s8 =	sand.u32 $0x7F, s8;
	_ =	swait.ge [sflag:s16], $0x1000  }
0x290: {  	v6 =	vor.u32 s8, v0;
	[sflag:s16] =	ssyncset.done $0x0  }
0x291: {  	s17 =	simm.s32 $0x7;
	[sflag:s16] =	ssyncadd.s32 $0xFFFFF000  }
0x292: {  	_ =	swait.ge [sflag:s17], $0x1000  }
0x293: {  	[sflag:s17] =	ssyncset.done $0x0  }
0x294: {  	[sflag:s17] =	ssyncadd.s32 $0xFFFFF000  }
0x295: {  	v7 =	vld.idx.msk [tilespmem:v6+s4+$0x0], $0xffff;
	_ =	sdelay $0x1  }
0x296: {  	s14 =	sadd.s32 $0xFFFFFFFC, s7  }
0x297: {  	s15 =	sshrl.u32 s14, $0x5  }
0x298: {  	s26 =	sand.u32 $0x3FFFFC, s15  }
0x299: {  	v8 =	vor.u32 s8, v2;
	v9 =	vmov s26;
	v10 =	vmul.f32 $5.000000000e-01, v7  }
0x29a: {  	v9 =	vshll.u32 v9, $0xA  }
0x29b: {  	s0 =	sand.u32 $0x7C, s14;
	v11 =	vor.u32 v1, v9;
	v10 =	vmul.f32 $1.442695020e+00, v10  }
0x29c: {  	s1 =	simm.s32 $0x10200;
	v11 =	vor.u32 s0, v11  }
0x29d: {  	v6 =	vld.idx.msk [tilespmem:v6+s1+$0x0], $0xffff;
	v11 =	vor.u32 v4, v11;
	(erf) = vpow2.f32 v10  }
0x29e: {  	v12 =	vld.idx.msk [tilespmem:v8+s1+$0x0], $0xffff  }
0x29f: {  	v8 =	vld.idx.msk [tilespmem:v8+s4+$0x0], $0xffff;
	[tilespmem:s1], [sflag:$0x3] =	stream.strided.gather [hbm4b:s13+s24], $0x1000, s23, s24, $0x38  }
0x2a0: {  	s3 =	simm.s32 $0x200  }
0x2a1: {  	[tilespmem:s4], [sflag:$0x7] =	stream.strided.gather [hbm4b:s9+s24], $0x1000, s23, s24, $0x38;
	[tilespmem:$0x18200] =	vst v63  }
0x2a2: {  	v39 =	vld.idx.msk [tilespmem:v11+s3+$0x0], $0xffff;
	_ =	sdelay $0x2  }
0x2a3: {  	v13 =	vmul.f32 $5.000000000e-01, v8  }
0x2a4: {  	v14 =	vpop (erf)  }
0x2a5: {  	v9 =	vor.u32 v3, v9;
	v13 =	vmul.f32 $1.442695020e+00, v13;
	v10 =	vmul.f32 v39, v14  }
0x2a6: {  	v9 =	vor.u32 s0, v9  }
0x2a7: {  	v9 =	vor.u32 v4, v9;
	(erf) = vpow2.f32 v13;
	v10 =	vadd.f32 v10, v6  }
0x2a8: {  	s11 =	simm.s32 $0x4200;
	(v2sf) =	vpush v5, $0x1  }
0x2a9: {  	s12 =	simm.s32 $0x8200;
	[tilespmem:v11+s11+$0x0] =	vst.idx.msk $0xffff, v10  }
0x2aa: {  	s22 =	simm.s32 $0xC200;
	[tilespmem:v11+s12+$0x0] =	vst.idx.msk $0xffff, v6  }
0x2ab: {  	[tilespmem:v11+s22+$0x0] =	vst.idx.msk $0xffff, v7  }
0x2ac: {  	v6 =	vld.idx.msk [tilespmem:v9+s3+$0x0], $0xffff;
	_ =	sdelay $0x3  }
0x2ad: {  	v7 =	vpop (erf)  }
0x2ae: {  	v6 =	vmul.f32 v6, v7;
	_ =	sdelay $0x1  }
0x2af: {  	v6 =	vadd.f32 v6, v12;
	_ =	sdelay $0x1  }
0x2b0: {  	[tilespmem:v9+s11+$0x0] =	vst.idx.msk $0xffff, v6  }
0x2b1: {  	[tilespmem:v9+s12+$0x0] =	vst.idx.msk $0xffff, v12  }
0x2b2: {  	s15 =	simm.s32 $0x4;
	s8 =	spop (v2sf);
	[tilespmem:v9+s22+$0x0] =	vst.idx.msk $0xffff, v8  }
0x2b3: {  	s1 =	sand.u32 $0x7F, s19;
	_ =	swait.ge [sflag:s15], $0x1000  }
0x2b4: {  	v6 =	vor.u32 s1, v0;
	[sflag:s15] =	ssyncset.done $0x0  }
0x2b5: {  	[sflag:s15] =	ssyncadd.s32 $0xFFFFF000  }
0x2b6: {  	_ =	swait.ge [sflag:s18], $0x1000  }
0x2b7: {  	[sflag:s18] =	ssyncset.done $0x0  }
0x2b8: {  	[sflag:s18] =	ssyncadd.s32 $0xFFFFF000  }
0x2b9: {  	v7 =	vld.idx.msk [tilespmem:v6+s29+$0x0], $0xffff;
	_ =	sdelay $0x1  }
0x2ba: {  	s5 =	sadd.s32 $0xFFFFFFFD, s7  }
0x2bb: {  	s6 =	sshrl.u32 s5, $0x5  }
0x2bc: {  	s14 =	sand.u32 $0x3FFFFC, s6  }
0x2bd: {  	v41 =	vmov s14;
	v40 =	vor.u32 s1, v2;
	v42 =	vmul.f32 $5.000000000e-01, v7  }
0x2be: {  	v9 =	vshll.u32 v41, $0xA  }
0x2bf: {  	s19 =	sand.u32 $0x7D, s5;
	v43 =	vor.u32 v1, v9;
	v10 =	vmul.f32 $1.442695020e+00, v42  }
0x2c0: {  	v11 =	vor.u32 s19, v43  }
0x2c1: {  	s25 =	sand.u32 $0xFFFFF80, s8;
	v11 =	vor.u32 v4, v11;
	v6 =	vld.idx.msk [tilespmem:v6+s28+$0x0], $0xffff;
	(erf) = vpow2.f32 v10  }
0x2c2: {  	s26 =	sadd.s32 s2, s25;
	v44 =	vld.idx.msk [tilespmem:v40+s28+$0x0], $0xffff  }
0x2c3: {  	v8 =	vld.idx.msk [tilespmem:v40+s29+$0x0], $0xffff;
	[tilespmem:s28], [sflag:$0x4] =	stream.strided.gather [hbm4b:s26+s24], $0x1000, s23, s24, $0x38  }
0x2c4: {  	s13 =	sadd.s32 s21, s25  }
0x2c5: {  	[tilespmem:s29], [sflag:$0x8] =	stream.strided.gather [hbm4b:s13+s24], $0x1000, s23, s24, $0x38;
	[tilespmem:$0x18200] =	vst v63  }
0x2c6: {  	v45 =	vld.idx.msk [tilespmem:v11+s3+$0x0], $0xffff;
	_ =	sdelay $0x2  }
0x2c7: {  	v46 =	vmul.f32 $5.000000000e-01, v8  }
0x2c8: {  	v47 =	vpop (erf)  }
0x2c9: {  	v9 =	vor.u32 v3, v9;
	v13 =	vmul.f32 $1.442695020e+00, v46;
	v10 =	vmul.f32 v45, v47  }
0x2ca: {  	v9 =	vor.u32 s19, v9  }
0x2cb: {  	v9 =	vor.u32 v4, v9;
	(erf) = vpow2.f32 v13;
	v10 =	vadd.f32 v10, v6  }
0x2cc: {  	(v2sf) =	vpush v5, $0x2  }
0x2cd: {  	[tilespmem:v11+s11+$0x0] =	vst.idx.msk $0xffff, v10  }
0x2ce: {  	[tilespmem:v11+s12+$0x0] =	vst.idx.msk $0xffff, v6  }
0x2cf: {  	[tilespmem:v11+s22+$0x0] =	vst.idx.msk $0xffff, v7  }
0x2d0: {  	v6 =	vld.idx.msk [tilespmem:v9+s3+$0x0], $0xffff;
	_ =	sdelay $0x3  }
0x2d1: {  	v7 =	vpop (erf)  }
0x2d2: {  	v6 =	vmul.f32 v6, v7;
	_ =	sdelay $0x1  }
0x2d3: {  	v6 =	vadd.f32 v6, v44;
	_ =	sdelay $0x1  }
0x2d4: {  	[tilespmem:v9+s11+$0x0] =	vst.idx.msk $0xffff, v6  }
0x2d5: {  	[tilespmem:v9+s12+$0x0] =	vst.idx.msk $0xffff, v44  }
0x2d6: {  	s29 =	simm.s32 $0x5;
	s19 =	spop (v2sf);
	[tilespmem:v9+s22+$0x0] =	vst.idx.msk $0xffff, v8  }
0x2d7: {  	s0 =	sand.u32 $0x7F, s20;
	_ =	swait.ge [sflag:s29], $0x1000  }
0x2d8: {  	v6 =	vor.u32 s0, v0;
	[sflag:s29] =	ssyncset.done $0x0  }
0x2d9: {  	s23 =	simm.s32 $0x9;
	[sflag:s29] =	ssyncadd.s32 $0xFFFFF000  }
0x2da: {  	_ =	swait.ge [sflag:s23], $0x1000  }
0x2db: {  	[sflag:s23] =	ssyncset.done $0x0  }
0x2dc: {  	s6 =	simm.s32 $0x16200;
	[sflag:s23] =	ssyncadd.s32 $0xFFFFF000  }
0x2dd: {  	v7 =	vld.idx.msk [tilespmem:v6+s6+$0x0], $0xffff;
	_ =	sdelay $0x1  }
0x2de: {  	s1 =	sadd.s32 $0xFFFFFFFE, s7  }
0x2df: {  	s5 =	sshrl.u32 s1, $0x5  }
0x2e0: {  	s20 =	sand.u32 $0x3FFFFC, s5  }
0x2e1: {  	v48 =	vor.u32 s0, v2;
	v49 =	vmov s20;
	v50 =	vmul.f32 $5.000000000e-01, v7  }
0x2e2: {  	v9 =	vshll.u32 v49, $0xA  }
0x2e3: {  	s26 =	sand.u32 $0x7E, s1;
	v51 =	vor.u32 v1, v9;
	v10 =	vmul.f32 $1.442695020e+00, v50  }
0x2e4: {  	s5 =	simm.s32 $0x12200;
	v11 =	vor.u32 s26, v51  }
0x2e5: {  	s0 =	sand.u32 $0xFFFFF80, s19;
	v11 =	vor.u32 v4, v11;
	v6 =	vld.idx.msk [tilespmem:v6+s5+$0x0], $0xffff;
	(erf) = vpow2.f32 v10  }
0x2e6: {  	s25 =	simm.s32 $0x400;
	s24 =	simm.s32 $0x7A1400;
	s1 =	sadd.s32 s2, s0;
	v52 =	vld.idx.msk [tilespmem:v48+s5+$0x0], $0xffff  }
0x2e7: {  	v8 =	vld.idx.msk [tilespmem:v48+s6+$0x0], $0xffff;
	[tilespmem:s5], [sflag:$0x5] =	stream.strided.gather [hbm4b:s1+s25], $0x1000, s24, s25, $0x38  }
0x2e8: {  	s13 =	sadd.s32 s21, s0  }
0x2e9: {  	[tilespmem:s6], [sflag:$0x9] =	stream.strided.gather [hbm4b:s13+s25], $0x1000, s24, s25, $0x38;
	[tilespmem:$0x18200] =	vst v63  }
0x2ea: {  	v53 =	vld.idx.msk [tilespmem:v11+s3+$0x0], $0xffff;
	_ =	sdelay $0x2  }
0x2eb: {  	v54 =	vmul.f32 $5.000000000e-01, v8  }
0x2ec: {  	v55 =	vpop (erf)  }
0x2ed: {  	v9 =	vor.u32 v3, v9;
	v13 =	vmul.f32 $1.442695020e+00, v54;
	v10 =	vmul.f32 v53, v55  }
0x2ee: {  	v9 =	vor.u32 s26, v9  }
0x2ef: {  	v9 =	vor.u32 v4, v9;
	(erf) = vpow2.f32 v13;
	v10 =	vadd.f32 v10, v6  }
0x2f0: {  	(v2sf) =	vpush v5, $0x3  }
0x2f1: {  	[tilespmem:v11+s11+$0x0] =	vst.idx.msk $0xffff, v10  }
0x2f2: {  	[tilespmem:v11+s12+$0x0] =	vst.idx.msk $0xffff, v6  }
0x2f3: {  	[tilespmem:v11+s22+$0x0] =	vst.idx.msk $0xffff, v7  }
0x2f4: {  	v6 =	vld.idx.msk [tilespmem:v9+s3+$0x0], $0xffff;
	_ =	sdelay $0x3  }
0x2f5: {  	v7 =	vpop (erf)  }
0x2f6: {  	v6 =	vmul.f32 v6, v7;
	_ =	sdelay $0x1  }
0x2f7: {  	v6 =	vadd.f32 v6, v52;
	_ =	sdelay $0x1  }
0x2f8: {  	[tilespmem:v9+s11+$0x0] =	vst.idx.msk $0xffff, v6  }
0x2f9: {  	[tilespmem:v9+s12+$0x0] =	vst.idx.msk $0xffff, v52  }
0x2fa: {  	s26 =	simm.s32 $0x6;
	s20 =	spop (v2sf);
	[tilespmem:v9+s22+$0x0] =	vst.idx.msk $0xffff, v8  }
0x2fb: {  	s14 =	sand.u32 $0x7F, s10;
	_ =	swait.ge [sflag:s26], $0x1000  }
0x2fc: {  	v6 =	vor.u32 s14, v0;
	[sflag:s26] =	ssyncset.done $0x0  }
0x2fd: {  	s10 =	simm.s32 $0xA;
	[sflag:s26] =	ssyncadd.s32 $0xFFFFF000  }
0x2fe: {  	_ =	swait.ge [sflag:s10], $0x1000  }
0x2ff: {  	[sflag:s10] =	ssyncset.done $0x0  }
0x300: {  	s1 =	simm.s32 $0x17200;
	[sflag:s10] =	ssyncadd.s32 $0xFFFFF000  }
0x301: {  	v7 =	vld.idx.msk [tilespmem:v6+s1+$0x0], $0xffff;
	_ =	sdelay $0x1  }
0x302: {  	s13 =	sadd.s32 $0xFFFFFFFF, s7  }
0x303: {  	s0 =	sshrl.u32 s13, $0x5  }
0x304: {  	v56 =	vor.u32 s14, v2;
	s14 =	sand.u32 $0x3FFFFC, s0  }
0x305: {  	v57 =	vmov s14;
	v58 =	vmul.f32 $5.000000000e-01, v7  }
0x306: {  	v9 =	vshll.u32 v57, $0xA  }
0x307: {  	s9 =	sand.u32 $0x7F, s13;
	v59 =	vor.u32 v1, v9;
	v10 =	vmul.f32 $1.442695020e+00, v58  }
0x308: {  	s0 =	simm.s32 $0x13200;
	v11 =	vor.u32 s9, v59  }
0x309: {  	s13 =	sand.u32 $0xFFFFF80, s20;
	v11 =	vor.u32 v4, v11;
	v6 =	vld.idx.msk [tilespmem:v6+s0+$0x0], $0xffff;
	(erf) = vpow2.f32 v10  }
0x30a: {  	[dreg:$0x1e] =	wrdreg s20;
	s20 =	sadd.s32 s2, s13;
	v60 =	vld.idx.msk [tilespmem:v56+s0+$0x0], $0xffff  }
0x30b: {  	v8 =	vld.idx.msk [tilespmem:v56+s1+$0x0], $0xffff;
	[tilespmem:s0], [sflag:$0x6] =	stream.strided.gather [hbm4b:s20+s25], $0x1000, s24, s25, $0x38  }
0x30c: {  	s13 =	sadd.s32 s21, s13  }
0x30d: {  	[tilespmem:s1], [sflag:$0xA] =	stream.strided.gather [hbm4b:s13+s25], $0x1000, s24, s25, $0x38;
	[tilespmem:$0x18200] =	vst v63  }
0x30e: {  	v61 =	vld.idx.msk [tilespmem:v11+s3+$0x0], $0xffff;
	_ =	sdelay $0x2  }
0x30f: {  	v62 =	vmul.f32 $5.000000000e-01, v8  }
0x310: {  	v63 =	vpop (erf)  }
0x311: {  	v9 =	vor.u32 v3, v9;
	v13 =	vmul.f32 $1.442695020e+00, v62;
	v10 =	vmul.f32 v61, v63  }
0x312: {  	v9 =	vor.u32 s9, v9  }
0x313: {  	v9 =	vor.u32 v4, v9;
	(erf) = vpow2.f32 v13;
	v10 =	vadd.f32 v10, v6;
	_ =	sdelay $0x1  }
0x314: {  	[tilespmem:v11+s11+$0x0] =	vst.idx.msk $0xffff, v10  }
0x315: {  	[tilespmem:v11+s12+$0x0] =	vst.idx.msk $0xffff, v6  }
0x316: {  	[tilespmem:v11+s22+$0x0] =	vst.idx.msk $0xffff, v7  }
0x317: {  	v6 =	vld.idx.msk [tilespmem:v9+s3+$0x0], $0xffff;
	_ =	sdelay $0x3  }
0x318: {  	v7 =	vpop (erf)  }
0x319: {  	v6 =	vmul.f32 v6, v7;
	_ =	sdelay $0x1  }
.Ltmp5:
0x31a: {  	v6 =	vadd.f32 v6, v60;
	(pc) =	sbr.rel .LBB2_5-.Ltmp5, $4  }
0x31b: {  	_ = 	snop  }
0x31c: {  	[tilespmem:v9+s11+$0x0] =	vst.idx.msk $0xffff, v6  }
0x31d: {  	[tilespmem:v9+s12+$0x0] =	vst.idx.msk $0xffff, v60  }
0x31e: {  	s30 =	simm.s32 $0x15200;
	s13 =	rddreg [dreg:$0x1c];
	[tilespmem:v9+s22+$0x0] =	vst.idx.msk $0xffff, v8  }
.LBB2_7:
0x31f: {  	_ =	sfence.sel $0x180000  }
0x320: {  	[bflag:$0x0] =	sbarrier.arrive $0xFFFF  }
0x321: {  	_ =	strace $0x90000047  }
0x322: {  	s0 =	stileid.u32;
	[bflag:$0x2] =	sbarrier.arrive $0xFFFF  }
0x323: {  	p0 =	sne.s32 s0, $0x0;
	s0 =	rddreg [dreg:$0x7]  }
0x324: {  	s0 =	sadd.s32 @!p0 $0x100000, s0  }
0x325: {  	[sflag:s0] =	ssyncadd.tile.s32 @!p0 $0x1;
	_ =	shalt  }
.Lfunc_end2:
_tile_overlayer_lowered:
.L_overlay_start_2:
0x326: {  	(tag) =	ssettag $0x2  }
0x327: {  	s0 =	rddreg [dreg:$0x0];
	s2 =	stileid.u32  }
0x328: {  	s1 =	rddreg [dreg:$0x1];
	p0 =	sne.s32 s2, $0x0  }
0x329: {  	s3 =	rddreg [dreg:$0x2];
	[bflag:$0x3] =	sbarrier.arrive $0xFFFF;
	s2 =	simm.s32 @!p0 $0x1C0B  }
0x32a: {  	[timem:s3], [sflag:s2] =	dma.local @!p0 [hbm:s0], s1  }
0x32b: {  	s0 =	simm.s32 @!p0 $0xB  }
0x32c: {  	_ =	swait.ge @!p0 [sflag:s0], s1  }
0x32d: {  	s1 =	ssub.s32 @!p0 $0x0, s1;
	[sflag:s0] =	ssyncset.done @!p0 $0x0  }
0x32e: {  	[sflag:s0] =	ssyncadd.s32 @!p0 s1  }
0x32f: {  	[bflag:$0x3] =	sbarrier.arrive $0xFFFF  }
0x330: {  	_ =	shalt  }

</sc_bundles>
